<compile_context>
chip_gen: v7x
topology: tpu7x:2x2x1
jax: 0.10.2.dev20260603
libtpu: 0.0.44.dev20260713+nightly
codegen_flags: <defaults>
</compile_context>

<pallas_src>
import functools

import jax
import jax.numpy as jnp
from jax import lax
from jax.experimental import pallas as pl
from jax.experimental.pallas import tpu as pltpu
from jax.experimental.pallas import tpu_sc as plsc

_N = 2048
_NPAIR = _N * (_N - 1) // 2
_CBUF = 16384


def _partials(dist_mat, vec_planes, coef):
    mesh = plsc.VectorSubcoreMesh(core_axis_name="c", subcore_axis_name="s")

    @functools.partial(
        pl.kernel,
        out_type=jax.ShapeDtypeStruct((2, 64, 128), jnp.float32),
        mesh=mesh,
        scratch_types=[
            pltpu.VMEM((8, _N), jnp.float32),
            pltpu.VMEM((8, _N), jnp.float32),
            pltpu.VMEM((8, _N), jnp.float32),
            pltpu.VMEM((8, _N), jnp.float32),
            pltpu.VMEM((_CBUF + 32,), jnp.float32),
            pltpu.VMEM((64, 128), jnp.float32),
            pltpu.VMEM((16, 8, 128), jnp.float32),
            pltpu.VMEM((8, 128), jnp.float32),
            pltpu.VMEM_SHARED((16, 64, 128), jnp.float32),
            pltpu.SemaphoreType.DMA,
        ],
        compiler_params=pltpu.CompilerParams(
            needs_layout_passes=False, use_tc_tiling_on_sc=True),
    )
    def body(dist_hbm, vec_hbm, coef_hbm, out_hbm,
             d_buf, vx_buf, vy_buf, vz_buf, c_buf, acc, tmp16, rsum,
             slabs, sem):
        c = lax.axis_index("c")
        s = lax.axis_index("s")
        w = s * 2 + c
        lanes = lax.iota(jnp.int32, 16)
        zero16 = jnp.zeros((16,), jnp.float32)

        def zrow(t, carry):
            acc[t >> 3, pl.ds((t & 7) * 16, 16)] = zero16
            return carry

        lax.fori_loop(0, 64 * 8, zrow, 0)

        def group_body(kg, eacc_g):
            g = w + 32 * kg
            r0 = pl.multiple_of(8 * g, 8)
            i0 = 8 * g
            off0 = (i0 * (2 * _N - 1 - i0)) >> 1
            bsel = (_N - (i0 & -128) + 511) >> 9
            for kb in (1, 2, 3, 4):
                @pl.when(bsel == kb)
                def _issue(kb=kb):
                    wdt = 512 * kb
                    cs = _N - wdt
                    cl = 8 * wdt
                    rows = pl.ds(r0, 8)
                    cols = pl.ds(cs, wdt)
                    c0 = pl.multiple_of(
                        jnp.minimum(off0 & -8, _NPAIR - cl), 8)
                    h = wdt // 2
                    ca = pl.ds(cs, h)
                    cb = pl.ds(cs + h, h)
                    cps = [
                        pltpu.async_copy(dist_hbm.at[rows, ca],
                                         d_buf.at[:, ca], sem),
                        pltpu.async_copy(dist_hbm.at[rows, cb],
                                         d_buf.at[:, cb], sem),
                        pltpu.async_copy(vec_hbm.at[0, rows, ca],
                                         vx_buf.at[:, ca], sem),
                        pltpu.async_copy(vec_hbm.at[0, rows, cb],
                                         vx_buf.at[:, cb], sem),
                        pltpu.async_copy(vec_hbm.at[1, rows, ca],
                                         vy_buf.at[:, ca], sem),
                        pltpu.async_copy(vec_hbm.at[1, rows, cb],
                                         vy_buf.at[:, cb], sem),
                        pltpu.async_copy(vec_hbm.at[2, rows, ca],
                                         vz_buf.at[:, ca], sem),
                        pltpu.async_copy(vec_hbm.at[2, rows, cb],
                                         vz_buf.at[:, cb], sem),
                        pltpu.async_copy(coef_hbm.at[pl.ds(c0, cl)],
                                         c_buf.at[pl.ds(24, cl)], sem),
                    ]
                    for cp in cps:
                        cp.wait()
            c0 = pl.multiple_of(
                jnp.minimum(off0 & -8, _NPAIR - 8 * 512 * bsel), 8)
            shiftms = []
            for r in range(8):
                i = i0 + r
                off = (i * (2 * _N - 1 - i)) >> 1
                shiftms.append(off - c0 - i - 1 + 24)
            t_start = ((i0 + 1) & -16) >> 4

            def chunk_math(T, carry, masked):
                eas = list(carry[0:4])
                rs = list(carry[4:])
                base = T * 16
                cs = pl.ds(base, 16)
                cols = [zero16] * 6
                for r in range(8):
                    i = i0 + r
                    d = d_buf[r, cs]
                    cf = plsc.load_gather(c_buf, [lanes + (base + shiftms[r])])
                    inv = 1.0 / d
                    inv2 = inv * inv
                    inv3 = inv2 * inv
                    inv6 = inv3 * inv3
                    if masked:
                        m = ((lanes + base) > i) & (d <= 9.0)
                    else:
                        m = d <= 9.0
                    cm = jnp.where(m, cf, 0.0)
                    e = cm * inv6
                    eas[r % 4] = eas[r % 4] + e
                    wv = e * inv
                    fx = wv * vx_buf[r, cs]
                    fy = wv * vy_buf[r, cs]
                    fz = wv * vz_buf[r, cs]
                    p = r & 1
                    cols[p] = cols[p] + fx
                    cols[2 + p] = cols[2 + p] + fy
                    cols[4 + p] = cols[4 + p] + fz
                    rs[3 * r] = rs[3 * r] + fx
                    rs[3 * r + 1] = rs[3 * r + 1] + fy
                    rs[3 * r + 2] = rs[3 * r + 2] + fz
                pr = T >> 3
                pc = pl.ds((T & 7) * 16, 16)
                acc[pr, pc] = acc[pr, pc] - (cols[0] + cols[1])
                acc[16 + pr, pc] = acc[16 + pr, pc] - (cols[2] + cols[3])
                acc[32 + pr, pc] = acc[32 + pr, pc] - (cols[4] + cols[5])
                return tuple(eas) + tuple(rs)

            init = tuple(eacc_g) + (zero16,) * 24
            carry1 = chunk_math(t_start, init, masked=True)
            res = lax.fori_loop(
                t_start + 1, _N // 16,
                lambda T, cr: chunk_math(T, cr, masked=False), carry1)
            for r in range(8):
                i = i0 + r
                pr = i >> 7
                pc = pl.ds((i >> 4 & 7) * 16, 16)
                lm = lanes == (i & 15)
                acc[pr, pc] = acc[pr, pc] + jnp.where(
                    lm, jnp.sum(res[4 + 3 * r]), 0.0)
                acc[16 + pr, pc] = acc[16 + pr, pc] + jnp.where(
                    lm, jnp.sum(res[5 + 3 * r]), 0.0)
                acc[32 + pr, pc] = acc[32 + pr, pc] + jnp.where(
                    lm, jnp.sum(res[6 + 3 * r]), 0.0)
            return res[0:4]

        eaccs = lax.fori_loop(0, 8, group_body, (zero16,) * 4)

        def scale(t, carry):
            pr = t >> 3
            pc = pl.ds((t & 7) * 16, 16)
            acc[pr, pc] = acc[pr, pc] * -6.0
            return carry

        lax.fori_loop(0, 48 * 8, scale, 0)
        acc[48, pl.ds(0, 16)] = (acc[48, pl.ds(0, 16)]
                                 + (eaccs[0] + eaccs[1])
                                 + (eaccs[2] + eaccs[3]))

        pltpu.sync_copy(acc, slabs.at[s])
        plsc.subcore_barrier()

        @pl.when(s < 8)
        def _reduce():
            seg = pl.ds(pl.multiple_of(8 * s, 8), 8)
            cps = [pltpu.async_copy(slabs.at[p, seg], tmp16.at[p], sem)
                   for p in range(16)]
            for cp in cps:
                cp.wait()

            def red(t, carry):
                r = t >> 3
                pc = pl.ds((t & 7) * 16, 16)
                v = tmp16[0, r, pc]
                for p in range(1, 16):
                    v = v + tmp16[p, r, pc]
                rsum[r, pc] = v
                return carry

            lax.fori_loop(0, 64, red, 0)
            pltpu.sync_copy(rsum, out_hbm.at[c, seg])

    return body(dist_mat, vec_planes, coef)


def kernel(dist_mat, vector_mat, forces_out, coord_idx, repulsion_B_coef,
           calc_energy=True, calc_forces=True):
    del coord_idx
    vec_planes = jnp.transpose(vector_mat, (2, 0, 1))
    out = _partials(dist_mat, vec_planes, repulsion_B_coef)
    tot = out[0] + out[1]
    forces = jnp.stack(
        [tot[0:16].reshape(_N), tot[16:32].reshape(_N),
         tot[32:48].reshape(_N)], axis=-1)
    energy = jnp.where(calc_energy, jnp.sum(tot[48, :16]), jnp.float32(0.0))
    forces_ret = jnp.where(calc_forces, forces_out + forces, forces_out)
    return energy, forces_ret

# --- scband reference (transcript-rebuilt; emitter-appended) ---
"""Pipeline reference for scband-tff-repulsion-cg-76020921139248 (READ-ONLY COPY).

The authoritative reference and input builder live on the scoring server;
editing this copy changes nothing except your own understanding.
"""

import jax, jax.numpy as jnp
import numpy as np

N = 2048
CUTOFF = 9.0


def setup_inputs(seed: int = 0) -> dict:
    key = jax.random.key(seed)
    k1, k2, k3 = jax.random.split(key, 3)
    # pairwise distances: strictly positive to keep r^-6 / r^-7 finite
    dist_mat = jax.random.uniform(k1, (N, N), minval=0.5, maxval=12.0).astype(jnp.float32)
    dist_mat = 0.5 * (dist_mat + dist_mat.T)
    vector_mat = jax.random.normal(k2, (N, N, 3), dtype=jnp.float32)
    forces_out = jnp.zeros((N, 3), dtype=jnp.float32)
    # module state from __init__: all upper-triangular pairs (no exclusions)
    ia, ib = np.triu_indices(N, 1)
    coord_idx = jnp.asarray(np.stack([ia, ib], axis=1), dtype=jnp.int32)
    # precombined Lorentz-Berthelot B coefficients: eps*4*sigma^6 > 0
    repulsion_B_coef = jax.random.uniform(k3, (coord_idx.shape[0],), minval=0.1, maxval=2.0).astype(jnp.float32)
    return {
        "dist_mat": dist_mat,
        "vector_mat": vector_mat,
        "forces_out": forces_out,
        "coord_idx": coord_idx,
        "repulsion_B_coef": repulsion_B_coef,
        "calc_energy": True,
        "calc_forces": True,
    }


def reference(dist_mat, vector_mat, forces_out, coord_idx, repulsion_B_coef, calc_energy=True, calc_forces=True):
    a_idx = coord_idx[:, 0]
    b_idx = coord_idx[:, 1]
    lj_dists = dist_mat[a_idx, b_idx]            # gather [P]
    coef = repulsion_B_coef
    lj_vecs = vector_mat[a_idx, b_idx]           # gather [P,3]
    energy_per = coef * (1.0 / lj_dists) ** 6
    if CUTOFF is not None:
        energy_per = energy_per * (lj_dists <= CUTOFF).astype(jnp.float32)
    energy = jnp.where(calc_energy, jnp.sum(energy_per), jnp.float32(0.0))
    force = -6.0 * coef * (1.0 / lj_dists) ** 7
    if CUTOFF is not None:
        force = force * (lj_dists <= CUTOFF).astype(jnp.float32)
    fv = force[:, None] * lj_vecs
    forces_updated = forces_out.at[a_idx].add(fv)   # scatter-add
    forces_updated = forces_updated.at[b_idx].add(-fv)  # scatter-add
    forces_out = jnp.where(calc_forces, forces_updated, forces_out)
    return energy, forces_out

if __name__ == "__main__":
    import jax
    _d = setup_inputs()
    print(jax.jit(kernel)(*tuple(_d.values())))

</pallas_src>

<mosaic_0001>
#map = affine_map<(d0, d1) -> (0, 0)>
#map1 = affine_map<(d0, d1) -> (0, 0, 0)>
#map2 = affine_map<(d0, d1) -> (0)>
module attributes {stable_mosaic.version = 14 : i64} {
  func.func @body(%arg0: i32, %arg1: i32, %arg2: memref<2048x2048xf32, #tpu.memory_space<hbm>>, %arg3: memref<3x2048x2048xf32, #tpu.memory_space<hbm>>, %arg4: memref<2096128xf32, #tpu.memory_space<hbm>>, %arg5: memref<2x64x128xf32, #tpu.memory_space<hbm>>, %arg6: memref<8x2048xf32, #tpu.memory_space<vmem>>, %arg7: memref<8x2048xf32, #tpu.memory_space<vmem>>, %arg8: memref<8x2048xf32, #tpu.memory_space<vmem>>, %arg9: memref<8x2048xf32, #tpu.memory_space<vmem>>, %arg10: memref<16416xf32, #tpu.memory_space<vmem>>, %arg11: memref<64x128xf32, #tpu.memory_space<vmem>>, %arg12: memref<16x8x128xf32, #tpu.memory_space<vmem>>, %arg13: memref<8x128xf32, #tpu.memory_space<vmem>>, %arg14: memref<16x64x128xf32, #tpu.memory_space<vmem_shared>>, %arg15: memref<!tpu.dma_semaphore, #tpu.memory_space<semaphore_mem>>) attributes {dimension_semantics = [#tpu.dimension_semantics<core_parallel>, #tpu.dimension_semantics<subcore_parallel>], iteration_bounds = array<i64: 2, 16>, scalar_prefetch = 0 : i64, scratch_operands = 10 : i64, tpu.core_type = #tpu.core_type<sc_vector_subcore>, window_params = [{transform_indices = #map}, {transform_indices = #map1}, {transform_indices = #map2}, {transform_indices = #map1}]} {
    %mul3A = arith.constant 2 : i32
    %mul3A_0 = arith.muli %arg1, %mul3A : i32
    %add3A = arith.addi %mul3A_0, %arg0 : i32
    %iota3A = tpu.iota {dimensions = array<i32: 0>} : vector<16xi32>
    %broadcast_in_dim3A = arith.constant 0.000000e+00 : f32
    %broadcast_in_dim3A_1 = vector.broadcast %broadcast_in_dim3A : f32 to vector<16xf32>
    %scan3A = arith.constant 0 : i32
    %scan3A_2 = arith.constant 0 : i32
    %scan3A_3 = arith.constant 512 : i32
    %scan3A_4 = arith.addi %scan3A_2, %scan3A_3 : i32
    %scan3A_5 = arith.constant 1 : i32
    scf.for %scan3A_31 = %scan3A_2 to %scan3A_4 step %scan3A_5  : i32 {
      %shift_right_arithmetic3A = arith.constant 3 : i32
      %shift_right_arithmetic3A_32 = arith.shrsi %scan3A_31, %shift_right_arithmetic3A : i32
      %and3A = arith.constant 7 : i32
      %and3A_33 = arith.andi %scan3A_31, %and3A : i32
      %mul3A_34 = arith.constant 16 : i32
      %mul3A_35 = arith.muli %and3A_33, %mul3A_34 : i32
      %swap3A_36 = arith.index_cast %shift_right_arithmetic3A_32 : i32 to index
      %swap3A_37 = arith.index_cast %mul3A_35 : i32 to index
      %swap3A_38 = tpu.vector_load %arg11[%swap3A_36, %swap3A_37] {strides = array<i32>} : memref<64x128xf32, #tpu.memory_space<vmem>>, vector<16xf32>,
      tpu.vector_store %arg11[%swap3A_36, %swap3A_37], %broadcast_in_dim3A_1 {strides = array<i32>} : memref<64x128xf32, #tpu.memory_space<vmem>>, vector<16xf32>,
    }
    %scan3A_6 = arith.constant 512 : i32
    %scan3A_7 = arith.constant 0 : i32
    %scan3A_8 = arith.constant 8 : i32
    %scan3A_9 = arith.addi %scan3A_7, %scan3A_8 : i32
    %scan3A_10 = arith.constant 1 : i32
    %scan3A_11:4 = scf.for %scan3A_31 = %scan3A_7 to %scan3A_9 step %scan3A_10 iter_args(%scan3A_32 = %broadcast_in_dim3A_1, %scan3A_33 = %broadcast_in_dim3A_1, %scan3A_34 = %broadcast_in_dim3A_1, %scan3A_35 = %broadcast_in_dim3A_1) -> (vector<16xf32>, vector<16xf32>, vector<16xf32>, vector<16xf32>)  : i32 {
      %mul3A_36 = arith.constant 32 : i32
      %mul3A_37 = arith.muli %mul3A_36, %scan3A_31 : i32
      %add3A_38 = arith.addi %add3A, %mul3A_37 : i32
      %mul3A_39 = arith.constant 8 : i32
      %mul3A_40 = arith.muli %mul3A_39, %add3A_38 : i32
      %multiple_of3A = tpu.assume_multiple %mul3A_40, 8 : i32
      %mul3A_41 = arith.constant 8 : i32
      %mul3A_42 = arith.muli %mul3A_41, %add3A_38 : i32
      %sub3A = arith.constant 4095 : i32
      %sub3A_43 = arith.subi %sub3A, %mul3A_42 : i32
      %mul3A_44 = arith.muli %mul3A_42, %sub3A_43 : i32
      %shift_right_arithmetic3A = arith.constant 1 : i32
      %shift_right_arithmetic3A_45 = arith.shrsi %mul3A_44, %shift_right_arithmetic3A : i32
      %and3A = arith.constant -128 : i32
      %and3A_46 = arith.andi %mul3A_42, %and3A : i32
      %sub3A_47 = arith.constant 2048 : i32
      %sub3A_48 = arith.subi %sub3A_47, %and3A_46 : i32
      %add3A_49 = arith.constant 511 : i32
      %add3A_50 = arith.addi %sub3A_48, %add3A_49 : i32
      %shift_right_arithmetic3A_51 = arith.constant 9 : i32
      %shift_right_arithmetic3A_52 = arith.shrsi %add3A_50, %shift_right_arithmetic3A_51 : i32
      %eq3A = arith.constant 1 : i32
      %eq3A_53 = arith.cmpi eq, %shift_right_arithmetic3A_52, %eq3A : i32
      %convert_element_type3A_54 = arith.extui %eq3A_53 : i1 to i32
      %cond3A_55 = arith.constant 0 : i32
      %cond3A_56 = arith.cmpi ne, %convert_element_type3A_54, %cond3A_55 : i32
      scf.if %cond3A_56 {
        %and3A_1178 = arith.constant -8 : i32
        %and3A_1179 = arith.andi %shift_right_arithmetic3A_45, %and3A_1178 : i32
        %min3A_1180 = arith.constant 2092032 : i32
        %min3A_1181 = arith.minsi %and3A_1179, %min3A_1180 : i32
        %multiple_of3A_1182 = tpu.assume_multiple %min3A_1181, 8 : i32
        %dma_start3A = arith.constant 0 : i32
        %dma_start3A_1183 = arith.constant 1536 : i32
        %dma_start3A_1184 = tpu.memref_slice %arg6[%dma_start3A, %dma_start3A_1183] : memref<8x2048xf32, #tpu.memory_space<vmem>> -> memref<8x256xf32, #tpu.memory_space<vmem>>
        %dma_start3A_1185 = arith.constant 1536 : i32
        %dma_start3A_1186 = tpu.memref_slice %arg2[%multiple_of3A, %dma_start3A_1185] : memref<2048x2048xf32, #tpu.memory_space<hbm>> -> memref<8x256xf32, #tpu.memory_space<hbm>>
        %dma_start3A_1187 = arith.constant 0 : i32
        %dma_start3A_1188 = arith.constant 1536 : i32
        %dma_start3A_1189 = tpu.memref_slice %arg6[%dma_start3A_1187, %dma_start3A_1188] : memref<8x2048xf32, #tpu.memory_space<vmem>> -> memref<8x256xf32, #tpu.memory_space<vmem>>
        %dma_start3A_1190 = arith.constant 1536 : i32
        %dma_start3A_1191 = tpu.memref_slice %arg2[%multiple_of3A, %dma_start3A_1190] : memref<2048x2048xf32, #tpu.memory_space<hbm>> -> memref<8x256xf32, #tpu.memory_space<hbm>>
        tpu.enqueue_dma source(%dma_start3A_1191 : memref<8x256xf32, #tpu.memory_space<hbm>>) target(%dma_start3A_1189 : memref<8x256xf32, #tpu.memory_space<vmem>>) target_semaphore(%arg15 : memref<!tpu.dma_semaphore, #tpu.memory_space<semaphore_mem>>)
        %dma_start3A_1192 = arith.constant 0 : i32
        %dma_start3A_1193 = arith.constant 1792 : i32
        %dma_start3A_1194 = tpu.memref_slice %arg6[%dma_start3A_1192, %dma_start3A_1193] : memref<8x2048xf32, #tpu.memory_space<vmem>> -> memref<8x256xf32, #tpu.memory_space<vmem>>
        %dma_start3A_1195 = arith.constant 1792 : i32
        %dma_start3A_1196 = tpu.memref_slice %arg2[%multiple_of3A, %dma_start3A_1195] : memref<2048x2048xf32, #tpu.memory_space<hbm>> -> memref<8x256xf32, #tpu.memory_space<hbm>>
        %dma_start3A_1197 = arith.constant 0 : i32
        %dma_start3A_1198 = arith.constant 1792 : i32
        %dma_start3A_1199 = tpu.memref_slice %arg6[%dma_start3A_1197, %dma_start3A_1198] : memref<8x2048xf32, #tpu.memory_space<vmem>> -> memref<8x256xf32, #tpu.memory_space<vmem>>
        %dma_start3A_1200 = arith.constant 1792 : i32
        %dma_start3A_1201 = tpu.memref_slice %arg2[%multiple_of3A, %dma_start3A_1200] : memref<2048x2048xf32, #tpu.memory_space<hbm>> -> memref<8x256xf32, #tpu.memory_space<hbm>>
        tpu.enqueue_dma source(%dma_start3A_1201 : memref<8x256xf32, #tpu.memory_space<hbm>>) target(%dma_start3A_1199 : memref<8x256xf32, #tpu.memory_space<vmem>>) target_semaphore(%arg15 : memref<!tpu.dma_semaphore, #tpu.memory_space<semaphore_mem>>)
        %dma_start3A_1202 = arith.constant 0 : i32
        %dma_start3A_1203 = arith.constant 0 : i32
        %dma_start3A_1204 = arith.constant 1536 : i32
        %dma_start3A_1205 = tpu.memref_slice %arg7[%dma_start3A_1203, %dma_start3A_1204] : memref<8x2048xf32, #tpu.memory_space<vmem>> -> memref<8x256xf32, #tpu.memory_space<vmem>>
        %dma_start3A_1206 = arith.constant 1536 : i32
        %dma_start3A_1207 = tpu.memref_slice %arg3[%dma_start3A_1202, %multiple_of3A, %dma_start3A_1206] : memref<3x2048x2048xf32, #tpu.memory_space<hbm>> -> memref<1x8x256xf32, #tpu.memory_space<hbm>>
        %dma_start3A_1208 = tpu.memref_squeeze %dma_start3A_1207 : memref<1x8x256xf32, #tpu.memory_space<hbm>> -> memref<8x256xf32, #tpu.memory_space<hbm>>
        %dma_start3A_1209 = arith.constant 0 : i32
        %dma_start3A_1210 = arith.constant 1536 : i32
        %dma_start3A_1211 = tpu.memref_slice %arg7[%dma_start3A_1209, %dma_start3A_1210] : memref<8x2048xf32, #tpu.memory_space<vmem>> -> memref<8x256xf32, #tpu.memory_space<vmem>>
        %dma_start3A_1212 = arith.constant 1536 : i32
        %dma_start3A_1213 = tpu.memref_slice %arg3[%dma_start3A_1202, %multiple_of3A, %dma_start3A_1212] : memref<3x2048x2048xf32, #tpu.memory_space<hbm>> -> memref<1x8x256xf32, #tpu.memory_space<hbm>>
        %dma_start3A_1214 = tpu.memref_squeeze %dma_start3A_1213 : memref<1x8x256xf32, #tpu.memory_space<hbm>> -> memref<8x256xf32, #tpu.memory_space<hbm>>
        tpu.enqueue_dma source(%dma_start3A_1214 : memref<8x256xf32, #tpu.memory_space<hbm>>) target(%dma_start3A_1211 : memref<8x256xf32, #tpu.memory_space<vmem>>) target_semaphore(%arg15 : memref<!tpu.dma_semaphore, #tpu.memory_space<semaphore_mem>>)
        %dma_start3A_1215 = arith.constant 0 : i32
        %dma_start3A_1216 = arith.constant 0 : i32
        %dma_start3A_1217 = arith.constant 1792 : i32
        %dma_start3A_1218 = tpu.memref_slice %arg7[%dma_start3A_1216, %dma_start3A_1217] : memref<8x2048xf32, #tpu.memory_space<vmem>> -> memref<8x256xf32, #tpu.memory_space<vmem>>
        %dma_start3A_1219 = arith.constant 1792 : i32
        %dma_start3A_1220 = tpu.memref_slice %arg3[%dma_start3A_1215, %multiple_of3A, %dma_start3A_1219] : memref<3x2048x2048xf32, #tpu.memory_space<hbm>> -> memref<1x8x256xf32, #tpu.memory_space<hbm>>
        %dma_start3A_1221 = tpu.memref_squeeze %dma_start3A_1220 : memref<1x8x256xf32, #tpu.memory_space<hbm>> -> memref<8x256xf32, #tpu.memory_space<hbm>>
        %dma_start3A_1222 = arith.constant 0 : i32
        %dma_start3A_1223 = arith.constant 1792 : i32
        %dma_start3A_1224 = tpu.memref_slice %arg7[%dma_start3A_1222, %dma_start3A_1223] : memref<8x2048xf32, #tpu.memory_space<vmem>> -> memref<8x256xf32, #tpu.memory_space<vmem>>
        %dma_start3A_1225 = arith.constant 1792 : i32
        %dma_start3A_1226 = tpu.memref_slice %arg3[%dma_start3A_1215, %multiple_of3A, %dma_start3A_1225] : memref<3x2048x2048xf32, #tpu.memory_space<hbm>> -> memref<1x8x256xf32, #tpu.memory_space<hbm>>
        %dma_start3A_1227 = tpu.memref_squeeze %dma_start3A_1226 : memref<1x8x256xf32, #tpu.memory_space<hbm>> -> memref<8x256xf32, #tpu.memory_space<hbm>>
        tpu.enqueue_dma source(%dma_start3A_1227 : memref<8x256xf32, #tpu.memory_space<hbm>>) target(%dma_start3A_1224 : memref<8x256xf32, #tpu.memory_space<vmem>>) target_semaphore(%arg15 : memref<!tpu.dma_semaphore, #tpu.memory_space<semaphore_mem>>)
        %dma_start3A_1228 = arith.constant 1 : i32
        %dma_start3A_1229 = arith.constant 0 : i32
        %dma_start3A_1230 = arith.constant 1536 : i32
        %dma_start3A_1231 = tpu.memref_slice %arg8[%dma_start3A_1229, %dma_start3A_1230] : memref<8x2048xf32, #tpu.memory_space<vmem>> -> memref<8x256xf32, #tpu.memory_space<vmem>>
        %dma_start3A_1232 = arith.constant 1536 : i32
        %dma_start3A_1233 = tpu.memref_slice %arg3[%dma_start3A_1228, %multiple_of3A, %dma_start3A_1232] : memref<3x2048x2048xf32, #tpu.memory_space<hbm>> -> memref<1x8x256xf32, #tpu.memory_space<hbm>>
        %dma_start3A_1234 = tpu.memref_squeeze %dma_start3A_1233 : memref<1x8x256xf32, #tpu.memory_space<hbm>> -> memref<8x256xf32, #tpu.memory_space<hbm>>
        %dma_start3A_1235 = arith.constant 0 : i32
        %dma_start3A_1236 = arith.constant 1536 : i32
        %dma_start3A_1237 = tpu.memref_slice %arg8[%dma_start3A_1235, %dma_start3A_1236] : memref<8x2048xf32, #tpu.memory_space<vmem>> -> memref<8x256xf32, #tpu.memory_space<vmem>>
        %dma_start3A_1238 = arith.constant 1536 : i32
        %dma_start3A_1239 = tpu.memref_slice %arg3[%dma_start3A_1228, %multiple_of3A, %dma_start3A_1238] : memref<3x2048x2048xf32, #tpu.memory_space<hbm>> -> memref<1x8x256xf32, #tpu.memory_space<hbm>>
        %dma_start3A_1240 = tpu.memref_squeeze %dma_start3A_1239 : memref<1x8x256xf32, #tpu.memory_space<hbm>> -> memref<8x256xf32, #tpu.memory_space<hbm>>
        tpu.enqueue_dma source(%dma_start3A_1240 : memref<8x256xf32, #tpu.memory_space<hbm>>) target(%dma_start3A_1237 : memref<8x256xf32, #tpu.memory_space<vmem>>) target_semaphore(%arg15 : memref<!tpu.dma_semaphore, #tpu.memory_space<semaphore_mem>>)
        %dma_start3A_1241 = arith.constant 1 : i32
        %dma_start3A_1242 = arith.constant 0 : i32
        %dma_start3A_1243 = arith.constant 1792 : i32
        %dma_start3A_1244 = tpu.memref_slice %arg8[%dma_start3A_1242, %dma_start3A_1243] : memref<8x2048xf32, #tpu.memory_space<vmem>> -> memref<8x256xf32, #tpu.memory_space<vmem>>
        %dma_start3A_1245 = arith.constant 1792 : i32
        %dma_start3A_1246 = tpu.memref_slice %arg3[%dma_start3A_1241, %multiple_of3A, %dma_start3A_1245] : memref<3x2048x2048xf32, #tpu.memory_space<hbm>> -> memref<1x8x256xf32, #tpu.memory_space<hbm>>
        %dma_start3A_1247 = tpu.memref_squeeze %dma_start3A_1246 : memref<1x8x256xf32, #tpu.memory_space<hbm>> -> memref<8x256xf32, #tpu.memory_space<hbm>>
        %dma_start3A_1248 = arith.constant 0 : i32
        %dma_start3A_1249 = arith.constant 1792 : i32
        %dma_start3A_1250 = tpu.memref_slice %arg8[%dma_start3A_1248, %dma_start3A_1249] : memref<8x2048xf32, #tpu.memory_space<vmem>> -> memref<8x256xf32, #tpu.memory_space<vmem>>
        %dma_start3A_1251 = arith.constant 1792 : i32
        %dma_start3A_1252 = tpu.memref_slice %arg3[%dma_start3A_1241, %multiple_of3A, %dma_start3A_1251] : memref<3x2048x2048xf32, #tpu.memory_space<hbm>> -> memref<1x8x256xf32, #tpu.memory_space<hbm>>
        %dma_start3A_1253 = tpu.memref_squeeze %dma_start3A_1252 : memref<1x8x256xf32, #tpu.memory_space<hbm>> -> memref<8x256xf32, #tpu.memory_space<hbm>>
        tpu.enqueue_dma source(%dma_start3A_1253 : memref<8x256xf32, #tpu.memory_space<hbm>>) target(%dma_start3A_1250 : memref<8x256xf32, #tpu.memory_space<vmem>>) target_semaphore(%arg15 : memref<!tpu.dma_semaphore, #tpu.memory_space<semaphore_mem>>)
        %dma_start3A_1254 = arith.constant 2 : i32
        %dma_start3A_1255 = arith.constant 0 : i32
        %dma_start3A_1256 = arith.constant 1536 : i32
        %dma_start3A_1257 = tpu.memref_slice %arg9[%dma_start3A_1255, %dma_start3A_1256] : memref<8x2048xf32, #tpu.memory_space<vmem>> -> memref<8x256xf32, #tpu.memory_space<vmem>>
        %dma_start3A_1258 = arith.constant 1536 : i32
        %dma_start3A_1259 = tpu.memref_slice %arg3[%dma_start3A_1254, %multiple_of3A, %dma_start3A_1258] : memref<3x2048x2048xf32, #tpu.memory_space<hbm>> -> memref<1x8x256xf32, #tpu.memory_space<hbm>>
        %dma_start3A_1260 = tpu.memref_squeeze %dma_start3A_1259 : memref<1x8x256xf32, #tpu.memory_space<hbm>> -> memref<8x256xf32, #tpu.memory_space<hbm>>
        %dma_start3A_1261 = arith.constant 0 : i32
        %dma_start3A_1262 = arith.constant 1536 : i32
        %dma_start3A_1263 = tpu.memref_slice %arg9[%dma_start3A_1261, %dma_start3A_1262] : memref<8x2048xf32, #tpu.memory_space<vmem>> -> memref<8x256xf32, #tpu.memory_space<vmem>>
        %dma_start3A_1264 = arith.constant 1536 : i32
        %dma_start3A_1265 = tpu.memref_slice %arg3[%dma_start3A_1254, %multiple_of3A, %dma_start3A_1264] : memref<3x2048x2048xf32, #tpu.memory_space<hbm>> -> memref<1x8x256xf32, #tpu.memory_space<hbm>>
        %dma_start3A_1266 = tpu.memref_squeeze %dma_start3A_1265 : memref<1x8x256xf32, #tpu.memory_space<hbm>> -> memref<8x256xf32, #tpu.memory_space<hbm>>
        tpu.enqueue_dma source(%dma_start3A_1266 : memref<8x256xf32, #tpu.memory_space<hbm>>) target(%dma_start3A_1263 : memref<8x256xf32, #tpu.memory_space<vmem>>) target_semaphore(%arg15 : memref<!tpu.dma_semaphore, #tpu.memory_space<semaphore_mem>>)
        %dma_start3A_1267 = arith.constant 2 : i32
        %dma_start3A_1268 = arith.constant 0 : i32
        %dma_start3A_1269 = arith.constant 1792 : i32
        %dma_start3A_1270 = tpu.memref_slice %arg9[%dma_start3A_1268, %dma_start3A_1269] : memref<8x2048xf32, #tpu.memory_space<vmem>> -> memref<8x256xf32, #tpu.memory_space<vmem>>
        %dma_start3A_1271 = arith.constant 1792 : i32
        %dma_start3A_1272 = tpu.memref_slice %arg3[%dma_start3A_1267, %multiple_of3A, %dma_start3A_1271] : memref<3x2048x2048xf32, #tpu.memory_space<hbm>> -> memref<1x8x256xf32, #tpu.memory_space<hbm>>
        %dma_start3A_1273 = tpu.memref_squeeze %dma_start3A_1272 : memref<1x8x256xf32, #tpu.memory_space<hbm>> -> memref<8x256xf32, #tpu.memory_space<hbm>>
        %dma_start3A_1274 = arith.constant 0 : i32
        %dma_start3A_1275 = arith.constant 1792 : i32
        %dma_start3A_1276 = tpu.memref_slice %arg9[%dma_start3A_1274, %dma_start3A_1275] : memref<8x2048xf32, #tpu.memory_space<vmem>> -> memref<8x256xf32, #tpu.memory_space<vmem>>
        %dma_start3A_1277 = arith.constant 1792 : i32
        %dma_start3A_1278 = tpu.memref_slice %arg3[%dma_start3A_1267, %multiple_of3A, %dma_start3A_1277] : memref<3x2048x2048xf32, #tpu.memory_space<hbm>> -> memref<1x8x256xf32, #tpu.memory_space<hbm>>
        %dma_start3A_1279 = tpu.memref_squeeze %dma_start3A_1278 : memref<1x8x256xf32, #tpu.memory_space<hbm>> -> memref<8x256xf32, #tpu.memory_space<hbm>>
        tpu.enqueue_dma source(%dma_start3A_1279 : memref<8x256xf32, #tpu.memory_space<hbm>>) target(%dma_start3A_1276 : memref<8x256xf32, #tpu.memory_space<vmem>>) target_semaphore(%arg15 : memref<!tpu.dma_semaphore, #tpu.memory_space<semaphore_mem>>)
        %dma_start3A_1280 = arith.constant 24 : i32
        %dma_start3A_1281 = tpu.memref_slice %arg10[%dma_start3A_1280] : memref<16416xf32, #tpu.memory_space<vmem>> -> memref<4096xf32, #tpu.memory_space<vmem>>
        %dma_start3A_1282 = tpu.memref_slice %arg4[%multiple_of3A_1182] : memref<2096128xf32, #tpu.memory_space<hbm>> -> memref<4096xf32, #tpu.memory_space<hbm>>
        %dma_start3A_1283 = arith.constant 24 : i32
        %dma_start3A_1284 = tpu.memref_slice %arg10[%dma_start3A_1283] : memref<16416xf32, #tpu.memory_space<vmem>> -> memref<4096xf32, #tpu.memory_space<vmem>>
        %dma_start3A_1285 = tpu.memref_slice %arg4[%multiple_of3A_1182] : memref<2096128xf32, #tpu.memory_space<hbm>> -> memref<4096xf32, #tpu.memory_space<hbm>>
        tpu.enqueue_dma source(%dma_start3A_1285 : memref<4096xf32, #tpu.memory_space<hbm>>) target(%dma_start3A_1284 : memref<4096xf32, #tpu.memory_space<vmem>>) target_semaphore(%arg15 : memref<!tpu.dma_semaphore, #tpu.memory_space<semaphore_mem>>)
        %dma_wait3A = arith.constant 0 : i32
        %dma_wait3A_1286 = arith.constant 1536 : i32
        %dma_wait3A_1287 = tpu.memref_slice %arg6[%dma_wait3A, %dma_wait3A_1286] : memref<8x2048xf32, #tpu.memory_space<vmem>> -> memref<8x256xf32, #tpu.memory_space<vmem>>
        %dma_wait3A_1288 = arith.constant 1536 : i32
        %dma_wait3A_1289 = tpu.memref_slice %arg2[%multiple_of3A, %dma_wait3A_1288] : memref<2048x2048xf32, #tpu.memory_space<hbm>> -> memref<8x256xf32, #tpu.memory_space<hbm>>
        %dma_wait3A_1290 = arith.constant 0 : i32
        %dma_wait3A_1291 = arith.constant 1536 : i32
        %dma_wait3A_1292 = tpu.memref_slice %arg6[%dma_wait3A_1290, %dma_wait3A_1291] : memref<8x2048xf32, #tpu.memory_space<vmem>> -> memref<8x256xf32, #tpu.memory_space<vmem>>
        %dma_wait3A_1293 = arith.constant 1536 : i32
        %dma_wait3A_1294 = tpu.memref_slice %arg2[%multiple_of3A, %dma_wait3A_1293] : memref<2048x2048xf32, #tpu.memory_space<hbm>> -> memref<8x256xf32, #tpu.memory_space<hbm>>
        tpu.wait_dma2 semaphore(%arg15 : memref<!tpu.dma_semaphore, #tpu.memory_space<semaphore_mem>>) src(%dma_wait3A_1294 : memref<8x256xf32, #tpu.memory_space<hbm>>) dst(%dma_wait3A_1292 : memref<8x256xf32, #tpu.memory_space<vmem>>)
        %dma_wait3A_1295 = arith.constant 0 : i32
        %dma_wait3A_1296 = arith.constant 1792 : i32
        %dma_wait3A_1297 = tpu.memref_slice %arg6[%dma_wait3A_1295, %dma_wait3A_1296] : memref<8x2048xf32, #tpu.memory_space<vmem>> -> memref<8x256xf32, #tpu.memory_space<vmem>>
        %dma_wait3A_1298 = arith.constant 1792 : i32
        %dma_wait3A_1299 = tpu.memref_slice %arg2[%multiple_of3A, %dma_wait3A_1298] : memref<2048x2048xf32, #tpu.memory_space<hbm>> -> memref<8x256xf32, #tpu.memory_space<hbm>>
        %dma_wait3A_1300 = arith.constant 0 : i32
        %dma_wait3A_1301 = arith.constant 1792 : i32
        %dma_wait3A_1302 = tpu.memref_slice %arg6[%dma_wait3A_1300, %dma_wait3A_1301] : memref<8x2048xf32, #tpu.memory_space<vmem>> -> memref<8x256xf32, #tpu.memory_space<vmem>>
        %dma_wait3A_1303 = arith.constant 1792 : i32
        %dma_wait3A_1304 = tpu.memref_slice %arg2[%multiple_of3A, %dma_wait3A_1303] : memref<2048x2048xf32, #tpu.memory_space<hbm>> -> memref<8x256xf32, #tpu.memory_space<hbm>>
        tpu.wait_dma2 semaphore(%arg15 : memref<!tpu.dma_semaphore, #tpu.memory_space<semaphore_mem>>) src(%dma_wait3A_1304 : memref<8x256xf32, #tpu.memory_space<hbm>>) dst(%dma_wait3A_1302 : memref<8x256xf32, #tpu.memory_space<vmem>>)
        %dma_wait3A_1305 = arith.constant 0 : i32
        %dma_wait3A_1306 = arith.constant 0 : i32
        %dma_wait3A_1307 = arith.constant 1536 : i32
        %dma_wait3A_1308 = tpu.memref_slice %arg7[%dma_wait3A_1306, %dma_wait3A_1307] : memref<8x2048xf32, #tpu.memory_space<vmem>> -> memref<8x256xf32, #tpu.memory_space<vmem>>
        %dma_wait3A_1309 = arith.constant 1536 : i32
        %dma_wait3A_1310 = tpu.memref_slice %arg3[%dma_wait3A_1305, %multiple_of3A, %dma_wait3A_1309] : memref<3x2048x2048xf32, #tpu.memory_space<hbm>> -> memref<1x8x256xf32, #tpu.memory_space<hbm>>
        %dma_wait3A_1311 = tpu.memref_squeeze %dma_wait3A_1310 : memref<1x8x256xf32, #tpu.memory_space<hbm>> -> memref<8x256xf32, #tpu.memory_space<hbm>>
        %dma_wait3A_1312 = arith.constant 0 : i32
        %dma_wait3A_1313 = arith.constant 1536 : i32
        %dma_wait3A_1314 = tpu.memref_slice %arg7[%dma_wait3A_1312, %dma_wait3A_1313] : memref<8x2048xf32, #tpu.memory_space<vmem>> -> memref<8x256xf32, #tpu.memory_space<vmem>>
        %dma_wait3A_1315 = arith.constant 1536 : i32
        %dma_wait3A_1316 = tpu.memref_slice %arg3[%dma_wait3A_1305, %multiple_of3A, %dma_wait3A_1315] : memref<3x2048x2048xf32, #tpu.memory_space<hbm>> -> memref<1x8x256xf32, #tpu.memory_space<hbm>>
        %dma_wait3A_1317 = tpu.memref_squeeze %dma_wait3A_1316 : memref<1x8x256xf32, #tpu.memory_space<hbm>> -> memref<8x256xf32, #tpu.memory_space<hbm>>
        tpu.wait_dma2 semaphore(%arg15 : memref<!tpu.dma_semaphore, #tpu.memory_space<semaphore_mem>>) src(%dma_wait3A_1317 : memref<8x256xf32, #tpu.memory_space<hbm>>) dst(%dma_wait3A_1314 : memref<8x256xf32, #tpu.memory_space<vmem>>)
        %dma_wait3A_1318 = arith.constant 0 : i32
        %dma_wait3A_1319 = arith.constant 0 : i32
        %dma_wait3A_1320 = arith.constant 1792 : i32
        %dma_wait3A_1321 = tpu.memref_slice %arg7[%dma_wait3A_1319, %dma_wait3A_1320] : memref<8x2048xf32, #tpu.memory_space<vmem>> -> memref<8x256xf32, #tpu.memory_space<vmem>>
        %dma_wait3A_1322 = arith.constant 1792 : i32
        %dma_wait3A_1323 = tpu.memref_slice %arg3[%dma_wait3A_1318, %multiple_of3A, %dma_wait3A_1322] : memref<3x2048x2048xf32, #tpu.memory_space<hbm>> -> memref<1x8x256xf32, #tpu.memory_space<hbm>>
        %dma_wait3A_1324 = tpu.memref_squeeze %dma_wait3A_1323 : memref<1x8x256xf32, #tpu.memory_space<hbm>> -> memref<8x256xf32, #tpu.memory_space<hbm>>
        %dma_wait3A_1325 = arith.constant 0 : i32
        %dma_wait3A_1326 = arith.constant 1792 : i32
        %dma_wait3A_1327 = tpu.memref_slice %arg7[%dma_wait3A_1325, %dma_wait3A_1326] : memref<8x2048xf32, #tpu.memory_space<vmem>> -> memref<8x256xf32, #tpu.memory_space<vmem>>
        %dma_wait3A_1328 = arith.constant 1792 : i32
        %dma_wait3A_1329 = tpu.memref_slice %arg3[%dma_wait3A_1318, %multiple_of3A, %dma_wait3A_1328] : memref<3x2048x2048xf32, #tpu.memory_space<hbm>> -> memref<1x8x256xf32, #tpu.memory_space<hbm>>
        %dma_wait3A_1330 = tpu.memref_squeeze %dma_wait3A_1329 : memref<1x8x256xf32, #tpu.memory_space<hbm>> -> memref<8x256xf32, #tpu.memory_space<hbm>>
        tpu.wait_dma2 semaphore(%arg15 : memref<!tpu.dma_semaphore, #tpu.memory_space<semaphore_mem>>) src(%dma_wait3A_1330 : memref<8x256xf32, #tpu.memory_space<hbm>>) dst(%dma_wait3A_1327 : memref<8x256xf32, #tpu.memory_space<vmem>>)
        %dma_wait3A_1331 = arith.constant 1 : i32
        %dma_wait3A_1332 = arith.constant 0 : i32
        %dma_wait3A_1333 = arith.constant 1536 : i32
        %dma_wait3A_1334 = tpu.memref_slice %arg8[%dma_wait3A_1332, %dma_wait3A_1333] : memref<8x2048xf32, #tpu.memory_space<vmem>> -> memref<8x256xf32, #tpu.memory_space<vmem>>
        %dma_wait3A_1335 = arith.constant 1536 : i32
        %dma_wait3A_1336 = tpu.memref_slice %arg3[%dma_wait3A_1331, %multiple_of3A, %dma_wait3A_1335] : memref<3x2048x2048xf32, #tpu.memory_space<hbm>> -> memref<1x8x256xf32, #tpu.memory_space<hbm>>
        %dma_wait3A_1337 = tpu.memref_squeeze %dma_wait3A_1336 : memref<1x8x256xf32, #tpu.memory_space<hbm>> -> memref<8x256xf32, #tpu.memory_space<hbm>>
        %dma_wait3A_1338 = arith.constant 0 : i32
        %dma_wait3A_1339 = arith.constant 1536 : i32
        %dma_wait3A_1340 = tpu.memref_slice %arg8[%dma_wait3A_1338, %dma_wait3A_1339] : memref<8x2048xf32, #tpu.memory_space<vmem>> -> memref<8x256xf32, #tpu.memory_space<vmem>>
        %dma_wait3A_1341 = arith.constant 1536 : i32
        %dma_wait3A_1342 = tpu.memref_slice %arg3[%dma_wait3A_1331, %multiple_of3A, %dma_wait3A_1341] : memref<3x2048x2048xf32, #tpu.memory_space<hbm>> -> memref<1x8x256xf32, #tpu.memory_space<hbm>>
        %dma_wait3A_1343 = tpu.memref_squeeze %dma_wait3A_1342 : memref<1x8x256xf32, #tpu.memory_space<hbm>> -> memref<8x256xf32, #tpu.memory_space<hbm>>
        tpu.wait_dma2 semaphore(%arg15 : memref<!tpu.dma_semaphore, #tpu.memory_space<semaphore_mem>>) src(%dma_wait3A_1343 : memref<8x256xf32, #tpu.memory_space<hbm>>) dst(%dma_wait3A_1340 : memref<8x256xf32, #tpu.memory_space<vmem>>)
        %dma_wait3A_1344 = arith.constant 1 : i32
        %dma_wait3A_1345 = arith.constant 0 : i32
        %dma_wait3A_1346 = arith.constant 1792 : i32
        %dma_wait3A_1347 = tpu.memref_slice %arg8[%dma_wait3A_1345, %dma_wait3A_1346] : memref<8x2048xf32, #tpu.memory_space<vmem>> -> memref<8x256xf32, #tpu.memory_space<vmem>>
        %dma_wait3A_1348 = arith.constant 1792 : i32
        %dma_wait3A_1349 = tpu.memref_slice %arg3[%dma_wait3A_1344, %multiple_of3A, %dma_wait3A_1348] : memref<3x2048x2048xf32, #tpu.memory_space<hbm>> -> memref<1x8x256xf32, #tpu.memory_space<hbm>>
        %dma_wait3A_1350 = tpu.memref_squeeze %dma_wait3A_1349 : memref<1x8x256xf32, #tpu.memory_space<hbm>> -> memref<8x256xf32, #tpu.memory_space<hbm>>
        %dma_wait3A_1351 = arith.constant 0 : i32
        %dma_wait3A_1352 = arith.constant 1792 : i32
        %dma_wait3A_1353 = tpu.memref_slice %arg8[%dma_wait3A_1351, %dma_wait3A_1352] : memref<8x2048xf32, #tpu.memory_space<vmem>> -> memref<8x256xf32, #tpu.memory_space<vmem>>
        %dma_wait3A_1354 = arith.constant 1792 : i32
        %dma_wait3A_1355 = tpu.memref_slice %arg3[%dma_wait3A_1344, %multiple_of3A, %dma_wait3A_1354] : memref<3x2048x2048xf32, #tpu.memory_space<hbm>> -> memref<1x8x256xf32, #tpu.memory_space<hbm>>
        %dma_wait3A_1356 = tpu.memref_squeeze %dma_wait3A_1355 : memref<1x8x256xf32, #tpu.memory_space<hbm>> -> memref<8x256xf32, #tpu.memory_space<hbm>>
        tpu.wait_dma2 semaphore(%arg15 : memref<!tpu.dma_semaphore, #tpu.memory_space<semaphore_mem>>) src(%dma_wait3A_1356 : memref<8x256xf32, #tpu.memory_space<hbm>>) dst(%dma_wait3A_1353 : memref<8x256xf32, #tpu.memory_space<vmem>>)
        %dma_wait3A_1357 = arith.constant 2 : i32
        %dma_wait3A_1358 = arith.constant 0 : i32
        %dma_wait3A_1359 = arith.constant 1536 : i32
        %dma_wait3A_1360 = tpu.memref_slice %arg9[%dma_wait3A_1358, %dma_wait3A_1359] : memref<8x2048xf32, #tpu.memory_space<vmem>> -> memref<8x256xf32, #tpu.memory_space<vmem>>
        %dma_wait3A_1361 = arith.constant 1536 : i32
        %dma_wait3A_1362 = tpu.memref_slice %arg3[%dma_wait3A_1357, %multiple_of3A, %dma_wait3A_1361] : memref<3x2048x2048xf32, #tpu.memory_space<hbm>> -> memref<1x8x256xf32, #tpu.memory_space<hbm>>
        %dma_wait3A_1363 = tpu.memref_squeeze %dma_wait3A_1362 : memref<1x8x256xf32, #tpu.memory_space<hbm>> -> memref<8x256xf32, #tpu.memory_space<hbm>>
        %dma_wait3A_1364 = arith.constant 0 : i32
        %dma_wait3A_1365 = arith.constant 1536 : i32
        %dma_wait3A_1366 = tpu.memref_slice %arg9[%dma_wait3A_1364, %dma_wait3A_1365] : memref<8x2048xf32, #tpu.memory_space<vmem>> -> memref<8x256xf32, #tpu.memory_space<vmem>>
        %dma_wait3A_1367 = arith.constant 1536 : i32
        %dma_wait3A_1368 = tpu.memref_slice %arg3[%dma_wait3A_1357, %multiple_of3A, %dma_wait3A_1367] : memref<3x2048x2048xf32, #tpu.memory_space<hbm>> -> memref<1x8x256xf32, #tpu.memory_space<hbm>>
        %dma_wait3A_1369 = tpu.memref_squeeze %dma_wait3A_1368 : memref<1x8x256xf32, #tpu.memory_space<hbm>> -> memref<8x256xf32, #tpu.memory_space<hbm>>
        tpu.wait_dma2 semaphore(%arg15 : memref<!tpu.dma_semaphore, #tpu.memory_space<semaphore_mem>>) src(%dma_wait3A_1369 : memref<8x256xf32, #tpu.memory_space<hbm>>) dst(%dma_wait3A_1366 : memref<8x256xf32, #tpu.memory_space<vmem>>)
        %dma_wait3A_1370 = arith.constant 2 : i32
        %dma_wait3A_1371 = arith.constant 0 : i32
        %dma_wait3A_1372 = arith.constant 1792 : i32
        %dma_wait3A_1373 = tpu.memref_slice %arg9[%dma_wait3A_1371, %dma_wait3A_1372] : memref<8x2048xf32, #tpu.memory_space<vmem>> -> memref<8x256xf32, #tpu.memory_space<vmem>>
        %dma_wait3A_1374 = arith.constant 1792 : i32
        %dma_wait3A_1375 = tpu.memref_slice %arg3[%dma_wait3A_1370, %multiple_of3A, %dma_wait3A_1374] : memref<3x2048x2048xf32, #tpu.memory_space<hbm>> -> memref<1x8x256xf32, #tpu.memory_space<hbm>>
        %dma_wait3A_1376 = tpu.memref_squeeze %dma_wait3A_1375 : memref<1x8x256xf32, #tpu.memory_space<hbm>> -> memref<8x256xf32, #tpu.memory_space<hbm>>
        %dma_wait3A_1377 = arith.constant 0 : i32
        %dma_wait3A_1378 = arith.constant 1792 : i32
        %dma_wait3A_1379 = tpu.memref_slice %arg9[%dma_wait3A_1377, %dma_wait3A_1378] : memref<8x2048xf32, #tpu.memory_space<vmem>> -> memref<8x256xf32, #tpu.memory_space<vmem>>
        %dma_wait3A_1380 = arith.constant 1792 : i32
        %dma_wait3A_1381 = tpu.memref_slice %arg3[%dma_wait3A_1370, %multiple_of3A, %dma_wait3A_1380] : memref<3x2048x2048xf32, #tpu.memory_space<hbm>> -> memref<1x8x256xf32, #tpu.memory_space<hbm>>
        %dma_wait3A_1382 = tpu.memref_squeeze %dma_wait3A_1381 : memref<1x8x256xf32, #tpu.memory_space<hbm>> -> memref<8x256xf32, #tpu.memory_space<hbm>>
        tpu.wait_dma2 semaphore(%arg15 : memref<!tpu.dma_semaphore, #tpu.memory_space<semaphore_mem>>) src(%dma_wait3A_1382 : memref<8x256xf32, #tpu.memory_space<hbm>>) dst(%dma_wait3A_1379 : memref<8x256xf32, #tpu.memory_space<vmem>>)
        %dma_wait3A_1383 = arith.constant 24 : i32
        %dma_wait3A_1384 = tpu.memref_slice %arg10[%dma_wait3A_1383] : memref<16416xf32, #tpu.memory_space<vmem>> -> memref<4096xf32, #tpu.memory_space<vmem>>
        %dma_wait3A_1385 = tpu.memref_slice %arg4[%multiple_of3A_1182] : memref<2096128xf32, #tpu.memory_space<hbm>> -> memref<4096xf32, #tpu.memory_space<hbm>>
        %dma_wait3A_1386 = arith.constant 24 : i32
        %dma_wait3A_1387 = tpu.memref_slice %arg10[%dma_wait3A_1386] : memref<16416xf32, #tpu.memory_space<vmem>> -> memref<4096xf32, #tpu.memory_space<vmem>>
        %dma_wait3A_1388 = tpu.memref_slice %arg4[%multiple_of3A_1182] : memref<2096128xf32, #tpu.memory_space<hbm>> -> memref<4096xf32, #tpu.memory_space<hbm>>
        tpu.wait_dma2 semaphore(%arg15 : memref<!tpu.dma_semaphore, #tpu.memory_space<semaphore_mem>>) src(%dma_wait3A_1388 : memref<4096xf32, #tpu.memory_space<hbm>>) dst(%dma_wait3A_1387 : memref<4096xf32, #tpu.memory_space<vmem>>)
      } else {
      }
      %eq3A_57 = arith.constant 2 : i32
      %eq3A_58 = arith.cmpi eq, %shift_right_arithmetic3A_52, %eq3A_57 : i32
      %convert_element_type3A_59 = arith.extui %eq3A_58 : i1 to i32
      %cond3A_60 = arith.constant 0 : i32
      %cond3A_61 = arith.cmpi ne, %convert_element_type3A_59, %cond3A_60 : i32
      scf.if %cond3A_61 {
        %and3A_1178 = arith.constant -8 : i32
        %and3A_1179 = arith.andi %shift_right_arithmetic3A_45, %and3A_1178 : i32
        %min3A_1180 = arith.constant 2087936 : i32
        %min3A_1181 = arith.minsi %and3A_1179, %min3A_1180 : i32
        %multiple_of3A_1182 = tpu.assume_multiple %min3A_1181, 8 : i32
        %dma_start3A = arith.constant 0 : i32
        %dma_start3A_1183 = arith.constant 1024 : i32
        %dma_start3A_1184 = tpu.memref_slice %arg6[%dma_start3A, %dma_start3A_1183] : memref<8x2048xf32, #tpu.memory_space<vmem>> -> memref<8x512xf32, #tpu.memory_space<vmem>>
        %dma_start3A_1185 = arith.constant 1024 : i32
        %dma_start3A_1186 = tpu.memref_slice %arg2[%multiple_of3A, %dma_start3A_1185] : memref<2048x2048xf32, #tpu.memory_space<hbm>> -> memref<8x512xf32, #tpu.memory_space<hbm>>
        %dma_start3A_1187 = arith.constant 0 : i32
        %dma_start3A_1188 = arith.constant 1024 : i32
        %dma_start3A_1189 = tpu.memref_slice %arg6[%dma_start3A_1187, %dma_start3A_1188] : memref<8x2048xf32, #tpu.memory_space<vmem>> -> memref<8x512xf32, #tpu.memory_space<vmem>>
        %dma_start3A_1190 = arith.constant 1024 : i32
        %dma_start3A_1191 = tpu.memref_slice %arg2[%multiple_of3A, %dma_start3A_1190] : memref<2048x2048xf32, #tpu.memory_space<hbm>> -> memref<8x512xf32, #tpu.memory_space<hbm>>
        tpu.enqueue_dma source(%dma_start3A_1191 : memref<8x512xf32, #tpu.memory_space<hbm>>) target(%dma_start3A_1189 : memref<8x512xf32, #tpu.memory_space<vmem>>) target_semaphore(%arg15 : memref<!tpu.dma_semaphore, #tpu.memory_space<semaphore_mem>>)
        %dma_start3A_1192 = arith.constant 0 : i32
        %dma_start3A_1193 = arith.constant 1536 : i32
        %dma_start3A_1194 = tpu.memref_slice %arg6[%dma_start3A_1192, %dma_start3A_1193] : memref<8x2048xf32, #tpu.memory_space<vmem>> -> memref<8x512xf32, #tpu.memory_space<vmem>>
        %dma_start3A_1195 = arith.constant 1536 : i32
        %dma_start3A_1196 = tpu.memref_slice %arg2[%multiple_of3A, %dma_start3A_1195] : memref<2048x2048xf32, #tpu.memory_space<hbm>> -> memref<8x512xf32, #tpu.memory_space<hbm>>
        %dma_start3A_1197 = arith.constant 0 : i32
        %dma_start3A_1198 = arith.constant 1536 : i32
        %dma_start3A_1199 = tpu.memref_slice %arg6[%dma_start3A_1197, %dma_start3A_1198] : memref<8x2048xf32, #tpu.memory_space<vmem>> -> memref<8x512xf32, #tpu.memory_space<vmem>>
        %dma_start3A_1200 = arith.constant 1536 : i32
        %dma_start3A_1201 = tpu.memref_slice %arg2[%multiple_of3A, %dma_start3A_1200] : memref<2048x2048xf32, #tpu.memory_space<hbm>> -> memref<8x512xf32, #tpu.memory_space<hbm>>
        tpu.enqueue_dma source(%dma_start3A_1201 : memref<8x512xf32, #tpu.memory_space<hbm>>) target(%dma_start3A_1199 : memref<8x512xf32, #tpu.memory_space<vmem>>) target_semaphore(%arg15 : memref<!tpu.dma_semaphore, #tpu.memory_space<semaphore_mem>>)
        %dma_start3A_1202 = arith.constant 0 : i32
        %dma_start3A_1203 = arith.constant 0 : i32
        %dma_start3A_1204 = arith.constant 1024 : i32
        %dma_start3A_1205 = tpu.memref_slice %arg7[%dma_start3A_1203, %dma_start3A_1204] : memref<8x2048xf32, #tpu.memory_space<vmem>> -> memref<8x512xf32, #tpu.memory_space<vmem>>
        %dma_start3A_1206 = arith.constant 1024 : i32
        %dma_start3A_1207 = tpu.memref_slice %arg3[%dma_start3A_1202, %multiple_of3A, %dma_start3A_1206] : memref<3x2048x2048xf32, #tpu.memory_space<hbm>> -> memref<1x8x512xf32, #tpu.memory_space<hbm>>
        %dma_start3A_1208 = tpu.memref_squeeze %dma_start3A_1207 : memref<1x8x512xf32, #tpu.memory_space<hbm>> -> memref<8x512xf32, #tpu.memory_space<hbm>>
        %dma_start3A_1209 = arith.constant 0 : i32
        %dma_start3A_1210 = arith.constant 1024 : i32
        %dma_start3A_1211 = tpu.memref_slice %arg7[%dma_start3A_1209, %dma_start3A_1210] : memref<8x2048xf32, #tpu.memory_space<vmem>> -> memref<8x512xf32, #tpu.memory_space<vmem>>
        %dma_start3A_1212 = arith.constant 1024 : i32
        %dma_start3A_1213 = tpu.memref_slice %arg3[%dma_start3A_1202, %multiple_of3A, %dma_start3A_1212] : memref<3x2048x2048xf32, #tpu.memory_space<hbm>> -> memref<1x8x512xf32, #tpu.memory_space<hbm>>
        %dma_start3A_1214 = tpu.memref_squeeze %dma_start3A_1213 : memref<1x8x512xf32, #tpu.memory_space<hbm>> -> memref<8x512xf32, #tpu.memory_space<hbm>>
        tpu.enqueue_dma source(%dma_start3A_1214 : memref<8x512xf32, #tpu.memory_space<hbm>>) target(%dma_start3A_1211 : memref<8x512xf32, #tpu.memory_space<vmem>>) target_semaphore(%arg15 : memref<!tpu.dma_semaphore, #tpu.memory_space<semaphore_mem>>)
        %dma_start3A_1215 = arith.constant 0 : i32
        %dma_start3A_1216 = arith.constant 0 : i32
        %dma_start3A_1217 = arith.constant 1536 : i32
        %dma_start3A_1218 = tpu.memref_slice %arg7[%dma_start3A_1216, %dma_start3A_1217] : memref<8x2048xf32, #tpu.memory_space<vmem>> -> memref<8x512xf32, #tpu.memory_space<vmem>>
        %dma_start3A_1219 = arith.constant 1536 : i32
        %dma_start3A_1220 = tpu.memref_slice %arg3[%dma_start3A_1215, %multiple_of3A, %dma_start3A_1219] : memref<3x2048x2048xf32, #tpu.memory_space<hbm>> -> memref<1x8x512xf32, #tpu.memory_space<hbm>>
        %dma_start3A_1221 = tpu.memref_squeeze %dma_start3A_1220 : memref<1x8x512xf32, #tpu.memory_space<hbm>> -> memref<8x512xf32, #tpu.memory_space<hbm>>
        %dma_start3A_1222 = arith.constant 0 : i32
        %dma_start3A_1223 = arith.constant 1536 : i32
        %dma_start3A_1224 = tpu.memref_slice %arg7[%dma_start3A_1222, %dma_start3A_1223] : memref<8x2048xf32, #tpu.memory_space<vmem>> -> memref<8x512xf32, #tpu.memory_space<vmem>>
        %dma_start3A_1225 = arith.constant 1536 : i32
        %dma_start3A_1226 = tpu.memref_slice %arg3[%dma_start3A_1215, %multiple_of3A, %dma_start3A_1225] : memref<3x2048x2048xf32, #tpu.memory_space<hbm>> -> memref<1x8x512xf32, #tpu.memory_space<hbm>>
        %dma_start3A_1227 = tpu.memref_squeeze %dma_start3A_1226 : memref<1x8x512xf32, #tpu.memory_space<hbm>> -> memref<8x512xf32, #tpu.memory_space<hbm>>
        tpu.enqueue_dma source(%dma_start3A_1227 : memref<8x512xf32, #tpu.memory_space<hbm>>) target(%dma_start3A_1224 : memref<8x512xf32, #tpu.memory_space<vmem>>) target_semaphore(%arg15 : memref<!tpu.dma_semaphore, #tpu.memory_space<semaphore_mem>>)
        %dma_start3A_1228 = arith.constant 1 : i32
        %dma_start3A_1229 = arith.constant 0 : i32
        %dma_start3A_1230 = arith.constant 1024 : i32
        %dma_start3A_1231 = tpu.memref_slice %arg8[%dma_start3A_1229, %dma_start3A_1230] : memref<8x2048xf32, #tpu.memory_space<vmem>> -> memref<8x512xf32, #tpu.memory_space<vmem>>
        %dma_start3A_1232 = arith.constant 1024 : i32
        %dma_start3A_1233 = tpu.memref_slice %arg3[%dma_start3A_1228, %multiple_of3A, %dma_start3A_1232] : memref<3x2048x2048xf32, #tpu.memory_space<hbm>> -> memref<1x8x512xf32, #tpu.memory_space<hbm>>
        %dma_start3A_1234 = tpu.memref_squeeze %dma_start3A_1233 : memref<1x8x512xf32, #tpu.memory_space<hbm>> -> memref<8x512xf32, #tpu.memory_space<hbm>>
        %dma_start3A_1235 = arith.constant 0 : i32
        %dma_start3A_1236 = arith.constant 1024 : i32
        %dma_start3A_1237 = tpu.memref_slice %arg8[%dma_start3A_1235, %dma_start3A_1236] : memref<8x2048xf32, #tpu.memory_space<vmem>> -> memref<8x512xf32, #tpu.memory_space<vmem>>
        %dma_start3A_1238 = arith.constant 1024 : i32
        %dma_start3A_1239 = tpu.memref_slice %arg3[%dma_start3A_1228, %multiple_of3A, %dma_start3A_1238] : memref<3x2048x2048xf32, #tpu.memory_space<hbm>> -> memref<1x8x512xf32, #tpu.memory_space<hbm>>
        %dma_start3A_1240 = tpu.memref_squeeze %dma_start3A_1239 : memref<1x8x512xf32, #tpu.memory_space<hbm>> -> memref<8x512xf32, #tpu.memory_space<hbm>>
        tpu.enqueue_dma source(%dma_start3A_1240 : memref<8x512xf32, #tpu.memory_space<hbm>>) target(%dma_start3A_1237 : memref<8x512xf32, #tpu.memory_space<vmem>>) target_semaphore(%arg15 : memref<!tpu.dma_semaphore, #tpu.memory_space<semaphore_mem>>)
        %dma_start3A_1241 = arith.constant 1 : i32
        %dma_start3A_1242 = arith.constant 0 : i32
        %dma_start3A_1243 = arith.constant 1536 : i32
        %dma_start3A_1244 = tpu.memref_slice %arg8[%dma_start3A_1242, %dma_start3A_1243] : memref<8x2048xf32, #tpu.memory_space<vmem>> -> memref<8x512xf32, #tpu.memory_space<vmem>>
        %dma_start3A_1245 = arith.constant 1536 : i32
        %dma_start3A_1246 = tpu.memref_slice %arg3[%dma_start3A_1241, %multiple_of3A, %dma_start3A_1245] : memref<3x2048x2048xf32, #tpu.memory_space<hbm>> -> memref<1x8x512xf32, #tpu.memory_space<hbm>>
        %dma_start3A_1247 = tpu.memref_squeeze %dma_start3A_1246 : memref<1x8x512xf32, #tpu.memory_space<hbm>> -> memref<8x512xf32, #tpu.memory_space<hbm>>
        %dma_start3A_1248 = arith.constant 0 : i32
        %dma_start3A_1249 = arith.constant 1536 : i32
        %dma_start3A_1250 = tpu.memref_slice %arg8[%dma_start3A_1248, %dma_start3A_1249] : memref<8x2048xf32, #tpu.memory_space<vmem>> -> memref<8x512xf32, #tpu.memory_space<vmem>>
        %dma_start3A_1251 = arith.constant 1536 : i32
        %dma_start3A_1252 = tpu.memref_slice %arg3[%dma_start3A_1241, %multiple_of3A, %dma_start3A_1251] : memref<3x2048x2048xf32, #tpu.memory_space<hbm>> -> memref<1x8x512xf32, #tpu.memory_space<hbm>>
        %dma_start3A_1253 = tpu.memref_squeeze %dma_start3A_1252 : memref<1x8x512xf32, #tpu.memory_space<hbm>> -> memref<8x512xf32, #tpu.memory_space<hbm>>
        tpu.enqueue_dma source(%dma_start3A_1253 : memref<8x512xf32, #tpu.memory_space<hbm>>) target(%dma_start3A_1250 : memref<8x512xf32, #tpu.memory_space<vmem>>) target_semaphore(%arg15 : memref<!tpu.dma_semaphore, #tpu.memory_space<semaphore_mem>>)
        %dma_start3A_1254 = arith.constant 2 : i32
        %dma_start3A_1255 = arith.constant 0 : i32
        %dma_start3A_1256 = arith.constant 1024 : i32
        %dma_start3A_1257 = tpu.memref_slice %arg9[%dma_start3A_1255, %dma_start3A_1256] : memref<8x2048xf32, #tpu.memory_space<vmem>> -> memref<8x512xf32, #tpu.memory_space<vmem>>
        %dma_start3A_1258 = arith.constant 1024 : i32
        %dma_start3A_1259 = tpu.memref_slice %arg3[%dma_start3A_1254, %multiple_of3A, %dma_start3A_1258] : memref<3x2048x2048xf32, #tpu.memory_space<hbm>> -> memref<1x8x512xf32, #tpu.memory_space<hbm>>
        %dma_start3A_1260 = tpu.memref_squeeze %dma_start3A_1259 : memref<1x8x512xf32, #tpu.memory_space<hbm>> -> memref<8x512xf32, #tpu.memory_space<hbm>>
        %dma_start3A_1261 = arith.constant 0 : i32
        %dma_start3A_1262 = arith.constant 1024 : i32
        %dma_start3A_1263 = tpu.memref_slice %arg9[%dma_start3A_1261, %dma_start3A_1262] : memref<8x2048xf32, #tpu.memory_space<vmem>> -> memref<8x512xf32, #tpu.memory_space<vmem>>
        %dma_start3A_1264 = arith.constant 1024 : i32
        %dma_start3A_1265 = tpu.memref_slice %arg3[%dma_start3A_1254, %multiple_of3A, %dma_start3A_1264] : memref<3x2048x2048xf32, #tpu.memory_space<hbm>> -> memref<1x8x512xf32, #tpu.memory_space<hbm>>
        %dma_start3A_1266 = tpu.memref_squeeze %dma_start3A_1265 : memref<1x8x512xf32, #tpu.memory_space<hbm>> -> memref<8x512xf32, #tpu.memory_space<hbm>>
        tpu.enqueue_dma source(%dma_start3A_1266 : memref<8x512xf32, #tpu.memory_space<hbm>>) target(%dma_start3A_1263 : memref<8x512xf32, #tpu.memory_space<vmem>>) target_semaphore(%arg15 : memref<!tpu.dma_semaphore, #tpu.memory_space<semaphore_mem>>)
        %dma_start3A_1267 = arith.constant 2 : i32
        %dma_start3A_1268 = arith.constant 0 : i32
        %dma_start3A_1269 = arith.constant 1536 : i32
        %dma_start3A_1270 = tpu.memref_slice %arg9[%dma_start3A_1268, %dma_start3A_1269] : memref<8x2048xf32, #tpu.memory_space<vmem>> -> memref<8x512xf32, #tpu.memory_space<vmem>>
        %dma_start3A_1271 = arith.constant 1536 : i32
        %dma_start3A_1272 = tpu.memref_slice %arg3[%dma_start3A_1267, %multiple_of3A, %dma_start3A_1271] : memref<3x2048x2048xf32, #tpu.memory_space<hbm>> -> memref<1x8x512xf32, #tpu.memory_space<hbm>>
        %dma_start3A_1273 = tpu.memref_squeeze %dma_start3A_1272 : memref<1x8x512xf32, #tpu.memory_space<hbm>> -> memref<8x512xf32, #tpu.memory_space<hbm>>
        %dma_start3A_1274 = arith.constant 0 : i32
        %dma_start3A_1275 = arith.constant 1536 : i32
        %dma_start3A_1276 = tpu.memref_slice %arg9[%dma_start3A_1274, %dma_start3A_1275] : memref<8x2048xf32, #tpu.memory_space<vmem>> -> memref<8x512xf32, #tpu.memory_space<vmem>>
        %dma_start3A_1277 = arith.constant 1536 : i32
        %dma_start3A_1278 = tpu.memref_slice %arg3[%dma_start3A_1267, %multiple_of3A, %dma_start3A_1277] : memref<3x2048x2048xf32, #tpu.memory_space<hbm>> -> memref<1x8x512xf32, #tpu.memory_space<hbm>>
        %dma_start3A_1279 = tpu.memref_squeeze %dma_start3A_1278 : memref<1x8x512xf32, #tpu.memory_space<hbm>> -> memref<8x512xf32, #tpu.memory_space<hbm>>
        tpu.enqueue_dma source(%dma_start3A_1279 : memref<8x512xf32, #tpu.memory_space<hbm>>) target(%dma_start3A_1276 : memref<8x512xf32, #tpu.memory_space<vmem>>) target_semaphore(%arg15 : memref<!tpu.dma_semaphore, #tpu.memory_space<semaphore_mem>>)
        %dma_start3A_1280 = arith.constant 24 : i32
        %dma_start3A_1281 = tpu.memref_slice %arg10[%dma_start3A_1280] : memref<16416xf32, #tpu.memory_space<vmem>> -> memref<8192xf32, #tpu.memory_space<vmem>>
        %dma_start3A_1282 = tpu.memref_slice %arg4[%multiple_of3A_1182] : memref<2096128xf32, #tpu.memory_space<hbm>> -> memref<8192xf32, #tpu.memory_space<hbm>>
        %dma_start3A_1283 = arith.constant 24 : i32
        %dma_start3A_1284 = tpu.memref_slice %arg10[%dma_start3A_1283] : memref<16416xf32, #tpu.memory_space<vmem>> -> memref<8192xf32, #tpu.memory_space<vmem>>
        %dma_start3A_1285 = tpu.memref_slice %arg4[%multiple_of3A_1182] : memref<2096128xf32, #tpu.memory_space<hbm>> -> memref<8192xf32, #tpu.memory_space<hbm>>
        tpu.enqueue_dma source(%dma_start3A_1285 : memref<8192xf32, #tpu.memory_space<hbm>>) target(%dma_start3A_1284 : memref<8192xf32, #tpu.memory_space<vmem>>) target_semaphore(%arg15 : memref<!tpu.dma_semaphore, #tpu.memory_space<semaphore_mem>>)
        %dma_wait3A = arith.constant 0 : i32
        %dma_wait3A_1286 = arith.constant 1024 : i32
        %dma_wait3A_1287 = tpu.memref_slice %arg6[%dma_wait3A, %dma_wait3A_1286] : memref<8x2048xf32, #tpu.memory_space<vmem>> -> memref<8x512xf32, #tpu.memory_space<vmem>>
        %dma_wait3A_1288 = arith.constant 1024 : i32
        %dma_wait3A_1289 = tpu.memref_slice %arg2[%multiple_of3A, %dma_wait3A_1288] : memref<2048x2048xf32, #tpu.memory_space<hbm>> -> memref<8x512xf32, #tpu.memory_space<hbm>>
        %dma_wait3A_1290 = arith.constant 0 : i32
        %dma_wait3A_1291 = arith.constant 1024 : i32
        %dma_wait3A_1292 = tpu.memref_slice %arg6[%dma_wait3A_1290, %dma_wait3A_1291] : memref<8x2048xf32, #tpu.memory_space<vmem>> -> memref<8x512xf32, #tpu.memory_space<vmem>>
        %dma_wait3A_1293 = arith.constant 1024 : i32
        %dma_wait3A_1294 = tpu.memref_slice %arg2[%multiple_of3A, %dma_wait3A_1293] : memref<2048x2048xf32, #tpu.memory_space<hbm>> -> memref<8x512xf32, #tpu.memory_space<hbm>>
        tpu.wait_dma2 semaphore(%arg15 : memref<!tpu.dma_semaphore, #tpu.memory_space<semaphore_mem>>) src(%dma_wait3A_1294 : memref<8x512xf32, #tpu.memory_space<hbm>>) dst(%dma_wait3A_1292 : memref<8x512xf32, #tpu.memory_space<vmem>>)
        %dma_wait3A_1295 = arith.constant 0 : i32
        %dma_wait3A_1296 = arith.constant 1536 : i32
        %dma_wait3A_1297 = tpu.memref_slice %arg6[%dma_wait3A_1295, %dma_wait3A_1296] : memref<8x2048xf32, #tpu.memory_space<vmem>> -> memref<8x512xf32, #tpu.memory_space<vmem>>
        %dma_wait3A_1298 = arith.constant 1536 : i32
        %dma_wait3A_1299 = tpu.memref_slice %arg2[%multiple_of3A, %dma_wait3A_1298] : memref<2048x2048xf32, #tpu.memory_space<hbm>> -> memref<8x512xf32, #tpu.memory_space<hbm>>
        %dma_wait3A_1300 = arith.constant 0 : i32
        %dma_wait3A_1301 = arith.constant 1536 : i32
        %dma_wait3A_1302 = tpu.memref_slice %arg6[%dma_wait3A_1300, %dma_wait3A_1301] : memref<8x2048xf32, #tpu.memory_space<vmem>> -> memref<8x512xf32, #tpu.memory_space<vmem>>
        %dma_wait3A_1303 = arith.constant 1536 : i32
        %dma_wait3A_1304 = tpu.memref_slice %arg2[%multiple_of3A, %dma_wait3A_1303] : memref<2048x2048xf32, #tpu.memory_space<hbm>> -> memref<8x512xf32, #tpu.memory_space<hbm>>
        tpu.wait_dma2 semaphore(%arg15 : memref<!tpu.dma_semaphore, #tpu.memory_space<semaphore_mem>>) src(%dma_wait3A_1304 : memref<8x512xf32, #tpu.memory_space<hbm>>) dst(%dma_wait3A_1302 : memref<8x512xf32, #tpu.memory_space<vmem>>)
        %dma_wait3A_1305 = arith.constant 0 : i32
        %dma_wait3A_1306 = arith.constant 0 : i32
        %dma_wait3A_1307 = arith.constant 1024 : i32
        %dma_wait3A_1308 = tpu.memref_slice %arg7[%dma_wait3A_1306, %dma_wait3A_1307] : memref<8x2048xf32, #tpu.memory_space<vmem>> -> memref<8x512xf32, #tpu.memory_space<vmem>>
        %dma_wait3A_1309 = arith.constant 1024 : i32
        %dma_wait3A_1310 = tpu.memref_slice %arg3[%dma_wait3A_1305, %multiple_of3A, %dma_wait3A_1309] : memref<3x2048x2048xf32, #tpu.memory_space<hbm>> -> memref<1x8x512xf32, #tpu.memory_space<hbm>>
        %dma_wait3A_1311 = tpu.memref_squeeze %dma_wait3A_1310 : memref<1x8x512xf32, #tpu.memory_space<hbm>> -> memref<8x512xf32, #tpu.memory_space<hbm>>
        %dma_wait3A_1312 = arith.constant 0 : i32
        %dma_wait3A_1313 = arith.constant 1024 : i32
        %dma_wait3A_1314 = tpu.memref_slice %arg7[%dma_wait3A_1312, %dma_wait3A_1313] : memref<8x2048xf32, #tpu.memory_space<vmem>> -> memref<8x512xf32, #tpu.memory_space<vmem>>
        %dma_wait3A_1315 = arith.constant 1024 : i32
        %dma_wait3A_1316 = tpu.memref_slice %arg3[%dma_wait3A_1305, %multiple_of3A, %dma_wait3A_1315] : memref<3x2048x2048xf32, #tpu.memory_space<hbm>> -> memref<1x8x512xf32, #tpu.memory_space<hbm>>
        %dma_wait3A_1317 = tpu.memref_squeeze %dma_wait3A_1316 : memref<1x8x512xf32, #tpu.memory_space<hbm>> -> memref<8x512xf32, #tpu.memory_space<hbm>>
        tpu.wait_dma2 semaphore(%arg15 : memref<!tpu.dma_semaphore, #tpu.memory_space<semaphore_mem>>) src(%dma_wait3A_1317 : memref<8x512xf32, #tpu.memory_space<hbm>>) dst(%dma_wait3A_1314 : memref<8x512xf32, #tpu.memory_space<vmem>>)
        %dma_wait3A_1318 = arith.constant 0 : i32
        %dma_wait3A_1319 = arith.constant 0 : i32
        %dma_wait3A_1320 = arith.constant 1536 : i32
        %dma_wait3A_1321 = tpu.memref_slice %arg7[%dma_wait3A_1319, %dma_wait3A_1320] : memref<8x2048xf32, #tpu.memory_space<vmem>> -> memref<8x512xf32, #tpu.memory_space<vmem>>
        %dma_wait3A_1322 = arith.constant 1536 : i32
        %dma_wait3A_1323 = tpu.memref_slice %arg3[%dma_wait3A_1318, %multiple_of3A, %dma_wait3A_1322] : memref<3x2048x2048xf32, #tpu.memory_space<hbm>> -> memref<1x8x512xf32, #tpu.memory_space<hbm>>
        %dma_wait3A_1324 = tpu.memref_squeeze %dma_wait3A_1323 : memref<1x8x512xf32, #tpu.memory_space<hbm>> -> memref<8x512xf32, #tpu.memory_space<hbm>>
        %dma_wait3A_1325 = arith.constant 0 : i32
        %dma_wait3A_1326 = arith.constant 1536 : i32
        %dma_wait3A_1327 = tpu.memref_slice %arg7[%dma_wait3A_1325, %dma_wait3A_1326] : memref<8x2048xf32, #tpu.memory_space<vmem>> -> memref<8x512xf32, #tpu.memory_space<vmem>>
        %dma_wait3A_1328 = arith.constant 1536 : i32
        %dma_wait3A_1329 = tpu.memref_slice %arg3[%dma_wait3A_1318, %multiple_of3A, %dma_wait3A_1328] : memref<3x2048x2048xf32, #tpu.memory_space<hbm>> -> memref<1x8x512xf32, #tpu.memory_space<hbm>>
        %dma_wait3A_1330 = tpu.memref_squeeze %dma_wait3A_1329 : memref<1x8x512xf32, #tpu.memory_space<hbm>> -> memref<8x512xf32, #tpu.memory_space<hbm>>
        tpu.wait_dma2 semaphore(%arg15 : memref<!tpu.dma_semaphore, #tpu.memory_space<semaphore_mem>>) src(%dma_wait3A_1330 : memref<8x512xf32, #tpu.memory_space<hbm>>) dst(%dma_wait3A_1327 : memref<8x512xf32, #tpu.memory_space<vmem>>)
        %dma_wait3A_1331 = arith.constant 1 : i32
        %dma_wait3A_1332 = arith.constant 0 : i32
        %dma_wait3A_1333 = arith.constant 1024 : i32
        %dma_wait3A_1334 = tpu.memref_slice %arg8[%dma_wait3A_1332, %dma_wait3A_1333] : memref<8x2048xf32, #tpu.memory_space<vmem>> -> memref<8x512xf32, #tpu.memory_space<vmem>>
        %dma_wait3A_1335 = arith.constant 1024 : i32
        %dma_wait3A_1336 = tpu.memref_slice %arg3[%dma_wait3A_1331, %multiple_of3A, %dma_wait3A_1335] : memref<3x2048x2048xf32, #tpu.memory_space<hbm>> -> memref<1x8x512xf32, #tpu.memory_space<hbm>>
        %dma_wait3A_1337 = tpu.memref_squeeze %dma_wait3A_1336 : memref<1x8x512xf32, #tpu.memory_space<hbm>> -> memref<8x512xf32, #tpu.memory_space<hbm>>
        %dma_wait3A_1338 = arith.constant 0 : i32
        %dma_wait3A_1339 = arith.constant 1024 : i32
        %dma_wait3A_1340 = tpu.memref_slice %arg8[%dma_wait3A_1338, %dma_wait3A_1339] : memref<8x2048xf32, #tpu.memory_space<vmem>> -> memref<8x512xf32, #tpu.memory_space<vmem>>
        %dma_wait3A_1341 = arith.constant 1024 : i32
        %dma_wait3A_1342 = tpu.memref_slice %arg3[%dma_wait3A_1331, %multiple_of3A, %dma_wait3A_1341] : memref<3x2048x2048xf32, #tpu.memory_space<hbm>> -> memref<1x8x512xf32, #tpu.memory_space<hbm>>
        %dma_wait3A_1343 = tpu.memref_squeeze %dma_wait3A_1342 : memref<1x8x512xf32, #tpu.memory_space<hbm>> -> memref<8x512xf32, #tpu.memory_space<hbm>>
        tpu.wait_dma2 semaphore(%arg15 : memref<!tpu.dma_semaphore, #tpu.memory_space<semaphore_mem>>) src(%dma_wait3A_1343 : memref<8x512xf32, #tpu.memory_space<hbm>>) dst(%dma_wait3A_1340 : memref<8x512xf32, #tpu.memory_space<vmem>>)
        %dma_wait3A_1344 = arith.constant 1 : i32
        %dma_wait3A_1345 = arith.constant 0 : i32
        %dma_wait3A_1346 = arith.constant 1536 : i32
        %dma_wait3A_1347 = tpu.memref_slice %arg8[%dma_wait3A_1345, %dma_wait3A_1346] : memref<8x2048xf32, #tpu.memory_space<vmem>> -> memref<8x512xf32, #tpu.memory_space<vmem>>
        %dma_wait3A_1348 = arith.constant 1536 : i32
        %dma_wait3A_1349 = tpu.memref_slice %arg3[%dma_wait3A_1344, %multiple_of3A, %dma_wait3A_1348] : memref<3x2048x2048xf32, #tpu.memory_space<hbm>> -> memref<1x8x512xf32, #tpu.memory_space<hbm>>
        %dma_wait3A_1350 = tpu.memref_squeeze %dma_wait3A_1349 : memref<1x8x512xf32, #tpu.memory_space<hbm>> -> memref<8x512xf32, #tpu.memory_space<hbm>>
        %dma_wait3A_1351 = arith.constant 0 : i32
        %dma_wait3A_1352 = arith.constant 1536 : i32
        %dma_wait3A_1353 = tpu.memref_slice %arg8[%dma_wait3A_1351, %dma_wait3A_1352] : memref<8x2048xf32, #tpu.memory_space<vmem>> -> memref<8x512xf32, #tpu.memory_space<vmem>>
        %dma_wait3A_1354 = arith.constant 1536 : i32
        %dma_wait3A_1355 = tpu.memref_slice %arg3[%dma_wait3A_1344, %multiple_of3A, %dma_wait3A_1354] : memref<3x2048x2048xf32, #tpu.memory_space<hbm>> -> memref<1x8x512xf32, #tpu.memory_space<hbm>>
        %dma_wait3A_1356 = tpu.memref_squeeze %dma_wait3A_1355 : memref<1x8x512xf32, #tpu.memory_space<hbm>> -> memref<8x512xf32, #tpu.memory_space<hbm>>
        tpu.wait_dma2 semaphore(%arg15 : memref<!tpu.dma_semaphore, #tpu.memory_space<semaphore_mem>>) src(%dma_wait3A_1356 : memref<8x512xf32, #tpu.memory_space<hbm>>) dst(%dma_wait3A_1353 : memref<8x512xf32, #tpu.memory_space<vmem>>)
        %dma_wait3A_1357 = arith.constant 2 : i32
        %dma_wait3A_1358 = arith.constant 0 : i32
        %dma_wait3A_1359 = arith.constant 1024 : i32
        %dma_wait3A_1360 = tpu.memref_slice %arg9[%dma_wait3A_1358, %dma_wait3A_1359] : memref<8x2048xf32, #tpu.memory_space<vmem>> -> memref<8x512xf32, #tpu.memory_space<vmem>>
        %dma_wait3A_1361 = arith.constant 1024 : i32
        %dma_wait3A_1362 = tpu.memref_slice %arg3[%dma_wait3A_1357, %multiple_of3A, %dma_wait3A_1361] : memref<3x2048x2048xf32, #tpu.memory_space<hbm>> -> memref<1x8x512xf32, #tpu.memory_space<hbm>>
        %dma_wait3A_1363 = tpu.memref_squeeze %dma_wait3A_1362 : memref<1x8x512xf32, #tpu.memory_space<hbm>> -> memref<8x512xf32, #tpu.memory_space<hbm>>
        %dma_wait3A_1364 = arith.constant 0 : i32
        %dma_wait3A_1365 = arith.constant 1024 : i32
        %dma_wait3A_1366 = tpu.memref_slice %arg9[%dma_wait3A_1364, %dma_wait3A_1365] : memref<8x2048xf32, #tpu.memory_space<vmem>> -> memref<8x512xf32, #tpu.memory_space<vmem>>
        %dma_wait3A_1367 = arith.constant 1024 : i32
        %dma_wait3A_1368 = tpu.memref_slice %arg3[%dma_wait3A_1357, %multiple_of3A, %dma_wait3A_1367] : memref<3x2048x2048xf32, #tpu.memory_space<hbm>> -> memref<1x8x512xf32, #tpu.memory_space<hbm>>
        %dma_wait3A_1369 = tpu.memref_squeeze %dma_wait3A_1368 : memref<1x8x512xf32, #tpu.memory_space<hbm>> -> memref<8x512xf32, #tpu.memory_space<hbm>>
        tpu.wait_dma2 semaphore(%arg15 : memref<!tpu.dma_semaphore, #tpu.memory_space<semaphore_mem>>) src(%dma_wait3A_1369 : memref<8x512xf32, #tpu.memory_space<hbm>>) dst(%dma_wait3A_1366 : memref<8x512xf32, #tpu.memory_space<vmem>>)
        %dma_wait3A_1370 = arith.constant 2 : i32
        %dma_wait3A_1371 = arith.constant 0 : i32
        %dma_wait3A_1372 = arith.constant 1536 : i32
        %dma_wait3A_1373 = tpu.memref_slice %arg9[%dma_wait3A_1371, %dma_wait3A_1372] : memref<8x2048xf32, #tpu.memory_space<vmem>> -> memref<8x512xf32, #tpu.memory_space<vmem>>
        %dma_wait3A_1374 = arith.constant 1536 : i32
        %dma_wait3A_1375 = tpu.memref_slice %arg3[%dma_wait3A_1370, %multiple_of3A, %dma_wait3A_1374] : memref<3x2048x2048xf32, #tpu.memory_space<hbm>> -> memref<1x8x512xf32, #tpu.memory_space<hbm>>
        %dma_wait3A_1376 = tpu.memref_squeeze %dma_wait3A_1375 : memref<1x8x512xf32, #tpu.memory_space<hbm>> -> memref<8x512xf32, #tpu.memory_space<hbm>>
        %dma_wait3A_1377 = arith.constant 0 : i32
        %dma_wait3A_1378 = arith.constant 1536 : i32
        %dma_wait3A_1379 = tpu.memref_slice %arg9[%dma_wait3A_1377, %dma_wait3A_1378] : memref<8x2048xf32, #tpu.memory_space<vmem>> -> memref<8x512xf32, #tpu.memory_space<vmem>>
        %dma_wait3A_1380 = arith.constant 1536 : i32
        %dma_wait3A_1381 = tpu.memref_slice %arg3[%dma_wait3A_1370, %multiple_of3A, %dma_wait3A_1380] : memref<3x2048x2048xf32, #tpu.memory_space<hbm>> -> memref<1x8x512xf32, #tpu.memory_space<hbm>>
        %dma_wait3A_1382 = tpu.memref_squeeze %dma_wait3A_1381 : memref<1x8x512xf32, #tpu.memory_space<hbm>> -> memref<8x512xf32, #tpu.memory_space<hbm>>
        tpu.wait_dma2 semaphore(%arg15 : memref<!tpu.dma_semaphore, #tpu.memory_space<semaphore_mem>>) src(%dma_wait3A_1382 : memref<8x512xf32, #tpu.memory_space<hbm>>) dst(%dma_wait3A_1379 : memref<8x512xf32, #tpu.memory_space<vmem>>)
        %dma_wait3A_1383 = arith.constant 24 : i32
        %dma_wait3A_1384 = tpu.memref_slice %arg10[%dma_wait3A_1383] : memref<16416xf32, #tpu.memory_space<vmem>> -> memref<8192xf32, #tpu.memory_space<vmem>>
        %dma_wait3A_1385 = tpu.memref_slice %arg4[%multiple_of3A_1182] : memref<2096128xf32, #tpu.memory_space<hbm>> -> memref<8192xf32, #tpu.memory_space<hbm>>
        %dma_wait3A_1386 = arith.constant 24 : i32
        %dma_wait3A_1387 = tpu.memref_slice %arg10[%dma_wait3A_1386] : memref<16416xf32, #tpu.memory_space<vmem>> -> memref<8192xf32, #tpu.memory_space<vmem>>
        %dma_wait3A_1388 = tpu.memref_slice %arg4[%multiple_of3A_1182] : memref<2096128xf32, #tpu.memory_space<hbm>> -> memref<8192xf32, #tpu.memory_space<hbm>>
        tpu.wait_dma2 semaphore(%arg15 : memref<!tpu.dma_semaphore, #tpu.memory_space<semaphore_mem>>) src(%dma_wait3A_1388 : memref<8192xf32, #tpu.memory_space<hbm>>) dst(%dma_wait3A_1387 : memref<8192xf32, #tpu.memory_space<vmem>>)
      } else {
      }
      %eq3A_62 = arith.constant 3 : i32
      %eq3A_63 = arith.cmpi eq, %shift_right_arithmetic3A_52, %eq3A_62 : i32
      %convert_element_type3A_64 = arith.extui %eq3A_63 : i1 to i32
      %cond3A_65 = arith.constant 0 : i32
      %cond3A_66 = arith.cmpi ne, %convert_element_type3A_64, %cond3A_65 : i32
      scf.if %cond3A_66 {
        %and3A_1178 = arith.constant -8 : i32
        %and3A_1179 = arith.andi %shift_right_arithmetic3A_45, %and3A_1178 : i32
        %min3A_1180 = arith.constant 2083840 : i32
        %min3A_1181 = arith.minsi %and3A_1179, %min3A_1180 : i32
        %multiple_of3A_1182 = tpu.assume_multiple %min3A_1181, 8 : i32
        %dma_start3A = arith.constant 0 : i32
        %dma_start3A_1183 = arith.constant 512 : i32
        %dma_start3A_1184 = tpu.memref_slice %arg6[%dma_start3A, %dma_start3A_1183] : memref<8x2048xf32, #tpu.memory_space<vmem>> -> memref<8x768xf32, #tpu.memory_space<vmem>>
        %dma_start3A_1185 = arith.constant 512 : i32
        %dma_start3A_1186 = tpu.memref_slice %arg2[%multiple_of3A, %dma_start3A_1185] : memref<2048x2048xf32, #tpu.memory_space<hbm>> -> memref<8x768xf32, #tpu.memory_space<hbm>>
        %dma_start3A_1187 = arith.constant 0 : i32
        %dma_start3A_1188 = arith.constant 512 : i32
        %dma_start3A_1189 = tpu.memref_slice %arg6[%dma_start3A_1187, %dma_start3A_1188] : memref<8x2048xf32, #tpu.memory_space<vmem>> -> memref<8x768xf32, #tpu.memory_space<vmem>>
        %dma_start3A_1190 = arith.constant 512 : i32
        %dma_start3A_1191 = tpu.memref_slice %arg2[%multiple_of3A, %dma_start3A_1190] : memref<2048x2048xf32, #tpu.memory_space<hbm>> -> memref<8x768xf32, #tpu.memory_space<hbm>>
        tpu.enqueue_dma source(%dma_start3A_1191 : memref<8x768xf32, #tpu.memory_space<hbm>>) target(%dma_start3A_1189 : memref<8x768xf32, #tpu.memory_space<vmem>>) target_semaphore(%arg15 : memref<!tpu.dma_semaphore, #tpu.memory_space<semaphore_mem>>)
        %dma_start3A_1192 = arith.constant 0 : i32
        %dma_start3A_1193 = arith.constant 1280 : i32
        %dma_start3A_1194 = tpu.memref_slice %arg6[%dma_start3A_1192, %dma_start3A_1193] : memref<8x2048xf32, #tpu.memory_space<vmem>> -> memref<8x768xf32, #tpu.memory_space<vmem>>
        %dma_start3A_1195 = arith.constant 1280 : i32
        %dma_start3A_1196 = tpu.memref_slice %arg2[%multiple_of3A, %dma_start3A_1195] : memref<2048x2048xf32, #tpu.memory_space<hbm>> -> memref<8x768xf32, #tpu.memory_space<hbm>>
        %dma_start3A_1197 = arith.constant 0 : i32
        %dma_start3A_1198 = arith.constant 1280 : i32
        %dma_start3A_1199 = tpu.memref_slice %arg6[%dma_start3A_1197, %dma_start3A_1198] : memref<8x2048xf32, #tpu.memory_space<vmem>> -> memref<8x768xf32, #tpu.memory_space<vmem>>
        %dma_start3A_1200 = arith.constant 1280 : i32
        %dma_start3A_1201 = tpu.memref_slice %arg2[%multiple_of3A, %dma_start3A_1200] : memref<2048x2048xf32, #tpu.memory_space<hbm>> -> memref<8x768xf32, #tpu.memory_space<hbm>>
        tpu.enqueue_dma source(%dma_start3A_1201 : memref<8x768xf32, #tpu.memory_space<hbm>>) target(%dma_start3A_1199 : memref<8x768xf32, #tpu.memory_space<vmem>>) target_semaphore(%arg15 : memref<!tpu.dma_semaphore, #tpu.memory_space<semaphore_mem>>)
        %dma_start3A_1202 = arith.constant 0 : i32
        %dma_start3A_1203 = arith.constant 0 : i32
        %dma_start3A_1204 = arith.constant 512 : i32
        %dma_start3A_1205 = tpu.memref_slice %arg7[%dma_start3A_1203, %dma_start3A_1204] : memref<8x2048xf32, #tpu.memory_space<vmem>> -> memref<8x768xf32, #tpu.memory_space<vmem>>
        %dma_start3A_1206 = arith.constant 512 : i32
        %dma_start3A_1207 = tpu.memref_slice %arg3[%dma_start3A_1202, %multiple_of3A, %dma_start3A_1206] : memref<3x2048x2048xf32, #tpu.memory_space<hbm>> -> memref<1x8x768xf32, #tpu.memory_space<hbm>>
        %dma_start3A_1208 = tpu.memref_squeeze %dma_start3A_1207 : memref<1x8x768xf32, #tpu.memory_space<hbm>> -> memref<8x768xf32, #tpu.memory_space<hbm>>
        %dma_start3A_1209 = arith.constant 0 : i32
        %dma_start3A_1210 = arith.constant 512 : i32
        %dma_start3A_1211 = tpu.memref_slice %arg7[%dma_start3A_1209, %dma_start3A_1210] : memref<8x2048xf32, #tpu.memory_space<vmem>> -> memref<8x768xf32, #tpu.memory_space<vmem>>
        %dma_start3A_1212 = arith.constant 512 : i32
        %dma_start3A_1213 = tpu.memref_slice %arg3[%dma_start3A_1202, %multiple_of3A, %dma_start3A_1212] : memref<3x2048x2048xf32, #tpu.memory_space<hbm>> -> memref<1x8x768xf32, #tpu.memory_space<hbm>>
        %dma_start3A_1214 = tpu.memref_squeeze %dma_start3A_1213 : memref<1x8x768xf32, #tpu.memory_space<hbm>> -> memref<8x768xf32, #tpu.memory_space<hbm>>
        tpu.enqueue_dma source(%dma_start3A_1214 : memref<8x768xf32, #tpu.memory_space<hbm>>) target(%dma_start3A_1211 : memref<8x768xf32, #tpu.memory_space<vmem>>) target_semaphore(%arg15 : memref<!tpu.dma_semaphore, #tpu.memory_space<semaphore_mem>>)
        %dma_start3A_1215 = arith.constant 0 : i32
        %dma_start3A_1216 = arith.constant 0 : i32
        %dma_start3A_1217 = arith.constant 1280 : i32
        %dma_start3A_1218 = tpu.memref_slice %arg7[%dma_start3A_1216, %dma_start3A_1217] : memref<8x2048xf32, #tpu.memory_space<vmem>> -> memref<8x768xf32, #tpu.memory_space<vmem>>
        %dma_start3A_1219 = arith.constant 1280 : i32
        %dma_start3A_1220 = tpu.memref_slice %arg3[%dma_start3A_1215, %multiple_of3A, %dma_start3A_1219] : memref<3x2048x2048xf32, #tpu.memory_space<hbm>> -> memref<1x8x768xf32, #tpu.memory_space<hbm>>
        %dma_start3A_1221 = tpu.memref_squeeze %dma_start3A_1220 : memref<1x8x768xf32, #tpu.memory_space<hbm>> -> memref<8x768xf32, #tpu.memory_space<hbm>>
        %dma_start3A_1222 = arith.constant 0 : i32
        %dma_start3A_1223 = arith.constant 1280 : i32
        %dma_start3A_1224 = tpu.memref_slice %arg7[%dma_start3A_1222, %dma_start3A_1223] : memref<8x2048xf32, #tpu.memory_space<vmem>> -> memref<8x768xf32, #tpu.memory_space<vmem>>
        %dma_start3A_1225 = arith.constant 1280 : i32
        %dma_start3A_1226 = tpu.memref_slice %arg3[%dma_start3A_1215, %multiple_of3A, %dma_start3A_1225] : memref<3x2048x2048xf32, #tpu.memory_space<hbm>> -> memref<1x8x768xf32, #tpu.memory_space<hbm>>
        %dma_start3A_1227 = tpu.memref_squeeze %dma_start3A_1226 : memref<1x8x768xf32, #tpu.memory_space<hbm>> -> memref<8x768xf32, #tpu.memory_space<hbm>>
        tpu.enqueue_dma source(%dma_start3A_1227 : memref<8x768xf32, #tpu.memory_space<hbm>>) target(%dma_start3A_1224 : memref<8x768xf32, #tpu.memory_space<vmem>>) target_semaphore(%arg15 : memref<!tpu.dma_semaphore, #tpu.memory_space<semaphore_mem>>)
        %dma_start3A_1228 = arith.constant 1 : i32
        %dma_start3A_1229 = arith.constant 0 : i32
        %dma_start3A_1230 = arith.constant 512 : i32
        %dma_start3A_1231 = tpu.memref_slice %arg8[%dma_start3A_1229, %dma_start3A_1230] : memref<8x2048xf32, #tpu.memory_space<vmem>> -> memref<8x768xf32, #tpu.memory_space<vmem>>
        %dma_start3A_1232 = arith.constant 512 : i32
        %dma_start3A_1233 = tpu.memref_slice %arg3[%dma_start3A_1228, %multiple_of3A, %dma_start3A_1232] : memref<3x2048x2048xf32, #tpu.memory_space<hbm>> -> memref<1x8x768xf32, #tpu.memory_space<hbm>>
        %dma_start3A_1234 = tpu.memref_squeeze %dma_start3A_1233 : memref<1x8x768xf32, #tpu.memory_space<hbm>> -> memref<8x768xf32, #tpu.memory_space<hbm>>
        %dma_start3A_1235 = arith.constant 0 : i32
        %dma_start3A_1236 = arith.constant 512 : i32
        %dma_start3A_1237 = tpu.memref_slice %arg8[%dma_start3A_1235, %dma_start3A_1236] : memref<8x2048xf32, #tpu.memory_space<vmem>> -> memref<8x768xf32, #tpu.memory_space<vmem>>
        %dma_start3A_1238 = arith.constant 512 : i32
        %dma_start3A_1239 = tpu.memref_slice %arg3[%dma_start3A_1228, %multiple_of3A, %dma_start3A_1238] : memref<3x2048x2048xf32, #tpu.memory_space<hbm>> -> memref<1x8x768xf32, #tpu.memory_space<hbm>>
        %dma_start3A_1240 = tpu.memref_squeeze %dma_start3A_1239 : memref<1x8x768xf32, #tpu.memory_space<hbm>> -> memref<8x768xf32, #tpu.memory_space<hbm>>
        tpu.enqueue_dma source(%dma_start3A_1240 : memref<8x768xf32, #tpu.memory_space<hbm>>) target(%dma_start3A_1237 : memref<8x768xf32, #tpu.memory_space<vmem>>) target_semaphore(%arg15 : memref<!tpu.dma_semaphore, #tpu.memory_space<semaphore_mem>>)
        %dma_start3A_1241 = arith.constant 1 : i32
        %dma_start3A_1242 = arith.constant 0 : i32
        %dma_start3A_1243 = arith.constant 1280 : i32
        %dma_start3A_1244 = tpu.memref_slice %arg8[%dma_start3A_1242, %dma_start3A_1243] : memref<8x2048xf32, #tpu.memory_space<vmem>> -> memref<8x768xf32, #tpu.memory_space<vmem>>
        %dma_start3A_1245 = arith.constant 1280 : i32
        %dma_start3A_1246 = tpu.memref_slice %arg3[%dma_start3A_1241, %multiple_of3A, %dma_start3A_1245] : memref<3x2048x2048xf32, #tpu.memory_space<hbm>> -> memref<1x8x768xf32, #tpu.memory_space<hbm>>
        %dma_start3A_1247 = tpu.memref_squeeze %dma_start3A_1246 : memref<1x8x768xf32, #tpu.memory_space<hbm>> -> memref<8x768xf32, #tpu.memory_space<hbm>>
        %dma_start3A_1248 = arith.constant 0 : i32
        %dma_start3A_1249 = arith.constant 1280 : i32
        %dma_start3A_1250 = tpu.memref_slice %arg8[%dma_start3A_1248, %dma_start3A_1249] : memref<8x2048xf32, #tpu.memory_space<vmem>> -> memref<8x768xf32, #tpu.memory_space<vmem>>
        %dma_start3A_1251 = arith.constant 1280 : i32
        %dma_start3A_1252 = tpu.memref_slice %arg3[%dma_start3A_1241, %multiple_of3A, %dma_start3A_1251] : memref<3x2048x2048xf32, #tpu.memory_space<hbm>> -> memref<1x8x768xf32, #tpu.memory_space<hbm>>
        %dma_start3A_1253 = tpu.memref_squeeze %dma_start3A_1252 : memref<1x8x768xf32, #tpu.memory_space<hbm>> -> memref<8x768xf32, #tpu.memory_space<hbm>>
        tpu.enqueue_dma source(%dma_start3A_1253 : memref<8x768xf32, #tpu.memory_space<hbm>>) target(%dma_start3A_1250 : memref<8x768xf32, #tpu.memory_space<vmem>>) target_semaphore(%arg15 : memref<!tpu.dma_semaphore, #tpu.memory_space<semaphore_mem>>)
        %dma_start3A_1254 = arith.constant 2 : i32
        %dma_start3A_1255 = arith.constant 0 : i32
        %dma_start3A_1256 = arith.constant 512 : i32
        %dma_start3A_1257 = tpu.memref_slice %arg9[%dma_start3A_1255, %dma_start3A_1256] : memref<8x2048xf32, #tpu.memory_space<vmem>> -> memref<8x768xf32, #tpu.memory_space<vmem>>
        %dma_start3A_1258 = arith.constant 512 : i32
        %dma_start3A_1259 = tpu.memref_slice %arg3[%dma_start3A_1254, %multiple_of3A, %dma_start3A_1258] : memref<3x2048x2048xf32, #tpu.memory_space<hbm>> -> memref<1x8x768xf32, #tpu.memory_space<hbm>>
        %dma_start3A_1260 = tpu.memref_squeeze %dma_start3A_1259 : memref<1x8x768xf32, #tpu.memory_space<hbm>> -> memref<8x768xf32, #tpu.memory_space<hbm>>
        %dma_start3A_1261 = arith.constant 0 : i32
        %dma_start3A_1262 = arith.constant 512 : i32
        %dma_start3A_1263 = tpu.memref_slice %arg9[%dma_start3A_1261, %dma_start3A_1262] : memref<8x2048xf32, #tpu.memory_space<vmem>> -> memref<8x768xf32, #tpu.memory_space<vmem>>
        %dma_start3A_1264 = arith.constant 512 : i32
        %dma_start3A_1265 = tpu.memref_slice %arg3[%dma_start3A_1254, %multiple_of3A, %dma_start3A_1264] : memref<3x2048x2048xf32, #tpu.memory_space<hbm>> -> memref<1x8x768xf32, #tpu.memory_space<hbm>>
        %dma_start3A_1266 = tpu.memref_squeeze %dma_start3A_1265 : memref<1x8x768xf32, #tpu.memory_space<hbm>> -> memref<8x768xf32, #tpu.memory_space<hbm>>
        tpu.enqueue_dma source(%dma_start3A_1266 : memref<8x768xf32, #tpu.memory_space<hbm>>) target(%dma_start3A_1263 : memref<8x768xf32, #tpu.memory_space<vmem>>) target_semaphore(%arg15 : memref<!tpu.dma_semaphore, #tpu.memory_space<semaphore_mem>>)
        %dma_start3A_1267 = arith.constant 2 : i32
        %dma_start3A_1268 = arith.constant 0 : i32
        %dma_start3A_1269 = arith.constant 1280 : i32
        %dma_start3A_1270 = tpu.memref_slice %arg9[%dma_start3A_1268, %dma_start3A_1269] : memref<8x2048xf32, #tpu.memory_space<vmem>> -> memref<8x768xf32, #tpu.memory_space<vmem>>
        %dma_start3A_1271 = arith.constant 1280 : i32
        %dma_start3A_1272 = tpu.memref_slice %arg3[%dma_start3A_1267, %multiple_of3A, %dma_start3A_1271] : memref<3x2048x2048xf32, #tpu.memory_space<hbm>> -> memref<1x8x768xf32, #tpu.memory_space<hbm>>
        %dma_start3A_1273 = tpu.memref_squeeze %dma_start3A_1272 : memref<1x8x768xf32, #tpu.memory_space<hbm>> -> memref<8x768xf32, #tpu.memory_space<hbm>>
        %dma_start3A_1274 = arith.constant 0 : i32
        %dma_start3A_1275 = arith.constant 1280 : i32
        %dma_start3A_1276 = tpu.memref_slice %arg9[%dma_start3A_1274, %dma_start3A_1275] : memref<8x2048xf32, #tpu.memory_space<vmem>> -> memref<8x768xf32, #tpu.memory_space<vmem>>
        %dma_start3A_1277 = arith.constant 1280 : i32
        %dma_start3A_1278 = tpu.memref_slice %arg3[%dma_start3A_1267, %multiple_of3A, %dma_start3A_1277] : memref<3x2048x2048xf32, #tpu.memory_space<hbm>> -> memref<1x8x768xf32, #tpu.memory_space<hbm>>
        %dma_start3A_1279 = tpu.memref_squeeze %dma_start3A_1278 : memref<1x8x768xf32, #tpu.memory_space<hbm>> -> memref<8x768xf32, #tpu.memory_space<hbm>>
        tpu.enqueue_dma source(%dma_start3A_1279 : memref<8x768xf32, #tpu.memory_space<hbm>>) target(%dma_start3A_1276 : memref<8x768xf32, #tpu.memory_space<vmem>>) target_semaphore(%arg15 : memref<!tpu.dma_semaphore, #tpu.memory_space<semaphore_mem>>)
        %dma_start3A_1280 = arith.constant 24 : i32
        %dma_start3A_1281 = tpu.memref_slice %arg10[%dma_start3A_1280] : memref<16416xf32, #tpu.memory_space<vmem>> -> memref<12288xf32, #tpu.memory_space<vmem>>
        %dma_start3A_1282 = tpu.memref_slice %arg4[%multiple_of3A_1182] : memref<2096128xf32, #tpu.memory_space<hbm>> -> memref<12288xf32, #tpu.memory_space<hbm>>
        %dma_start3A_1283 = arith.constant 24 : i32
        %dma_start3A_1284 = tpu.memref_slice %arg10[%dma_start3A_1283] : memref<16416xf32, #tpu.memory_space<vmem>> -> memref<12288xf32, #tpu.memory_space<vmem>>
        %dma_start3A_1285 = tpu.memref_slice %arg4[%multiple_of3A_1182] : memref<2096128xf32, #tpu.memory_space<hbm>> -> memref<12288xf32, #tpu.memory_space<hbm>>
        tpu.enqueue_dma source(%dma_start3A_1285 : memref<12288xf32, #tpu.memory_space<hbm>>) target(%dma_start3A_1284 : memref<12288xf32, #tpu.memory_space<vmem>>) target_semaphore(%arg15 : memref<!tpu.dma_semaphore, #tpu.memory_space<semaphore_mem>>)
        %dma_wait3A = arith.constant 0 : i32
        %dma_wait3A_1286 = arith.constant 512 : i32
        %dma_wait3A_1287 = tpu.memref_slice %arg6[%dma_wait3A, %dma_wait3A_1286] : memref<8x2048xf32, #tpu.memory_space<vmem>> -> memref<8x768xf32, #tpu.memory_space<vmem>>
        %dma_wait3A_1288 = arith.constant 512 : i32
        %dma_wait3A_1289 = tpu.memref_slice %arg2[%multiple_of3A, %dma_wait3A_1288] : memref<2048x2048xf32, #tpu.memory_space<hbm>> -> memref<8x768xf32, #tpu.memory_space<hbm>>
        %dma_wait3A_1290 = arith.constant 0 : i32
        %dma_wait3A_1291 = arith.constant 512 : i32
        %dma_wait3A_1292 = tpu.memref_slice %arg6[%dma_wait3A_1290, %dma_wait3A_1291] : memref<8x2048xf32, #tpu.memory_space<vmem>> -> memref<8x768xf32, #tpu.memory_space<vmem>>
        %dma_wait3A_1293 = arith.constant 512 : i32
        %dma_wait3A_1294 = tpu.memref_slice %arg2[%multiple_of3A, %dma_wait3A_1293] : memref<2048x2048xf32, #tpu.memory_space<hbm>> -> memref<8x768xf32, #tpu.memory_space<hbm>>
        tpu.wait_dma2 semaphore(%arg15 : memref<!tpu.dma_semaphore, #tpu.memory_space<semaphore_mem>>) src(%dma_wait3A_1294 : memref<8x768xf32, #tpu.memory_space<hbm>>) dst(%dma_wait3A_1292 : memref<8x768xf32, #tpu.memory_space<vmem>>)
        %dma_wait3A_1295 = arith.constant 0 : i32
        %dma_wait3A_1296 = arith.constant 1280 : i32
        %dma_wait3A_1297 = tpu.memref_slice %arg6[%dma_wait3A_1295, %dma_wait3A_1296] : memref<8x2048xf32, #tpu.memory_space<vmem>> -> memref<8x768xf32, #tpu.memory_space<vmem>>
        %dma_wait3A_1298 = arith.constant 1280 : i32
        %dma_wait3A_1299 = tpu.memref_slice %arg2[%multiple_of3A, %dma_wait3A_1298] : memref<2048x2048xf32, #tpu.memory_space<hbm>> -> memref<8x768xf32, #tpu.memory_space<hbm>>
        %dma_wait3A_1300 = arith.constant 0 : i32
        %dma_wait3A_1301 = arith.constant 1280 : i32
        %dma_wait3A_1302 = tpu.memref_slice %arg6[%dma_wait3A_1300, %dma_wait3A_1301] : memref<8x2048xf32, #tpu.memory_space<vmem>> -> memref<8x768xf32, #tpu.memory_space<vmem>>
        %dma_wait3A_1303 = arith.constant 1280 : i32
        %dma_wait3A_1304 = tpu.memref_slice %arg2[%multiple_of3A, %dma_wait3A_1303] : memref<2048x2048xf32, #tpu.memory_space<hbm>> -> memref<8x768xf32, #tpu.memory_space<hbm>>
        tpu.wait_dma2 semaphore(%arg15 : memref<!tpu.dma_semaphore, #tpu.memory_space<semaphore_mem>>) src(%dma_wait3A_1304 : memref<8x768xf32, #tpu.memory_space<hbm>>) dst(%dma_wait3A_1302 : memref<8x768xf32, #tpu.memory_space<vmem>>)
        %dma_wait3A_1305 = arith.constant 0 : i32
        %dma_wait3A_1306 = arith.constant 0 : i32
        %dma_wait3A_1307 = arith.constant 512 : i32
        %dma_wait3A_1308 = tpu.memref_slice %arg7[%dma_wait3A_1306, %dma_wait3A_1307] : memref<8x2048xf32, #tpu.memory_space<vmem>> -> memref<8x768xf32, #tpu.memory_space<vmem>>
        %dma_wait3A_1309 = arith.constant 512 : i32
        %dma_wait3A_1310 = tpu.memref_slice %arg3[%dma_wait3A_1305, %multiple_of3A, %dma_wait3A_1309] : memref<3x2048x2048xf32, #tpu.memory_space<hbm>> -> memref<1x8x768xf32, #tpu.memory_space<hbm>>
        %dma_wait3A_1311 = tpu.memref_squeeze %dma_wait3A_1310 : memref<1x8x768xf32, #tpu.memory_space<hbm>> -> memref<8x768xf32, #tpu.memory_space<hbm>>
        %dma_wait3A_1312 = arith.constant 0 : i32
        %dma_wait3A_1313 = arith.constant 512 : i32
        %dma_wait3A_1314 = tpu.memref_slice %arg7[%dma_wait3A_1312, %dma_wait3A_1313] : memref<8x2048xf32, #tpu.memory_space<vmem>> -> memref<8x768xf32, #tpu.memory_space<vmem>>
        %dma_wait3A_1315 = arith.constant 512 : i32
        %dma_wait3A_1316 = tpu.memref_slice %arg3[%dma_wait3A_1305, %multiple_of3A, %dma_wait3A_1315] : memref<3x2048x2048xf32, #tpu.memory_space<hbm>> -> memref<1x8x768xf32, #tpu.memory_space<hbm>>
        %dma_wait3A_1317 = tpu.memref_squeeze %dma_wait3A_1316 : memref<1x8x768xf32, #tpu.memory_space<hbm>> -> memref<8x768xf32, #tpu.memory_space<hbm>>
        tpu.wait_dma2 semaphore(%arg15 : memref<!tpu.dma_semaphore, #tpu.memory_space<semaphore_mem>>) src(%dma_wait3A_1317 : memref<8x768xf32, #tpu.memory_space<hbm>>) dst(%dma_wait3A_1314 : memref<8x768xf32, #tpu.memory_space<vmem>>)
        %dma_wait3A_1318 = arith.constant 0 : i32
        %dma_wait3A_1319 = arith.constant 0 : i32
        %dma_wait3A_1320 = arith.constant 1280 : i32
        %dma_wait3A_1321 = tpu.memref_slice %arg7[%dma_wait3A_1319, %dma_wait3A_1320] : memref<8x2048xf32, #tpu.memory_space<vmem>> -> memref<8x768xf32, #tpu.memory_space<vmem>>
        %dma_wait3A_1322 = arith.constant 1280 : i32
        %dma_wait3A_1323 = tpu.memref_slice %arg3[%dma_wait3A_1318, %multiple_of3A, %dma_wait3A_1322] : memref<3x2048x2048xf32, #tpu.memory_space<hbm>> -> memref<1x8x768xf32, #tpu.memory_space<hbm>>
        %dma_wait3A_1324 = tpu.memref_squeeze %dma_wait3A_1323 : memref<1x8x768xf32, #tpu.memory_space<hbm>> -> memref<8x768xf32, #tpu.memory_space<hbm>>
        %dma_wait3A_1325 = arith.constant 0 : i32
        %dma_wait3A_1326 = arith.constant 1280 : i32
        %dma_wait3A_1327 = tpu.memref_slice %arg7[%dma_wait3A_1325, %dma_wait3A_1326] : memref<8x2048xf32, #tpu.memory_space<vmem>> -> memref<8x768xf32, #tpu.memory_space<vmem>>
        %dma_wait3A_1328 = arith.constant 1280 : i32
        %dma_wait3A_1329 = tpu.memref_slice %arg3[%dma_wait3A_1318, %multiple_of3A, %dma_wait3A_1328] : memref<3x2048x2048xf32, #tpu.memory_space<hbm>> -> memref<1x8x768xf32, #tpu.memory_space<hbm>>
        %dma_wait3A_1330 = tpu.memref_squeeze %dma_wait3A_1329 : memref<1x8x768xf32, #tpu.memory_space<hbm>> -> memref<8x768xf32, #tpu.memory_space<hbm>>
        tpu.wait_dma2 semaphore(%arg15 : memref<!tpu.dma_semaphore, #tpu.memory_space<semaphore_mem>>) src(%dma_wait3A_1330 : memref<8x768xf32, #tpu.memory_space<hbm>>) dst(%dma_wait3A_1327 : memref<8x768xf32, #tpu.memory_space<vmem>>)
        %dma_wait3A_1331 = arith.constant 1 : i32
        %dma_wait3A_1332 = arith.constant 0 : i32
        %dma_wait3A_1333 = arith.constant 512 : i32
        %dma_wait3A_1334 = tpu.memref_slice %arg8[%dma_wait3A_1332, %dma_wait3A_1333] : memref<8x2048xf32, #tpu.memory_space<vmem>> -> memref<8x768xf32, #tpu.memory_space<vmem>>
        %dma_wait3A_1335 = arith.constant 512 : i32
        %dma_wait3A_1336 = tpu.memref_slice %arg3[%dma_wait3A_1331, %multiple_of3A, %dma_wait3A_1335] : memref<3x2048x2048xf32, #tpu.memory_space<hbm>> -> memref<1x8x768xf32, #tpu.memory_space<hbm>>
        %dma_wait3A_1337 = tpu.memref_squeeze %dma_wait3A_1336 : memref<1x8x768xf32, #tpu.memory_space<hbm>> -> memref<8x768xf32, #tpu.memory_space<hbm>>
        %dma_wait3A_1338 = arith.constant 0 : i32
        %dma_wait3A_1339 = arith.constant 512 : i32
        %dma_wait3A_1340 = tpu.memref_slice %arg8[%dma_wait3A_1338, %dma_wait3A_1339] : memref<8x2048xf32, #tpu.memory_space<vmem>> -> memref<8x768xf32, #tpu.memory_space<vmem>>
        %dma_wait3A_1341 = arith.constant 512 : i32
        %dma_wait3A_1342 = tpu.memref_slice %arg3[%dma_wait3A_1331, %multiple_of3A, %dma_wait3A_1341] : memref<3x2048x2048xf32, #tpu.memory_space<hbm>> -> memref<1x8x768xf32, #tpu.memory_space<hbm>>
        %dma_wait3A_1343 = tpu.memref_squeeze %dma_wait3A_1342 : memref<1x8x768xf32, #tpu.memory_space<hbm>> -> memref<8x768xf32, #tpu.memory_space<hbm>>
        tpu.wait_dma2 semaphore(%arg15 : memref<!tpu.dma_semaphore, #tpu.memory_space<semaphore_mem>>) src(%dma_wait3A_1343 : memref<8x768xf32, #tpu.memory_space<hbm>>) dst(%dma_wait3A_1340 : memref<8x768xf32, #tpu.memory_space<vmem>>)
        %dma_wait3A_1344 = arith.constant 1 : i32
        %dma_wait3A_1345 = arith.constant 0 : i32
        %dma_wait3A_1346 = arith.constant 1280 : i32
        %dma_wait3A_1347 = tpu.memref_slice %arg8[%dma_wait3A_1345, %dma_wait3A_1346] : memref<8x2048xf32, #tpu.memory_space<vmem>> -> memref<8x768xf32, #tpu.memory_space<vmem>>
        %dma_wait3A_1348 = arith.constant 1280 : i32
        %dma_wait3A_1349 = tpu.memref_slice %arg3[%dma_wait3A_1344, %multiple_of3A, %dma_wait3A_1348] : memref<3x2048x2048xf32, #tpu.memory_space<hbm>> -> memref<1x8x768xf32, #tpu.memory_space<hbm>>
        %dma_wait3A_1350 = tpu.memref_squeeze %dma_wait3A_1349 : memref<1x8x768xf32, #tpu.memory_space<hbm>> -> memref<8x768xf32, #tpu.memory_space<hbm>>
        %dma_wait3A_1351 = arith.constant 0 : i32
        %dma_wait3A_1352 = arith.constant 1280 : i32
        %dma_wait3A_1353 = tpu.memref_slice %arg8[%dma_wait3A_1351, %dma_wait3A_1352] : memref<8x2048xf32, #tpu.memory_space<vmem>> -> memref<8x768xf32, #tpu.memory_space<vmem>>
        %dma_wait3A_1354 = arith.constant 1280 : i32
        %dma_wait3A_1355 = tpu.memref_slice %arg3[%dma_wait3A_1344, %multiple_of3A, %dma_wait3A_1354] : memref<3x2048x2048xf32, #tpu.memory_space<hbm>> -> memref<1x8x768xf32, #tpu.memory_space<hbm>>
        %dma_wait3A_1356 = tpu.memref_squeeze %dma_wait3A_1355 : memref<1x8x768xf32, #tpu.memory_space<hbm>> -> memref<8x768xf32, #tpu.memory_space<hbm>>
        tpu.wait_dma2 semaphore(%arg15 : memref<!tpu.dma_semaphore, #tpu.memory_space<semaphore_mem>>) src(%dma_wait3A_1356 : memref<8x768xf32, #tpu.memory_space<hbm>>) dst(%dma_wait3A_1353 : memref<8x768xf32, #tpu.memory_space<vmem>>)
        %dma_wait3A_1357 = arith.constant 2 : i32
        %dma_wait3A_1358 = arith.constant 0 : i32
        %dma_wait3A_1359 = arith.constant 512 : i32
        %dma_wait3A_1360 = tpu.memref_slice %arg9[%dma_wait3A_1358, %dma_wait3A_1359] : memref<8x2048xf32, #tpu.memory_space<vmem>> -> memref<8x768xf32, #tpu.memory_space<vmem>>
        %dma_wait3A_1361 = arith.constant 512 : i32
        %dma_wait3A_1362 = tpu.memref_slice %arg3[%dma_wait3A_1357, %multiple_of3A, %dma_wait3A_1361] : memref<3x2048x2048xf32, #tpu.memory_space<hbm>> -> memref<1x8x768xf32, #tpu.memory_space<hbm>>
        %dma_wait3A_1363 = tpu.memref_squeeze %dma_wait3A_1362 : memref<1x8x768xf32, #tpu.memory_space<hbm>> -> memref<8x768xf32, #tpu.memory_space<hbm>>
        %dma_wait3A_1364 = arith.constant 0 : i32
        %dma_wait3A_1365 = arith.constant 512 : i32
        %dma_wait3A_1366 = tpu.memref_slice %arg9[%dma_wait3A_1364, %dma_wait3A_1365] : memref<8x2048xf32, #tpu.memory_space<vmem>> -> memref<8x768xf32, #tpu.memory_space<vmem>>
        %dma_wait3A_1367 = arith.constant 512 : i32
        %dma_wait3A_1368 = tpu.memref_slice %arg3[%dma_wait3A_1357, %multiple_of3A, %dma_wait3A_1367] : memref<3x2048x2048xf32, #tpu.memory_space<hbm>> -> memref<1x8x768xf32, #tpu.memory_space<hbm>>
        %dma_wait3A_1369 = tpu.memref_squeeze %dma_wait3A_1368 : memref<1x8x768xf32, #tpu.memory_space<hbm>> -> memref<8x768xf32, #tpu.memory_space<hbm>>
        tpu.wait_dma2 semaphore(%arg15 : memref<!tpu.dma_semaphore, #tpu.memory_space<semaphore_mem>>) src(%dma_wait3A_1369 : memref<8x768xf32, #tpu.memory_space<hbm>>) dst(%dma_wait3A_1366 : memref<8x768xf32, #tpu.memory_space<vmem>>)
        %dma_wait3A_1370 = arith.constant 2 : i32
        %dma_wait3A_1371 = arith.constant 0 : i32
        %dma_wait3A_1372 = arith.constant 1280 : i32
        %dma_wait3A_1373 = tpu.memref_slice %arg9[%dma_wait3A_1371, %dma_wait3A_1372] : memref<8x2048xf32, #tpu.memory_space<vmem>> -> memref<8x768xf32, #tpu.memory_space<vmem>>
        %dma_wait3A_1374 = arith.constant 1280 : i32
        %dma_wait3A_1375 = tpu.memref_slice %arg3[%dma_wait3A_1370, %multiple_of3A, %dma_wait3A_1374] : memref<3x2048x2048xf32, #tpu.memory_space<hbm>> -> memref<1x8x768xf32, #tpu.memory_space<hbm>>
        %dma_wait3A_1376 = tpu.memref_squeeze %dma_wait3A_1375 : memref<1x8x768xf32, #tpu.memory_space<hbm>> -> memref<8x768xf32, #tpu.memory_space<hbm>>
        %dma_wait3A_1377 = arith.constant 0 : i32
        %dma_wait3A_1378 = arith.constant 1280 : i32
        %dma_wait3A_1379 = tpu.memref_slice %arg9[%dma_wait3A_1377, %dma_wait3A_1378] : memref<8x2048xf32, #tpu.memory_space<vmem>> -> memref<8x768xf32, #tpu.memory_space<vmem>>
        %dma_wait3A_1380 = arith.constant 1280 : i32
        %dma_wait3A_1381 = tpu.memref_slice %arg3[%dma_wait3A_1370, %multiple_of3A, %dma_wait3A_1380] : memref<3x2048x2048xf32, #tpu.memory_space<hbm>> -> memref<1x8x768xf32, #tpu.memory_space<hbm>>
        %dma_wait3A_1382 = tpu.memref_squeeze %dma_wait3A_1381 : memref<1x8x768xf32, #tpu.memory_space<hbm>> -> memref<8x768xf32, #tpu.memory_space<hbm>>
        tpu.wait_dma2 semaphore(%arg15 : memref<!tpu.dma_semaphore, #tpu.memory_space<semaphore_mem>>) src(%dma_wait3A_1382 : memref<8x768xf32, #tpu.memory_space<hbm>>) dst(%dma_wait3A_1379 : memref<8x768xf32, #tpu.memory_space<vmem>>)
        %dma_wait3A_1383 = arith.constant 24 : i32
        %dma_wait3A_1384 = tpu.memref_slice %arg10[%dma_wait3A_1383] : memref<16416xf32, #tpu.memory_space<vmem>> -> memref<12288xf32, #tpu.memory_space<vmem>>
        %dma_wait3A_1385 = tpu.memref_slice %arg4[%multiple_of3A_1182] : memref<2096128xf32, #tpu.memory_space<hbm>> -> memref<12288xf32, #tpu.memory_space<hbm>>
        %dma_wait3A_1386 = arith.constant 24 : i32
        %dma_wait3A_1387 = tpu.memref_slice %arg10[%dma_wait3A_1386] : memref<16416xf32, #tpu.memory_space<vmem>> -> memref<12288xf32, #tpu.memory_space<vmem>>
        %dma_wait3A_1388 = tpu.memref_slice %arg4[%multiple_of3A_1182] : memref<2096128xf32, #tpu.memory_space<hbm>> -> memref<12288xf32, #tpu.memory_space<hbm>>
        tpu.wait_dma2 semaphore(%arg15 : memref<!tpu.dma_semaphore, #tpu.memory_space<semaphore_mem>>) src(%dma_wait3A_1388 : memref<12288xf32, #tpu.memory_space<hbm>>) dst(%dma_wait3A_1387 : memref<12288xf32, #tpu.memory_space<vmem>>)
      } else {
      }
      %eq3A_67 = arith.constant 4 : i32
      %eq3A_68 = arith.cmpi eq, %shift_right_arithmetic3A_52, %eq3A_67 : i32
      %convert_element_type3A_69 = arith.extui %eq3A_68 : i1 to i32
      %cond3A_70 = arith.constant 0 : i32
      %cond3A_71 = arith.cmpi ne, %convert_element_type3A_69, %cond3A_70 : i32
      scf.if %cond3A_71 {
        %and3A_1178 = arith.constant -8 : i32
        %and3A_1179 = arith.andi %shift_right_arithmetic3A_45, %and3A_1178 : i32
        %min3A_1180 = arith.constant 2079744 : i32
        %min3A_1181 = arith.minsi %and3A_1179, %min3A_1180 : i32
        %multiple_of3A_1182 = tpu.assume_multiple %min3A_1181, 8 : i32
        %dma_start3A = arith.constant 0 : i32
        %dma_start3A_1183 = arith.constant 0 : i32
        %dma_start3A_1184 = tpu.memref_slice %arg6[%dma_start3A, %dma_start3A_1183] : memref<8x2048xf32, #tpu.memory_space<vmem>> -> memref<8x1024xf32, #tpu.memory_space<vmem>>
        %dma_start3A_1185 = arith.constant 0 : i32
        %dma_start3A_1186 = tpu.memref_slice %arg2[%multiple_of3A, %dma_start3A_1185] : memref<2048x2048xf32, #tpu.memory_space<hbm>> -> memref<8x1024xf32, #tpu.memory_space<hbm>>
        %dma_start3A_1187 = arith.constant 0 : i32
        %dma_start3A_1188 = arith.constant 0 : i32
        %dma_start3A_1189 = tpu.memref_slice %arg6[%dma_start3A_1187, %dma_start3A_1188] : memref<8x2048xf32, #tpu.memory_space<vmem>> -> memref<8x1024xf32, #tpu.memory_space<vmem>>
        %dma_start3A_1190 = arith.constant 0 : i32
        %dma_start3A_1191 = tpu.memref_slice %arg2[%multiple_of3A, %dma_start3A_1190] : memref<2048x2048xf32, #tpu.memory_space<hbm>> -> memref<8x1024xf32, #tpu.memory_space<hbm>>
        tpu.enqueue_dma source(%dma_start3A_1191 : memref<8x1024xf32, #tpu.memory_space<hbm>>) target(%dma_start3A_1189 : memref<8x1024xf32, #tpu.memory_space<vmem>>) target_semaphore(%arg15 : memref<!tpu.dma_semaphore, #tpu.memory_space<semaphore_mem>>)
        %dma_start3A_1192 = arith.constant 0 : i32
        %dma_start3A_1193 = arith.constant 1024 : i32
        %dma_start3A_1194 = tpu.memref_slice %arg6[%dma_start3A_1192, %dma_start3A_1193] : memref<8x2048xf32, #tpu.memory_space<vmem>> -> memref<8x1024xf32, #tpu.memory_space<vmem>>
        %dma_start3A_1195 = arith.constant 1024 : i32
        %dma_start3A_1196 = tpu.memref_slice %arg2[%multiple_of3A, %dma_start3A_1195] : memref<2048x2048xf32, #tpu.memory_space<hbm>> -> memref<8x1024xf32, #tpu.memory_space<hbm>>
        %dma_start3A_1197 = arith.constant 0 : i32
        %dma_start3A_1198 = arith.constant 1024 : i32
        %dma_start3A_1199 = tpu.memref_slice %arg6[%dma_start3A_1197, %dma_start3A_1198] : memref<8x2048xf32, #tpu.memory_space<vmem>> -> memref<8x1024xf32, #tpu.memory_space<vmem>>
        %dma_start3A_1200 = arith.constant 1024 : i32
        %dma_start3A_1201 = tpu.memref_slice %arg2[%multiple_of3A, %dma_start3A_1200] : memref<2048x2048xf32, #tpu.memory_space<hbm>> -> memref<8x1024xf32, #tpu.memory_space<hbm>>
        tpu.enqueue_dma source(%dma_start3A_1201 : memref<8x1024xf32, #tpu.memory_space<hbm>>) target(%dma_start3A_1199 : memref<8x1024xf32, #tpu.memory_space<vmem>>) target_semaphore(%arg15 : memref<!tpu.dma_semaphore, #tpu.memory_space<semaphore_mem>>)
        %dma_start3A_1202 = arith.constant 0 : i32
        %dma_start3A_1203 = arith.constant 0 : i32
        %dma_start3A_1204 = arith.constant 0 : i32
        %dma_start3A_1205 = tpu.memref_slice %arg7[%dma_start3A_1203, %dma_start3A_1204] : memref<8x2048xf32, #tpu.memory_space<vmem>> -> memref<8x1024xf32, #tpu.memory_space<vmem>>
        %dma_start3A_1206 = arith.constant 0 : i32
        %dma_start3A_1207 = tpu.memref_slice %arg3[%dma_start3A_1202, %multiple_of3A, %dma_start3A_1206] : memref<3x2048x2048xf32, #tpu.memory_space<hbm>> -> memref<1x8x1024xf32, #tpu.memory_space<hbm>>
        %dma_start3A_1208 = tpu.memref_squeeze %dma_start3A_1207 : memref<1x8x1024xf32, #tpu.memory_space<hbm>> -> memref<8x1024xf32, #tpu.memory_space<hbm>>
        %dma_start3A_1209 = arith.constant 0 : i32
        %dma_start3A_1210 = arith.constant 0 : i32
        %dma_start3A_1211 = tpu.memref_slice %arg7[%dma_start3A_1209, %dma_start3A_1210] : memref<8x2048xf32, #tpu.memory_space<vmem>> -> memref<8x1024xf32, #tpu.memory_space<vmem>>
        %dma_start3A_1212 = arith.constant 0 : i32
        %dma_start3A_1213 = tpu.memref_slice %arg3[%dma_start3A_1202, %multiple_of3A, %dma_start3A_1212] : memref<3x2048x2048xf32, #tpu.memory_space<hbm>> -> memref<1x8x1024xf32, #tpu.memory_space<hbm>>
        %dma_start3A_1214 = tpu.memref_squeeze %dma_start3A_1213 : memref<1x8x1024xf32, #tpu.memory_space<hbm>> -> memref<8x1024xf32, #tpu.memory_space<hbm>>
        tpu.enqueue_dma source(%dma_start3A_1214 : memref<8x1024xf32, #tpu.memory_space<hbm>>) target(%dma_start3A_1211 : memref<8x1024xf32, #tpu.memory_space<vmem>>) target_semaphore(%arg15 : memref<!tpu.dma_semaphore, #tpu.memory_space<semaphore_mem>>)
        %dma_start3A_1215 = arith.constant 0 : i32
        %dma_start3A_1216 = arith.constant 0 : i32
        %dma_start3A_1217 = arith.constant 1024 : i32
        %dma_start3A_1218 = tpu.memref_slice %arg7[%dma_start3A_1216, %dma_start3A_1217] : memref<8x2048xf32, #tpu.memory_space<vmem>> -> memref<8x1024xf32, #tpu.memory_space<vmem>>
        %dma_start3A_1219 = arith.constant 1024 : i32
        %dma_start3A_1220 = tpu.memref_slice %arg3[%dma_start3A_1215, %multiple_of3A, %dma_start3A_1219] : memref<3x2048x2048xf32, #tpu.memory_space<hbm>> -> memref<1x8x1024xf32, #tpu.memory_space<hbm>>
        %dma_start3A_1221 = tpu.memref_squeeze %dma_start3A_1220 : memref<1x8x1024xf32, #tpu.memory_space<hbm>> -> memref<8x1024xf32, #tpu.memory_space<hbm>>
        %dma_start3A_1222 = arith.constant 0 : i32
        %dma_start3A_1223 = arith.constant 1024 : i32
        %dma_start3A_1224 = tpu.memref_slice %arg7[%dma_start3A_1222, %dma_start3A_1223] : memref<8x2048xf32, #tpu.memory_space<vmem>> -> memref<8x1024xf32, #tpu.memory_space<vmem>>
        %dma_start3A_1225 = arith.constant 1024 : i32
        %dma_start3A_1226 = tpu.memref_slice %arg3[%dma_start3A_1215, %multiple_of3A, %dma_start3A_1225] : memref<3x2048x2048xf32, #tpu.memory_space<hbm>> -> memref<1x8x1024xf32, #tpu.memory_space<hbm>>
        %dma_start3A_1227 = tpu.memref_squeeze %dma_start3A_1226 : memref<1x8x1024xf32, #tpu.memory_space<hbm>> -> memref<8x1024xf32, #tpu.memory_space<hbm>>
        tpu.enqueue_dma source(%dma_start3A_1227 : memref<8x1024xf32, #tpu.memory_space<hbm>>) target(%dma_start3A_1224 : memref<8x1024xf32, #tpu.memory_space<vmem>>) target_semaphore(%arg15 : memref<!tpu.dma_semaphore, #tpu.memory_space<semaphore_mem>>)
        %dma_start3A_1228 = arith.constant 1 : i32
        %dma_start3A_1229 = arith.constant 0 : i32
        %dma_start3A_1230 = arith.constant 0 : i32
        %dma_start3A_1231 = tpu.memref_slice %arg8[%dma_start3A_1229, %dma_start3A_1230] : memref<8x2048xf32, #tpu.memory_space<vmem>> -> memref<8x1024xf32, #tpu.memory_space<vmem>>
        %dma_start3A_1232 = arith.constant 0 : i32
        %dma_start3A_1233 = tpu.memref_slice %arg3[%dma_start3A_1228, %multiple_of3A, %dma_start3A_1232] : memref<3x2048x2048xf32, #tpu.memory_space<hbm>> -> memref<1x8x1024xf32, #tpu.memory_space<hbm>>
        %dma_start3A_1234 = tpu.memref_squeeze %dma_start3A_1233 : memref<1x8x1024xf32, #tpu.memory_space<hbm>> -> memref<8x1024xf32, #tpu.memory_space<hbm>>
        %dma_start3A_1235 = arith.constant 0 : i32
        %dma_start3A_1236 = arith.constant 0 : i32
        %dma_start3A_1237 = tpu.memref_slice %arg8[%dma_start3A_1235, %dma_start3A_1236] : memref<8x2048xf32, #tpu.memory_space<vmem>> -> memref<8x1024xf32, #tpu.memory_space<vmem>>
        %dma_start3A_1238 = arith.constant 0 : i32
        %dma_start3A_1239 = tpu.memref_slice %arg3[%dma_start3A_1228, %multiple_of3A, %dma_start3A_1238] : memref<3x2048x2048xf32, #tpu.memory_space<hbm>> -> memref<1x8x1024xf32, #tpu.memory_space<hbm>>
        %dma_start3A_1240 = tpu.memref_squeeze %dma_start3A_1239 : memref<1x8x1024xf32, #tpu.memory_space<hbm>> -> memref<8x1024xf32, #tpu.memory_space<hbm>>
        tpu.enqueue_dma source(%dma_start3A_1240 : memref<8x1024xf32, #tpu.memory_space<hbm>>) target(%dma_start3A_1237 : memref<8x1024xf32, #tpu.memory_space<vmem>>) target_semaphore(%arg15 : memref<!tpu.dma_semaphore, #tpu.memory_space<semaphore_mem>>)
        %dma_start3A_1241 = arith.constant 1 : i32
        %dma_start3A_1242 = arith.constant 0 : i32
        %dma_start3A_1243 = arith.constant 1024 : i32
        %dma_start3A_1244 = tpu.memref_slice %arg8[%dma_start3A_1242, %dma_start3A_1243] : memref<8x2048xf32, #tpu.memory_space<vmem>> -> memref<8x1024xf32, #tpu.memory_space<vmem>>
        %dma_start3A_1245 = arith.constant 1024 : i32
        %dma_start3A_1246 = tpu.memref_slice %arg3[%dma_start3A_1241, %multiple_of3A, %dma_start3A_1245] : memref<3x2048x2048xf32, #tpu.memory_space<hbm>> -> memref<1x8x1024xf32, #tpu.memory_space<hbm>>
        %dma_start3A_1247 = tpu.memref_squeeze %dma_start3A_1246 : memref<1x8x1024xf32, #tpu.memory_space<hbm>> -> memref<8x1024xf32, #tpu.memory_space<hbm>>
        %dma_start3A_1248 = arith.constant 0 : i32
        %dma_start3A_1249 = arith.constant 1024 : i32
        %dma_start3A_1250 = tpu.memref_slice %arg8[%dma_start3A_1248, %dma_start3A_1249] : memref<8x2048xf32, #tpu.memory_space<vmem>> -> memref<8x1024xf32, #tpu.memory_space<vmem>>
        %dma_start3A_1251 = arith.constant 1024 : i32
        %dma_start3A_1252 = tpu.memref_slice %arg3[%dma_start3A_1241, %multiple_of3A, %dma_start3A_1251] : memref<3x2048x2048xf32, #tpu.memory_space<hbm>> -> memref<1x8x1024xf32, #tpu.memory_space<hbm>>
        %dma_start3A_1253 = tpu.memref_squeeze %dma_start3A_1252 : memref<1x8x1024xf32, #tpu.memory_space<hbm>> -> memref<8x1024xf32, #tpu.memory_space<hbm>>
        tpu.enqueue_dma source(%dma_start3A_1253 : memref<8x1024xf32, #tpu.memory_space<hbm>>) target(%dma_start3A_1250 : memref<8x1024xf32, #tpu.memory_space<vmem>>) target_semaphore(%arg15 : memref<!tpu.dma_semaphore, #tpu.memory_space<semaphore_mem>>)
        %dma_start3A_1254 = arith.constant 2 : i32
        %dma_start3A_1255 = arith.constant 0 : i32
        %dma_start3A_1256 = arith.constant 0 : i32
        %dma_start3A_1257 = tpu.memref_slice %arg9[%dma_start3A_1255, %dma_start3A_1256] : memref<8x2048xf32, #tpu.memory_space<vmem>> -> memref<8x1024xf32, #tpu.memory_space<vmem>>
        %dma_start3A_1258 = arith.constant 0 : i32
        %dma_start3A_1259 = tpu.memref_slice %arg3[%dma_start3A_1254, %multiple_of3A, %dma_start3A_1258] : memref<3x2048x2048xf32, #tpu.memory_space<hbm>> -> memref<1x8x1024xf32, #tpu.memory_space<hbm>>
        %dma_start3A_1260 = tpu.memref_squeeze %dma_start3A_1259 : memref<1x8x1024xf32, #tpu.memory_space<hbm>> -> memref<8x1024xf32, #tpu.memory_space<hbm>>
        %dma_start3A_1261 = arith.constant 0 : i32
        %dma_start3A_1262 = arith.constant 0 : i32
        %dma_start3A_1263 = tpu.memref_slice %arg9[%dma_start3A_1261, %dma_start3A_1262] : memref<8x2048xf32, #tpu.memory_space<vmem>> -> memref<8x1024xf32, #tpu.memory_space<vmem>>
        %dma_start3A_1264 = arith.constant 0 : i32
        %dma_start3A_1265 = tpu.memref_slice %arg3[%dma_start3A_1254, %multiple_of3A, %dma_start3A_1264] : memref<3x2048x2048xf32, #tpu.memory_space<hbm>> -> memref<1x8x1024xf32, #tpu.memory_space<hbm>>
        %dma_start3A_1266 = tpu.memref_squeeze %dma_start3A_1265 : memref<1x8x1024xf32, #tpu.memory_space<hbm>> -> memref<8x1024xf32, #tpu.memory_space<hbm>>
        tpu.enqueue_dma source(%dma_start3A_1266 : memref<8x1024xf32, #tpu.memory_space<hbm>>) target(%dma_start3A_1263 : memref<8x1024xf32, #tpu.memory_space<vmem>>) target_semaphore(%arg15 : memref<!tpu.dma_semaphore, #tpu.memory_space<semaphore_mem>>)
        %dma_start3A_1267 = arith.constant 2 : i32
        %dma_start3A_1268 = arith.constant 0 : i32
        %dma_start3A_1269 = arith.constant 1024 : i32
        %dma_start3A_1270 = tpu.memref_slice %arg9[%dma_start3A_1268, %dma_start3A_1269] : memref<8x2048xf32, #tpu.memory_space<vmem>> -> memref<8x1024xf32, #tpu.memory_space<vmem>>
        %dma_start3A_1271 = arith.constant 1024 : i32
        %dma_start3A_1272 = tpu.memref_slice %arg3[%dma_start3A_1267, %multiple_of3A, %dma_start3A_1271] : memref<3x2048x2048xf32, #tpu.memory_space<hbm>> -> memref<1x8x1024xf32, #tpu.memory_space<hbm>>
        %dma_start3A_1273 = tpu.memref_squeeze %dma_start3A_1272 : memref<1x8x1024xf32, #tpu.memory_space<hbm>> -> memref<8x1024xf32, #tpu.memory_space<hbm>>
        %dma_start3A_1274 = arith.constant 0 : i32
        %dma_start3A_1275 = arith.constant 1024 : i32
        %dma_start3A_1276 = tpu.memref_slice %arg9[%dma_start3A_1274, %dma_start3A_1275] : memref<8x2048xf32, #tpu.memory_space<vmem>> -> memref<8x1024xf32, #tpu.memory_space<vmem>>
        %dma_start3A_1277 = arith.constant 1024 : i32
        %dma_start3A_1278 = tpu.memref_slice %arg3[%dma_start3A_1267, %multiple_of3A, %dma_start3A_1277] : memref<3x2048x2048xf32, #tpu.memory_space<hbm>> -> memref<1x8x1024xf32, #tpu.memory_space<hbm>>
        %dma_start3A_1279 = tpu.memref_squeeze %dma_start3A_1278 : memref<1x8x1024xf32, #tpu.memory_space<hbm>> -> memref<8x1024xf32, #tpu.memory_space<hbm>>
        tpu.enqueue_dma source(%dma_start3A_1279 : memref<8x1024xf32, #tpu.memory_space<hbm>>) target(%dma_start3A_1276 : memref<8x1024xf32, #tpu.memory_space<vmem>>) target_semaphore(%arg15 : memref<!tpu.dma_semaphore, #tpu.memory_space<semaphore_mem>>)
        %dma_start3A_1280 = arith.constant 24 : i32
        %dma_start3A_1281 = tpu.memref_slice %arg10[%dma_start3A_1280] : memref<16416xf32, #tpu.memory_space<vmem>> -> memref<16384xf32, #tpu.memory_space<vmem>>
        %dma_start3A_1282 = tpu.memref_slice %arg4[%multiple_of3A_1182] : memref<2096128xf32, #tpu.memory_space<hbm>> -> memref<16384xf32, #tpu.memory_space<hbm>>
        %dma_start3A_1283 = arith.constant 24 : i32
        %dma_start3A_1284 = tpu.memref_slice %arg10[%dma_start3A_1283] : memref<16416xf32, #tpu.memory_space<vmem>> -> memref<16384xf32, #tpu.memory_space<vmem>>
        %dma_start3A_1285 = tpu.memref_slice %arg4[%multiple_of3A_1182] : memref<2096128xf32, #tpu.memory_space<hbm>> -> memref<16384xf32, #tpu.memory_space<hbm>>
        tpu.enqueue_dma source(%dma_start3A_1285 : memref<16384xf32, #tpu.memory_space<hbm>>) target(%dma_start3A_1284 : memref<16384xf32, #tpu.memory_space<vmem>>) target_semaphore(%arg15 : memref<!tpu.dma_semaphore, #tpu.memory_space<semaphore_mem>>)
        %dma_wait3A = arith.constant 0 : i32
        %dma_wait3A_1286 = arith.constant 0 : i32
        %dma_wait3A_1287 = tpu.memref_slice %arg6[%dma_wait3A, %dma_wait3A_1286] : memref<8x2048xf32, #tpu.memory_space<vmem>> -> memref<8x1024xf32, #tpu.memory_space<vmem>>
        %dma_wait3A_1288 = arith.constant 0 : i32
        %dma_wait3A_1289 = tpu.memref_slice %arg2[%multiple_of3A, %dma_wait3A_1288] : memref<2048x2048xf32, #tpu.memory_space<hbm>> -> memref<8x1024xf32, #tpu.memory_space<hbm>>
        %dma_wait3A_1290 = arith.constant 0 : i32
        %dma_wait3A_1291 = arith.constant 0 : i32
        %dma_wait3A_1292 = tpu.memref_slice %arg6[%dma_wait3A_1290, %dma_wait3A_1291] : memref<8x2048xf32, #tpu.memory_space<vmem>> -> memref<8x1024xf32, #tpu.memory_space<vmem>>
        %dma_wait3A_1293 = arith.constant 0 : i32
        %dma_wait3A_1294 = tpu.memref_slice %arg2[%multiple_of3A, %dma_wait3A_1293] : memref<2048x2048xf32, #tpu.memory_space<hbm>> -> memref<8x1024xf32, #tpu.memory_space<hbm>>
        tpu.wait_dma2 semaphore(%arg15 : memref<!tpu.dma_semaphore, #tpu.memory_space<semaphore_mem>>) src(%dma_wait3A_1294 : memref<8x1024xf32, #tpu.memory_space<hbm>>) dst(%dma_wait3A_1292 : memref<8x1024xf32, #tpu.memory_space<vmem>>)
        %dma_wait3A_1295 = arith.constant 0 : i32
        %dma_wait3A_1296 = arith.constant 1024 : i32
        %dma_wait3A_1297 = tpu.memref_slice %arg6[%dma_wait3A_1295, %dma_wait3A_1296] : memref<8x2048xf32, #tpu.memory_space<vmem>> -> memref<8x1024xf32, #tpu.memory_space<vmem>>
        %dma_wait3A_1298 = arith.constant 1024 : i32
        %dma_wait3A_1299 = tpu.memref_slice %arg2[%multiple_of3A, %dma_wait3A_1298] : memref<2048x2048xf32, #tpu.memory_space<hbm>> -> memref<8x1024xf32, #tpu.memory_space<hbm>>
        %dma_wait3A_1300 = arith.constant 0 : i32
        %dma_wait3A_1301 = arith.constant 1024 : i32
        %dma_wait3A_1302 = tpu.memref_slice %arg6[%dma_wait3A_1300, %dma_wait3A_1301] : memref<8x2048xf32, #tpu.memory_space<vmem>> -> memref<8x1024xf32, #tpu.memory_space<vmem>>
        %dma_wait3A_1303 = arith.constant 1024 : i32
        %dma_wait3A_1304 = tpu.memref_slice %arg2[%multiple_of3A, %dma_wait3A_1303] : memref<2048x2048xf32, #tpu.memory_space<hbm>> -> memref<8x1024xf32, #tpu.memory_space<hbm>>
        tpu.wait_dma2 semaphore(%arg15 : memref<!tpu.dma_semaphore, #tpu.memory_space<semaphore_mem>>) src(%dma_wait3A_1304 : memref<8x1024xf32, #tpu.memory_space<hbm>>) dst(%dma_wait3A_1302 : memref<8x1024xf32, #tpu.memory_space<vmem>>)
        %dma_wait3A_1305 = arith.constant 0 : i32
        %dma_wait3A_1306 = arith.constant 0 : i32
        %dma_wait3A_1307 = arith.constant 0 : i32
        %dma_wait3A_1308 = tpu.memref_slice %arg7[%dma_wait3A_1306, %dma_wait3A_1307] : memref<8x2048xf32, #tpu.memory_space<vmem>> -> memref<8x1024xf32, #tpu.memory_space<vmem>>
        %dma_wait3A_1309 = arith.constant 0 : i32
        %dma_wait3A_1310 = tpu.memref_slice %arg3[%dma_wait3A_1305, %multiple_of3A, %dma_wait3A_1309] : memref<3x2048x2048xf32, #tpu.memory_space<hbm>> -> memref<1x8x1024xf32, #tpu.memory_space<hbm>>
        %dma_wait3A_1311 = tpu.memref_squeeze %dma_wait3A_1310 : memref<1x8x1024xf32, #tpu.memory_space<hbm>> -> memref<8x1024xf32, #tpu.memory_space<hbm>>
        %dma_wait3A_1312 = arith.constant 0 : i32
        %dma_wait3A_1313 = arith.constant 0 : i32
        %dma_wait3A_1314 = tpu.memref_slice %arg7[%dma_wait3A_1312, %dma_wait3A_1313] : memref<8x2048xf32, #tpu.memory_space<vmem>> -> memref<8x1024xf32, #tpu.memory_space<vmem>>
        %dma_wait3A_1315 = arith.constant 0 : i32
        %dma_wait3A_1316 = tpu.memref_slice %arg3[%dma_wait3A_1305, %multiple_of3A, %dma_wait3A_1315] : memref<3x2048x2048xf32, #tpu.memory_space<hbm>> -> memref<1x8x1024xf32, #tpu.memory_space<hbm>>
        %dma_wait3A_1317 = tpu.memref_squeeze %dma_wait3A_1316 : memref<1x8x1024xf32, #tpu.memory_space<hbm>> -> memref<8x1024xf32, #tpu.memory_space<hbm>>
        tpu.wait_dma2 semaphore(%arg15 : memref<!tpu.dma_semaphore, #tpu.memory_space<semaphore_mem>>) src(%dma_wait3A_1317 : memref<8x1024xf32, #tpu.memory_space<hbm>>) dst(%dma_wait3A_1314 : memref<8x1024xf32, #tpu.memory_space<vmem>>)
        %dma_wait3A_1318 = arith.constant 0 : i32
        %dma_wait3A_1319 = arith.constant 0 : i32
        %dma_wait3A_1320 = arith.constant 1024 : i32
        %dma_wait3A_1321 = tpu.memref_slice %arg7[%dma_wait3A_1319, %dma_wait3A_1320] : memref<8x2048xf32, #tpu.memory_space<vmem>> -> memref<8x1024xf32, #tpu.memory_space<vmem>>
        %dma_wait3A_1322 = arith.constant 1024 : i32
        %dma_wait3A_1323 = tpu.memref_slice %arg3[%dma_wait3A_1318, %multiple_of3A, %dma_wait3A_1322] : memref<3x2048x2048xf32, #tpu.memory_space<hbm>> -> memref<1x8x1024xf32, #tpu.memory_space<hbm>>
        %dma_wait3A_1324 = tpu.memref_squeeze %dma_wait3A_1323 : memref<1x8x1024xf32, #tpu.memory_space<hbm>> -> memref<8x1024xf32, #tpu.memory_space<hbm>>
        %dma_wait3A_1325 = arith.constant 0 : i32
        %dma_wait3A_1326 = arith.constant 1024 : i32
        %dma_wait3A_1327 = tpu.memref_slice %arg7[%dma_wait3A_1325, %dma_wait3A_1326] : memref<8x2048xf32, #tpu.memory_space<vmem>> -> memref<8x1024xf32, #tpu.memory_space<vmem>>
        %dma_wait3A_1328 = arith.constant 1024 : i32
        %dma_wait3A_1329 = tpu.memref_slice %arg3[%dma_wait3A_1318, %multiple_of3A, %dma_wait3A_1328] : memref<3x2048x2048xf32, #tpu.memory_space<hbm>> -> memref<1x8x1024xf32, #tpu.memory_space<hbm>>
        %dma_wait3A_1330 = tpu.memref_squeeze %dma_wait3A_1329 : memref<1x8x1024xf32, #tpu.memory_space<hbm>> -> memref<8x1024xf32, #tpu.memory_space<hbm>>
        tpu.wait_dma2 semaphore(%arg15 : memref<!tpu.dma_semaphore, #tpu.memory_space<semaphore_mem>>) src(%dma_wait3A_1330 : memref<8x1024xf32, #tpu.memory_space<hbm>>) dst(%dma_wait3A_1327 : memref<8x1024xf32, #tpu.memory_space<vmem>>)
        %dma_wait3A_1331 = arith.constant 1 : i32
        %dma_wait3A_1332 = arith.constant 0 : i32
        %dma_wait3A_1333 = arith.constant 0 : i32
        %dma_wait3A_1334 = tpu.memref_slice %arg8[%dma_wait3A_1332, %dma_wait3A_1333] : memref<8x2048xf32, #tpu.memory_space<vmem>> -> memref<8x1024xf32, #tpu.memory_space<vmem>>
        %dma_wait3A_1335 = arith.constant 0 : i32
        %dma_wait3A_1336 = tpu.memref_slice %arg3[%dma_wait3A_1331, %multiple_of3A, %dma_wait3A_1335] : memref<3x2048x2048xf32, #tpu.memory_space<hbm>> -> memref<1x8x1024xf32, #tpu.memory_space<hbm>>
        %dma_wait3A_1337 = tpu.memref_squeeze %dma_wait3A_1336 : memref<1x8x1024xf32, #tpu.memory_space<hbm>> -> memref<8x1024xf32, #tpu.memory_space<hbm>>
        %dma_wait3A_1338 = arith.constant 0 : i32
        %dma_wait3A_1339 = arith.constant 0 : i32
        %dma_wait3A_1340 = tpu.memref_slice %arg8[%dma_wait3A_1338, %dma_wait3A_1339] : memref<8x2048xf32, #tpu.memory_space<vmem>> -> memref<8x1024xf32, #tpu.memory_space<vmem>>
        %dma_wait3A_1341 = arith.constant 0 : i32
        %dma_wait3A_1342 = tpu.memref_slice %arg3[%dma_wait3A_1331, %multiple_of3A, %dma_wait3A_1341] : memref<3x2048x2048xf32, #tpu.memory_space<hbm>> -> memref<1x8x1024xf32, #tpu.memory_space<hbm>>
        %dma_wait3A_1343 = tpu.memref_squeeze %dma_wait3A_1342 : memref<1x8x1024xf32, #tpu.memory_space<hbm>> -> memref<8x1024xf32, #tpu.memory_space<hbm>>
        tpu.wait_dma2 semaphore(%arg15 : memref<!tpu.dma_semaphore, #tpu.memory_space<semaphore_mem>>) src(%dma_wait3A_1343 : memref<8x1024xf32, #tpu.memory_space<hbm>>) dst(%dma_wait3A_1340 : memref<8x1024xf32, #tpu.memory_space<vmem>>)
        %dma_wait3A_1344 = arith.constant 1 : i32
        %dma_wait3A_1345 = arith.constant 0 : i32
        %dma_wait3A_1346 = arith.constant 1024 : i32
        %dma_wait3A_1347 = tpu.memref_slice %arg8[%dma_wait3A_1345, %dma_wait3A_1346] : memref<8x2048xf32, #tpu.memory_space<vmem>> -> memref<8x1024xf32, #tpu.memory_space<vmem>>
        %dma_wait3A_1348 = arith.constant 1024 : i32
        %dma_wait3A_1349 = tpu.memref_slice %arg3[%dma_wait3A_1344, %multiple_of3A, %dma_wait3A_1348] : memref<3x2048x2048xf32, #tpu.memory_space<hbm>> -> memref<1x8x1024xf32, #tpu.memory_space<hbm>>
        %dma_wait3A_1350 = tpu.memref_squeeze %dma_wait3A_1349 : memref<1x8x1024xf32, #tpu.memory_space<hbm>> -> memref<8x1024xf32, #tpu.memory_space<hbm>>
        %dma_wait3A_1351 = arith.constant 0 : i32
        %dma_wait3A_1352 = arith.constant 1024 : i32
        %dma_wait3A_1353 = tpu.memref_slice %arg8[%dma_wait3A_1351, %dma_wait3A_1352] : memref<8x2048xf32, #tpu.memory_space<vmem>> -> memref<8x1024xf32, #tpu.memory_space<vmem>>
        %dma_wait3A_1354 = arith.constant 1024 : i32
        %dma_wait3A_1355 = tpu.memref_slice %arg3[%dma_wait3A_1344, %multiple_of3A, %dma_wait3A_1354] : memref<3x2048x2048xf32, #tpu.memory_space<hbm>> -> memref<1x8x1024xf32, #tpu.memory_space<hbm>>
        %dma_wait3A_1356 = tpu.memref_squeeze %dma_wait3A_1355 : memref<1x8x1024xf32, #tpu.memory_space<hbm>> -> memref<8x1024xf32, #tpu.memory_space<hbm>>
        tpu.wait_dma2 semaphore(%arg15 : memref<!tpu.dma_semaphore, #tpu.memory_space<semaphore_mem>>) src(%dma_wait3A_1356 : memref<8x1024xf32, #tpu.memory_space<hbm>>) dst(%dma_wait3A_1353 : memref<8x1024xf32, #tpu.memory_space<vmem>>)
        %dma_wait3A_1357 = arith.constant 2 : i32
        %dma_wait3A_1358 = arith.constant 0 : i32
        %dma_wait3A_1359 = arith.constant 0 : i32
        %dma_wait3A_1360 = tpu.memref_slice %arg9[%dma_wait3A_1358, %dma_wait3A_1359] : memref<8x2048xf32, #tpu.memory_space<vmem>> -> memref<8x1024xf32, #tpu.memory_space<vmem>>
        %dma_wait3A_1361 = arith.constant 0 : i32
        %dma_wait3A_1362 = tpu.memref_slice %arg3[%dma_wait3A_1357, %multiple_of3A, %dma_wait3A_1361] : memref<3x2048x2048xf32, #tpu.memory_space<hbm>> -> memref<1x8x1024xf32, #tpu.memory_space<hbm>>
        %dma_wait3A_1363 = tpu.memref_squeeze %dma_wait3A_1362 : memref<1x8x1024xf32, #tpu.memory_space<hbm>> -> memref<8x1024xf32, #tpu.memory_space<hbm>>
        %dma_wait3A_1364 = arith.constant 0 : i32
        %dma_wait3A_1365 = arith.constant 0 : i32
        %dma_wait3A_1366 = tpu.memref_slice %arg9[%dma_wait3A_1364, %dma_wait3A_1365] : memref<8x2048xf32, #tpu.memory_space<vmem>> -> memref<8x1024xf32, #tpu.memory_space<vmem>>
        %dma_wait3A_1367 = arith.constant 0 : i32
        %dma_wait3A_1368 = tpu.memref_slice %arg3[%dma_wait3A_1357, %multiple_of3A, %dma_wait3A_1367] : memref<3x2048x2048xf32, #tpu.memory_space<hbm>> -> memref<1x8x1024xf32, #tpu.memory_space<hbm>>
        %dma_wait3A_1369 = tpu.memref_squeeze %dma_wait3A_1368 : memref<1x8x1024xf32, #tpu.memory_space<hbm>> -> memref<8x1024xf32, #tpu.memory_space<hbm>>
        tpu.wait_dma2 semaphore(%arg15 : memref<!tpu.dma_semaphore, #tpu.memory_space<semaphore_mem>>) src(%dma_wait3A_1369 : memref<8x1024xf32, #tpu.memory_space<hbm>>) dst(%dma_wait3A_1366 : memref<8x1024xf32, #tpu.memory_space<vmem>>)
        %dma_wait3A_1370 = arith.constant 2 : i32
        %dma_wait3A_1371 = arith.constant 0 : i32
        %dma_wait3A_1372 = arith.constant 1024 : i32
        %dma_wait3A_1373 = tpu.memref_slice %arg9[%dma_wait3A_1371, %dma_wait3A_1372] : memref<8x2048xf32, #tpu.memory_space<vmem>> -> memref<8x1024xf32, #tpu.memory_space<vmem>>
        %dma_wait3A_1374 = arith.constant 1024 : i32
        %dma_wait3A_1375 = tpu.memref_slice %arg3[%dma_wait3A_1370, %multiple_of3A, %dma_wait3A_1374] : memref<3x2048x2048xf32, #tpu.memory_space<hbm>> -> memref<1x8x1024xf32, #tpu.memory_space<hbm>>
        %dma_wait3A_1376 = tpu.memref_squeeze %dma_wait3A_1375 : memref<1x8x1024xf32, #tpu.memory_space<hbm>> -> memref<8x1024xf32, #tpu.memory_space<hbm>>
        %dma_wait3A_1377 = arith.constant 0 : i32
        %dma_wait3A_1378 = arith.constant 1024 : i32
        %dma_wait3A_1379 = tpu.memref_slice %arg9[%dma_wait3A_1377, %dma_wait3A_1378] : memref<8x2048xf32, #tpu.memory_space<vmem>> -> memref<8x1024xf32, #tpu.memory_space<vmem>>
        %dma_wait3A_1380 = arith.constant 1024 : i32
        %dma_wait3A_1381 = tpu.memref_slice %arg3[%dma_wait3A_1370, %multiple_of3A, %dma_wait3A_1380] : memref<3x2048x2048xf32, #tpu.memory_space<hbm>> -> memref<1x8x1024xf32, #tpu.memory_space<hbm>>
        %dma_wait3A_1382 = tpu.memref_squeeze %dma_wait3A_1381 : memref<1x8x1024xf32, #tpu.memory_space<hbm>> -> memref<8x1024xf32, #tpu.memory_space<hbm>>
        tpu.wait_dma2 semaphore(%arg15 : memref<!tpu.dma_semaphore, #tpu.memory_space<semaphore_mem>>) src(%dma_wait3A_1382 : memref<8x1024xf32, #tpu.memory_space<hbm>>) dst(%dma_wait3A_1379 : memref<8x1024xf32, #tpu.memory_space<vmem>>)
        %dma_wait3A_1383 = arith.constant 24 : i32
        %dma_wait3A_1384 = tpu.memref_slice %arg10[%dma_wait3A_1383] : memref<16416xf32, #tpu.memory_space<vmem>> -> memref<16384xf32, #tpu.memory_space<vmem>>
        %dma_wait3A_1385 = tpu.memref_slice %arg4[%multiple_of3A_1182] : memref<2096128xf32, #tpu.memory_space<hbm>> -> memref<16384xf32, #tpu.memory_space<hbm>>
        %dma_wait3A_1386 = arith.constant 24 : i32
        %dma_wait3A_1387 = tpu.memref_slice %arg10[%dma_wait3A_1386] : memref<16416xf32, #tpu.memory_space<vmem>> -> memref<16384xf32, #tpu.memory_space<vmem>>
        %dma_wait3A_1388 = tpu.memref_slice %arg4[%multiple_of3A_1182] : memref<2096128xf32, #tpu.memory_space<hbm>> -> memref<16384xf32, #tpu.memory_space<hbm>>
        tpu.wait_dma2 semaphore(%arg15 : memref<!tpu.dma_semaphore, #tpu.memory_space<semaphore_mem>>) src(%dma_wait3A_1388 : memref<16384xf32, #tpu.memory_space<hbm>>) dst(%dma_wait3A_1387 : memref<16384xf32, #tpu.memory_space<vmem>>)
      } else {
      }
      %and3A_72 = arith.constant -8 : i32
      %and3A_73 = arith.andi %shift_right_arithmetic3A_45, %and3A_72 : i32
      %mul3A_74 = arith.constant 4096 : i32
      %mul3A_75 = arith.muli %mul3A_74, %shift_right_arithmetic3A_52 : i32
      %sub3A_76 = arith.constant 2096128 : i32
      %sub3A_77 = arith.subi %sub3A_76, %mul3A_75 : i32
      %min3A = arith.minsi %and3A_73, %sub3A_77 : i32
      %multiple_of3A_78 = tpu.assume_multiple %min3A, 8 : i32
      %add3A_79 = arith.constant 0 : i32
      %add3A_80 = arith.addi %mul3A_42, %add3A_79 : i32
      %sub3A_81 = arith.constant 4095 : i32
      %sub3A_82 = arith.subi %sub3A_81, %add3A_80 : i32
      %mul3A_83 = arith.muli %add3A_80, %sub3A_82 : i32
      %shift_right_arithmetic3A_84 = arith.constant 1 : i32
      %shift_right_arithmetic3A_85 = arith.shrsi %mul3A_83, %shift_right_arithmetic3A_84 : i32
      %sub3A_86 = arith.subi %shift_right_arithmetic3A_85, %multiple_of3A_78 : i32
      %sub3A_87 = arith.subi %sub3A_86, %add3A_80 : i32
      %sub3A_88 = arith.constant 1 : i32
      %sub3A_89 = arith.subi %sub3A_87, %sub3A_88 : i32
      %add3A_90 = arith.constant 24 : i32
      %add3A_91 = arith.addi %sub3A_89, %add3A_90 : i32
      %add3A_92 = arith.constant 1 : i32
      %add3A_93 = arith.addi %mul3A_42, %add3A_92 : i32
      %sub3A_94 = arith.constant 4095 : i32
      %sub3A_95 = arith.subi %sub3A_94, %add3A_93 : i32
      %mul3A_96 = arith.muli %add3A_93, %sub3A_95 : i32
      %shift_right_arithmetic3A_97 = arith.constant 1 : i32
      %shift_right_arithmetic3A_98 = arith.shrsi %mul3A_96, %shift_right_arithmetic3A_97 : i32
      %sub3A_99 = arith.subi %shift_right_arithmetic3A_98, %multiple_of3A_78 : i32
      %sub3A_100 = arith.subi %sub3A_99, %add3A_93 : i32
      %sub3A_101 = arith.constant 1 : i32
      %sub3A_102 = arith.subi %sub3A_100, %sub3A_101 : i32
      %add3A_103 = arith.constant 24 : i32
      %add3A_104 = arith.addi %sub3A_102, %add3A_103 : i32
      %add3A_105 = arith.constant 2 : i32
      %add3A_106 = arith.addi %mul3A_42, %add3A_105 : i32
      %sub3A_107 = arith.constant 4095 : i32
      %sub3A_108 = arith.subi %sub3A_107, %add3A_106 : i32
      %mul3A_109 = arith.muli %add3A_106, %sub3A_108 : i32
      %shift_right_arithmetic3A_110 = arith.constant 1 : i32
      %shift_right_arithmetic3A_111 = arith.shrsi %mul3A_109, %shift_right_arithmetic3A_110 : i32
      %sub3A_112 = arith.subi %shift_right_arithmetic3A_111, %multiple_of3A_78 : i32
      %sub3A_113 = arith.subi %sub3A_112, %add3A_106 : i32
      %sub3A_114 = arith.constant 1 : i32
      %sub3A_115 = arith.subi %sub3A_113, %sub3A_114 : i32
      %add3A_116 = arith.constant 24 : i32
      %add3A_117 = arith.addi %sub3A_115, %add3A_116 : i32
      %add3A_118 = arith.constant 3 : i32
      %add3A_119 = arith.addi %mul3A_42, %add3A_118 : i32
      %sub3A_120 = arith.constant 4095 : i32
      %sub3A_121 = arith.subi %sub3A_120, %add3A_119 : i32
      %mul3A_122 = arith.muli %add3A_119, %sub3A_121 : i32
      %shift_right_arithmetic3A_123 = arith.constant 1 : i32
      %shift_right_arithmetic3A_124 = arith.shrsi %mul3A_122, %shift_right_arithmetic3A_123 : i32
      %sub3A_125 = arith.subi %shift_right_arithmetic3A_124, %multiple_of3A_78 : i32
      %sub3A_126 = arith.subi %sub3A_125, %add3A_119 : i32
      %sub3A_127 = arith.constant 1 : i32
      %sub3A_128 = arith.subi %sub3A_126, %sub3A_127 : i32
      %add3A_129 = arith.constant 24 : i32
      %add3A_130 = arith.addi %sub3A_128, %add3A_129 : i32
      %add3A_131 = arith.constant 4 : i32
      %add3A_132 = arith.addi %mul3A_42, %add3A_131 : i32
      %sub3A_133 = arith.constant 4095 : i32
      %sub3A_134 = arith.subi %sub3A_133, %add3A_132 : i32
      %mul3A_135 = arith.muli %add3A_132, %sub3A_134 : i32
      %shift_right_arithmetic3A_136 = arith.constant 1 : i32
      %shift_right_arithmetic3A_137 = arith.shrsi %mul3A_135, %shift_right_arithmetic3A_136 : i32
      %sub3A_138 = arith.subi %shift_right_arithmetic3A_137, %multiple_of3A_78 : i32
      %sub3A_139 = arith.subi %sub3A_138, %add3A_132 : i32
      %sub3A_140 = arith.constant 1 : i32
      %sub3A_141 = arith.subi %sub3A_139, %sub3A_140 : i32
      %add3A_142 = arith.constant 24 : i32
      %add3A_143 = arith.addi %sub3A_141, %add3A_142 : i32
      %add3A_144 = arith.constant 5 : i32
      %add3A_145 = arith.addi %mul3A_42, %add3A_144 : i32
      %sub3A_146 = arith.constant 4095 : i32
      %sub3A_147 = arith.subi %sub3A_146, %add3A_145 : i32
      %mul3A_148 = arith.muli %add3A_145, %sub3A_147 : i32
      %shift_right_arithmetic3A_149 = arith.constant 1 : i32
      %shift_right_arithmetic3A_150 = arith.shrsi %mul3A_148, %shift_right_arithmetic3A_149 : i32
      %sub3A_151 = arith.subi %shift_right_arithmetic3A_150, %multiple_of3A_78 : i32
      %sub3A_152 = arith.subi %sub3A_151, %add3A_145 : i32
      %sub3A_153 = arith.constant 1 : i32
      %sub3A_154 = arith.subi %sub3A_152, %sub3A_153 : i32
      %add3A_155 = arith.constant 24 : i32
      %add3A_156 = arith.addi %sub3A_154, %add3A_155 : i32
      %add3A_157 = arith.constant 6 : i32
      %add3A_158 = arith.addi %mul3A_42, %add3A_157 : i32
      %sub3A_159 = arith.constant 4095 : i32
      %sub3A_160 = arith.subi %sub3A_159, %add3A_158 : i32
      %mul3A_161 = arith.muli %add3A_158, %sub3A_160 : i32
      %shift_right_arithmetic3A_162 = arith.constant 1 : i32
      %shift_right_arithmetic3A_163 = arith.shrsi %mul3A_161, %shift_right_arithmetic3A_162 : i32
      %sub3A_164 = arith.subi %shift_right_arithmetic3A_163, %multiple_of3A_78 : i32
      %sub3A_165 = arith.subi %sub3A_164, %add3A_158 : i32
      %sub3A_166 = arith.constant 1 : i32
      %sub3A_167 = arith.subi %sub3A_165, %sub3A_166 : i32
      %add3A_168 = arith.constant 24 : i32
      %add3A_169 = arith.addi %sub3A_167, %add3A_168 : i32
      %add3A_170 = arith.constant 7 : i32
      %add3A_171 = arith.addi %mul3A_42, %add3A_170 : i32
      %sub3A_172 = arith.constant 4095 : i32
      %sub3A_173 = arith.subi %sub3A_172, %add3A_171 : i32
      %mul3A_174 = arith.muli %add3A_171, %sub3A_173 : i32
      %shift_right_arithmetic3A_175 = arith.constant 1 : i32
      %shift_right_arithmetic3A_176 = arith.shrsi %mul3A_174, %shift_right_arithmetic3A_175 : i32
      %sub3A_177 = arith.subi %shift_right_arithmetic3A_176, %multiple_of3A_78 : i32
      %sub3A_178 = arith.subi %sub3A_177, %add3A_171 : i32
      %sub3A_179 = arith.constant 1 : i32
      %sub3A_180 = arith.subi %sub3A_178, %sub3A_179 : i32
      %add3A_181 = arith.constant 24 : i32
      %add3A_182 = arith.addi %sub3A_180, %add3A_181 : i32
      %add3A_183 = arith.constant 1 : i32
      %add3A_184 = arith.addi %mul3A_42, %add3A_183 : i32
      %and3A_185 = arith.constant -16 : i32
      %and3A_186 = arith.andi %add3A_184, %and3A_185 : i32
      %shift_right_arithmetic3A_187 = arith.constant 4 : i32
      %shift_right_arithmetic3A_188 = arith.shrsi %and3A_186, %shift_right_arithmetic3A_187 : i32
      %mul3A_189 = arith.constant 16 : i32
      %mul3A_190 = arith.muli %shift_right_arithmetic3A_188, %mul3A_189 : i32
      %add3A_191 = arith.constant 0 : i32
      %add3A_192 = arith.addi %mul3A_42, %add3A_191 : i32
      %get3A_193 = arith.constant 0 : i32
      %get3A_194 = arith.index_cast %get3A_193 : i32 to index
      %get3A_195 = arith.index_cast %mul3A_190 : i32 to index
      %get3A_196 = tpu.vector_load %arg6[%get3A_194, %get3A_195] {strides = array<i32>} : memref<8x2048xf32, #tpu.memory_space<vmem>>, vector<16xf32>,
      %add3A_197 = arith.addi %mul3A_190, %add3A_91 : i32
      %add3A_198 = vector.broadcast %add3A_197 : i32 to vector<16xi32>
      %add3A_199 = arith.addi %iota3A, %add3A_198 : vector<16xi32>
      %gather3A = tpu.vector_load_idx %arg10[%add3A_199] : memref<16416xf32, #tpu.memory_space<vmem>>[vector<16xi32>], vector<16xf32>,
      %div3A = arith.constant 1.000000e+00 : f32
      %div3A_200 = vector.broadcast %div3A : f32 to vector<16xf32>
      %div3A_201 = arith.divf %div3A_200, %get3A_196 : vector<16xf32>
      %mul3A_202 = arith.mulf %div3A_201, %div3A_201 : vector<16xf32>
      %mul3A_203 = arith.mulf %mul3A_202, %div3A_201 : vector<16xf32>
      %mul3A_204 = arith.mulf %mul3A_203, %mul3A_203 : vector<16xf32>
      %add3A_205 = vector.broadcast %mul3A_190 : i32 to vector<16xi32>
      %add3A_206 = arith.addi %iota3A, %add3A_205 : vector<16xi32>
      %gt3A = vector.broadcast %add3A_192 : i32 to vector<16xi32>
      %gt3A_207 = arith.cmpi sgt, %add3A_206, %gt3A : vector<16xi32>
      %le3A = arith.constant 9.000000e+00 : f32
      %le3A_208 = vector.broadcast %le3A : f32 to vector<16xf32>
      %le3A_209 = arith.cmpf ole, %get3A_196, %le3A_208 : vector<16xf32>
      %and3A_210 = arith.andi %gt3A_207, %le3A_209 : vector<16xi1>
      %jit3A = arith.constant 0.000000e+00 : f32
      %broadcast_in_dim3A_211 = vector.broadcast %jit3A : f32 to vector<16xf32>
      %select_n3A = arith.select %and3A_210, %gather3A, %broadcast_in_dim3A_211 : vector<16xi1>, vector<16xf32>
      %mul3A_212 = arith.mulf %select_n3A, %mul3A_204 : vector<16xf32>
      %add3A_213 = arith.addf %scan3A_32, %mul3A_212 : vector<16xf32>
      %mul3A_214 = arith.mulf %mul3A_212, %div3A_201 : vector<16xf32>
      %get3A_215 = arith.constant 0 : i32
      %get3A_216 = arith.index_cast %get3A_215 : i32 to index
      %get3A_217 = arith.index_cast %mul3A_190 : i32 to index
      %get3A_218 = tpu.vector_load %arg7[%get3A_216, %get3A_217] {strides = array<i32>} : memref<8x2048xf32, #tpu.memory_space<vmem>>, vector<16xf32>,
      %mul3A_219 = arith.mulf %mul3A_214, %get3A_218 : vector<16xf32>
      %get3A_220 = arith.constant 0 : i32
      %get3A_221 = arith.index_cast %get3A_220 : i32 to index
      %get3A_222 = arith.index_cast %mul3A_190 : i32 to index
      %get3A_223 = tpu.vector_load %arg8[%get3A_221, %get3A_222] {strides = array<i32>} : memref<8x2048xf32, #tpu.memory_space<vmem>>, vector<16xf32>,
      %mul3A_224 = arith.mulf %mul3A_214, %get3A_223 : vector<16xf32>
      %get3A_225 = arith.constant 0 : i32
      %get3A_226 = arith.index_cast %get3A_225 : i32 to index
      %get3A_227 = arith.index_cast %mul3A_190 : i32 to index
      %get3A_228 = tpu.vector_load %arg9[%get3A_226, %get3A_227] {strides = array<i32>} : memref<8x2048xf32, #tpu.memory_space<vmem>>, vector<16xf32>,
      %mul3A_229 = arith.mulf %mul3A_214, %get3A_228 : vector<16xf32>
      %add3A_230 = arith.addf %broadcast_in_dim3A_1, %mul3A_219 : vector<16xf32>
      %add3A_231 = arith.addf %broadcast_in_dim3A_1, %mul3A_224 : vector<16xf32>
      %add3A_232 = arith.addf %broadcast_in_dim3A_1, %mul3A_229 : vector<16xf32>
      %add3A_233 = arith.addf %broadcast_in_dim3A_1, %mul3A_219 : vector<16xf32>
      %add3A_234 = arith.addf %broadcast_in_dim3A_1, %mul3A_224 : vector<16xf32>
      %add3A_235 = arith.addf %broadcast_in_dim3A_1, %mul3A_229 : vector<16xf32>
      %add3A_236 = arith.constant 1 : i32
      %add3A_237 = arith.addi %mul3A_42, %add3A_236 : i32
      %get3A_238 = arith.constant 1 : i32
      %get3A_239 = arith.index_cast %get3A_238 : i32 to index
      %get3A_240 = arith.index_cast %mul3A_190 : i32 to index
      %get3A_241 = tpu.vector_load %arg6[%get3A_239, %get3A_240] {strides = array<i32>} : memref<8x2048xf32, #tpu.memory_space<vmem>>, vector<16xf32>,
      %add3A_242 = arith.addi %mul3A_190, %add3A_104 : i32
      %add3A_243 = vector.broadcast %add3A_242 : i32 to vector<16xi32>
      %add3A_244 = arith.addi %iota3A, %add3A_243 : vector<16xi32>
      %gather3A_245 = tpu.vector_load_idx %arg10[%add3A_244] : memref<16416xf32, #tpu.memory_space<vmem>>[vector<16xi32>], vector<16xf32>,
      %div3A_246 = arith.constant 1.000000e+00 : f32
      %div3A_247 = vector.broadcast %div3A_246 : f32 to vector<16xf32>
      %div3A_248 = arith.divf %div3A_247, %get3A_241 : vector<16xf32>
      %mul3A_249 = arith.mulf %div3A_248, %div3A_248 : vector<16xf32>
      %mul3A_250 = arith.mulf %mul3A_249, %div3A_248 : vector<16xf32>
      %mul3A_251 = arith.mulf %mul3A_250, %mul3A_250 : vector<16xf32>
      %add3A_252 = vector.broadcast %mul3A_190 : i32 to vector<16xi32>
      %add3A_253 = arith.addi %iota3A, %add3A_252 : vector<16xi32>
      %gt3A_254 = vector.broadcast %add3A_237 : i32 to vector<16xi32>
      %gt3A_255 = arith.cmpi sgt, %add3A_253, %gt3A_254 : vector<16xi32>
      %le3A_256 = arith.constant 9.000000e+00 : f32
      %le3A_257 = vector.broadcast %le3A_256 : f32 to vector<16xf32>
      %le3A_258 = arith.cmpf ole, %get3A_241, %le3A_257 : vector<16xf32>
      %and3A_259 = arith.andi %gt3A_255, %le3A_258 : vector<16xi1>
      %jit3A_260 = arith.constant 0.000000e+00 : f32
      %broadcast_in_dim3A_261 = vector.broadcast %jit3A_260 : f32 to vector<16xf32>
      %select_n3A_262 = arith.select %and3A_259, %gather3A_245, %broadcast_in_dim3A_261 : vector<16xi1>, vector<16xf32>
      %mul3A_263 = arith.mulf %select_n3A_262, %mul3A_251 : vector<16xf32>
      %add3A_264 = arith.addf %scan3A_33, %mul3A_263 : vector<16xf32>
      %mul3A_265 = arith.mulf %mul3A_263, %div3A_248 : vector<16xf32>
      %get3A_266 = arith.constant 1 : i32
      %get3A_267 = arith.index_cast %get3A_266 : i32 to index
      %get3A_268 = arith.index_cast %mul3A_190 : i32 to index
      %get3A_269 = tpu.vector_load %arg7[%get3A_267, %get3A_268] {strides = array<i32>} : memref<8x2048xf32, #tpu.memory_space<vmem>>, vector<16xf32>,
      %mul3A_270 = arith.mulf %mul3A_265, %get3A_269 : vector<16xf32>
      %get3A_271 = arith.constant 1 : i32
      %get3A_272 = arith.index_cast %get3A_271 : i32 to index
      %get3A_273 = arith.index_cast %mul3A_190 : i32 to index
      %get3A_274 = tpu.vector_load %arg8[%get3A_272, %get3A_273] {strides = array<i32>} : memref<8x2048xf32, #tpu.memory_space<vmem>>, vector<16xf32>,
      %mul3A_275 = arith.mulf %mul3A_265, %get3A_274 : vector<16xf32>
      %get3A_276 = arith.constant 1 : i32
      %get3A_277 = arith.index_cast %get3A_276 : i32 to index
      %get3A_278 = arith.index_cast %mul3A_190 : i32 to index
      %get3A_279 = tpu.vector_load %arg9[%get3A_277, %get3A_278] {strides = array<i32>} : memref<8x2048xf32, #tpu.memory_space<vmem>>, vector<16xf32>,
      %mul3A_280 = arith.mulf %mul3A_265, %get3A_279 : vector<16xf32>
      %add3A_281 = arith.addf %broadcast_in_dim3A_1, %mul3A_270 : vector<16xf32>
      %add3A_282 = arith.addf %broadcast_in_dim3A_1, %mul3A_275 : vector<16xf32>
      %add3A_283 = arith.addf %broadcast_in_dim3A_1, %mul3A_280 : vector<16xf32>
      %add3A_284 = arith.addf %broadcast_in_dim3A_1, %mul3A_270 : vector<16xf32>
      %add3A_285 = arith.addf %broadcast_in_dim3A_1, %mul3A_275 : vector<16xf32>
      %add3A_286 = arith.addf %broadcast_in_dim3A_1, %mul3A_280 : vector<16xf32>
      %add3A_287 = arith.constant 2 : i32
      %add3A_288 = arith.addi %mul3A_42, %add3A_287 : i32
      %get3A_289 = arith.constant 2 : i32
      %get3A_290 = arith.index_cast %get3A_289 : i32 to index
      %get3A_291 = arith.index_cast %mul3A_190 : i32 to index
      %get3A_292 = tpu.vector_load %arg6[%get3A_290, %get3A_291] {strides = array<i32>} : memref<8x2048xf32, #tpu.memory_space<vmem>>, vector<16xf32>,
      %add3A_293 = arith.addi %mul3A_190, %add3A_117 : i32
      %add3A_294 = vector.broadcast %add3A_293 : i32 to vector<16xi32>
      %add3A_295 = arith.addi %iota3A, %add3A_294 : vector<16xi32>
      %gather3A_296 = tpu.vector_load_idx %arg10[%add3A_295] : memref<16416xf32, #tpu.memory_space<vmem>>[vector<16xi32>], vector<16xf32>,
      %div3A_297 = arith.constant 1.000000e+00 : f32
      %div3A_298 = vector.broadcast %div3A_297 : f32 to vector<16xf32>
      %div3A_299 = arith.divf %div3A_298, %get3A_292 : vector<16xf32>
      %mul3A_300 = arith.mulf %div3A_299, %div3A_299 : vector<16xf32>
      %mul3A_301 = arith.mulf %mul3A_300, %div3A_299 : vector<16xf32>
      %mul3A_302 = arith.mulf %mul3A_301, %mul3A_301 : vector<16xf32>
      %add3A_303 = vector.broadcast %mul3A_190 : i32 to vector<16xi32>
      %add3A_304 = arith.addi %iota3A, %add3A_303 : vector<16xi32>
      %gt3A_305 = vector.broadcast %add3A_288 : i32 to vector<16xi32>
      %gt3A_306 = arith.cmpi sgt, %add3A_304, %gt3A_305 : vector<16xi32>
      %le3A_307 = arith.constant 9.000000e+00 : f32
      %le3A_308 = vector.broadcast %le3A_307 : f32 to vector<16xf32>
      %le3A_309 = arith.cmpf ole, %get3A_292, %le3A_308 : vector<16xf32>
      %and3A_310 = arith.andi %gt3A_306, %le3A_309 : vector<16xi1>
      %jit3A_311 = arith.constant 0.000000e+00 : f32
      %broadcast_in_dim3A_312 = vector.broadcast %jit3A_311 : f32 to vector<16xf32>
      %select_n3A_313 = arith.select %and3A_310, %gather3A_296, %broadcast_in_dim3A_312 : vector<16xi1>, vector<16xf32>
      %mul3A_314 = arith.mulf %select_n3A_313, %mul3A_302 : vector<16xf32>
      %add3A_315 = arith.addf %scan3A_34, %mul3A_314 : vector<16xf32>
      %mul3A_316 = arith.mulf %mul3A_314, %div3A_299 : vector<16xf32>
      %get3A_317 = arith.constant 2 : i32
      %get3A_318 = arith.index_cast %get3A_317 : i32 to index
      %get3A_319 = arith.index_cast %mul3A_190 : i32 to index
      %get3A_320 = tpu.vector_load %arg7[%get3A_318, %get3A_319] {strides = array<i32>} : memref<8x2048xf32, #tpu.memory_space<vmem>>, vector<16xf32>,
      %mul3A_321 = arith.mulf %mul3A_316, %get3A_320 : vector<16xf32>
      %get3A_322 = arith.constant 2 : i32
      %get3A_323 = arith.index_cast %get3A_322 : i32 to index
      %get3A_324 = arith.index_cast %mul3A_190 : i32 to index
      %get3A_325 = tpu.vector_load %arg8[%get3A_323, %get3A_324] {strides = array<i32>} : memref<8x2048xf32, #tpu.memory_space<vmem>>, vector<16xf32>,
      %mul3A_326 = arith.mulf %mul3A_316, %get3A_325 : vector<16xf32>
      %get3A_327 = arith.constant 2 : i32
      %get3A_328 = arith.index_cast %get3A_327 : i32 to index
      %get3A_329 = arith.index_cast %mul3A_190 : i32 to index
      %get3A_330 = tpu.vector_load %arg9[%get3A_328, %get3A_329] {strides = array<i32>} : memref<8x2048xf32, #tpu.memory_space<vmem>>, vector<16xf32>,
      %mul3A_331 = arith.mulf %mul3A_316, %get3A_330 : vector<16xf32>
      %add3A_332 = arith.addf %add3A_230, %mul3A_321 : vector<16xf32>
      %add3A_333 = arith.addf %add3A_231, %mul3A_326 : vector<16xf32>
      %add3A_334 = arith.addf %add3A_232, %mul3A_331 : vector<16xf32>
      %add3A_335 = arith.addf %broadcast_in_dim3A_1, %mul3A_321 : vector<16xf32>
      %add3A_336 = arith.addf %broadcast_in_dim3A_1, %mul3A_326 : vector<16xf32>
      %add3A_337 = arith.addf %broadcast_in_dim3A_1, %mul3A_331 : vector<16xf32>
      %add3A_338 = arith.constant 3 : i32
      %add3A_339 = arith.addi %mul3A_42, %add3A_338 : i32
      %get3A_340 = arith.constant 3 : i32
      %get3A_341 = arith.index_cast %get3A_340 : i32 to index
      %get3A_342 = arith.index_cast %mul3A_190 : i32 to index
      %get3A_343 = tpu.vector_load %arg6[%get3A_341, %get3A_342] {strides = array<i32>} : memref<8x2048xf32, #tpu.memory_space<vmem>>, vector<16xf32>,
      %add3A_344 = arith.addi %mul3A_190, %add3A_130 : i32
      %add3A_345 = vector.broadcast %add3A_344 : i32 to vector<16xi32>
      %add3A_346 = arith.addi %iota3A, %add3A_345 : vector<16xi32>
      %gather3A_347 = tpu.vector_load_idx %arg10[%add3A_346] : memref<16416xf32, #tpu.memory_space<vmem>>[vector<16xi32>], vector<16xf32>,
      %div3A_348 = arith.constant 1.000000e+00 : f32
      %div3A_349 = vector.broadcast %div3A_348 : f32 to vector<16xf32>
      %div3A_350 = arith.divf %div3A_349, %get3A_343 : vector<16xf32>
      %mul3A_351 = arith.mulf %div3A_350, %div3A_350 : vector<16xf32>
      %mul3A_352 = arith.mulf %mul3A_351, %div3A_350 : vector<16xf32>
      %mul3A_353 = arith.mulf %mul3A_352, %mul3A_352 : vector<16xf32>
      %add3A_354 = vector.broadcast %mul3A_190 : i32 to vector<16xi32>
      %add3A_355 = arith.addi %iota3A, %add3A_354 : vector<16xi32>
      %gt3A_356 = vector.broadcast %add3A_339 : i32 to vector<16xi32>
      %gt3A_357 = arith.cmpi sgt, %add3A_355, %gt3A_356 : vector<16xi32>
      %le3A_358 = arith.constant 9.000000e+00 : f32
      %le3A_359 = vector.broadcast %le3A_358 : f32 to vector<16xf32>
      %le3A_360 = arith.cmpf ole, %get3A_343, %le3A_359 : vector<16xf32>
      %and3A_361 = arith.andi %gt3A_357, %le3A_360 : vector<16xi1>
      %jit3A_362 = arith.constant 0.000000e+00 : f32
      %broadcast_in_dim3A_363 = vector.broadcast %jit3A_362 : f32 to vector<16xf32>
      %select_n3A_364 = arith.select %and3A_361, %gather3A_347, %broadcast_in_dim3A_363 : vector<16xi1>, vector<16xf32>
      %mul3A_365 = arith.mulf %select_n3A_364, %mul3A_353 : vector<16xf32>
      %add3A_366 = arith.addf %scan3A_35, %mul3A_365 : vector<16xf32>
      %mul3A_367 = arith.mulf %mul3A_365, %div3A_350 : vector<16xf32>
      %get3A_368 = arith.constant 3 : i32
      %get3A_369 = arith.index_cast %get3A_368 : i32 to index
      %get3A_370 = arith.index_cast %mul3A_190 : i32 to index
      %get3A_371 = tpu.vector_load %arg7[%get3A_369, %get3A_370] {strides = array<i32>} : memref<8x2048xf32, #tpu.memory_space<vmem>>, vector<16xf32>,
      %mul3A_372 = arith.mulf %mul3A_367, %get3A_371 : vector<16xf32>
      %get3A_373 = arith.constant 3 : i32
      %get3A_374 = arith.index_cast %get3A_373 : i32 to index
      %get3A_375 = arith.index_cast %mul3A_190 : i32 to index
      %get3A_376 = tpu.vector_load %arg8[%get3A_374, %get3A_375] {strides = array<i32>} : memref<8x2048xf32, #tpu.memory_space<vmem>>, vector<16xf32>,
      %mul3A_377 = arith.mulf %mul3A_367, %get3A_376 : vector<16xf32>
      %get3A_378 = arith.constant 3 : i32
      %get3A_379 = arith.index_cast %get3A_378 : i32 to index
      %get3A_380 = arith.index_cast %mul3A_190 : i32 to index
      %get3A_381 = tpu.vector_load %arg9[%get3A_379, %get3A_380] {strides = array<i32>} : memref<8x2048xf32, #tpu.memory_space<vmem>>, vector<16xf32>,
      %mul3A_382 = arith.mulf %mul3A_367, %get3A_381 : vector<16xf32>
      %add3A_383 = arith.addf %add3A_281, %mul3A_372 : vector<16xf32>
      %add3A_384 = arith.addf %add3A_282, %mul3A_377 : vector<16xf32>
      %add3A_385 = arith.addf %add3A_283, %mul3A_382 : vector<16xf32>
      %add3A_386 = arith.addf %broadcast_in_dim3A_1, %mul3A_372 : vector<16xf32>
      %add3A_387 = arith.addf %broadcast_in_dim3A_1, %mul3A_377 : vector<16xf32>
      %add3A_388 = arith.addf %broadcast_in_dim3A_1, %mul3A_382 : vector<16xf32>
      %add3A_389 = arith.constant 4 : i32
      %add3A_390 = arith.addi %mul3A_42, %add3A_389 : i32
      %get3A_391 = arith.constant 4 : i32
      %get3A_392 = arith.index_cast %get3A_391 : i32 to index
      %get3A_393 = arith.index_cast %mul3A_190 : i32 to index
      %get3A_394 = tpu.vector_load %arg6[%get3A_392, %get3A_393] {strides = array<i32>} : memref<8x2048xf32, #tpu.memory_space<vmem>>, vector<16xf32>,
      %add3A_395 = arith.addi %mul3A_190, %add3A_143 : i32
      %add3A_396 = vector.broadcast %add3A_395 : i32 to vector<16xi32>
      %add3A_397 = arith.addi %iota3A, %add3A_396 : vector<16xi32>
      %gather3A_398 = tpu.vector_load_idx %arg10[%add3A_397] : memref<16416xf32, #tpu.memory_space<vmem>>[vector<16xi32>], vector<16xf32>,
      %div3A_399 = arith.constant 1.000000e+00 : f32
      %div3A_400 = vector.broadcast %div3A_399 : f32 to vector<16xf32>
      %div3A_401 = arith.divf %div3A_400, %get3A_394 : vector<16xf32>
      %mul3A_402 = arith.mulf %div3A_401, %div3A_401 : vector<16xf32>
      %mul3A_403 = arith.mulf %mul3A_402, %div3A_401 : vector<16xf32>
      %mul3A_404 = arith.mulf %mul3A_403, %mul3A_403 : vector<16xf32>
      %add3A_405 = vector.broadcast %mul3A_190 : i32 to vector<16xi32>
      %add3A_406 = arith.addi %iota3A, %add3A_405 : vector<16xi32>
      %gt3A_407 = vector.broadcast %add3A_390 : i32 to vector<16xi32>
      %gt3A_408 = arith.cmpi sgt, %add3A_406, %gt3A_407 : vector<16xi32>
      %le3A_409 = arith.constant 9.000000e+00 : f32
      %le3A_410 = vector.broadcast %le3A_409 : f32 to vector<16xf32>
      %le3A_411 = arith.cmpf ole, %get3A_394, %le3A_410 : vector<16xf32>
      %and3A_412 = arith.andi %gt3A_408, %le3A_411 : vector<16xi1>
      %jit3A_413 = arith.constant 0.000000e+00 : f32
      %broadcast_in_dim3A_414 = vector.broadcast %jit3A_413 : f32 to vector<16xf32>
      %select_n3A_415 = arith.select %and3A_412, %gather3A_398, %broadcast_in_dim3A_414 : vector<16xi1>, vector<16xf32>
      %mul3A_416 = arith.mulf %select_n3A_415, %mul3A_404 : vector<16xf32>
      %add3A_417 = arith.addf %add3A_213, %mul3A_416 : vector<16xf32>
      %mul3A_418 = arith.mulf %mul3A_416, %div3A_401 : vector<16xf32>
      %get3A_419 = arith.constant 4 : i32
      %get3A_420 = arith.index_cast %get3A_419 : i32 to index
      %get3A_421 = arith.index_cast %mul3A_190 : i32 to index
      %get3A_422 = tpu.vector_load %arg7[%get3A_420, %get3A_421] {strides = array<i32>} : memref<8x2048xf32, #tpu.memory_space<vmem>>, vector<16xf32>,
      %mul3A_423 = arith.mulf %mul3A_418, %get3A_422 : vector<16xf32>
      %get3A_424 = arith.constant 4 : i32
      %get3A_425 = arith.index_cast %get3A_424 : i32 to index
      %get3A_426 = arith.index_cast %mul3A_190 : i32 to index
      %get3A_427 = tpu.vector_load %arg8[%get3A_425, %get3A_426] {strides = array<i32>} : memref<8x2048xf32, #tpu.memory_space<vmem>>, vector<16xf32>,
      %mul3A_428 = arith.mulf %mul3A_418, %get3A_427 : vector<16xf32>
      %get3A_429 = arith.constant 4 : i32
      %get3A_430 = arith.index_cast %get3A_429 : i32 to index
      %get3A_431 = arith.index_cast %mul3A_190 : i32 to index
      %get3A_432 = tpu.vector_load %arg9[%get3A_430, %get3A_431] {strides = array<i32>} : memref<8x2048xf32, #tpu.memory_space<vmem>>, vector<16xf32>,
      %mul3A_433 = arith.mulf %mul3A_418, %get3A_432 : vector<16xf32>
      %add3A_434 = arith.addf %add3A_332, %mul3A_423 : vector<16xf32>
      %add3A_435 = arith.addf %add3A_333, %mul3A_428 : vector<16xf32>
      %add3A_436 = arith.addf %add3A_334, %mul3A_433 : vector<16xf32>
      %add3A_437 = arith.addf %broadcast_in_dim3A_1, %mul3A_423 : vector<16xf32>
      %add3A_438 = arith.addf %broadcast_in_dim3A_1, %mul3A_428 : vector<16xf32>
      %add3A_439 = arith.addf %broadcast_in_dim3A_1, %mul3A_433 : vector<16xf32>
      %add3A_440 = arith.constant 5 : i32
      %add3A_441 = arith.addi %mul3A_42, %add3A_440 : i32
      %get3A_442 = arith.constant 5 : i32
      %get3A_443 = arith.index_cast %get3A_442 : i32 to index
      %get3A_444 = arith.index_cast %mul3A_190 : i32 to index
      %get3A_445 = tpu.vector_load %arg6[%get3A_443, %get3A_444] {strides = array<i32>} : memref<8x2048xf32, #tpu.memory_space<vmem>>, vector<16xf32>,
      %add3A_446 = arith.addi %mul3A_190, %add3A_156 : i32
      %add3A_447 = vector.broadcast %add3A_446 : i32 to vector<16xi32>
      %add3A_448 = arith.addi %iota3A, %add3A_447 : vector<16xi32>
      %gather3A_449 = tpu.vector_load_idx %arg10[%add3A_448] : memref<16416xf32, #tpu.memory_space<vmem>>[vector<16xi32>], vector<16xf32>,
      %div3A_450 = arith.constant 1.000000e+00 : f32
      %div3A_451 = vector.broadcast %div3A_450 : f32 to vector<16xf32>
      %div3A_452 = arith.divf %div3A_451, %get3A_445 : vector<16xf32>
      %mul3A_453 = arith.mulf %div3A_452, %div3A_452 : vector<16xf32>
      %mul3A_454 = arith.mulf %mul3A_453, %div3A_452 : vector<16xf32>
      %mul3A_455 = arith.mulf %mul3A_454, %mul3A_454 : vector<16xf32>
      %add3A_456 = vector.broadcast %mul3A_190 : i32 to vector<16xi32>
      %add3A_457 = arith.addi %iota3A, %add3A_456 : vector<16xi32>
      %gt3A_458 = vector.broadcast %add3A_441 : i32 to vector<16xi32>
      %gt3A_459 = arith.cmpi sgt, %add3A_457, %gt3A_458 : vector<16xi32>
      %le3A_460 = arith.constant 9.000000e+00 : f32
      %le3A_461 = vector.broadcast %le3A_460 : f32 to vector<16xf32>
      %le3A_462 = arith.cmpf ole, %get3A_445, %le3A_461 : vector<16xf32>
      %and3A_463 = arith.andi %gt3A_459, %le3A_462 : vector<16xi1>
      %jit3A_464 = arith.constant 0.000000e+00 : f32
      %broadcast_in_dim3A_465 = vector.broadcast %jit3A_464 : f32 to vector<16xf32>
      %select_n3A_466 = arith.select %and3A_463, %gather3A_449, %broadcast_in_dim3A_465 : vector<16xi1>, vector<16xf32>
      %mul3A_467 = arith.mulf %select_n3A_466, %mul3A_455 : vector<16xf32>
      %add3A_468 = arith.addf %add3A_264, %mul3A_467 : vector<16xf32>
      %mul3A_469 = arith.mulf %mul3A_467, %div3A_452 : vector<16xf32>
      %get3A_470 = arith.constant 5 : i32
      %get3A_471 = arith.index_cast %get3A_470 : i32 to index
      %get3A_472 = arith.index_cast %mul3A_190 : i32 to index
      %get3A_473 = tpu.vector_load %arg7[%get3A_471, %get3A_472] {strides = array<i32>} : memref<8x2048xf32, #tpu.memory_space<vmem>>, vector<16xf32>,
      %mul3A_474 = arith.mulf %mul3A_469, %get3A_473 : vector<16xf32>
      %get3A_475 = arith.constant 5 : i32
      %get3A_476 = arith.index_cast %get3A_475 : i32 to index
      %get3A_477 = arith.index_cast %mul3A_190 : i32 to index
      %get3A_478 = tpu.vector_load %arg8[%get3A_476, %get3A_477] {strides = array<i32>} : memref<8x2048xf32, #tpu.memory_space<vmem>>, vector<16xf32>,
      %mul3A_479 = arith.mulf %mul3A_469, %get3A_478 : vector<16xf32>
      %get3A_480 = arith.constant 5 : i32
      %get3A_481 = arith.index_cast %get3A_480 : i32 to index
      %get3A_482 = arith.index_cast %mul3A_190 : i32 to index
      %get3A_483 = tpu.vector_load %arg9[%get3A_481, %get3A_482] {strides = array<i32>} : memref<8x2048xf32, #tpu.memory_space<vmem>>, vector<16xf32>,
      %mul3A_484 = arith.mulf %mul3A_469, %get3A_483 : vector<16xf32>
      %add3A_485 = arith.addf %add3A_383, %mul3A_474 : vector<16xf32>
      %add3A_486 = arith.addf %add3A_384, %mul3A_479 : vector<16xf32>
      %add3A_487 = arith.addf %add3A_385, %mul3A_484 : vector<16xf32>
      %add3A_488 = arith.addf %broadcast_in_dim3A_1, %mul3A_474 : vector<16xf32>
      %add3A_489 = arith.addf %broadcast_in_dim3A_1, %mul3A_479 : vector<16xf32>
      %add3A_490 = arith.addf %broadcast_in_dim3A_1, %mul3A_484 : vector<16xf32>
      %add3A_491 = arith.constant 6 : i32
      %add3A_492 = arith.addi %mul3A_42, %add3A_491 : i32
      %get3A_493 = arith.constant 6 : i32
      %get3A_494 = arith.index_cast %get3A_493 : i32 to index
      %get3A_495 = arith.index_cast %mul3A_190 : i32 to index
      %get3A_496 = tpu.vector_load %arg6[%get3A_494, %get3A_495] {strides = array<i32>} : memref<8x2048xf32, #tpu.memory_space<vmem>>, vector<16xf32>,
      %add3A_497 = arith.addi %mul3A_190, %add3A_169 : i32
      %add3A_498 = vector.broadcast %add3A_497 : i32 to vector<16xi32>
      %add3A_499 = arith.addi %iota3A, %add3A_498 : vector<16xi32>
      %gather3A_500 = tpu.vector_load_idx %arg10[%add3A_499] : memref<16416xf32, #tpu.memory_space<vmem>>[vector<16xi32>], vector<16xf32>,
      %div3A_501 = arith.constant 1.000000e+00 : f32
      %div3A_502 = vector.broadcast %div3A_501 : f32 to vector<16xf32>
      %div3A_503 = arith.divf %div3A_502, %get3A_496 : vector<16xf32>
      %mul3A_504 = arith.mulf %div3A_503, %div3A_503 : vector<16xf32>
      %mul3A_505 = arith.mulf %mul3A_504, %div3A_503 : vector<16xf32>
      %mul3A_506 = arith.mulf %mul3A_505, %mul3A_505 : vector<16xf32>
      %add3A_507 = vector.broadcast %mul3A_190 : i32 to vector<16xi32>
      %add3A_508 = arith.addi %iota3A, %add3A_507 : vector<16xi32>
      %gt3A_509 = vector.broadcast %add3A_492 : i32 to vector<16xi32>
      %gt3A_510 = arith.cmpi sgt, %add3A_508, %gt3A_509 : vector<16xi32>
      %le3A_511 = arith.constant 9.000000e+00 : f32
      %le3A_512 = vector.broadcast %le3A_511 : f32 to vector<16xf32>
      %le3A_513 = arith.cmpf ole, %get3A_496, %le3A_512 : vector<16xf32>
      %and3A_514 = arith.andi %gt3A_510, %le3A_513 : vector<16xi1>
      %jit3A_515 = arith.constant 0.000000e+00 : f32
      %broadcast_in_dim3A_516 = vector.broadcast %jit3A_515 : f32 to vector<16xf32>
      %select_n3A_517 = arith.select %and3A_514, %gather3A_500, %broadcast_in_dim3A_516 : vector<16xi1>, vector<16xf32>
      %mul3A_518 = arith.mulf %select_n3A_517, %mul3A_506 : vector<16xf32>
      %add3A_519 = arith.addf %add3A_315, %mul3A_518 : vector<16xf32>
      %mul3A_520 = arith.mulf %mul3A_518, %div3A_503 : vector<16xf32>
      %get3A_521 = arith.constant 6 : i32
      %get3A_522 = arith.index_cast %get3A_521 : i32 to index
      %get3A_523 = arith.index_cast %mul3A_190 : i32 to index
      %get3A_524 = tpu.vector_load %arg7[%get3A_522, %get3A_523] {strides = array<i32>} : memref<8x2048xf32, #tpu.memory_space<vmem>>, vector<16xf32>,
      %mul3A_525 = arith.mulf %mul3A_520, %get3A_524 : vector<16xf32>
      %get3A_526 = arith.constant 6 : i32
      %get3A_527 = arith.index_cast %get3A_526 : i32 to index
      %get3A_528 = arith.index_cast %mul3A_190 : i32 to index
      %get3A_529 = tpu.vector_load %arg8[%get3A_527, %get3A_528] {strides = array<i32>} : memref<8x2048xf32, #tpu.memory_space<vmem>>, vector<16xf32>,
      %mul3A_530 = arith.mulf %mul3A_520, %get3A_529 : vector<16xf32>
      %get3A_531 = arith.constant 6 : i32
      %get3A_532 = arith.index_cast %get3A_531 : i32 to index
      %get3A_533 = arith.index_cast %mul3A_190 : i32 to index
      %get3A_534 = tpu.vector_load %arg9[%get3A_532, %get3A_533] {strides = array<i32>} : memref<8x2048xf32, #tpu.memory_space<vmem>>, vector<16xf32>,
      %mul3A_535 = arith.mulf %mul3A_520, %get3A_534 : vector<16xf32>
      %add3A_536 = arith.addf %add3A_434, %mul3A_525 : vector<16xf32>
      %add3A_537 = arith.addf %add3A_435, %mul3A_530 : vector<16xf32>
      %add3A_538 = arith.addf %add3A_436, %mul3A_535 : vector<16xf32>
      %add3A_539 = arith.addf %broadcast_in_dim3A_1, %mul3A_525 : vector<16xf32>
      %add3A_540 = arith.addf %broadcast_in_dim3A_1, %mul3A_530 : vector<16xf32>
      %add3A_541 = arith.addf %broadcast_in_dim3A_1, %mul3A_535 : vector<16xf32>
      %add3A_542 = arith.constant 7 : i32
      %add3A_543 = arith.addi %mul3A_42, %add3A_542 : i32
      %get3A_544 = arith.constant 7 : i32
      %get3A_545 = arith.index_cast %get3A_544 : i32 to index
      %get3A_546 = arith.index_cast %mul3A_190 : i32 to index
      %get3A_547 = tpu.vector_load %arg6[%get3A_545, %get3A_546] {strides = array<i32>} : memref<8x2048xf32, #tpu.memory_space<vmem>>, vector<16xf32>,
      %add3A_548 = arith.addi %mul3A_190, %add3A_182 : i32
      %add3A_549 = vector.broadcast %add3A_548 : i32 to vector<16xi32>
      %add3A_550 = arith.addi %iota3A, %add3A_549 : vector<16xi32>
      %gather3A_551 = tpu.vector_load_idx %arg10[%add3A_550] : memref<16416xf32, #tpu.memory_space<vmem>>[vector<16xi32>], vector<16xf32>,
      %div3A_552 = arith.constant 1.000000e+00 : f32
      %div3A_553 = vector.broadcast %div3A_552 : f32 to vector<16xf32>
      %div3A_554 = arith.divf %div3A_553, %get3A_547 : vector<16xf32>
      %mul3A_555 = arith.mulf %div3A_554, %div3A_554 : vector<16xf32>
      %mul3A_556 = arith.mulf %mul3A_555, %div3A_554 : vector<16xf32>
      %mul3A_557 = arith.mulf %mul3A_556, %mul3A_556 : vector<16xf32>
      %add3A_558 = vector.broadcast %mul3A_190 : i32 to vector<16xi32>
      %add3A_559 = arith.addi %iota3A, %add3A_558 : vector<16xi32>
      %gt3A_560 = vector.broadcast %add3A_543 : i32 to vector<16xi32>
      %gt3A_561 = arith.cmpi sgt, %add3A_559, %gt3A_560 : vector<16xi32>
      %le3A_562 = arith.constant 9.000000e+00 : f32
      %le3A_563 = vector.broadcast %le3A_562 : f32 to vector<16xf32>
      %le3A_564 = arith.cmpf ole, %get3A_547, %le3A_563 : vector<16xf32>
      %and3A_565 = arith.andi %gt3A_561, %le3A_564 : vector<16xi1>
      %jit3A_566 = arith.constant 0.000000e+00 : f32
      %broadcast_in_dim3A_567 = vector.broadcast %jit3A_566 : f32 to vector<16xf32>
      %select_n3A_568 = arith.select %and3A_565, %gather3A_551, %broadcast_in_dim3A_567 : vector<16xi1>, vector<16xf32>
      %mul3A_569 = arith.mulf %select_n3A_568, %mul3A_557 : vector<16xf32>
      %add3A_570 = arith.addf %add3A_366, %mul3A_569 : vector<16xf32>
      %mul3A_571 = arith.mulf %mul3A_569, %div3A_554 : vector<16xf32>
      %get3A_572 = arith.constant 7 : i32
      %get3A_573 = arith.index_cast %get3A_572 : i32 to index
      %get3A_574 = arith.index_cast %mul3A_190 : i32 to index
      %get3A_575 = tpu.vector_load %arg7[%get3A_573, %get3A_574] {strides = array<i32>} : memref<8x2048xf32, #tpu.memory_space<vmem>>, vector<16xf32>,
      %mul3A_576 = arith.mulf %mul3A_571, %get3A_575 : vector<16xf32>
      %get3A_577 = arith.constant 7 : i32
      %get3A_578 = arith.index_cast %get3A_577 : i32 to index
      %get3A_579 = arith.index_cast %mul3A_190 : i32 to index
      %get3A_580 = tpu.vector_load %arg8[%get3A_578, %get3A_579] {strides = array<i32>} : memref<8x2048xf32, #tpu.memory_space<vmem>>, vector<16xf32>,
      %mul3A_581 = arith.mulf %mul3A_571, %get3A_580 : vector<16xf32>
      %get3A_582 = arith.constant 7 : i32
      %get3A_583 = arith.index_cast %get3A_582 : i32 to index
      %get3A_584 = arith.index_cast %mul3A_190 : i32 to index
      %get3A_585 = tpu.vector_load %arg9[%get3A_583, %get3A_584] {strides = array<i32>} : memref<8x2048xf32, #tpu.memory_space<vmem>>, vector<16xf32>,
      %mul3A_586 = arith.mulf %mul3A_571, %get3A_585 : vector<16xf32>
      %add3A_587 = arith.addf %add3A_485, %mul3A_576 : vector<16xf32>
      %add3A_588 = arith.addf %add3A_486, %mul3A_581 : vector<16xf32>
      %add3A_589 = arith.addf %add3A_487, %mul3A_586 : vector<16xf32>
      %add3A_590 = arith.addf %broadcast_in_dim3A_1, %mul3A_576 : vector<16xf32>
      %add3A_591 = arith.addf %broadcast_in_dim3A_1, %mul3A_581 : vector<16xf32>
      %add3A_592 = arith.addf %broadcast_in_dim3A_1, %mul3A_586 : vector<16xf32>
      %shift_right_arithmetic3A_593 = arith.constant 3 : i32
      %shift_right_arithmetic3A_594 = arith.shrsi %shift_right_arithmetic3A_188, %shift_right_arithmetic3A_593 : i32
      %and3A_595 = arith.constant 7 : i32
      %and3A_596 = arith.andi %shift_right_arithmetic3A_188, %and3A_595 : i32
      %mul3A_597 = arith.constant 16 : i32
      %mul3A_598 = arith.muli %and3A_596, %mul3A_597 : i32
      %get3A_599 = arith.index_cast %shift_right_arithmetic3A_594 : i32 to index
      %get3A_600 = arith.index_cast %mul3A_598 : i32 to index
      %get3A_601 = tpu.vector_load %arg11[%get3A_599, %get3A_600] {strides = array<i32>} : memref<64x128xf32, #tpu.memory_space<vmem>>, vector<16xf32>,
      %add3A_602 = arith.addf %add3A_536, %add3A_587 : vector<16xf32>
      %sub3A_603 = arith.subf %get3A_601, %add3A_602 : vector<16xf32>
      %swap3A_604 = arith.index_cast %shift_right_arithmetic3A_594 : i32 to index
      %swap3A_605 = arith.index_cast %mul3A_598 : i32 to index
      %swap3A_606 = tpu.vector_load %arg11[%swap3A_604, %swap3A_605] {strides = array<i32>} : memref<64x128xf32, #tpu.memory_space<vmem>>, vector<16xf32>,
      tpu.vector_store %arg11[%swap3A_604, %swap3A_605], %sub3A_603 {strides = array<i32>} : memref<64x128xf32, #tpu.memory_space<vmem>>, vector<16xf32>,
      %add3A_607 = arith.constant 16 : i32
      %add3A_608 = arith.addi %add3A_607, %shift_right_arithmetic3A_594 : i32
      %get3A_609 = arith.index_cast %add3A_608 : i32 to index
      %get3A_610 = arith.index_cast %mul3A_598 : i32 to index
      %get3A_611 = tpu.vector_load %arg11[%get3A_609, %get3A_610] {strides = array<i32>} : memref<64x128xf32, #tpu.memory_space<vmem>>, vector<16xf32>,
      %add3A_612 = arith.addf %add3A_537, %add3A_588 : vector<16xf32>
      %sub3A_613 = arith.subf %get3A_611, %add3A_612 : vector<16xf32>
      %add3A_614 = arith.constant 16 : i32
      %add3A_615 = arith.addi %add3A_614, %shift_right_arithmetic3A_594 : i32
      %swap3A_616 = arith.index_cast %add3A_615 : i32 to index
      %swap3A_617 = arith.index_cast %mul3A_598 : i32 to index
      %swap3A_618 = tpu.vector_load %arg11[%swap3A_616, %swap3A_617] {strides = array<i32>} : memref<64x128xf32, #tpu.memory_space<vmem>>, vector<16xf32>,
      tpu.vector_store %arg11[%swap3A_616, %swap3A_617], %sub3A_613 {strides = array<i32>} : memref<64x128xf32, #tpu.memory_space<vmem>>, vector<16xf32>,
      %add3A_619 = arith.constant 32 : i32
      %add3A_620 = arith.addi %add3A_619, %shift_right_arithmetic3A_594 : i32
      %get3A_621 = arith.index_cast %add3A_620 : i32 to index
      %get3A_622 = arith.index_cast %mul3A_598 : i32 to index
      %get3A_623 = tpu.vector_load %arg11[%get3A_621, %get3A_622] {strides = array<i32>} : memref<64x128xf32, #tpu.memory_space<vmem>>, vector<16xf32>,
      %add3A_624 = arith.addf %add3A_538, %add3A_589 : vector<16xf32>
      %sub3A_625 = arith.subf %get3A_623, %add3A_624 : vector<16xf32>
      %add3A_626 = arith.constant 32 : i32
      %add3A_627 = arith.addi %add3A_626, %shift_right_arithmetic3A_594 : i32
      %swap3A_628 = arith.index_cast %add3A_627 : i32 to index
      %swap3A_629 = arith.index_cast %mul3A_598 : i32 to index
      %swap3A_630 = tpu.vector_load %arg11[%swap3A_628, %swap3A_629] {strides = array<i32>} : memref<64x128xf32, #tpu.memory_space<vmem>>, vector<16xf32>,
      tpu.vector_store %arg11[%swap3A_628, %swap3A_629], %sub3A_625 {strides = array<i32>} : memref<64x128xf32, #tpu.memory_space<vmem>>, vector<16xf32>,
      %add3A_631 = arith.constant 1 : i32
      %add3A_632 = arith.addi %shift_right_arithmetic3A_188, %add3A_631 : i32
      %while3A = arith.constant 128 : i32
      %while3A_633 = arith.subi %while3A, %add3A_632 : i32
      %while3A_634 = arith.addi %add3A_632, %while3A_633 : i32
      %while3A_635 = arith.constant 1 : i32
      %while3A_636 = arith.divsi %while3A_633, %while3A_635 : i32
      %while3A_637 = arith.muli %while3A_636, %while3A_635 : i32
      %while3A_638 = arith.addi %add3A_632, %while3A_637 : i32
      %while3A_639 = arith.constant 1 : i32
      %while3A_640:28 = scf.for %while3A_1178 = %add3A_632 to %while3A_638 step %while3A_639 iter_args(%while3A_1179 = %add3A_417, %while3A_1180 = %add3A_468, %while3A_1181 = %add3A_519, %while3A_1182 = %add3A_570, %while3A_1183 = %add3A_233, %while3A_1184 = %add3A_234, %while3A_1185 = %add3A_235, %while3A_1186 = %add3A_284, %while3A_1187 = %add3A_285, %while3A_1188 = %add3A_286, %while3A_1189 = %add3A_335, %while3A_1190 = %add3A_336, %while3A_1191 = %add3A_337, %while3A_1192 = %add3A_386, %while3A_1193 = %add3A_387, %while3A_1194 = %add3A_388, %while3A_1195 = %add3A_437, %while3A_1196 = %add3A_438, %while3A_1197 = %add3A_439, %while3A_1198 = %add3A_488, %while3A_1199 = %add3A_489, %while3A_1200 = %add3A_490, %while3A_1201 = %add3A_539, %while3A_1202 = %add3A_540, %while3A_1203 = %add3A_541, %while3A_1204 = %add3A_590, %while3A_1205 = %add3A_591, %while3A_1206 = %add3A_592) -> (vector<16xf32>, vector<16xf32>, vector<16xf32>, vector<16xf32>, vector<16xf32>, vector<16xf32>, vector<16xf32>, vector<16xf32>, vector<16xf32>, vector<16xf32>, vector<16xf32>, vector<16xf32>, vector<16xf32>, vector<16xf32>, vector<16xf32>, vector<16xf32>, vector<16xf32>, vector<16xf32>, vector<16xf32>, vector<16xf32>, vector<16xf32>, vector<16xf32>, vector<16xf32>, vector<16xf32>, vector<16xf32>, vector<16xf32>, vector<16xf32>, vector<16xf32>)  : i32 {
        %mul3A_1207 = arith.constant 16 : i32
        %mul3A_1208 = arith.muli %while3A_1178, %mul3A_1207 : i32
        %add3A_1209 = arith.constant 0 : i32
        %add3A_1210 = arith.addi %mul3A_42, %add3A_1209 : i32
        %get3A_1211 = arith.constant 0 : i32
        %get3A_1212 = arith.index_cast %get3A_1211 : i32 to index
        %get3A_1213 = arith.index_cast %mul3A_1208 : i32 to index
        %get3A_1214 = tpu.vector_load %arg6[%get3A_1212, %get3A_1213] {strides = array<i32>} : memref<8x2048xf32, #tpu.memory_space<vmem>>, vector<16xf32>,
        %add3A_1215 = arith.addi %mul3A_1208, %add3A_91 : i32
        %add3A_1216 = vector.broadcast %add3A_1215 : i32 to vector<16xi32>
        %add3A_1217 = arith.addi %iota3A, %add3A_1216 : vector<16xi32>
        %gather3A_1218 = tpu.vector_load_idx %arg10[%add3A_1217] : memref<16416xf32, #tpu.memory_space<vmem>>[vector<16xi32>], vector<16xf32>,
        %div3A_1219 = arith.constant 1.000000e+00 : f32
        %div3A_1220 = vector.broadcast %div3A_1219 : f32 to vector<16xf32>
        %div3A_1221 = arith.divf %div3A_1220, %get3A_1214 : vector<16xf32>
        %mul3A_1222 = arith.mulf %div3A_1221, %div3A_1221 : vector<16xf32>
        %mul3A_1223 = arith.mulf %mul3A_1222, %div3A_1221 : vector<16xf32>
        %mul3A_1224 = arith.mulf %mul3A_1223, %mul3A_1223 : vector<16xf32>
        %le3A_1225 = arith.constant 9.000000e+00 : f32
        %le3A_1226 = vector.broadcast %le3A_1225 : f32 to vector<16xf32>
        %le3A_1227 = arith.cmpf ole, %get3A_1214, %le3A_1226 : vector<16xf32>
        %jit3A_1228 = arith.constant 0.000000e+00 : f32
        %broadcast_in_dim3A_1229 = vector.broadcast %jit3A_1228 : f32 to vector<16xf32>
        %select_n3A_1230 = arith.select %le3A_1227, %gather3A_1218, %broadcast_in_dim3A_1229 : vector<16xi1>, vector<16xf32>
        %mul3A_1231 = arith.mulf %select_n3A_1230, %mul3A_1224 : vector<16xf32>
        %add3A_1232 = arith.addf %while3A_1179, %mul3A_1231 : vector<16xf32>
        %mul3A_1233 = arith.mulf %mul3A_1231, %div3A_1221 : vector<16xf32>
        %get3A_1234 = arith.constant 0 : i32
        %get3A_1235 = arith.index_cast %get3A_1234 : i32 to index
        %get3A_1236 = arith.index_cast %mul3A_1208 : i32 to index
        %get3A_1237 = tpu.vector_load %arg7[%get3A_1235, %get3A_1236] {strides = array<i32>} : memref<8x2048xf32, #tpu.memory_space<vmem>>, vector<16xf32>,
        %mul3A_1238 = arith.mulf %mul3A_1233, %get3A_1237 : vector<16xf32>
        %get3A_1239 = arith.constant 0 : i32
        %get3A_1240 = arith.index_cast %get3A_1239 : i32 to index
        %get3A_1241 = arith.index_cast %mul3A_1208 : i32 to index
        %get3A_1242 = tpu.vector_load %arg8[%get3A_1240, %get3A_1241] {strides = array<i32>} : memref<8x2048xf32, #tpu.memory_space<vmem>>, vector<16xf32>,
        %mul3A_1243 = arith.mulf %mul3A_1233, %get3A_1242 : vector<16xf32>
        %get3A_1244 = arith.constant 0 : i32
        %get3A_1245 = arith.index_cast %get3A_1244 : i32 to index
        %get3A_1246 = arith.index_cast %mul3A_1208 : i32 to index
        %get3A_1247 = tpu.vector_load %arg9[%get3A_1245, %get3A_1246] {strides = array<i32>} : memref<8x2048xf32, #tpu.memory_space<vmem>>, vector<16xf32>,
        %mul3A_1248 = arith.mulf %mul3A_1233, %get3A_1247 : vector<16xf32>
        %add3A_1249 = arith.addf %broadcast_in_dim3A_1, %mul3A_1238 : vector<16xf32>
        %add3A_1250 = arith.addf %broadcast_in_dim3A_1, %mul3A_1243 : vector<16xf32>
        %add3A_1251 = arith.addf %broadcast_in_dim3A_1, %mul3A_1248 : vector<16xf32>
        %add3A_1252 = arith.addf %while3A_1183, %mul3A_1238 : vector<16xf32>
        %add3A_1253 = arith.addf %while3A_1184, %mul3A_1243 : vector<16xf32>
        %add3A_1254 = arith.addf %while3A_1185, %mul3A_1248 : vector<16xf32>
        %add3A_1255 = arith.constant 1 : i32
        %add3A_1256 = arith.addi %mul3A_42, %add3A_1255 : i32
        %get3A_1257 = arith.constant 1 : i32
        %get3A_1258 = arith.index_cast %get3A_1257 : i32 to index
        %get3A_1259 = arith.index_cast %mul3A_1208 : i32 to index
        %get3A_1260 = tpu.vector_load %arg6[%get3A_1258, %get3A_1259] {strides = array<i32>} : memref<8x2048xf32, #tpu.memory_space<vmem>>, vector<16xf32>,
        %add3A_1261 = arith.addi %mul3A_1208, %add3A_104 : i32
        %add3A_1262 = vector.broadcast %add3A_1261 : i32 to vector<16xi32>
        %add3A_1263 = arith.addi %iota3A, %add3A_1262 : vector<16xi32>
        %gather3A_1264 = tpu.vector_load_idx %arg10[%add3A_1263] : memref<16416xf32, #tpu.memory_space<vmem>>[vector<16xi32>], vector<16xf32>,
        %div3A_1265 = arith.constant 1.000000e+00 : f32
        %div3A_1266 = vector.broadcast %div3A_1265 : f32 to vector<16xf32>
        %div3A_1267 = arith.divf %div3A_1266, %get3A_1260 : vector<16xf32>
        %mul3A_1268 = arith.mulf %div3A_1267, %div3A_1267 : vector<16xf32>
        %mul3A_1269 = arith.mulf %mul3A_1268, %div3A_1267 : vector<16xf32>
        %mul3A_1270 = arith.mulf %mul3A_1269, %mul3A_1269 : vector<16xf32>
        %le3A_1271 = arith.constant 9.000000e+00 : f32
        %le3A_1272 = vector.broadcast %le3A_1271 : f32 to vector<16xf32>
        %le3A_1273 = arith.cmpf ole, %get3A_1260, %le3A_1272 : vector<16xf32>
        %jit3A_1274 = arith.constant 0.000000e+00 : f32
        %broadcast_in_dim3A_1275 = vector.broadcast %jit3A_1274 : f32 to vector<16xf32>
        %select_n3A_1276 = arith.select %le3A_1273, %gather3A_1264, %broadcast_in_dim3A_1275 : vector<16xi1>, vector<16xf32>
        %mul3A_1277 = arith.mulf %select_n3A_1276, %mul3A_1270 : vector<16xf32>
        %add3A_1278 = arith.addf %while3A_1180, %mul3A_1277 : vector<16xf32>
        %mul3A_1279 = arith.mulf %mul3A_1277, %div3A_1267 : vector<16xf32>
        %get3A_1280 = arith.constant 1 : i32
        %get3A_1281 = arith.index_cast %get3A_1280 : i32 to index
        %get3A_1282 = arith.index_cast %mul3A_1208 : i32 to index
        %get3A_1283 = tpu.vector_load %arg7[%get3A_1281, %get3A_1282] {strides = array<i32>} : memref<8x2048xf32, #tpu.memory_space<vmem>>, vector<16xf32>,
        %mul3A_1284 = arith.mulf %mul3A_1279, %get3A_1283 : vector<16xf32>
        %get3A_1285 = arith.constant 1 : i32
        %get3A_1286 = arith.index_cast %get3A_1285 : i32 to index
        %get3A_1287 = arith.index_cast %mul3A_1208 : i32 to index
        %get3A_1288 = tpu.vector_load %arg8[%get3A_1286, %get3A_1287] {strides = array<i32>} : memref<8x2048xf32, #tpu.memory_space<vmem>>, vector<16xf32>,
        %mul3A_1289 = arith.mulf %mul3A_1279, %get3A_1288 : vector<16xf32>
        %get3A_1290 = arith.constant 1 : i32
        %get3A_1291 = arith.index_cast %get3A_1290 : i32 to index
        %get3A_1292 = arith.index_cast %mul3A_1208 : i32 to index
        %get3A_1293 = tpu.vector_load %arg9[%get3A_1291, %get3A_1292] {strides = array<i32>} : memref<8x2048xf32, #tpu.memory_space<vmem>>, vector<16xf32>,
        %mul3A_1294 = arith.mulf %mul3A_1279, %get3A_1293 : vector<16xf32>
        %add3A_1295 = arith.addf %broadcast_in_dim3A_1, %mul3A_1284 : vector<16xf32>
        %add3A_1296 = arith.addf %broadcast_in_dim3A_1, %mul3A_1289 : vector<16xf32>
        %add3A_1297 = arith.addf %broadcast_in_dim3A_1, %mul3A_1294 : vector<16xf32>
        %add3A_1298 = arith.addf %while3A_1186, %mul3A_1284 : vector<16xf32>
        %add3A_1299 = arith.addf %while3A_1187, %mul3A_1289 : vector<16xf32>
        %add3A_1300 = arith.addf %while3A_1188, %mul3A_1294 : vector<16xf32>
        %add3A_1301 = arith.constant 2 : i32
        %add3A_1302 = arith.addi %mul3A_42, %add3A_1301 : i32
        %get3A_1303 = arith.constant 2 : i32
        %get3A_1304 = arith.index_cast %get3A_1303 : i32 to index
        %get3A_1305 = arith.index_cast %mul3A_1208 : i32 to index
        %get3A_1306 = tpu.vector_load %arg6[%get3A_1304, %get3A_1305] {strides = array<i32>} : memref<8x2048xf32, #tpu.memory_space<vmem>>, vector<16xf32>,
        %add3A_1307 = arith.addi %mul3A_1208, %add3A_117 : i32
        %add3A_1308 = vector.broadcast %add3A_1307 : i32 to vector<16xi32>
        %add3A_1309 = arith.addi %iota3A, %add3A_1308 : vector<16xi32>
        %gather3A_1310 = tpu.vector_load_idx %arg10[%add3A_1309] : memref<16416xf32, #tpu.memory_space<vmem>>[vector<16xi32>], vector<16xf32>,
        %div3A_1311 = arith.constant 1.000000e+00 : f32
        %div3A_1312 = vector.broadcast %div3A_1311 : f32 to vector<16xf32>
        %div3A_1313 = arith.divf %div3A_1312, %get3A_1306 : vector<16xf32>
        %mul3A_1314 = arith.mulf %div3A_1313, %div3A_1313 : vector<16xf32>
        %mul3A_1315 = arith.mulf %mul3A_1314, %div3A_1313 : vector<16xf32>
        %mul3A_1316 = arith.mulf %mul3A_1315, %mul3A_1315 : vector<16xf32>
        %le3A_1317 = arith.constant 9.000000e+00 : f32
        %le3A_1318 = vector.broadcast %le3A_1317 : f32 to vector<16xf32>
        %le3A_1319 = arith.cmpf ole, %get3A_1306, %le3A_1318 : vector<16xf32>
        %jit3A_1320 = arith.constant 0.000000e+00 : f32
        %broadcast_in_dim3A_1321 = vector.broadcast %jit3A_1320 : f32 to vector<16xf32>
        %select_n3A_1322 = arith.select %le3A_1319, %gather3A_1310, %broadcast_in_dim3A_1321 : vector<16xi1>, vector<16xf32>
        %mul3A_1323 = arith.mulf %select_n3A_1322, %mul3A_1316 : vector<16xf32>
        %add3A_1324 = arith.addf %while3A_1181, %mul3A_1323 : vector<16xf32>
        %mul3A_1325 = arith.mulf %mul3A_1323, %div3A_1313 : vector<16xf32>
        %get3A_1326 = arith.constant 2 : i32
        %get3A_1327 = arith.index_cast %get3A_1326 : i32 to index
        %get3A_1328 = arith.index_cast %mul3A_1208 : i32 to index
        %get3A_1329 = tpu.vector_load %arg7[%get3A_1327, %get3A_1328] {strides = array<i32>} : memref<8x2048xf32, #tpu.memory_space<vmem>>, vector<16xf32>,
        %mul3A_1330 = arith.mulf %mul3A_1325, %get3A_1329 : vector<16xf32>
        %get3A_1331 = arith.constant 2 : i32
        %get3A_1332 = arith.index_cast %get3A_1331 : i32 to index
        %get3A_1333 = arith.index_cast %mul3A_1208 : i32 to index
        %get3A_1334 = tpu.vector_load %arg8[%get3A_1332, %get3A_1333] {strides = array<i32>} : memref<8x2048xf32, #tpu.memory_space<vmem>>, vector<16xf32>,
        %mul3A_1335 = arith.mulf %mul3A_1325, %get3A_1334 : vector<16xf32>
        %get3A_1336 = arith.constant 2 : i32
        %get3A_1337 = arith.index_cast %get3A_1336 : i32 to index
        %get3A_1338 = arith.index_cast %mul3A_1208 : i32 to index
        %get3A_1339 = tpu.vector_load %arg9[%get3A_1337, %get3A_1338] {strides = array<i32>} : memref<8x2048xf32, #tpu.memory_space<vmem>>, vector<16xf32>,
        %mul3A_1340 = arith.mulf %mul3A_1325, %get3A_1339 : vector<16xf32>
        %add3A_1341 = arith.addf %add3A_1249, %mul3A_1330 : vector<16xf32>
        %add3A_1342 = arith.addf %add3A_1250, %mul3A_1335 : vector<16xf32>
        %add3A_1343 = arith.addf %add3A_1251, %mul3A_1340 : vector<16xf32>
        %add3A_1344 = arith.addf %while3A_1189, %mul3A_1330 : vector<16xf32>
        %add3A_1345 = arith.addf %while3A_1190, %mul3A_1335 : vector<16xf32>
        %add3A_1346 = arith.addf %while3A_1191, %mul3A_1340 : vector<16xf32>
        %add3A_1347 = arith.constant 3 : i32
        %add3A_1348 = arith.addi %mul3A_42, %add3A_1347 : i32
        %get3A_1349 = arith.constant 3 : i32
        %get3A_1350 = arith.index_cast %get3A_1349 : i32 to index
        %get3A_1351 = arith.index_cast %mul3A_1208 : i32 to index
        %get3A_1352 = tpu.vector_load %arg6[%get3A_1350, %get3A_1351] {strides = array<i32>} : memref<8x2048xf32, #tpu.memory_space<vmem>>, vector<16xf32>,
        %add3A_1353 = arith.addi %mul3A_1208, %add3A_130 : i32
        %add3A_1354 = vector.broadcast %add3A_1353 : i32 to vector<16xi32>
        %add3A_1355 = arith.addi %iota3A, %add3A_1354 : vector<16xi32>
        %gather3A_1356 = tpu.vector_load_idx %arg10[%add3A_1355] : memref<16416xf32, #tpu.memory_space<vmem>>[vector<16xi32>], vector<16xf32>,
        %div3A_1357 = arith.constant 1.000000e+00 : f32
        %div3A_1358 = vector.broadcast %div3A_1357 : f32 to vector<16xf32>
        %div3A_1359 = arith.divf %div3A_1358, %get3A_1352 : vector<16xf32>
        %mul3A_1360 = arith.mulf %div3A_1359, %div3A_1359 : vector<16xf32>
        %mul3A_1361 = arith.mulf %mul3A_1360, %div3A_1359 : vector<16xf32>
        %mul3A_1362 = arith.mulf %mul3A_1361, %mul3A_1361 : vector<16xf32>
        %le3A_1363 = arith.constant 9.000000e+00 : f32
        %le3A_1364 = vector.broadcast %le3A_1363 : f32 to vector<16xf32>
        %le3A_1365 = arith.cmpf ole, %get3A_1352, %le3A_1364 : vector<16xf32>
        %jit3A_1366 = arith.constant 0.000000e+00 : f32
        %broadcast_in_dim3A_1367 = vector.broadcast %jit3A_1366 : f32 to vector<16xf32>
        %select_n3A_1368 = arith.select %le3A_1365, %gather3A_1356, %broadcast_in_dim3A_1367 : vector<16xi1>, vector<16xf32>
        %mul3A_1369 = arith.mulf %select_n3A_1368, %mul3A_1362 : vector<16xf32>
        %add3A_1370 = arith.addf %while3A_1182, %mul3A_1369 : vector<16xf32>
        %mul3A_1371 = arith.mulf %mul3A_1369, %div3A_1359 : vector<16xf32>
        %get3A_1372 = arith.constant 3 : i32
        %get3A_1373 = arith.index_cast %get3A_1372 : i32 to index
        %get3A_1374 = arith.index_cast %mul3A_1208 : i32 to index
        %get3A_1375 = tpu.vector_load %arg7[%get3A_1373, %get3A_1374] {strides = array<i32>} : memref<8x2048xf32, #tpu.memory_space<vmem>>, vector<16xf32>,
        %mul3A_1376 = arith.mulf %mul3A_1371, %get3A_1375 : vector<16xf32>
        %get3A_1377 = arith.constant 3 : i32
        %get3A_1378 = arith.index_cast %get3A_1377 : i32 to index
        %get3A_1379 = arith.index_cast %mul3A_1208 : i32 to index
        %get3A_1380 = tpu.vector_load %arg8[%get3A_1378, %get3A_1379] {strides = array<i32>} : memref<8x2048xf32, #tpu.memory_space<vmem>>, vector<16xf32>,
        %mul3A_1381 = arith.mulf %mul3A_1371, %get3A_1380 : vector<16xf32>
        %get3A_1382 = arith.constant 3 : i32
        %get3A_1383 = arith.index_cast %get3A_1382 : i32 to index
        %get3A_1384 = arith.index_cast %mul3A_1208 : i32 to index
        %get3A_1385 = tpu.vector_load %arg9[%get3A_1383, %get3A_1384] {strides = array<i32>} : memref<8x2048xf32, #tpu.memory_space<vmem>>, vector<16xf32>,
        %mul3A_1386 = arith.mulf %mul3A_1371, %get3A_1385 : vector<16xf32>
        %add3A_1387 = arith.addf %add3A_1295, %mul3A_1376 : vector<16xf32>
        %add3A_1388 = arith.addf %add3A_1296, %mul3A_1381 : vector<16xf32>
        %add3A_1389 = arith.addf %add3A_1297, %mul3A_1386 : vector<16xf32>
        %add3A_1390 = arith.addf %while3A_1192, %mul3A_1376 : vector<16xf32>
        %add3A_1391 = arith.addf %while3A_1193, %mul3A_1381 : vector<16xf32>
        %add3A_1392 = arith.addf %while3A_1194, %mul3A_1386 : vector<16xf32>
        %add3A_1393 = arith.constant 4 : i32
        %add3A_1394 = arith.addi %mul3A_42, %add3A_1393 : i32
        %get3A_1395 = arith.constant 4 : i32
        %get3A_1396 = arith.index_cast %get3A_1395 : i32 to index
        %get3A_1397 = arith.index_cast %mul3A_1208 : i32 to index
        %get3A_1398 = tpu.vector_load %arg6[%get3A_1396, %get3A_1397] {strides = array<i32>} : memref<8x2048xf32, #tpu.memory_space<vmem>>, vector<16xf32>,
        %add3A_1399 = arith.addi %mul3A_1208, %add3A_143 : i32
        %add3A_1400 = vector.broadcast %add3A_1399 : i32 to vector<16xi32>
        %add3A_1401 = arith.addi %iota3A, %add3A_1400 : vector<16xi32>
        %gather3A_1402 = tpu.vector_load_idx %arg10[%add3A_1401] : memref<16416xf32, #tpu.memory_space<vmem>>[vector<16xi32>], vector<16xf32>,
        %div3A_1403 = arith.constant 1.000000e+00 : f32
        %div3A_1404 = vector.broadcast %div3A_1403 : f32 to vector<16xf32>
        %div3A_1405 = arith.divf %div3A_1404, %get3A_1398 : vector<16xf32>
        %mul3A_1406 = arith.mulf %div3A_1405, %div3A_1405 : vector<16xf32>
        %mul3A_1407 = arith.mulf %mul3A_1406, %div3A_1405 : vector<16xf32>
        %mul3A_1408 = arith.mulf %mul3A_1407, %mul3A_1407 : vector<16xf32>
        %le3A_1409 = arith.constant 9.000000e+00 : f32
        %le3A_1410 = vector.broadcast %le3A_1409 : f32 to vector<16xf32>
        %le3A_1411 = arith.cmpf ole, %get3A_1398, %le3A_1410 : vector<16xf32>
        %jit3A_1412 = arith.constant 0.000000e+00 : f32
        %broadcast_in_dim3A_1413 = vector.broadcast %jit3A_1412 : f32 to vector<16xf32>
        %select_n3A_1414 = arith.select %le3A_1411, %gather3A_1402, %broadcast_in_dim3A_1413 : vector<16xi1>, vector<16xf32>
        %mul3A_1415 = arith.mulf %select_n3A_1414, %mul3A_1408 : vector<16xf32>
        %add3A_1416 = arith.addf %add3A_1232, %mul3A_1415 : vector<16xf32>
        %mul3A_1417 = arith.mulf %mul3A_1415, %div3A_1405 : vector<16xf32>
        %get3A_1418 = arith.constant 4 : i32
        %get3A_1419 = arith.index_cast %get3A_1418 : i32 to index
        %get3A_1420 = arith.index_cast %mul3A_1208 : i32 to index
        %get3A_1421 = tpu.vector_load %arg7[%get3A_1419, %get3A_1420] {strides = array<i32>} : memref<8x2048xf32, #tpu.memory_space<vmem>>, vector<16xf32>,
        %mul3A_1422 = arith.mulf %mul3A_1417, %get3A_1421 : vector<16xf32>
        %get3A_1423 = arith.constant 4 : i32
        %get3A_1424 = arith.index_cast %get3A_1423 : i32 to index
        %get3A_1425 = arith.index_cast %mul3A_1208 : i32 to index
        %get3A_1426 = tpu.vector_load %arg8[%get3A_1424, %get3A_1425] {strides = array<i32>} : memref<8x2048xf32, #tpu.memory_space<vmem>>, vector<16xf32>,
        %mul3A_1427 = arith.mulf %mul3A_1417, %get3A_1426 : vector<16xf32>
        %get3A_1428 = arith.constant 4 : i32
        %get3A_1429 = arith.index_cast %get3A_1428 : i32 to index
        %get3A_1430 = arith.index_cast %mul3A_1208 : i32 to index
        %get3A_1431 = tpu.vector_load %arg9[%get3A_1429, %get3A_1430] {strides = array<i32>} : memref<8x2048xf32, #tpu.memory_space<vmem>>, vector<16xf32>,
        %mul3A_1432 = arith.mulf %mul3A_1417, %get3A_1431 : vector<16xf32>
        %add3A_1433 = arith.addf %add3A_1341, %mul3A_1422 : vector<16xf32>
        %add3A_1434 = arith.addf %add3A_1342, %mul3A_1427 : vector<16xf32>
        %add3A_1435 = arith.addf %add3A_1343, %mul3A_1432 : vector<16xf32>
        %add3A_1436 = arith.addf %while3A_1195, %mul3A_1422 : vector<16xf32>
        %add3A_1437 = arith.addf %while3A_1196, %mul3A_1427 : vector<16xf32>
        %add3A_1438 = arith.addf %while3A_1197, %mul3A_1432 : vector<16xf32>
        %add3A_1439 = arith.constant 5 : i32
        %add3A_1440 = arith.addi %mul3A_42, %add3A_1439 : i32
        %get3A_1441 = arith.constant 5 : i32
        %get3A_1442 = arith.index_cast %get3A_1441 : i32 to index
        %get3A_1443 = arith.index_cast %mul3A_1208 : i32 to index
        %get3A_1444 = tpu.vector_load %arg6[%get3A_1442, %get3A_1443] {strides = array<i32>} : memref<8x2048xf32, #tpu.memory_space<vmem>>, vector<16xf32>,
        %add3A_1445 = arith.addi %mul3A_1208, %add3A_156 : i32
        %add3A_1446 = vector.broadcast %add3A_1445 : i32 to vector<16xi32>
        %add3A_1447 = arith.addi %iota3A, %add3A_1446 : vector<16xi32>
        %gather3A_1448 = tpu.vector_load_idx %arg10[%add3A_1447] : memref<16416xf32, #tpu.memory_space<vmem>>[vector<16xi32>], vector<16xf32>,
        %div3A_1449 = arith.constant 1.000000e+00 : f32
        %div3A_1450 = vector.broadcast %div3A_1449 : f32 to vector<16xf32>
        %div3A_1451 = arith.divf %div3A_1450, %get3A_1444 : vector<16xf32>
        %mul3A_1452 = arith.mulf %div3A_1451, %div3A_1451 : vector<16xf32>
        %mul3A_1453 = arith.mulf %mul3A_1452, %div3A_1451 : vector<16xf32>
        %mul3A_1454 = arith.mulf %mul3A_1453, %mul3A_1453 : vector<16xf32>
        %le3A_1455 = arith.constant 9.000000e+00 : f32
        %le3A_1456 = vector.broadcast %le3A_1455 : f32 to vector<16xf32>
        %le3A_1457 = arith.cmpf ole, %get3A_1444, %le3A_1456 : vector<16xf32>
        %jit3A_1458 = arith.constant 0.000000e+00 : f32
        %broadcast_in_dim3A_1459 = vector.broadcast %jit3A_1458 : f32 to vector<16xf32>
        %select_n3A_1460 = arith.select %le3A_1457, %gather3A_1448, %broadcast_in_dim3A_1459 : vector<16xi1>, vector<16xf32>
        %mul3A_1461 = arith.mulf %select_n3A_1460, %mul3A_1454 : vector<16xf32>
        %add3A_1462 = arith.addf %add3A_1278, %mul3A_1461 : vector<16xf32>
        %mul3A_1463 = arith.mulf %mul3A_1461, %div3A_1451 : vector<16xf32>
        %get3A_1464 = arith.constant 5 : i32
        %get3A_1465 = arith.index_cast %get3A_1464 : i32 to index
        %get3A_1466 = arith.index_cast %mul3A_1208 : i32 to index
        %get3A_1467 = tpu.vector_load %arg7[%get3A_1465, %get3A_1466] {strides = array<i32>} : memref<8x2048xf32, #tpu.memory_space<vmem>>, vector<16xf32>,
        %mul3A_1468 = arith.mulf %mul3A_1463, %get3A_1467 : vector<16xf32>
        %get3A_1469 = arith.constant 5 : i32
        %get3A_1470 = arith.index_cast %get3A_1469 : i32 to index
        %get3A_1471 = arith.index_cast %mul3A_1208 : i32 to index
        %get3A_1472 = tpu.vector_load %arg8[%get3A_1470, %get3A_1471] {strides = array<i32>} : memref<8x2048xf32, #tpu.memory_space<vmem>>, vector<16xf32>,
        %mul3A_1473 = arith.mulf %mul3A_1463, %get3A_1472 : vector<16xf32>
        %get3A_1474 = arith.constant 5 : i32
        %get3A_1475 = arith.index_cast %get3A_1474 : i32 to index
        %get3A_1476 = arith.index_cast %mul3A_1208 : i32 to index
        %get3A_1477 = tpu.vector_load %arg9[%get3A_1475, %get3A_1476] {strides = array<i32>} : memref<8x2048xf32, #tpu.memory_space<vmem>>, vector<16xf32>,
        %mul3A_1478 = arith.mulf %mul3A_1463, %get3A_1477 : vector<16xf32>
        %add3A_1479 = arith.addf %add3A_1387, %mul3A_1468 : vector<16xf32>
        %add3A_1480 = arith.addf %add3A_1388, %mul3A_1473 : vector<16xf32>
        %add3A_1481 = arith.addf %add3A_1389, %mul3A_1478 : vector<16xf32>
        %add3A_1482 = arith.addf %while3A_1198, %mul3A_1468 : vector<16xf32>
        %add3A_1483 = arith.addf %while3A_1199, %mul3A_1473 : vector<16xf32>
        %add3A_1484 = arith.addf %while3A_1200, %mul3A_1478 : vector<16xf32>
        %add3A_1485 = arith.constant 6 : i32
        %add3A_1486 = arith.addi %mul3A_42, %add3A_1485 : i32
        %get3A_1487 = arith.constant 6 : i32
        %get3A_1488 = arith.index_cast %get3A_1487 : i32 to index
        %get3A_1489 = arith.index_cast %mul3A_1208 : i32 to index
        %get3A_1490 = tpu.vector_load %arg6[%get3A_1488, %get3A_1489] {strides = array<i32>} : memref<8x2048xf32, #tpu.memory_space<vmem>>, vector<16xf32>,
        %add3A_1491 = arith.addi %mul3A_1208, %add3A_169 : i32
        %add3A_1492 = vector.broadcast %add3A_1491 : i32 to vector<16xi32>
        %add3A_1493 = arith.addi %iota3A, %add3A_1492 : vector<16xi32>
        %gather3A_1494 = tpu.vector_load_idx %arg10[%add3A_1493] : memref<16416xf32, #tpu.memory_space<vmem>>[vector<16xi32>], vector<16xf32>,
        %div3A_1495 = arith.constant 1.000000e+00 : f32
        %div3A_1496 = vector.broadcast %div3A_1495 : f32 to vector<16xf32>
        %div3A_1497 = arith.divf %div3A_1496, %get3A_1490 : vector<16xf32>
        %mul3A_1498 = arith.mulf %div3A_1497, %div3A_1497 : vector<16xf32>
        %mul3A_1499 = arith.mulf %mul3A_1498, %div3A_1497 : vector<16xf32>
        %mul3A_1500 = arith.mulf %mul3A_1499, %mul3A_1499 : vector<16xf32>
        %le3A_1501 = arith.constant 9.000000e+00 : f32
        %le3A_1502 = vector.broadcast %le3A_1501 : f32 to vector<16xf32>
        %le3A_1503 = arith.cmpf ole, %get3A_1490, %le3A_1502 : vector<16xf32>
        %jit3A_1504 = arith.constant 0.000000e+00 : f32
        %broadcast_in_dim3A_1505 = vector.broadcast %jit3A_1504 : f32 to vector<16xf32>
        %select_n3A_1506 = arith.select %le3A_1503, %gather3A_1494, %broadcast_in_dim3A_1505 : vector<16xi1>, vector<16xf32>
        %mul3A_1507 = arith.mulf %select_n3A_1506, %mul3A_1500 : vector<16xf32>
        %add3A_1508 = arith.addf %add3A_1324, %mul3A_1507 : vector<16xf32>
        %mul3A_1509 = arith.mulf %mul3A_1507, %div3A_1497 : vector<16xf32>
        %get3A_1510 = arith.constant 6 : i32
        %get3A_1511 = arith.index_cast %get3A_1510 : i32 to index
        %get3A_1512 = arith.index_cast %mul3A_1208 : i32 to index
        %get3A_1513 = tpu.vector_load %arg7[%get3A_1511, %get3A_1512] {strides = array<i32>} : memref<8x2048xf32, #tpu.memory_space<vmem>>, vector<16xf32>,
        %mul3A_1514 = arith.mulf %mul3A_1509, %get3A_1513 : vector<16xf32>
        %get3A_1515 = arith.constant 6 : i32
        %get3A_1516 = arith.index_cast %get3A_1515 : i32 to index
        %get3A_1517 = arith.index_cast %mul3A_1208 : i32 to index
        %get3A_1518 = tpu.vector_load %arg8[%get3A_1516, %get3A_1517] {strides = array<i32>} : memref<8x2048xf32, #tpu.memory_space<vmem>>, vector<16xf32>,
        %mul3A_1519 = arith.mulf %mul3A_1509, %get3A_1518 : vector<16xf32>
        %get3A_1520 = arith.constant 6 : i32
        %get3A_1521 = arith.index_cast %get3A_1520 : i32 to index
        %get3A_1522 = arith.index_cast %mul3A_1208 : i32 to index
        %get3A_1523 = tpu.vector_load %arg9[%get3A_1521, %get3A_1522] {strides = array<i32>} : memref<8x2048xf32, #tpu.memory_space<vmem>>, vector<16xf32>,
        %mul3A_1524 = arith.mulf %mul3A_1509, %get3A_1523 : vector<16xf32>
        %add3A_1525 = arith.addf %add3A_1433, %mul3A_1514 : vector<16xf32>
        %add3A_1526 = arith.addf %add3A_1434, %mul3A_1519 : vector<16xf32>
        %add3A_1527 = arith.addf %add3A_1435, %mul3A_1524 : vector<16xf32>
        %add3A_1528 = arith.addf %while3A_1201, %mul3A_1514 : vector<16xf32>
        %add3A_1529 = arith.addf %while3A_1202, %mul3A_1519 : vector<16xf32>
        %add3A_1530 = arith.addf %while3A_1203, %mul3A_1524 : vector<16xf32>
        %add3A_1531 = arith.constant 7 : i32
        %add3A_1532 = arith.addi %mul3A_42, %add3A_1531 : i32
        %get3A_1533 = arith.constant 7 : i32
        %get3A_1534 = arith.index_cast %get3A_1533 : i32 to index
        %get3A_1535 = arith.index_cast %mul3A_1208 : i32 to index
        %get3A_1536 = tpu.vector_load %arg6[%get3A_1534, %get3A_1535] {strides = array<i32>} : memref<8x2048xf32, #tpu.memory_space<vmem>>, vector<16xf32>,
        %add3A_1537 = arith.addi %mul3A_1208, %add3A_182 : i32
        %add3A_1538 = vector.broadcast %add3A_1537 : i32 to vector<16xi32>
        %add3A_1539 = arith.addi %iota3A, %add3A_1538 : vector<16xi32>
        %gather3A_1540 = tpu.vector_load_idx %arg10[%add3A_1539] : memref<16416xf32, #tpu.memory_space<vmem>>[vector<16xi32>], vector<16xf32>,
        %div3A_1541 = arith.constant 1.000000e+00 : f32
        %div3A_1542 = vector.broadcast %div3A_1541 : f32 to vector<16xf32>
        %div3A_1543 = arith.divf %div3A_1542, %get3A_1536 : vector<16xf32>
        %mul3A_1544 = arith.mulf %div3A_1543, %div3A_1543 : vector<16xf32>
        %mul3A_1545 = arith.mulf %mul3A_1544, %div3A_1543 : vector<16xf32>
        %mul3A_1546 = arith.mulf %mul3A_1545, %mul3A_1545 : vector<16xf32>
        %le3A_1547 = arith.constant 9.000000e+00 : f32
        %le3A_1548 = vector.broadcast %le3A_1547 : f32 to vector<16xf32>
        %le3A_1549 = arith.cmpf ole, %get3A_1536, %le3A_1548 : vector<16xf32>
        %jit3A_1550 = arith.constant 0.000000e+00 : f32
        %broadcast_in_dim3A_1551 = vector.broadcast %jit3A_1550 : f32 to vector<16xf32>
        %select_n3A_1552 = arith.select %le3A_1549, %gather3A_1540, %broadcast_in_dim3A_1551 : vector<16xi1>, vector<16xf32>
        %mul3A_1553 = arith.mulf %select_n3A_1552, %mul3A_1546 : vector<16xf32>
        %add3A_1554 = arith.addf %add3A_1370, %mul3A_1553 : vector<16xf32>
        %mul3A_1555 = arith.mulf %mul3A_1553, %div3A_1543 : vector<16xf32>
        %get3A_1556 = arith.constant 7 : i32
        %get3A_1557 = arith.index_cast %get3A_1556 : i32 to index
        %get3A_1558 = arith.index_cast %mul3A_1208 : i32 to index
        %get3A_1559 = tpu.vector_load %arg7[%get3A_1557, %get3A_1558] {strides = array<i32>} : memref<8x2048xf32, #tpu.memory_space<vmem>>, vector<16xf32>,
        %mul3A_1560 = arith.mulf %mul3A_1555, %get3A_1559 : vector<16xf32>
        %get3A_1561 = arith.constant 7 : i32
        %get3A_1562 = arith.index_cast %get3A_1561 : i32 to index
        %get3A_1563 = arith.index_cast %mul3A_1208 : i32 to index
        %get3A_1564 = tpu.vector_load %arg8[%get3A_1562, %get3A_1563] {strides = array<i32>} : memref<8x2048xf32, #tpu.memory_space<vmem>>, vector<16xf32>,
        %mul3A_1565 = arith.mulf %mul3A_1555, %get3A_1564 : vector<16xf32>
        %get3A_1566 = arith.constant 7 : i32
        %get3A_1567 = arith.index_cast %get3A_1566 : i32 to index
        %get3A_1568 = arith.index_cast %mul3A_1208 : i32 to index
        %get3A_1569 = tpu.vector_load %arg9[%get3A_1567, %get3A_1568] {strides = array<i32>} : memref<8x2048xf32, #tpu.memory_space<vmem>>, vector<16xf32>,
        %mul3A_1570 = arith.mulf %mul3A_1555, %get3A_1569 : vector<16xf32>
        %add3A_1571 = arith.addf %add3A_1479, %mul3A_1560 : vector<16xf32>
        %add3A_1572 = arith.addf %add3A_1480, %mul3A_1565 : vector<16xf32>
        %add3A_1573 = arith.addf %add3A_1481, %mul3A_1570 : vector<16xf32>
        %add3A_1574 = arith.addf %while3A_1204, %mul3A_1560 : vector<16xf32>
        %add3A_1575 = arith.addf %while3A_1205, %mul3A_1565 : vector<16xf32>
        %add3A_1576 = arith.addf %while3A_1206, %mul3A_1570 : vector<16xf32>
        %shift_right_arithmetic3A_1577 = arith.constant 3 : i32
        %shift_right_arithmetic3A_1578 = arith.shrsi %while3A_1178, %shift_right_arithmetic3A_1577 : i32
        %and3A_1579 = arith.constant 7 : i32
        %and3A_1580 = arith.andi %while3A_1178, %and3A_1579 : i32
        %mul3A_1581 = arith.constant 16 : i32
        %mul3A_1582 = arith.muli %and3A_1580, %mul3A_1581 : i32
        %get3A_1583 = arith.index_cast %shift_right_arithmetic3A_1578 : i32 to index
        %get3A_1584 = arith.index_cast %mul3A_1582 : i32 to index
        %get3A_1585 = tpu.vector_load %arg11[%get3A_1583, %get3A_1584] {strides = array<i32>} : memref<64x128xf32, #tpu.memory_space<vmem>>, vector<16xf32>,
        %add3A_1586 = arith.addf %add3A_1525, %add3A_1571 : vector<16xf32>
        %sub3A_1587 = arith.subf %get3A_1585, %add3A_1586 : vector<16xf32>
        %swap3A_1588 = arith.index_cast %shift_right_arithmetic3A_1578 : i32 to index
        %swap3A_1589 = arith.index_cast %mul3A_1582 : i32 to index
        %swap3A_1590 = tpu.vector_load %arg11[%swap3A_1588, %swap3A_1589] {strides = array<i32>} : memref<64x128xf32, #tpu.memory_space<vmem>>, vector<16xf32>,
        tpu.vector_store %arg11[%swap3A_1588, %swap3A_1589], %sub3A_1587 {strides = array<i32>} : memref<64x128xf32, #tpu.memory_space<vmem>>, vector<16xf32>,
        %add3A_1591 = arith.constant 16 : i32
        %add3A_1592 = arith.addi %add3A_1591, %shift_right_arithmetic3A_1578 : i32
        %get3A_1593 = arith.index_cast %add3A_1592 : i32 to index
        %get3A_1594 = arith.index_cast %mul3A_1582 : i32 to index
        %get3A_1595 = tpu.vector_load %arg11[%get3A_1593, %get3A_1594] {strides = array<i32>} : memref<64x128xf32, #tpu.memory_space<vmem>>, vector<16xf32>,
        %add3A_1596 = arith.addf %add3A_1526, %add3A_1572 : vector<16xf32>
        %sub3A_1597 = arith.subf %get3A_1595, %add3A_1596 : vector<16xf32>
        %add3A_1598 = arith.constant 16 : i32
        %add3A_1599 = arith.addi %add3A_1598, %shift_right_arithmetic3A_1578 : i32
        %swap3A_1600 = arith.index_cast %add3A_1599 : i32 to index
        %swap3A_1601 = arith.index_cast %mul3A_1582 : i32 to index
        %swap3A_1602 = tpu.vector_load %arg11[%swap3A_1600, %swap3A_1601] {strides = array<i32>} : memref<64x128xf32, #tpu.memory_space<vmem>>, vector<16xf32>,
        tpu.vector_store %arg11[%swap3A_1600, %swap3A_1601], %sub3A_1597 {strides = array<i32>} : memref<64x128xf32, #tpu.memory_space<vmem>>, vector<16xf32>,
        %add3A_1603 = arith.constant 32 : i32
        %add3A_1604 = arith.addi %add3A_1603, %shift_right_arithmetic3A_1578 : i32
        %get3A_1605 = arith.index_cast %add3A_1604 : i32 to index
        %get3A_1606 = arith.index_cast %mul3A_1582 : i32 to index
        %get3A_1607 = tpu.vector_load %arg11[%get3A_1605, %get3A_1606] {strides = array<i32>} : memref<64x128xf32, #tpu.memory_space<vmem>>, vector<16xf32>,
        %add3A_1608 = arith.addf %add3A_1527, %add3A_1573 : vector<16xf32>
        %sub3A_1609 = arith.subf %get3A_1607, %add3A_1608 : vector<16xf32>
        %add3A_1610 = arith.constant 32 : i32
        %add3A_1611 = arith.addi %add3A_1610, %shift_right_arithmetic3A_1578 : i32
        %swap3A_1612 = arith.index_cast %add3A_1611 : i32 to index
        %swap3A_1613 = arith.index_cast %mul3A_1582 : i32 to index
        %swap3A_1614 = tpu.vector_load %arg11[%swap3A_1612, %swap3A_1613] {strides = array<i32>} : memref<64x128xf32, #tpu.memory_space<vmem>>, vector<16xf32>,
        tpu.vector_store %arg11[%swap3A_1612, %swap3A_1613], %sub3A_1609 {strides = array<i32>} : memref<64x128xf32, #tpu.memory_space<vmem>>, vector<16xf32>,
        scf.yield %add3A_1416, %add3A_1462, %add3A_1508, %add3A_1554, %add3A_1252, %add3A_1253, %add3A_1254, %add3A_1298, %add3A_1299, %add3A_1300, %add3A_1344, %add3A_1345, %add3A_1346, %add3A_1390, %add3A_1391, %add3A_1392, %add3A_1436, %add3A_1437, %add3A_1438, %add3A_1482, %add3A_1483, %add3A_1484, %add3A_1528, %add3A_1529, %add3A_1530, %add3A_1574, %add3A_1575, %add3A_1576 : vector<16xf32>, vector<16xf32>, vector<16xf32>, vector<16xf32>, vector<16xf32>, vector<16xf32>, vector<16xf32>, vector<16xf32>, vector<16xf32>, vector<16xf32>, vector<16xf32>, vector<16xf32>, vector<16xf32>, vector<16xf32>, vector<16xf32>, vector<16xf32>, vector<16xf32>, vector<16xf32>, vector<16xf32>, vector<16xf32>, vector<16xf32>, vector<16xf32>, vector<16xf32>, vector<16xf32>, vector<16xf32>, vector<16xf32>, vector<16xf32>, vector<16xf32>
      }
      %while3A_641 = arith.constant 1 : i32
      %while3A_642:28 = scf.for %while3A_1178 = %while3A_638 to %while3A_634 step %while3A_641 iter_args(%while3A_1179 = %while3A_640#0, %while3A_1180 = %while3A_640#1, %while3A_1181 = %while3A_640#2, %while3A_1182 = %while3A_640#3, %while3A_1183 = %while3A_640#4, %while3A_1184 = %while3A_640#5, %while3A_1185 = %while3A_640#6, %while3A_1186 = %while3A_640#7, %while3A_1187 = %while3A_640#8, %while3A_1188 = %while3A_640#9, %while3A_1189 = %while3A_640#10, %while3A_1190 = %while3A_640#11, %while3A_1191 = %while3A_640#12, %while3A_1192 = %while3A_640#13, %while3A_1193 = %while3A_640#14, %while3A_1194 = %while3A_640#15, %while3A_1195 = %while3A_640#16, %while3A_1196 = %while3A_640#17, %while3A_1197 = %while3A_640#18, %while3A_1198 = %while3A_640#19, %while3A_1199 = %while3A_640#20, %while3A_1200 = %while3A_640#21, %while3A_1201 = %while3A_640#22, %while3A_1202 = %while3A_640#23, %while3A_1203 = %while3A_640#24, %while3A_1204 = %while3A_640#25, %while3A_1205 = %while3A_640#26, %while3A_1206 = %while3A_640#27) -> (vector<16xf32>, vector<16xf32>, vector<16xf32>, vector<16xf32>, vector<16xf32>, vector<16xf32>, vector<16xf32>, vector<16xf32>, vector<16xf32>, vector<16xf32>, vector<16xf32>, vector<16xf32>, vector<16xf32>, vector<16xf32>, vector<16xf32>, vector<16xf32>, vector<16xf32>, vector<16xf32>, vector<16xf32>, vector<16xf32>, vector<16xf32>, vector<16xf32>, vector<16xf32>, vector<16xf32>, vector<16xf32>, vector<16xf32>, vector<16xf32>, vector<16xf32>)  : i32 {
        %mul3A_1207 = arith.constant 16 : i32
        %mul3A_1208 = arith.muli %while3A_1178, %mul3A_1207 : i32
        %add3A_1209 = arith.constant 0 : i32
        %add3A_1210 = arith.addi %mul3A_42, %add3A_1209 : i32
        %get3A_1211 = arith.constant 0 : i32
        %get3A_1212 = arith.index_cast %get3A_1211 : i32 to index
        %get3A_1213 = arith.index_cast %mul3A_1208 : i32 to index
        %get3A_1214 = tpu.vector_load %arg6[%get3A_1212, %get3A_1213] {strides = array<i32>} : memref<8x2048xf32, #tpu.memory_space<vmem>>, vector<16xf32>,
        %add3A_1215 = arith.addi %mul3A_1208, %add3A_91 : i32
        %add3A_1216 = vector.broadcast %add3A_1215 : i32 to vector<16xi32>
        %add3A_1217 = arith.addi %iota3A, %add3A_1216 : vector<16xi32>
        %gather3A_1218 = tpu.vector_load_idx %arg10[%add3A_1217] : memref<16416xf32, #tpu.memory_space<vmem>>[vector<16xi32>], vector<16xf32>,
        %div3A_1219 = arith.constant 1.000000e+00 : f32
        %div3A_1220 = vector.broadcast %div3A_1219 : f32 to vector<16xf32>
        %div3A_1221 = arith.divf %div3A_1220, %get3A_1214 : vector<16xf32>
        %mul3A_1222 = arith.mulf %div3A_1221, %div3A_1221 : vector<16xf32>
        %mul3A_1223 = arith.mulf %mul3A_1222, %div3A_1221 : vector<16xf32>
        %mul3A_1224 = arith.mulf %mul3A_1223, %mul3A_1223 : vector<16xf32>
        %le3A_1225 = arith.constant 9.000000e+00 : f32
        %le3A_1226 = vector.broadcast %le3A_1225 : f32 to vector<16xf32>
        %le3A_1227 = arith.cmpf ole, %get3A_1214, %le3A_1226 : vector<16xf32>
        %jit3A_1228 = arith.constant 0.000000e+00 : f32
        %broadcast_in_dim3A_1229 = vector.broadcast %jit3A_1228 : f32 to vector<16xf32>
        %select_n3A_1230 = arith.select %le3A_1227, %gather3A_1218, %broadcast_in_dim3A_1229 : vector<16xi1>, vector<16xf32>
        %mul3A_1231 = arith.mulf %select_n3A_1230, %mul3A_1224 : vector<16xf32>
        %add3A_1232 = arith.addf %while3A_1179, %mul3A_1231 : vector<16xf32>
        %mul3A_1233 = arith.mulf %mul3A_1231, %div3A_1221 : vector<16xf32>
        %get3A_1234 = arith.constant 0 : i32
        %get3A_1235 = arith.index_cast %get3A_1234 : i32 to index
        %get3A_1236 = arith.index_cast %mul3A_1208 : i32 to index
        %get3A_1237 = tpu.vector_load %arg7[%get3A_1235, %get3A_1236] {strides = array<i32>} : memref<8x2048xf32, #tpu.memory_space<vmem>>, vector<16xf32>,
        %mul3A_1238 = arith.mulf %mul3A_1233, %get3A_1237 : vector<16xf32>
        %get3A_1239 = arith.constant 0 : i32
        %get3A_1240 = arith.index_cast %get3A_1239 : i32 to index
        %get3A_1241 = arith.index_cast %mul3A_1208 : i32 to index
        %get3A_1242 = tpu.vector_load %arg8[%get3A_1240, %get3A_1241] {strides = array<i32>} : memref<8x2048xf32, #tpu.memory_space<vmem>>, vector<16xf32>,
        %mul3A_1243 = arith.mulf %mul3A_1233, %get3A_1242 : vector<16xf32>
        %get3A_1244 = arith.constant 0 : i32
        %get3A_1245 = arith.index_cast %get3A_1244 : i32 to index
        %get3A_1246 = arith.index_cast %mul3A_1208 : i32 to index
        %get3A_1247 = tpu.vector_load %arg9[%get3A_1245, %get3A_1246] {strides = array<i32>} : memref<8x2048xf32, #tpu.memory_space<vmem>>, vector<16xf32>,
        %mul3A_1248 = arith.mulf %mul3A_1233, %get3A_1247 : vector<16xf32>
        %add3A_1249 = arith.addf %broadcast_in_dim3A_1, %mul3A_1238 : vector<16xf32>
        %add3A_1250 = arith.addf %broadcast_in_dim3A_1, %mul3A_1243 : vector<16xf32>
        %add3A_1251 = arith.addf %broadcast_in_dim3A_1, %mul3A_1248 : vector<16xf32>
        %add3A_1252 = arith.addf %while3A_1183, %mul3A_1238 : vector<16xf32>
        %add3A_1253 = arith.addf %while3A_1184, %mul3A_1243 : vector<16xf32>
        %add3A_1254 = arith.addf %while3A_1185, %mul3A_1248 : vector<16xf32>
        %add3A_1255 = arith.constant 1 : i32
        %add3A_1256 = arith.addi %mul3A_42, %add3A_1255 : i32
        %get3A_1257 = arith.constant 1 : i32
        %get3A_1258 = arith.index_cast %get3A_1257 : i32 to index
        %get3A_1259 = arith.index_cast %mul3A_1208 : i32 to index
        %get3A_1260 = tpu.vector_load %arg6[%get3A_1258, %get3A_1259] {strides = array<i32>} : memref<8x2048xf32, #tpu.memory_space<vmem>>, vector<16xf32>,
        %add3A_1261 = arith.addi %mul3A_1208, %add3A_104 : i32
        %add3A_1262 = vector.broadcast %add3A_1261 : i32 to vector<16xi32>
        %add3A_1263 = arith.addi %iota3A, %add3A_1262 : vector<16xi32>
        %gather3A_1264 = tpu.vector_load_idx %arg10[%add3A_1263] : memref<16416xf32, #tpu.memory_space<vmem>>[vector<16xi32>], vector<16xf32>,
        %div3A_1265 = arith.constant 1.000000e+00 : f32
        %div3A_1266 = vector.broadcast %div3A_1265 : f32 to vector<16xf32>
        %div3A_1267 = arith.divf %div3A_1266, %get3A_1260 : vector<16xf32>
        %mul3A_1268 = arith.mulf %div3A_1267, %div3A_1267 : vector<16xf32>
        %mul3A_1269 = arith.mulf %mul3A_1268, %div3A_1267 : vector<16xf32>
        %mul3A_1270 = arith.mulf %mul3A_1269, %mul3A_1269 : vector<16xf32>
        %le3A_1271 = arith.constant 9.000000e+00 : f32
        %le3A_1272 = vector.broadcast %le3A_1271 : f32 to vector<16xf32>
        %le3A_1273 = arith.cmpf ole, %get3A_1260, %le3A_1272 : vector<16xf32>
        %jit3A_1274 = arith.constant 0.000000e+00 : f32
        %broadcast_in_dim3A_1275 = vector.broadcast %jit3A_1274 : f32 to vector<16xf32>
        %select_n3A_1276 = arith.select %le3A_1273, %gather3A_1264, %broadcast_in_dim3A_1275 : vector<16xi1>, vector<16xf32>
        %mul3A_1277 = arith.mulf %select_n3A_1276, %mul3A_1270 : vector<16xf32>
        %add3A_1278 = arith.addf %while3A_1180, %mul3A_1277 : vector<16xf32>
        %mul3A_1279 = arith.mulf %mul3A_1277, %div3A_1267 : vector<16xf32>
        %get3A_1280 = arith.constant 1 : i32
        %get3A_1281 = arith.index_cast %get3A_1280 : i32 to index
        %get3A_1282 = arith.index_cast %mul3A_1208 : i32 to index
        %get3A_1283 = tpu.vector_load %arg7[%get3A_1281, %get3A_1282] {strides = array<i32>} : memref<8x2048xf32, #tpu.memory_space<vmem>>, vector<16xf32>,
        %mul3A_1284 = arith.mulf %mul3A_1279, %get3A_1283 : vector<16xf32>
        %get3A_1285 = arith.constant 1 : i32
        %get3A_1286 = arith.index_cast %get3A_1285 : i32 to index
        %get3A_1287 = arith.index_cast %mul3A_1208 : i32 to index
        %get3A_1288 = tpu.vector_load %arg8[%get3A_1286, %get3A_1287] {strides = array<i32>} : memref<8x2048xf32, #tpu.memory_space<vmem>>, vector<16xf32>,
        %mul3A_1289 = arith.mulf %mul3A_1279, %get3A_1288 : vector<16xf32>
        %get3A_1290 = arith.constant 1 : i32
        %get3A_1291 = arith.index_cast %get3A_1290 : i32 to index
        %get3A_1292 = arith.index_cast %mul3A_1208 : i32 to index
        %get3A_1293 = tpu.vector_load %arg9[%get3A_1291, %get3A_1292] {strides = array<i32>} : memref<8x2048xf32, #tpu.memory_space<vmem>>, vector<16xf32>,
        %mul3A_1294 = arith.mulf %mul3A_1279, %get3A_1293 : vector<16xf32>
        %add3A_1295 = arith.addf %broadcast_in_dim3A_1, %mul3A_1284 : vector<16xf32>
        %add3A_1296 = arith.addf %broadcast_in_dim3A_1, %mul3A_1289 : vector<16xf32>
        %add3A_1297 = arith.addf %broadcast_in_dim3A_1, %mul3A_1294 : vector<16xf32>
        %add3A_1298 = arith.addf %while3A_1186, %mul3A_1284 : vector<16xf32>
        %add3A_1299 = arith.addf %while3A_1187, %mul3A_1289 : vector<16xf32>
        %add3A_1300 = arith.addf %while3A_1188, %mul3A_1294 : vector<16xf32>
        %add3A_1301 = arith.constant 2 : i32
        %add3A_1302 = arith.addi %mul3A_42, %add3A_1301 : i32
        %get3A_1303 = arith.constant 2 : i32
        %get3A_1304 = arith.index_cast %get3A_1303 : i32 to index
        %get3A_1305 = arith.index_cast %mul3A_1208 : i32 to index
        %get3A_1306 = tpu.vector_load %arg6[%get3A_1304, %get3A_1305] {strides = array<i32>} : memref<8x2048xf32, #tpu.memory_space<vmem>>, vector<16xf32>,
        %add3A_1307 = arith.addi %mul3A_1208, %add3A_117 : i32
        %add3A_1308 = vector.broadcast %add3A_1307 : i32 to vector<16xi32>
        %add3A_1309 = arith.addi %iota3A, %add3A_1308 : vector<16xi32>
        %gather3A_1310 = tpu.vector_load_idx %arg10[%add3A_1309] : memref<16416xf32, #tpu.memory_space<vmem>>[vector<16xi32>], vector<16xf32>,
        %div3A_1311 = arith.constant 1.000000e+00 : f32
        %div3A_1312 = vector.broadcast %div3A_1311 : f32 to vector<16xf32>
        %div3A_1313 = arith.divf %div3A_1312, %get3A_1306 : vector<16xf32>
        %mul3A_1314 = arith.mulf %div3A_1313, %div3A_1313 : vector<16xf32>
        %mul3A_1315 = arith.mulf %mul3A_1314, %div3A_1313 : vector<16xf32>
        %mul3A_1316 = arith.mulf %mul3A_1315, %mul3A_1315 : vector<16xf32>
        %le3A_1317 = arith.constant 9.000000e+00 : f32
        %le3A_1318 = vector.broadcast %le3A_1317 : f32 to vector<16xf32>
        %le3A_1319 = arith.cmpf ole, %get3A_1306, %le3A_1318 : vector<16xf32>
        %jit3A_1320 = arith.constant 0.000000e+00 : f32
        %broadcast_in_dim3A_1321 = vector.broadcast %jit3A_1320 : f32 to vector<16xf32>
        %select_n3A_1322 = arith.select %le3A_1319, %gather3A_1310, %broadcast_in_dim3A_1321 : vector<16xi1>, vector<16xf32>
        %mul3A_1323 = arith.mulf %select_n3A_1322, %mul3A_1316 : vector<16xf32>
        %add3A_1324 = arith.addf %while3A_1181, %mul3A_1323 : vector<16xf32>
        %mul3A_1325 = arith.mulf %mul3A_1323, %div3A_1313 : vector<16xf32>
        %get3A_1326 = arith.constant 2 : i32
        %get3A_1327 = arith.index_cast %get3A_1326 : i32 to index
        %get3A_1328 = arith.index_cast %mul3A_1208 : i32 to index
        %get3A_1329 = tpu.vector_load %arg7[%get3A_1327, %get3A_1328] {strides = array<i32>} : memref<8x2048xf32, #tpu.memory_space<vmem>>, vector<16xf32>,
        %mul3A_1330 = arith.mulf %mul3A_1325, %get3A_1329 : vector<16xf32>
        %get3A_1331 = arith.constant 2 : i32
        %get3A_1332 = arith.index_cast %get3A_1331 : i32 to index
        %get3A_1333 = arith.index_cast %mul3A_1208 : i32 to index
        %get3A_1334 = tpu.vector_load %arg8[%get3A_1332, %get3A_1333] {strides = array<i32>} : memref<8x2048xf32, #tpu.memory_space<vmem>>, vector<16xf32>,
        %mul3A_1335 = arith.mulf %mul3A_1325, %get3A_1334 : vector<16xf32>
        %get3A_1336 = arith.constant 2 : i32
        %get3A_1337 = arith.index_cast %get3A_1336 : i32 to index
        %get3A_1338 = arith.index_cast %mul3A_1208 : i32 to index
        %get3A_1339 = tpu.vector_load %arg9[%get3A_1337, %get3A_1338] {strides = array<i32>} : memref<8x2048xf32, #tpu.memory_space<vmem>>, vector<16xf32>,
        %mul3A_1340 = arith.mulf %mul3A_1325, %get3A_1339 : vector<16xf32>
        %add3A_1341 = arith.addf %add3A_1249, %mul3A_1330 : vector<16xf32>
        %add3A_1342 = arith.addf %add3A_1250, %mul3A_1335 : vector<16xf32>
        %add3A_1343 = arith.addf %add3A_1251, %mul3A_1340 : vector<16xf32>
        %add3A_1344 = arith.addf %while3A_1189, %mul3A_1330 : vector<16xf32>
        %add3A_1345 = arith.addf %while3A_1190, %mul3A_1335 : vector<16xf32>
        %add3A_1346 = arith.addf %while3A_1191, %mul3A_1340 : vector<16xf32>
        %add3A_1347 = arith.constant 3 : i32
        %add3A_1348 = arith.addi %mul3A_42, %add3A_1347 : i32
        %get3A_1349 = arith.constant 3 : i32
        %get3A_1350 = arith.index_cast %get3A_1349 : i32 to index
        %get3A_1351 = arith.index_cast %mul3A_1208 : i32 to index
        %get3A_1352 = tpu.vector_load %arg6[%get3A_1350, %get3A_1351] {strides = array<i32>} : memref<8x2048xf32, #tpu.memory_space<vmem>>, vector<16xf32>,
        %add3A_1353 = arith.addi %mul3A_1208, %add3A_130 : i32
        %add3A_1354 = vector.broadcast %add3A_1353 : i32 to vector<16xi32>
        %add3A_1355 = arith.addi %iota3A, %add3A_1354 : vector<16xi32>
        %gather3A_1356 = tpu.vector_load_idx %arg10[%add3A_1355] : memref<16416xf32, #tpu.memory_space<vmem>>[vector<16xi32>], vector<16xf32>,
        %div3A_1357 = arith.constant 1.000000e+00 : f32
        %div3A_1358 = vector.broadcast %div3A_1357 : f32 to vector<16xf32>
        %div3A_1359 = arith.divf %div3A_1358, %get3A_1352 : vector<16xf32>
        %mul3A_1360 = arith.mulf %div3A_1359, %div3A_1359 : vector<16xf32>
        %mul3A_1361 = arith.mulf %mul3A_1360, %div3A_1359 : vector<16xf32>
        %mul3A_1362 = arith.mulf %mul3A_1361, %mul3A_1361 : vector<16xf32>
        %le3A_1363 = arith.constant 9.000000e+00 : f32
        %le3A_1364 = vector.broadcast %le3A_1363 : f32 to vector<16xf32>
        %le3A_1365 = arith.cmpf ole, %get3A_1352, %le3A_1364 : vector<16xf32>
        %jit3A_1366 = arith.constant 0.000000e+00 : f32
        %broadcast_in_dim3A_1367 = vector.broadcast %jit3A_1366 : f32 to vector<16xf32>
        %select_n3A_1368 = arith.select %le3A_1365, %gather3A_1356, %broadcast_in_dim3A_1367 : vector<16xi1>, vector<16xf32>
        %mul3A_1369 = arith.mulf %select_n3A_1368, %mul3A_1362 : vector<16xf32>
        %add3A_1370 = arith.addf %while3A_1182, %mul3A_1369 : vector<16xf32>
        %mul3A_1371 = arith.mulf %mul3A_1369, %div3A_1359 : vector<16xf32>
        %get3A_1372 = arith.constant 3 : i32
        %get3A_1373 = arith.index_cast %get3A_1372 : i32 to index
        %get3A_1374 = arith.index_cast %mul3A_1208 : i32 to index
        %get3A_1375 = tpu.vector_load %arg7[%get3A_1373, %get3A_1374] {strides = array<i32>} : memref<8x2048xf32, #tpu.memory_space<vmem>>, vector<16xf32>,
        %mul3A_1376 = arith.mulf %mul3A_1371, %get3A_1375 : vector<16xf32>
        %get3A_1377 = arith.constant 3 : i32
        %get3A_1378 = arith.index_cast %get3A_1377 : i32 to index
        %get3A_1379 = arith.index_cast %mul3A_1208 : i32 to index
        %get3A_1380 = tpu.vector_load %arg8[%get3A_1378, %get3A_1379] {strides = array<i32>} : memref<8x2048xf32, #tpu.memory_space<vmem>>, vector<16xf32>,
        %mul3A_1381 = arith.mulf %mul3A_1371, %get3A_1380 : vector<16xf32>
        %get3A_1382 = arith.constant 3 : i32
        %get3A_1383 = arith.index_cast %get3A_1382 : i32 to index
        %get3A_1384 = arith.index_cast %mul3A_1208 : i32 to index
        %get3A_1385 = tpu.vector_load %arg9[%get3A_1383, %get3A_1384] {strides = array<i32>} : memref<8x2048xf32, #tpu.memory_space<vmem>>, vector<16xf32>,
        %mul3A_1386 = arith.mulf %mul3A_1371, %get3A_1385 : vector<16xf32>
        %add3A_1387 = arith.addf %add3A_1295, %mul3A_1376 : vector<16xf32>
        %add3A_1388 = arith.addf %add3A_1296, %mul3A_1381 : vector<16xf32>
        %add3A_1389 = arith.addf %add3A_1297, %mul3A_1386 : vector<16xf32>
        %add3A_1390 = arith.addf %while3A_1192, %mul3A_1376 : vector<16xf32>
        %add3A_1391 = arith.addf %while3A_1193, %mul3A_1381 : vector<16xf32>
        %add3A_1392 = arith.addf %while3A_1194, %mul3A_1386 : vector<16xf32>
        %add3A_1393 = arith.constant 4 : i32
        %add3A_1394 = arith.addi %mul3A_42, %add3A_1393 : i32
        %get3A_1395 = arith.constant 4 : i32
        %get3A_1396 = arith.index_cast %get3A_1395 : i32 to index
        %get3A_1397 = arith.index_cast %mul3A_1208 : i32 to index
        %get3A_1398 = tpu.vector_load %arg6[%get3A_1396, %get3A_1397] {strides = array<i32>} : memref<8x2048xf32, #tpu.memory_space<vmem>>, vector<16xf32>,
        %add3A_1399 = arith.addi %mul3A_1208, %add3A_143 : i32
        %add3A_1400 = vector.broadcast %add3A_1399 : i32 to vector<16xi32>
        %add3A_1401 = arith.addi %iota3A, %add3A_1400 : vector<16xi32>
        %gather3A_1402 = tpu.vector_load_idx %arg10[%add3A_1401] : memref<16416xf32, #tpu.memory_space<vmem>>[vector<16xi32>], vector<16xf32>,
        %div3A_1403 = arith.constant 1.000000e+00 : f32
        %div3A_1404 = vector.broadcast %div3A_1403 : f32 to vector<16xf32>
        %div3A_1405 = arith.divf %div3A_1404, %get3A_1398 : vector<16xf32>
        %mul3A_1406 = arith.mulf %div3A_1405, %div3A_1405 : vector<16xf32>
        %mul3A_1407 = arith.mulf %mul3A_1406, %div3A_1405 : vector<16xf32>
        %mul3A_1408 = arith.mulf %mul3A_1407, %mul3A_1407 : vector<16xf32>
        %le3A_1409 = arith.constant 9.000000e+00 : f32
        %le3A_1410 = vector.broadcast %le3A_1409 : f32 to vector<16xf32>
        %le3A_1411 = arith.cmpf ole, %get3A_1398, %le3A_1410 : vector<16xf32>
        %jit3A_1412 = arith.constant 0.000000e+00 : f32
        %broadcast_in_dim3A_1413 = vector.broadcast %jit3A_1412 : f32 to vector<16xf32>
        %select_n3A_1414 = arith.select %le3A_1411, %gather3A_1402, %broadcast_in_dim3A_1413 : vector<16xi1>, vector<16xf32>
        %mul3A_1415 = arith.mulf %select_n3A_1414, %mul3A_1408 : vector<16xf32>
        %add3A_1416 = arith.addf %add3A_1232, %mul3A_1415 : vector<16xf32>
        %mul3A_1417 = arith.mulf %mul3A_1415, %div3A_1405 : vector<16xf32>
        %get3A_1418 = arith.constant 4 : i32
        %get3A_1419 = arith.index_cast %get3A_1418 : i32 to index
        %get3A_1420 = arith.index_cast %mul3A_1208 : i32 to index
        %get3A_1421 = tpu.vector_load %arg7[%get3A_1419, %get3A_1420] {strides = array<i32>} : memref<8x2048xf32, #tpu.memory_space<vmem>>, vector<16xf32>,
        %mul3A_1422 = arith.mulf %mul3A_1417, %get3A_1421 : vector<16xf32>
        %get3A_1423 = arith.constant 4 : i32
        %get3A_1424 = arith.index_cast %get3A_1423 : i32 to index
        %get3A_1425 = arith.index_cast %mul3A_1208 : i32 to index
        %get3A_1426 = tpu.vector_load %arg8[%get3A_1424, %get3A_1425] {strides = array<i32>} : memref<8x2048xf32, #tpu.memory_space<vmem>>, vector<16xf32>,
        %mul3A_1427 = arith.mulf %mul3A_1417, %get3A_1426 : vector<16xf32>
        %get3A_1428 = arith.constant 4 : i32
        %get3A_1429 = arith.index_cast %get3A_1428 : i32 to index
        %get3A_1430 = arith.index_cast %mul3A_1208 : i32 to index
        %get3A_1431 = tpu.vector_load %arg9[%get3A_1429, %get3A_1430] {strides = array<i32>} : memref<8x2048xf32, #tpu.memory_space<vmem>>, vector<16xf32>,
        %mul3A_1432 = arith.mulf %mul3A_1417, %get3A_1431 : vector<16xf32>
        %add3A_1433 = arith.addf %add3A_1341, %mul3A_1422 : vector<16xf32>
        %add3A_1434 = arith.addf %add3A_1342, %mul3A_1427 : vector<16xf32>
        %add3A_1435 = arith.addf %add3A_1343, %mul3A_1432 : vector<16xf32>
        %add3A_1436 = arith.addf %while3A_1195, %mul3A_1422 : vector<16xf32>
        %add3A_1437 = arith.addf %while3A_1196, %mul3A_1427 : vector<16xf32>
        %add3A_1438 = arith.addf %while3A_1197, %mul3A_1432 : vector<16xf32>
        %add3A_1439 = arith.constant 5 : i32
        %add3A_1440 = arith.addi %mul3A_42, %add3A_1439 : i32
        %get3A_1441 = arith.constant 5 : i32
        %get3A_1442 = arith.index_cast %get3A_1441 : i32 to index
        %get3A_1443 = arith.index_cast %mul3A_1208 : i32 to index
        %get3A_1444 = tpu.vector_load %arg6[%get3A_1442, %get3A_1443] {strides = array<i32>} : memref<8x2048xf32, #tpu.memory_space<vmem>>, vector<16xf32>,
        %add3A_1445 = arith.addi %mul3A_1208, %add3A_156 : i32
        %add3A_1446 = vector.broadcast %add3A_1445 : i32 to vector<16xi32>
        %add3A_1447 = arith.addi %iota3A, %add3A_1446 : vector<16xi32>
        %gather3A_1448 = tpu.vector_load_idx %arg10[%add3A_1447] : memref<16416xf32, #tpu.memory_space<vmem>>[vector<16xi32>], vector<16xf32>,
        %div3A_1449 = arith.constant 1.000000e+00 : f32
        %div3A_1450 = vector.broadcast %div3A_1449 : f32 to vector<16xf32>
        %div3A_1451 = arith.divf %div3A_1450, %get3A_1444 : vector<16xf32>
        %mul3A_1452 = arith.mulf %div3A_1451, %div3A_1451 : vector<16xf32>
        %mul3A_1453 = arith.mulf %mul3A_1452, %div3A_1451 : vector<16xf32>
        %mul3A_1454 = arith.mulf %mul3A_1453, %mul3A_1453 : vector<16xf32>
        %le3A_1455 = arith.constant 9.000000e+00 : f32
        %le3A_1456 = vector.broadcast %le3A_1455 : f32 to vector<16xf32>
        %le3A_1457 = arith.cmpf ole, %get3A_1444, %le3A_1456 : vector<16xf32>
        %jit3A_1458 = arith.constant 0.000000e+00 : f32
        %broadcast_in_dim3A_1459 = vector.broadcast %jit3A_1458 : f32 to vector<16xf32>
        %select_n3A_1460 = arith.select %le3A_1457, %gather3A_1448, %broadcast_in_dim3A_1459 : vector<16xi1>, vector<16xf32>
        %mul3A_1461 = arith.mulf %select_n3A_1460, %mul3A_1454 : vector<16xf32>
        %add3A_1462 = arith.addf %add3A_1278, %mul3A_1461 : vector<16xf32>
        %mul3A_1463 = arith.mulf %mul3A_1461, %div3A_1451 : vector<16xf32>
        %get3A_1464 = arith.constant 5 : i32
        %get3A_1465 = arith.index_cast %get3A_1464 : i32 to index
        %get3A_1466 = arith.index_cast %mul3A_1208 : i32 to index
        %get3A_1467 = tpu.vector_load %arg7[%get3A_1465, %get3A_1466] {strides = array<i32>} : memref<8x2048xf32, #tpu.memory_space<vmem>>, vector<16xf32>,
        %mul3A_1468 = arith.mulf %mul3A_1463, %get3A_1467 : vector<16xf32>
        %get3A_1469 = arith.constant 5 : i32
        %get3A_1470 = arith.index_cast %get3A_1469 : i32 to index
        %get3A_1471 = arith.index_cast %mul3A_1208 : i32 to index
        %get3A_1472 = tpu.vector_load %arg8[%get3A_1470, %get3A_1471] {strides = array<i32>} : memref<8x2048xf32, #tpu.memory_space<vmem>>, vector<16xf32>,
        %mul3A_1473 = arith.mulf %mul3A_1463, %get3A_1472 : vector<16xf32>
        %get3A_1474 = arith.constant 5 : i32
        %get3A_1475 = arith.index_cast %get3A_1474 : i32 to index
        %get3A_1476 = arith.index_cast %mul3A_1208 : i32 to index
        %get3A_1477 = tpu.vector_load %arg9[%get3A_1475, %get3A_1476] {strides = array<i32>} : memref<8x2048xf32, #tpu.memory_space<vmem>>, vector<16xf32>,
        %mul3A_1478 = arith.mulf %mul3A_1463, %get3A_1477 : vector<16xf32>
        %add3A_1479 = arith.addf %add3A_1387, %mul3A_1468 : vector<16xf32>
        %add3A_1480 = arith.addf %add3A_1388, %mul3A_1473 : vector<16xf32>
        %add3A_1481 = arith.addf %add3A_1389, %mul3A_1478 : vector<16xf32>
        %add3A_1482 = arith.addf %while3A_1198, %mul3A_1468 : vector<16xf32>
        %add3A_1483 = arith.addf %while3A_1199, %mul3A_1473 : vector<16xf32>
        %add3A_1484 = arith.addf %while3A_1200, %mul3A_1478 : vector<16xf32>
        %add3A_1485 = arith.constant 6 : i32
        %add3A_1486 = arith.addi %mul3A_42, %add3A_1485 : i32
        %get3A_1487 = arith.constant 6 : i32
        %get3A_1488 = arith.index_cast %get3A_1487 : i32 to index
        %get3A_1489 = arith.index_cast %mul3A_1208 : i32 to index
        %get3A_1490 = tpu.vector_load %arg6[%get3A_1488, %get3A_1489] {strides = array<i32>} : memref<8x2048xf32, #tpu.memory_space<vmem>>, vector<16xf32>,
        %add3A_1491 = arith.addi %mul3A_1208, %add3A_169 : i32
        %add3A_1492 = vector.broadcast %add3A_1491 : i32 to vector<16xi32>
        %add3A_1493 = arith.addi %iota3A, %add3A_1492 : vector<16xi32>
        %gather3A_1494 = tpu.vector_load_idx %arg10[%add3A_1493] : memref<16416xf32, #tpu.memory_space<vmem>>[vector<16xi32>], vector<16xf32>,
        %div3A_1495 = arith.constant 1.000000e+00 : f32
        %div3A_1496 = vector.broadcast %div3A_1495 : f32 to vector<16xf32>
        %div3A_1497 = arith.divf %div3A_1496, %get3A_1490 : vector<16xf32>
        %mul3A_1498 = arith.mulf %div3A_1497, %div3A_1497 : vector<16xf32>
        %mul3A_1499 = arith.mulf %mul3A_1498, %div3A_1497 : vector<16xf32>
        %mul3A_1500 = arith.mulf %mul3A_1499, %mul3A_1499 : vector<16xf32>
        %le3A_1501 = arith.constant 9.000000e+00 : f32
        %le3A_1502 = vector.broadcast %le3A_1501 : f32 to vector<16xf32>
        %le3A_1503 = arith.cmpf ole, %get3A_1490, %le3A_1502 : vector<16xf32>
        %jit3A_1504 = arith.constant 0.000000e+00 : f32
        %broadcast_in_dim3A_1505 = vector.broadcast %jit3A_1504 : f32 to vector<16xf32>
        %select_n3A_1506 = arith.select %le3A_1503, %gather3A_1494, %broadcast_in_dim3A_1505 : vector<16xi1>, vector<16xf32>
        %mul3A_1507 = arith.mulf %select_n3A_1506, %mul3A_1500 : vector<16xf32>
        %add3A_1508 = arith.addf %add3A_1324, %mul3A_1507 : vector<16xf32>
        %mul3A_1509 = arith.mulf %mul3A_1507, %div3A_1497 : vector<16xf32>
        %get3A_1510 = arith.constant 6 : i32
        %get3A_1511 = arith.index_cast %get3A_1510 : i32 to index
        %get3A_1512 = arith.index_cast %mul3A_1208 : i32 to index
        %get3A_1513 = tpu.vector_load %arg7[%get3A_1511, %get3A_1512] {strides = array<i32>} : memref<8x2048xf32, #tpu.memory_space<vmem>>, vector<16xf32>,
        %mul3A_1514 = arith.mulf %mul3A_1509, %get3A_1513 : vector<16xf32>
        %get3A_1515 = arith.constant 6 : i32
        %get3A_1516 = arith.index_cast %get3A_1515 : i32 to index
        %get3A_1517 = arith.index_cast %mul3A_1208 : i32 to index
        %get3A_1518 = tpu.vector_load %arg8[%get3A_1516, %get3A_1517] {strides = array<i32>} : memref<8x2048xf32, #tpu.memory_space<vmem>>, vector<16xf32>,
        %mul3A_1519 = arith.mulf %mul3A_1509, %get3A_1518 : vector<16xf32>
        %get3A_1520 = arith.constant 6 : i32
        %get3A_1521 = arith.index_cast %get3A_1520 : i32 to index
        %get3A_1522 = arith.index_cast %mul3A_1208 : i32 to index
        %get3A_1523 = tpu.vector_load %arg9[%get3A_1521, %get3A_1522] {strides = array<i32>} : memref<8x2048xf32, #tpu.memory_space<vmem>>, vector<16xf32>,
        %mul3A_1524 = arith.mulf %mul3A_1509, %get3A_1523 : vector<16xf32>
        %add3A_1525 = arith.addf %add3A_1433, %mul3A_1514 : vector<16xf32>
        %add3A_1526 = arith.addf %add3A_1434, %mul3A_1519 : vector<16xf32>
        %add3A_1527 = arith.addf %add3A_1435, %mul3A_1524 : vector<16xf32>
        %add3A_1528 = arith.addf %while3A_1201, %mul3A_1514 : vector<16xf32>
        %add3A_1529 = arith.addf %while3A_1202, %mul3A_1519 : vector<16xf32>
        %add3A_1530 = arith.addf %while3A_1203, %mul3A_1524 : vector<16xf32>
        %add3A_1531 = arith.constant 7 : i32
        %add3A_1532 = arith.addi %mul3A_42, %add3A_1531 : i32
        %get3A_1533 = arith.constant 7 : i32
        %get3A_1534 = arith.index_cast %get3A_1533 : i32 to index
        %get3A_1535 = arith.index_cast %mul3A_1208 : i32 to index
        %get3A_1536 = tpu.vector_load %arg6[%get3A_1534, %get3A_1535] {strides = array<i32>} : memref<8x2048xf32, #tpu.memory_space<vmem>>, vector<16xf32>,
        %add3A_1537 = arith.addi %mul3A_1208, %add3A_182 : i32
        %add3A_1538 = vector.broadcast %add3A_1537 : i32 to vector<16xi32>
        %add3A_1539 = arith.addi %iota3A, %add3A_1538 : vector<16xi32>
        %gather3A_1540 = tpu.vector_load_idx %arg10[%add3A_1539] : memref<16416xf32, #tpu.memory_space<vmem>>[vector<16xi32>], vector<16xf32>,
        %div3A_1541 = arith.constant 1.000000e+00 : f32
        %div3A_1542 = vector.broadcast %div3A_1541 : f32 to vector<16xf32>
        %div3A_1543 = arith.divf %div3A_1542, %get3A_1536 : vector<16xf32>
        %mul3A_1544 = arith.mulf %div3A_1543, %div3A_1543 : vector<16xf32>
        %mul3A_1545 = arith.mulf %mul3A_1544, %div3A_1543 : vector<16xf32>
        %mul3A_1546 = arith.mulf %mul3A_1545, %mul3A_1545 : vector<16xf32>
        %le3A_1547 = arith.constant 9.000000e+00 : f32
        %le3A_1548 = vector.broadcast %le3A_1547 : f32 to vector<16xf32>
        %le3A_1549 = arith.cmpf ole, %get3A_1536, %le3A_1548 : vector<16xf32>
        %jit3A_1550 = arith.constant 0.000000e+00 : f32
        %broadcast_in_dim3A_1551 = vector.broadcast %jit3A_1550 : f32 to vector<16xf32>
        %select_n3A_1552 = arith.select %le3A_1549, %gather3A_1540, %broadcast_in_dim3A_1551 : vector<16xi1>, vector<16xf32>
        %mul3A_1553 = arith.mulf %select_n3A_1552, %mul3A_1546 : vector<16xf32>
        %add3A_1554 = arith.addf %add3A_1370, %mul3A_1553 : vector<16xf32>
        %mul3A_1555 = arith.mulf %mul3A_1553, %div3A_1543 : vector<16xf32>
        %get3A_1556 = arith.constant 7 : i32
        %get3A_1557 = arith.index_cast %get3A_1556 : i32 to index
        %get3A_1558 = arith.index_cast %mul3A_1208 : i32 to index
        %get3A_1559 = tpu.vector_load %arg7[%get3A_1557, %get3A_1558] {strides = array<i32>} : memref<8x2048xf32, #tpu.memory_space<vmem>>, vector<16xf32>,
        %mul3A_1560 = arith.mulf %mul3A_1555, %get3A_1559 : vector<16xf32>
        %get3A_1561 = arith.constant 7 : i32
        %get3A_1562 = arith.index_cast %get3A_1561 : i32 to index
        %get3A_1563 = arith.index_cast %mul3A_1208 : i32 to index
        %get3A_1564 = tpu.vector_load %arg8[%get3A_1562, %get3A_1563] {strides = array<i32>} : memref<8x2048xf32, #tpu.memory_space<vmem>>, vector<16xf32>,
        %mul3A_1565 = arith.mulf %mul3A_1555, %get3A_1564 : vector<16xf32>
        %get3A_1566 = arith.constant 7 : i32
        %get3A_1567 = arith.index_cast %get3A_1566 : i32 to index
        %get3A_1568 = arith.index_cast %mul3A_1208 : i32 to index
        %get3A_1569 = tpu.vector_load %arg9[%get3A_1567, %get3A_1568] {strides = array<i32>} : memref<8x2048xf32, #tpu.memory_space<vmem>>, vector<16xf32>,
        %mul3A_1570 = arith.mulf %mul3A_1555, %get3A_1569 : vector<16xf32>
        %add3A_1571 = arith.addf %add3A_1479, %mul3A_1560 : vector<16xf32>
        %add3A_1572 = arith.addf %add3A_1480, %mul3A_1565 : vector<16xf32>
        %add3A_1573 = arith.addf %add3A_1481, %mul3A_1570 : vector<16xf32>
        %add3A_1574 = arith.addf %while3A_1204, %mul3A_1560 : vector<16xf32>
        %add3A_1575 = arith.addf %while3A_1205, %mul3A_1565 : vector<16xf32>
        %add3A_1576 = arith.addf %while3A_1206, %mul3A_1570 : vector<16xf32>
        %shift_right_arithmetic3A_1577 = arith.constant 3 : i32
        %shift_right_arithmetic3A_1578 = arith.shrsi %while3A_1178, %shift_right_arithmetic3A_1577 : i32
        %and3A_1579 = arith.constant 7 : i32
        %and3A_1580 = arith.andi %while3A_1178, %and3A_1579 : i32
        %mul3A_1581 = arith.constant 16 : i32
        %mul3A_1582 = arith.muli %and3A_1580, %mul3A_1581 : i32
        %get3A_1583 = arith.index_cast %shift_right_arithmetic3A_1578 : i32 to index
        %get3A_1584 = arith.index_cast %mul3A_1582 : i32 to index
        %get3A_1585 = tpu.vector_load %arg11[%get3A_1583, %get3A_1584] {strides = array<i32>} : memref<64x128xf32, #tpu.memory_space<vmem>>, vector<16xf32>,
        %add3A_1586 = arith.addf %add3A_1525, %add3A_1571 : vector<16xf32>
        %sub3A_1587 = arith.subf %get3A_1585, %add3A_1586 : vector<16xf32>
        %swap3A_1588 = arith.index_cast %shift_right_arithmetic3A_1578 : i32 to index
        %swap3A_1589 = arith.index_cast %mul3A_1582 : i32 to index
        %swap3A_1590 = tpu.vector_load %arg11[%swap3A_1588, %swap3A_1589] {strides = array<i32>} : memref<64x128xf32, #tpu.memory_space<vmem>>, vector<16xf32>,
        tpu.vector_store %arg11[%swap3A_1588, %swap3A_1589], %sub3A_1587 {strides = array<i32>} : memref<64x128xf32, #tpu.memory_space<vmem>>, vector<16xf32>,
        %add3A_1591 = arith.constant 16 : i32
        %add3A_1592 = arith.addi %add3A_1591, %shift_right_arithmetic3A_1578 : i32
        %get3A_1593 = arith.index_cast %add3A_1592 : i32 to index
        %get3A_1594 = arith.index_cast %mul3A_1582 : i32 to index
        %get3A_1595 = tpu.vector_load %arg11[%get3A_1593, %get3A_1594] {strides = array<i32>} : memref<64x128xf32, #tpu.memory_space<vmem>>, vector<16xf32>,
        %add3A_1596 = arith.addf %add3A_1526, %add3A_1572 : vector<16xf32>
        %sub3A_1597 = arith.subf %get3A_1595, %add3A_1596 : vector<16xf32>
        %add3A_1598 = arith.constant 16 : i32
        %add3A_1599 = arith.addi %add3A_1598, %shift_right_arithmetic3A_1578 : i32
        %swap3A_1600 = arith.index_cast %add3A_1599 : i32 to index
        %swap3A_1601 = arith.index_cast %mul3A_1582 : i32 to index
        %swap3A_1602 = tpu.vector_load %arg11[%swap3A_1600, %swap3A_1601] {strides = array<i32>} : memref<64x128xf32, #tpu.memory_space<vmem>>, vector<16xf32>,
        tpu.vector_store %arg11[%swap3A_1600, %swap3A_1601], %sub3A_1597 {strides = array<i32>} : memref<64x128xf32, #tpu.memory_space<vmem>>, vector<16xf32>,
        %add3A_1603 = arith.constant 32 : i32
        %add3A_1604 = arith.addi %add3A_1603, %shift_right_arithmetic3A_1578 : i32
        %get3A_1605 = arith.index_cast %add3A_1604 : i32 to index
        %get3A_1606 = arith.index_cast %mul3A_1582 : i32 to index
        %get3A_1607 = tpu.vector_load %arg11[%get3A_1605, %get3A_1606] {strides = array<i32>} : memref<64x128xf32, #tpu.memory_space<vmem>>, vector<16xf32>,
        %add3A_1608 = arith.addf %add3A_1527, %add3A_1573 : vector<16xf32>
        %sub3A_1609 = arith.subf %get3A_1607, %add3A_1608 : vector<16xf32>
        %add3A_1610 = arith.constant 32 : i32
        %add3A_1611 = arith.addi %add3A_1610, %shift_right_arithmetic3A_1578 : i32
        %swap3A_1612 = arith.index_cast %add3A_1611 : i32 to index
        %swap3A_1613 = arith.index_cast %mul3A_1582 : i32 to index
        %swap3A_1614 = tpu.vector_load %arg11[%swap3A_1612, %swap3A_1613] {strides = array<i32>} : memref<64x128xf32, #tpu.memory_space<vmem>>, vector<16xf32>,
        tpu.vector_store %arg11[%swap3A_1612, %swap3A_1613], %sub3A_1609 {strides = array<i32>} : memref<64x128xf32, #tpu.memory_space<vmem>>, vector<16xf32>,
        scf.yield %add3A_1416, %add3A_1462, %add3A_1508, %add3A_1554, %add3A_1252, %add3A_1253, %add3A_1254, %add3A_1298, %add3A_1299, %add3A_1300, %add3A_1344, %add3A_1345, %add3A_1346, %add3A_1390, %add3A_1391, %add3A_1392, %add3A_1436, %add3A_1437, %add3A_1438, %add3A_1482, %add3A_1483, %add3A_1484, %add3A_1528, %add3A_1529, %add3A_1530, %add3A_1574, %add3A_1575, %add3A_1576 : vector<16xf32>, vector<16xf32>, vector<16xf32>, vector<16xf32>, vector<16xf32>, vector<16xf32>, vector<16xf32>, vector<16xf32>, vector<16xf32>, vector<16xf32>, vector<16xf32>, vector<16xf32>, vector<16xf32>, vector<16xf32>, vector<16xf32>, vector<16xf32>, vector<16xf32>, vector<16xf32>, vector<16xf32>, vector<16xf32>, vector<16xf32>, vector<16xf32>, vector<16xf32>, vector<16xf32>, vector<16xf32>, vector<16xf32>, vector<16xf32>, vector<16xf32>
      }
      %add3A_643 = arith.constant 0 : i32
      %add3A_644 = arith.addi %mul3A_42, %add3A_643 : i32
      %shift_right_arithmetic3A_645 = arith.constant 7 : i32
      %shift_right_arithmetic3A_646 = arith.shrsi %add3A_644, %shift_right_arithmetic3A_645 : i32
      %shift_right_arithmetic3A_647 = arith.constant 4 : i32
      %shift_right_arithmetic3A_648 = arith.shrsi %add3A_644, %shift_right_arithmetic3A_647 : i32
      %and3A_649 = arith.constant 7 : i32
      %and3A_650 = arith.andi %shift_right_arithmetic3A_648, %and3A_649 : i32
      %mul3A_651 = arith.constant 16 : i32
      %mul3A_652 = arith.muli %and3A_650, %mul3A_651 : i32
      %and3A_653 = arith.constant 15 : i32
      %and3A_654 = arith.andi %add3A_644, %and3A_653 : i32
      %eq3A_655 = vector.broadcast %and3A_654 : i32 to vector<16xi32>
      %eq3A_656 = arith.cmpi eq, %iota3A, %eq3A_655 : vector<16xi32>
      %get3A_657 = arith.index_cast %shift_right_arithmetic3A_646 : i32 to index
      %get3A_658 = arith.index_cast %mul3A_652 : i32 to index
      %get3A_659 = tpu.vector_load %arg11[%get3A_657, %get3A_658] {strides = array<i32>} : memref<64x128xf32, #tpu.memory_space<vmem>>, vector<16xf32>,
      %reduce_sum3A = arith.constant true
      %reduce_sum3A_660 = vector.broadcast %reduce_sum3A : i1 to vector<16xi1>
      %reduce_sum3A_661 = tpu.scan <sum>, %while3A_642#4 masked %reduce_sum3A_660 : vector<16xf32>, vector<16xi1> -> vector<16xf32>
      %reduce_sum3A_662 = vector.extract %reduce_sum3A_661[15] : f32 from vector<16xf32>
      %jit3A_663 = arith.constant 0.000000e+00 : f32
      %broadcast_in_dim3A_664 = vector.broadcast %reduce_sum3A_662 : f32 to vector<16xf32>
      %broadcast_in_dim3A_665 = vector.broadcast %jit3A_663 : f32 to vector<16xf32>
      %select_n3A_666 = arith.select %eq3A_656, %broadcast_in_dim3A_664, %broadcast_in_dim3A_665 : vector<16xi1>, vector<16xf32>
      %add3A_667 = arith.addf %get3A_659, %select_n3A_666 : vector<16xf32>
      %swap3A_668 = arith.index_cast %shift_right_arithmetic3A_646 : i32 to index
      %swap3A_669 = arith.index_cast %mul3A_652 : i32 to index
      %swap3A_670 = tpu.vector_load %arg11[%swap3A_668, %swap3A_669] {strides = array<i32>} : memref<64x128xf32, #tpu.memory_space<vmem>>, vector<16xf32>,
      tpu.vector_store %arg11[%swap3A_668, %swap3A_669], %add3A_667 {strides = array<i32>} : memref<64x128xf32, #tpu.memory_space<vmem>>, vector<16xf32>,
      %add3A_671 = arith.constant 16 : i32
      %add3A_672 = arith.addi %add3A_671, %shift_right_arithmetic3A_646 : i32
      %get3A_673 = arith.index_cast %add3A_672 : i32 to index
      %get3A_674 = arith.index_cast %mul3A_652 : i32 to index
      %get3A_675 = tpu.vector_load %arg11[%get3A_673, %get3A_674] {strides = array<i32>} : memref<64x128xf32, #tpu.memory_space<vmem>>, vector<16xf32>,
      %reduce_sum3A_676 = arith.constant true
      %reduce_sum3A_677 = vector.broadcast %reduce_sum3A_676 : i1 to vector<16xi1>
      %reduce_sum3A_678 = tpu.scan <sum>, %while3A_642#5 masked %reduce_sum3A_677 : vector<16xf32>, vector<16xi1> -> vector<16xf32>
      %reduce_sum3A_679 = vector.extract %reduce_sum3A_678[15] : f32 from vector<16xf32>
      %jit3A_680 = arith.constant 0.000000e+00 : f32
      %broadcast_in_dim3A_681 = vector.broadcast %reduce_sum3A_679 : f32 to vector<16xf32>
      %broadcast_in_dim3A_682 = vector.broadcast %jit3A_680 : f32 to vector<16xf32>
      %select_n3A_683 = arith.select %eq3A_656, %broadcast_in_dim3A_681, %broadcast_in_dim3A_682 : vector<16xi1>, vector<16xf32>
      %add3A_684 = arith.addf %get3A_675, %select_n3A_683 : vector<16xf32>
      %add3A_685 = arith.constant 16 : i32
      %add3A_686 = arith.addi %add3A_685, %shift_right_arithmetic3A_646 : i32
      %swap3A_687 = arith.index_cast %add3A_686 : i32 to index
      %swap3A_688 = arith.index_cast %mul3A_652 : i32 to index
      %swap3A_689 = tpu.vector_load %arg11[%swap3A_687, %swap3A_688] {strides = array<i32>} : memref<64x128xf32, #tpu.memory_space<vmem>>, vector<16xf32>,
      tpu.vector_store %arg11[%swap3A_687, %swap3A_688], %add3A_684 {strides = array<i32>} : memref<64x128xf32, #tpu.memory_space<vmem>>, vector<16xf32>,
      %add3A_690 = arith.constant 32 : i32
      %add3A_691 = arith.addi %add3A_690, %shift_right_arithmetic3A_646 : i32
      %get3A_692 = arith.index_cast %add3A_691 : i32 to index
      %get3A_693 = arith.index_cast %mul3A_652 : i32 to index
      %get3A_694 = tpu.vector_load %arg11[%get3A_692, %get3A_693] {strides = array<i32>} : memref<64x128xf32, #tpu.memory_space<vmem>>, vector<16xf32>,
      %reduce_sum3A_695 = arith.constant true
      %reduce_sum3A_696 = vector.broadcast %reduce_sum3A_695 : i1 to vector<16xi1>
      %reduce_sum3A_697 = tpu.scan <sum>, %while3A_642#6 masked %reduce_sum3A_696 : vector<16xf32>, vector<16xi1> -> vector<16xf32>
      %reduce_sum3A_698 = vector.extract %reduce_sum3A_697[15] : f32 from vector<16xf32>
      %jit3A_699 = arith.constant 0.000000e+00 : f32
      %broadcast_in_dim3A_700 = vector.broadcast %reduce_sum3A_698 : f32 to vector<16xf32>
      %broadcast_in_dim3A_701 = vector.broadcast %jit3A_699 : f32 to vector<16xf32>
      %select_n3A_702 = arith.select %eq3A_656, %broadcast_in_dim3A_700, %broadcast_in_dim3A_701 : vector<16xi1>, vector<16xf32>
      %add3A_703 = arith.addf %get3A_694, %select_n3A_702 : vector<16xf32>
      %add3A_704 = arith.constant 32 : i32
      %add3A_705 = arith.addi %add3A_704, %shift_right_arithmetic3A_646 : i32
      %swap3A_706 = arith.index_cast %add3A_705 : i32 to index
      %swap3A_707 = arith.index_cast %mul3A_652 : i32 to index
      %swap3A_708 = tpu.vector_load %arg11[%swap3A_706, %swap3A_707] {strides = array<i32>} : memref<64x128xf32, #tpu.memory_space<vmem>>, vector<16xf32>,
      tpu.vector_store %arg11[%swap3A_706, %swap3A_707], %add3A_703 {strides = array<i32>} : memref<64x128xf32, #tpu.memory_space<vmem>>, vector<16xf32>,
      %add3A_709 = arith.constant 1 : i32
      %add3A_710 = arith.addi %mul3A_42, %add3A_709 : i32
      %shift_right_arithmetic3A_711 = arith.constant 7 : i32
      %shift_right_arithmetic3A_712 = arith.shrsi %add3A_710, %shift_right_arithmetic3A_711 : i32
      %shift_right_arithmetic3A_713 = arith.constant 4 : i32
      %shift_right_arithmetic3A_714 = arith.shrsi %add3A_710, %shift_right_arithmetic3A_713 : i32
      %and3A_715 = arith.constant 7 : i32
      %and3A_716 = arith.andi %shift_right_arithmetic3A_714, %and3A_715 : i32
      %mul3A_717 = arith.constant 16 : i32
      %mul3A_718 = arith.muli %and3A_716, %mul3A_717 : i32
      %and3A_719 = arith.constant 15 : i32
      %and3A_720 = arith.andi %add3A_710, %and3A_719 : i32
      %eq3A_721 = vector.broadcast %and3A_720 : i32 to vector<16xi32>
      %eq3A_722 = arith.cmpi eq, %iota3A, %eq3A_721 : vector<16xi32>
      %get3A_723 = arith.index_cast %shift_right_arithmetic3A_712 : i32 to index
      %get3A_724 = arith.index_cast %mul3A_718 : i32 to index
      %get3A_725 = tpu.vector_load %arg11[%get3A_723, %get3A_724] {strides = array<i32>} : memref<64x128xf32, #tpu.memory_space<vmem>>, vector<16xf32>,
      %reduce_sum3A_726 = arith.constant true
      %reduce_sum3A_727 = vector.broadcast %reduce_sum3A_726 : i1 to vector<16xi1>
      %reduce_sum3A_728 = tpu.scan <sum>, %while3A_642#7 masked %reduce_sum3A_727 : vector<16xf32>, vector<16xi1> -> vector<16xf32>
      %reduce_sum3A_729 = vector.extract %reduce_sum3A_728[15] : f32 from vector<16xf32>
      %jit3A_730 = arith.constant 0.000000e+00 : f32
      %broadcast_in_dim3A_731 = vector.broadcast %reduce_sum3A_729 : f32 to vector<16xf32>
      %broadcast_in_dim3A_732 = vector.broadcast %jit3A_730 : f32 to vector<16xf32>
      %select_n3A_733 = arith.select %eq3A_722, %broadcast_in_dim3A_731, %broadcast_in_dim3A_732 : vector<16xi1>, vector<16xf32>
      %add3A_734 = arith.addf %get3A_725, %select_n3A_733 : vector<16xf32>
      %swap3A_735 = arith.index_cast %shift_right_arithmetic3A_712 : i32 to index
      %swap3A_736 = arith.index_cast %mul3A_718 : i32 to index
      %swap3A_737 = tpu.vector_load %arg11[%swap3A_735, %swap3A_736] {strides = array<i32>} : memref<64x128xf32, #tpu.memory_space<vmem>>, vector<16xf32>,
      tpu.vector_store %arg11[%swap3A_735, %swap3A_736], %add3A_734 {strides = array<i32>} : memref<64x128xf32, #tpu.memory_space<vmem>>, vector<16xf32>,
      %add3A_738 = arith.constant 16 : i32
      %add3A_739 = arith.addi %add3A_738, %shift_right_arithmetic3A_712 : i32
      %get3A_740 = arith.index_cast %add3A_739 : i32 to index
      %get3A_741 = arith.index_cast %mul3A_718 : i32 to index
      %get3A_742 = tpu.vector_load %arg11[%get3A_740, %get3A_741] {strides = array<i32>} : memref<64x128xf32, #tpu.memory_space<vmem>>, vector<16xf32>,
      %reduce_sum3A_743 = arith.constant true
      %reduce_sum3A_744 = vector.broadcast %reduce_sum3A_743 : i1 to vector<16xi1>
      %reduce_sum3A_745 = tpu.scan <sum>, %while3A_642#8 masked %reduce_sum3A_744 : vector<16xf32>, vector<16xi1> -> vector<16xf32>
      %reduce_sum3A_746 = vector.extract %reduce_sum3A_745[15] : f32 from vector<16xf32>
      %jit3A_747 = arith.constant 0.000000e+00 : f32
      %broadcast_in_dim3A_748 = vector.broadcast %reduce_sum3A_746 : f32 to vector<16xf32>
      %broadcast_in_dim3A_749 = vector.broadcast %jit3A_747 : f32 to vector<16xf32>
      %select_n3A_750 = arith.select %eq3A_722, %broadcast_in_dim3A_748, %broadcast_in_dim3A_749 : vector<16xi1>, vector<16xf32>
      %add3A_751 = arith.addf %get3A_742, %select_n3A_750 : vector<16xf32>
      %add3A_752 = arith.constant 16 : i32
      %add3A_753 = arith.addi %add3A_752, %shift_right_arithmetic3A_712 : i32
      %swap3A_754 = arith.index_cast %add3A_753 : i32 to index
      %swap3A_755 = arith.index_cast %mul3A_718 : i32 to index
      %swap3A_756 = tpu.vector_load %arg11[%swap3A_754, %swap3A_755] {strides = array<i32>} : memref<64x128xf32, #tpu.memory_space<vmem>>, vector<16xf32>,
      tpu.vector_store %arg11[%swap3A_754, %swap3A_755], %add3A_751 {strides = array<i32>} : memref<64x128xf32, #tpu.memory_space<vmem>>, vector<16xf32>,
      %add3A_757 = arith.constant 32 : i32
      %add3A_758 = arith.addi %add3A_757, %shift_right_arithmetic3A_712 : i32
      %get3A_759 = arith.index_cast %add3A_758 : i32 to index
      %get3A_760 = arith.index_cast %mul3A_718 : i32 to index
      %get3A_761 = tpu.vector_load %arg11[%get3A_759, %get3A_760] {strides = array<i32>} : memref<64x128xf32, #tpu.memory_space<vmem>>, vector<16xf32>,
      %reduce_sum3A_762 = arith.constant true
      %reduce_sum3A_763 = vector.broadcast %reduce_sum3A_762 : i1 to vector<16xi1>
      %reduce_sum3A_764 = tpu.scan <sum>, %while3A_642#9 masked %reduce_sum3A_763 : vector<16xf32>, vector<16xi1> -> vector<16xf32>
      %reduce_sum3A_765 = vector.extract %reduce_sum3A_764[15] : f32 from vector<16xf32>
      %jit3A_766 = arith.constant 0.000000e+00 : f32
      %broadcast_in_dim3A_767 = vector.broadcast %reduce_sum3A_765 : f32 to vector<16xf32>
      %broadcast_in_dim3A_768 = vector.broadcast %jit3A_766 : f32 to vector<16xf32>
      %select_n3A_769 = arith.select %eq3A_722, %broadcast_in_dim3A_767, %broadcast_in_dim3A_768 : vector<16xi1>, vector<16xf32>
      %add3A_770 = arith.addf %get3A_761, %select_n3A_769 : vector<16xf32>
      %add3A_771 = arith.constant 32 : i32
      %add3A_772 = arith.addi %add3A_771, %shift_right_arithmetic3A_712 : i32
      %swap3A_773 = arith.index_cast %add3A_772 : i32 to index
      %swap3A_774 = arith.index_cast %mul3A_718 : i32 to index
      %swap3A_775 = tpu.vector_load %arg11[%swap3A_773, %swap3A_774] {strides = array<i32>} : memref<64x128xf32, #tpu.memory_space<vmem>>, vector<16xf32>,
      tpu.vector_store %arg11[%swap3A_773, %swap3A_774], %add3A_770 {strides = array<i32>} : memref<64x128xf32, #tpu.memory_space<vmem>>, vector<16xf32>,
      %add3A_776 = arith.constant 2 : i32
      %add3A_777 = arith.addi %mul3A_42, %add3A_776 : i32
      %shift_right_arithmetic3A_778 = arith.constant 7 : i32
      %shift_right_arithmetic3A_779 = arith.shrsi %add3A_777, %shift_right_arithmetic3A_778 : i32
      %shift_right_arithmetic3A_780 = arith.constant 4 : i32
      %shift_right_arithmetic3A_781 = arith.shrsi %add3A_777, %shift_right_arithmetic3A_780 : i32
      %and3A_782 = arith.constant 7 : i32
      %and3A_783 = arith.andi %shift_right_arithmetic3A_781, %and3A_782 : i32
      %mul3A_784 = arith.constant 16 : i32
      %mul3A_785 = arith.muli %and3A_783, %mul3A_784 : i32
      %and3A_786 = arith.constant 15 : i32
      %and3A_787 = arith.andi %add3A_777, %and3A_786 : i32
      %eq3A_788 = vector.broadcast %and3A_787 : i32 to vector<16xi32>
      %eq3A_789 = arith.cmpi eq, %iota3A, %eq3A_788 : vector<16xi32>
      %get3A_790 = arith.index_cast %shift_right_arithmetic3A_779 : i32 to index
      %get3A_791 = arith.index_cast %mul3A_785 : i32 to index
      %get3A_792 = tpu.vector_load %arg11[%get3A_790, %get3A_791] {strides = array<i32>} : memref<64x128xf32, #tpu.memory_space<vmem>>, vector<16xf32>,
      %reduce_sum3A_793 = arith.constant true
      %reduce_sum3A_794 = vector.broadcast %reduce_sum3A_793 : i1 to vector<16xi1>
      %reduce_sum3A_795 = tpu.scan <sum>, %while3A_642#10 masked %reduce_sum3A_794 : vector<16xf32>, vector<16xi1> -> vector<16xf32>
      %reduce_sum3A_796 = vector.extract %reduce_sum3A_795[15] : f32 from vector<16xf32>
      %jit3A_797 = arith.constant 0.000000e+00 : f32
      %broadcast_in_dim3A_798 = vector.broadcast %reduce_sum3A_796 : f32 to vector<16xf32>
      %broadcast_in_dim3A_799 = vector.broadcast %jit3A_797 : f32 to vector<16xf32>
      %select_n3A_800 = arith.select %eq3A_789, %broadcast_in_dim3A_798, %broadcast_in_dim3A_799 : vector<16xi1>, vector<16xf32>
      %add3A_801 = arith.addf %get3A_792, %select_n3A_800 : vector<16xf32>
      %swap3A_802 = arith.index_cast %shift_right_arithmetic3A_779 : i32 to index
      %swap3A_803 = arith.index_cast %mul3A_785 : i32 to index
      %swap3A_804 = tpu.vector_load %arg11[%swap3A_802, %swap3A_803] {strides = array<i32>} : memref<64x128xf32, #tpu.memory_space<vmem>>, vector<16xf32>,
      tpu.vector_store %arg11[%swap3A_802, %swap3A_803], %add3A_801 {strides = array<i32>} : memref<64x128xf32, #tpu.memory_space<vmem>>, vector<16xf32>,
      %add3A_805 = arith.constant 16 : i32
      %add3A_806 = arith.addi %add3A_805, %shift_right_arithmetic3A_779 : i32
      %get3A_807 = arith.index_cast %add3A_806 : i32 to index
      %get3A_808 = arith.index_cast %mul3A_785 : i32 to index
      %get3A_809 = tpu.vector_load %arg11[%get3A_807, %get3A_808] {strides = array<i32>} : memref<64x128xf32, #tpu.memory_space<vmem>>, vector<16xf32>,
      %reduce_sum3A_810 = arith.constant true
      %reduce_sum3A_811 = vector.broadcast %reduce_sum3A_810 : i1 to vector<16xi1>
      %reduce_sum3A_812 = tpu.scan <sum>, %while3A_642#11 masked %reduce_sum3A_811 : vector<16xf32>, vector<16xi1> -> vector<16xf32>
      %reduce_sum3A_813 = vector.extract %reduce_sum3A_812[15] : f32 from vector<16xf32>
      %jit3A_814 = arith.constant 0.000000e+00 : f32
      %broadcast_in_dim3A_815 = vector.broadcast %reduce_sum3A_813 : f32 to vector<16xf32>
      %broadcast_in_dim3A_816 = vector.broadcast %jit3A_814 : f32 to vector<16xf32>
      %select_n3A_817 = arith.select %eq3A_789, %broadcast_in_dim3A_815, %broadcast_in_dim3A_816 : vector<16xi1>, vector<16xf32>
      %add3A_818 = arith.addf %get3A_809, %select_n3A_817 : vector<16xf32>
      %add3A_819 = arith.constant 16 : i32
      %add3A_820 = arith.addi %add3A_819, %shift_right_arithmetic3A_779 : i32
      %swap3A_821 = arith.index_cast %add3A_820 : i32 to index
      %swap3A_822 = arith.index_cast %mul3A_785 : i32 to index
      %swap3A_823 = tpu.vector_load %arg11[%swap3A_821, %swap3A_822] {strides = array<i32>} : memref<64x128xf32, #tpu.memory_space<vmem>>, vector<16xf32>,
      tpu.vector_store %arg11[%swap3A_821, %swap3A_822], %add3A_818 {strides = array<i32>} : memref<64x128xf32, #tpu.memory_space<vmem>>, vector<16xf32>,
      %add3A_824 = arith.constant 32 : i32
      %add3A_825 = arith.addi %add3A_824, %shift_right_arithmetic3A_779 : i32
      %get3A_826 = arith.index_cast %add3A_825 : i32 to index
      %get3A_827 = arith.index_cast %mul3A_785 : i32 to index
      %get3A_828 = tpu.vector_load %arg11[%get3A_826, %get3A_827] {strides = array<i32>} : memref<64x128xf32, #tpu.memory_space<vmem>>, vector<16xf32>,
      %reduce_sum3A_829 = arith.constant true
      %reduce_sum3A_830 = vector.broadcast %reduce_sum3A_829 : i1 to vector<16xi1>
      %reduce_sum3A_831 = tpu.scan <sum>, %while3A_642#12 masked %reduce_sum3A_830 : vector<16xf32>, vector<16xi1> -> vector<16xf32>
      %reduce_sum3A_832 = vector.extract %reduce_sum3A_831[15] : f32 from vector<16xf32>
      %jit3A_833 = arith.constant 0.000000e+00 : f32
      %broadcast_in_dim3A_834 = vector.broadcast %reduce_sum3A_832 : f32 to vector<16xf32>
      %broadcast_in_dim3A_835 = vector.broadcast %jit3A_833 : f32 to vector<16xf32>
      %select_n3A_836 = arith.select %eq3A_789, %broadcast_in_dim3A_834, %broadcast_in_dim3A_835 : vector<16xi1>, vector<16xf32>
      %add3A_837 = arith.addf %get3A_828, %select_n3A_836 : vector<16xf32>
      %add3A_838 = arith.constant 32 : i32
      %add3A_839 = arith.addi %add3A_838, %shift_right_arithmetic3A_779 : i32
      %swap3A_840 = arith.index_cast %add3A_839 : i32 to index
      %swap3A_841 = arith.index_cast %mul3A_785 : i32 to index
      %swap3A_842 = tpu.vector_load %arg11[%swap3A_840, %swap3A_841] {strides = array<i32>} : memref<64x128xf32, #tpu.memory_space<vmem>>, vector<16xf32>,
      tpu.vector_store %arg11[%swap3A_840, %swap3A_841], %add3A_837 {strides = array<i32>} : memref<64x128xf32, #tpu.memory_space<vmem>>, vector<16xf32>,
      %add3A_843 = arith.constant 3 : i32
      %add3A_844 = arith.addi %mul3A_42, %add3A_843 : i32
      %shift_right_arithmetic3A_845 = arith.constant 7 : i32
      %shift_right_arithmetic3A_846 = arith.shrsi %add3A_844, %shift_right_arithmetic3A_845 : i32
      %shift_right_arithmetic3A_847 = arith.constant 4 : i32
      %shift_right_arithmetic3A_848 = arith.shrsi %add3A_844, %shift_right_arithmetic3A_847 : i32
      %and3A_849 = arith.constant 7 : i32
      %and3A_850 = arith.andi %shift_right_arithmetic3A_848, %and3A_849 : i32
      %mul3A_851 = arith.constant 16 : i32
      %mul3A_852 = arith.muli %and3A_850, %mul3A_851 : i32
      %and3A_853 = arith.constant 15 : i32
      %and3A_854 = arith.andi %add3A_844, %and3A_853 : i32
      %eq3A_855 = vector.broadcast %and3A_854 : i32 to vector<16xi32>
      %eq3A_856 = arith.cmpi eq, %iota3A, %eq3A_855 : vector<16xi32>
      %get3A_857 = arith.index_cast %shift_right_arithmetic3A_846 : i32 to index
      %get3A_858 = arith.index_cast %mul3A_852 : i32 to index
      %get3A_859 = tpu.vector_load %arg11[%get3A_857, %get3A_858] {strides = array<i32>} : memref<64x128xf32, #tpu.memory_space<vmem>>, vector<16xf32>,
      %reduce_sum3A_860 = arith.constant true
      %reduce_sum3A_861 = vector.broadcast %reduce_sum3A_860 : i1 to vector<16xi1>
      %reduce_sum3A_862 = tpu.scan <sum>, %while3A_642#13 masked %reduce_sum3A_861 : vector<16xf32>, vector<16xi1> -> vector<16xf32>
      %reduce_sum3A_863 = vector.extract %reduce_sum3A_862[15] : f32 from vector<16xf32>
      %jit3A_864 = arith.constant 0.000000e+00 : f32
      %broadcast_in_dim3A_865 = vector.broadcast %reduce_sum3A_863 : f32 to vector<16xf32>
      %broadcast_in_dim3A_866 = vector.broadcast %jit3A_864 : f32 to vector<16xf32>
      %select_n3A_867 = arith.select %eq3A_856, %broadcast_in_dim3A_865, %broadcast_in_dim3A_866 : vector<16xi1>, vector<16xf32>
      %add3A_868 = arith.addf %get3A_859, %select_n3A_867 : vector<16xf32>
      %swap3A_869 = arith.index_cast %shift_right_arithmetic3A_846 : i32 to index
      %swap3A_870 = arith.index_cast %mul3A_852 : i32 to index
      %swap3A_871 = tpu.vector_load %arg11[%swap3A_869, %swap3A_870] {strides = array<i32>} : memref<64x128xf32, #tpu.memory_space<vmem>>, vector<16xf32>,
      tpu.vector_store %arg11[%swap3A_869, %swap3A_870], %add3A_868 {strides = array<i32>} : memref<64x128xf32, #tpu.memory_space<vmem>>, vector<16xf32>,
      %add3A_872 = arith.constant 16 : i32
      %add3A_873 = arith.addi %add3A_872, %shift_right_arithmetic3A_846 : i32
      %get3A_874 = arith.index_cast %add3A_873 : i32 to index
      %get3A_875 = arith.index_cast %mul3A_852 : i32 to index
      %get3A_876 = tpu.vector_load %arg11[%get3A_874, %get3A_875] {strides = array<i32>} : memref<64x128xf32, #tpu.memory_space<vmem>>, vector<16xf32>,
      %reduce_sum3A_877 = arith.constant true
      %reduce_sum3A_878 = vector.broadcast %reduce_sum3A_877 : i1 to vector<16xi1>
      %reduce_sum3A_879 = tpu.scan <sum>, %while3A_642#14 masked %reduce_sum3A_878 : vector<16xf32>, vector<16xi1> -> vector<16xf32>
      %reduce_sum3A_880 = vector.extract %reduce_sum3A_879[15] : f32 from vector<16xf32>
      %jit3A_881 = arith.constant 0.000000e+00 : f32
      %broadcast_in_dim3A_882 = vector.broadcast %reduce_sum3A_880 : f32 to vector<16xf32>
      %broadcast_in_dim3A_883 = vector.broadcast %jit3A_881 : f32 to vector<16xf32>
      %select_n3A_884 = arith.select %eq3A_856, %broadcast_in_dim3A_882, %broadcast_in_dim3A_883 : vector<16xi1>, vector<16xf32>
      %add3A_885 = arith.addf %get3A_876, %select_n3A_884 : vector<16xf32>
      %add3A_886 = arith.constant 16 : i32
      %add3A_887 = arith.addi %add3A_886, %shift_right_arithmetic3A_846 : i32
      %swap3A_888 = arith.index_cast %add3A_887 : i32 to index
      %swap3A_889 = arith.index_cast %mul3A_852 : i32 to index
      %swap3A_890 = tpu.vector_load %arg11[%swap3A_888, %swap3A_889] {strides = array<i32>} : memref<64x128xf32, #tpu.memory_space<vmem>>, vector<16xf32>,
      tpu.vector_store %arg11[%swap3A_888, %swap3A_889], %add3A_885 {strides = array<i32>} : memref<64x128xf32, #tpu.memory_space<vmem>>, vector<16xf32>,
      %add3A_891 = arith.constant 32 : i32
      %add3A_892 = arith.addi %add3A_891, %shift_right_arithmetic3A_846 : i32
      %get3A_893 = arith.index_cast %add3A_892 : i32 to index
      %get3A_894 = arith.index_cast %mul3A_852 : i32 to index
      %get3A_895 = tpu.vector_load %arg11[%get3A_893, %get3A_894] {strides = array<i32>} : memref<64x128xf32, #tpu.memory_space<vmem>>, vector<16xf32>,
      %reduce_sum3A_896 = arith.constant true
      %reduce_sum3A_897 = vector.broadcast %reduce_sum3A_896 : i1 to vector<16xi1>
      %reduce_sum3A_898 = tpu.scan <sum>, %while3A_642#15 masked %reduce_sum3A_897 : vector<16xf32>, vector<16xi1> -> vector<16xf32>
      %reduce_sum3A_899 = vector.extract %reduce_sum3A_898[15] : f32 from vector<16xf32>
      %jit3A_900 = arith.constant 0.000000e+00 : f32
      %broadcast_in_dim3A_901 = vector.broadcast %reduce_sum3A_899 : f32 to vector<16xf32>
      %broadcast_in_dim3A_902 = vector.broadcast %jit3A_900 : f32 to vector<16xf32>
      %select_n3A_903 = arith.select %eq3A_856, %broadcast_in_dim3A_901, %broadcast_in_dim3A_902 : vector<16xi1>, vector<16xf32>
      %add3A_904 = arith.addf %get3A_895, %select_n3A_903 : vector<16xf32>
      %add3A_905 = arith.constant 32 : i32
      %add3A_906 = arith.addi %add3A_905, %shift_right_arithmetic3A_846 : i32
      %swap3A_907 = arith.index_cast %add3A_906 : i32 to index
      %swap3A_908 = arith.index_cast %mul3A_852 : i32 to index
      %swap3A_909 = tpu.vector_load %arg11[%swap3A_907, %swap3A_908] {strides = array<i32>} : memref<64x128xf32, #tpu.memory_space<vmem>>, vector<16xf32>,
      tpu.vector_store %arg11[%swap3A_907, %swap3A_908], %add3A_904 {strides = array<i32>} : memref<64x128xf32, #tpu.memory_space<vmem>>, vector<16xf32>,
      %add3A_910 = arith.constant 4 : i32
      %add3A_911 = arith.addi %mul3A_42, %add3A_910 : i32
      %shift_right_arithmetic3A_912 = arith.constant 7 : i32
      %shift_right_arithmetic3A_913 = arith.shrsi %add3A_911, %shift_right_arithmetic3A_912 : i32
      %shift_right_arithmetic3A_914 = arith.constant 4 : i32
      %shift_right_arithmetic3A_915 = arith.shrsi %add3A_911, %shift_right_arithmetic3A_914 : i32
      %and3A_916 = arith.constant 7 : i32
      %and3A_917 = arith.andi %shift_right_arithmetic3A_915, %and3A_916 : i32
      %mul3A_918 = arith.constant 16 : i32
      %mul3A_919 = arith.muli %and3A_917, %mul3A_918 : i32
      %and3A_920 = arith.constant 15 : i32
      %and3A_921 = arith.andi %add3A_911, %and3A_920 : i32
      %eq3A_922 = vector.broadcast %and3A_921 : i32 to vector<16xi32>
      %eq3A_923 = arith.cmpi eq, %iota3A, %eq3A_922 : vector<16xi32>
      %get3A_924 = arith.index_cast %shift_right_arithmetic3A_913 : i32 to index
      %get3A_925 = arith.index_cast %mul3A_919 : i32 to index
      %get3A_926 = tpu.vector_load %arg11[%get3A_924, %get3A_925] {strides = array<i32>} : memref<64x128xf32, #tpu.memory_space<vmem>>, vector<16xf32>,
      %reduce_sum3A_927 = arith.constant true
      %reduce_sum3A_928 = vector.broadcast %reduce_sum3A_927 : i1 to vector<16xi1>
      %reduce_sum3A_929 = tpu.scan <sum>, %while3A_642#16 masked %reduce_sum3A_928 : vector<16xf32>, vector<16xi1> -> vector<16xf32>
      %reduce_sum3A_930 = vector.extract %reduce_sum3A_929[15] : f32 from vector<16xf32>
      %jit3A_931 = arith.constant 0.000000e+00 : f32
      %broadcast_in_dim3A_932 = vector.broadcast %reduce_sum3A_930 : f32 to vector<16xf32>
      %broadcast_in_dim3A_933 = vector.broadcast %jit3A_931 : f32 to vector<16xf32>
      %select_n3A_934 = arith.select %eq3A_923, %broadcast_in_dim3A_932, %broadcast_in_dim3A_933 : vector<16xi1>, vector<16xf32>
      %add3A_935 = arith.addf %get3A_926, %select_n3A_934 : vector<16xf32>
      %swap3A_936 = arith.index_cast %shift_right_arithmetic3A_913 : i32 to index
      %swap3A_937 = arith.index_cast %mul3A_919 : i32 to index
      %swap3A_938 = tpu.vector_load %arg11[%swap3A_936, %swap3A_937] {strides = array<i32>} : memref<64x128xf32, #tpu.memory_space<vmem>>, vector<16xf32>,
      tpu.vector_store %arg11[%swap3A_936, %swap3A_937], %add3A_935 {strides = array<i32>} : memref<64x128xf32, #tpu.memory_space<vmem>>, vector<16xf32>,
      %add3A_939 = arith.constant 16 : i32
      %add3A_940 = arith.addi %add3A_939, %shift_right_arithmetic3A_913 : i32
      %get3A_941 = arith.index_cast %add3A_940 : i32 to index
      %get3A_942 = arith.index_cast %mul3A_919 : i32 to index
      %get3A_943 = tpu.vector_load %arg11[%get3A_941, %get3A_942] {strides = array<i32>} : memref<64x128xf32, #tpu.memory_space<vmem>>, vector<16xf32>,
      %reduce_sum3A_944 = arith.constant true
      %reduce_sum3A_945 = vector.broadcast %reduce_sum3A_944 : i1 to vector<16xi1>
      %reduce_sum3A_946 = tpu.scan <sum>, %while3A_642#17 masked %reduce_sum3A_945 : vector<16xf32>, vector<16xi1> -> vector<16xf32>
      %reduce_sum3A_947 = vector.extract %reduce_sum3A_946[15] : f32 from vector<16xf32>
      %jit3A_948 = arith.constant 0.000000e+00 : f32
      %broadcast_in_dim3A_949 = vector.broadcast %reduce_sum3A_947 : f32 to vector<16xf32>
      %broadcast_in_dim3A_950 = vector.broadcast %jit3A_948 : f32 to vector<16xf32>
      %select_n3A_951 = arith.select %eq3A_923, %broadcast_in_dim3A_949, %broadcast_in_dim3A_950 : vector<16xi1>, vector<16xf32>
      %add3A_952 = arith.addf %get3A_943, %select_n3A_951 : vector<16xf32>
      %add3A_953 = arith.constant 16 : i32
      %add3A_954 = arith.addi %add3A_953, %shift_right_arithmetic3A_913 : i32
      %swap3A_955 = arith.index_cast %add3A_954 : i32 to index
      %swap3A_956 = arith.index_cast %mul3A_919 : i32 to index
      %swap3A_957 = tpu.vector_load %arg11[%swap3A_955, %swap3A_956] {strides = array<i32>} : memref<64x128xf32, #tpu.memory_space<vmem>>, vector<16xf32>,
      tpu.vector_store %arg11[%swap3A_955, %swap3A_956], %add3A_952 {strides = array<i32>} : memref<64x128xf32, #tpu.memory_space<vmem>>, vector<16xf32>,
      %add3A_958 = arith.constant 32 : i32
      %add3A_959 = arith.addi %add3A_958, %shift_right_arithmetic3A_913 : i32
      %get3A_960 = arith.index_cast %add3A_959 : i32 to index
      %get3A_961 = arith.index_cast %mul3A_919 : i32 to index
      %get3A_962 = tpu.vector_load %arg11[%get3A_960, %get3A_961] {strides = array<i32>} : memref<64x128xf32, #tpu.memory_space<vmem>>, vector<16xf32>,
      %reduce_sum3A_963 = arith.constant true
      %reduce_sum3A_964 = vector.broadcast %reduce_sum3A_963 : i1 to vector<16xi1>
      %reduce_sum3A_965 = tpu.scan <sum>, %while3A_642#18 masked %reduce_sum3A_964 : vector<16xf32>, vector<16xi1> -> vector<16xf32>
      %reduce_sum3A_966 = vector.extract %reduce_sum3A_965[15] : f32 from vector<16xf32>
      %jit3A_967 = arith.constant 0.000000e+00 : f32
      %broadcast_in_dim3A_968 = vector.broadcast %reduce_sum3A_966 : f32 to vector<16xf32>
      %broadcast_in_dim3A_969 = vector.broadcast %jit3A_967 : f32 to vector<16xf32>
      %select_n3A_970 = arith.select %eq3A_923, %broadcast_in_dim3A_968, %broadcast_in_dim3A_969 : vector<16xi1>, vector<16xf32>
      %add3A_971 = arith.addf %get3A_962, %select_n3A_970 : vector<16xf32>
      %add3A_972 = arith.constant 32 : i32
      %add3A_973 = arith.addi %add3A_972, %shift_right_arithmetic3A_913 : i32
      %swap3A_974 = arith.index_cast %add3A_973 : i32 to index
      %swap3A_975 = arith.index_cast %mul3A_919 : i32 to index
      %swap3A_976 = tpu.vector_load %arg11[%swap3A_974, %swap3A_975] {strides = array<i32>} : memref<64x128xf32, #tpu.memory_space<vmem>>, vector<16xf32>,
      tpu.vector_store %arg11[%swap3A_974, %swap3A_975], %add3A_971 {strides = array<i32>} : memref<64x128xf32, #tpu.memory_space<vmem>>, vector<16xf32>,
      %add3A_977 = arith.constant 5 : i32
      %add3A_978 = arith.addi %mul3A_42, %add3A_977 : i32
      %shift_right_arithmetic3A_979 = arith.constant 7 : i32
      %shift_right_arithmetic3A_980 = arith.shrsi %add3A_978, %shift_right_arithmetic3A_979 : i32
      %shift_right_arithmetic3A_981 = arith.constant 4 : i32
      %shift_right_arithmetic3A_982 = arith.shrsi %add3A_978, %shift_right_arithmetic3A_981 : i32
      %and3A_983 = arith.constant 7 : i32
      %and3A_984 = arith.andi %shift_right_arithmetic3A_982, %and3A_983 : i32
      %mul3A_985 = arith.constant 16 : i32
      %mul3A_986 = arith.muli %and3A_984, %mul3A_985 : i32
      %and3A_987 = arith.constant 15 : i32
      %and3A_988 = arith.andi %add3A_978, %and3A_987 : i32
      %eq3A_989 = vector.broadcast %and3A_988 : i32 to vector<16xi32>
      %eq3A_990 = arith.cmpi eq, %iota3A, %eq3A_989 : vector<16xi32>
      %get3A_991 = arith.index_cast %shift_right_arithmetic3A_980 : i32 to index
      %get3A_992 = arith.index_cast %mul3A_986 : i32 to index
      %get3A_993 = tpu.vector_load %arg11[%get3A_991, %get3A_992] {strides = array<i32>} : memref<64x128xf32, #tpu.memory_space<vmem>>, vector<16xf32>,
      %reduce_sum3A_994 = arith.constant true
      %reduce_sum3A_995 = vector.broadcast %reduce_sum3A_994 : i1 to vector<16xi1>
      %reduce_sum3A_996 = tpu.scan <sum>, %while3A_642#19 masked %reduce_sum3A_995 : vector<16xf32>, vector<16xi1> -> vector<16xf32>
      %reduce_sum3A_997 = vector.extract %reduce_sum3A_996[15] : f32 from vector<16xf32>
      %jit3A_998 = arith.constant 0.000000e+00 : f32
      %broadcast_in_dim3A_999 = vector.broadcast %reduce_sum3A_997 : f32 to vector<16xf32>
      %broadcast_in_dim3A_1000 = vector.broadcast %jit3A_998 : f32 to vector<16xf32>
      %select_n3A_1001 = arith.select %eq3A_990, %broadcast_in_dim3A_999, %broadcast_in_dim3A_1000 : vector<16xi1>, vector<16xf32>
      %add3A_1002 = arith.addf %get3A_993, %select_n3A_1001 : vector<16xf32>
      %swap3A_1003 = arith.index_cast %shift_right_arithmetic3A_980 : i32 to index
      %swap3A_1004 = arith.index_cast %mul3A_986 : i32 to index
      %swap3A_1005 = tpu.vector_load %arg11[%swap3A_1003, %swap3A_1004] {strides = array<i32>} : memref<64x128xf32, #tpu.memory_space<vmem>>, vector<16xf32>,
      tpu.vector_store %arg11[%swap3A_1003, %swap3A_1004], %add3A_1002 {strides = array<i32>} : memref<64x128xf32, #tpu.memory_space<vmem>>, vector<16xf32>,
      %add3A_1006 = arith.constant 16 : i32
      %add3A_1007 = arith.addi %add3A_1006, %shift_right_arithmetic3A_980 : i32
      %get3A_1008 = arith.index_cast %add3A_1007 : i32 to index
      %get3A_1009 = arith.index_cast %mul3A_986 : i32 to index
      %get3A_1010 = tpu.vector_load %arg11[%get3A_1008, %get3A_1009] {strides = array<i32>} : memref<64x128xf32, #tpu.memory_space<vmem>>, vector<16xf32>,
      %reduce_sum3A_1011 = arith.constant true
      %reduce_sum3A_1012 = vector.broadcast %reduce_sum3A_1011 : i1 to vector<16xi1>
      %reduce_sum3A_1013 = tpu.scan <sum>, %while3A_642#20 masked %reduce_sum3A_1012 : vector<16xf32>, vector<16xi1> -> vector<16xf32>
      %reduce_sum3A_1014 = vector.extract %reduce_sum3A_1013[15] : f32 from vector<16xf32>
      %jit3A_1015 = arith.constant 0.000000e+00 : f32
      %broadcast_in_dim3A_1016 = vector.broadcast %reduce_sum3A_1014 : f32 to vector<16xf32>
      %broadcast_in_dim3A_1017 = vector.broadcast %jit3A_1015 : f32 to vector<16xf32>
      %select_n3A_1018 = arith.select %eq3A_990, %broadcast_in_dim3A_1016, %broadcast_in_dim3A_1017 : vector<16xi1>, vector<16xf32>
      %add3A_1019 = arith.addf %get3A_1010, %select_n3A_1018 : vector<16xf32>
      %add3A_1020 = arith.constant 16 : i32
      %add3A_1021 = arith.addi %add3A_1020, %shift_right_arithmetic3A_980 : i32
      %swap3A_1022 = arith.index_cast %add3A_1021 : i32 to index
      %swap3A_1023 = arith.index_cast %mul3A_986 : i32 to index
      %swap3A_1024 = tpu.vector_load %arg11[%swap3A_1022, %swap3A_1023] {strides = array<i32>} : memref<64x128xf32, #tpu.memory_space<vmem>>, vector<16xf32>,
      tpu.vector_store %arg11[%swap3A_1022, %swap3A_1023], %add3A_1019 {strides = array<i32>} : memref<64x128xf32, #tpu.memory_space<vmem>>, vector<16xf32>,
      %add3A_1025 = arith.constant 32 : i32
      %add3A_1026 = arith.addi %add3A_1025, %shift_right_arithmetic3A_980 : i32
      %get3A_1027 = arith.index_cast %add3A_1026 : i32 to index
      %get3A_1028 = arith.index_cast %mul3A_986 : i32 to index
      %get3A_1029 = tpu.vector_load %arg11[%get3A_1027, %get3A_1028] {strides = array<i32>} : memref<64x128xf32, #tpu.memory_space<vmem>>, vector<16xf32>,
      %reduce_sum3A_1030 = arith.constant true
      %reduce_sum3A_1031 = vector.broadcast %reduce_sum3A_1030 : i1 to vector<16xi1>
      %reduce_sum3A_1032 = tpu.scan <sum>, %while3A_642#21 masked %reduce_sum3A_1031 : vector<16xf32>, vector<16xi1> -> vector<16xf32>
      %reduce_sum3A_1033 = vector.extract %reduce_sum3A_1032[15] : f32 from vector<16xf32>
      %jit3A_1034 = arith.constant 0.000000e+00 : f32
      %broadcast_in_dim3A_1035 = vector.broadcast %reduce_sum3A_1033 : f32 to vector<16xf32>
      %broadcast_in_dim3A_1036 = vector.broadcast %jit3A_1034 : f32 to vector<16xf32>
      %select_n3A_1037 = arith.select %eq3A_990, %broadcast_in_dim3A_1035, %broadcast_in_dim3A_1036 : vector<16xi1>, vector<16xf32>
      %add3A_1038 = arith.addf %get3A_1029, %select_n3A_1037 : vector<16xf32>
      %add3A_1039 = arith.constant 32 : i32
      %add3A_1040 = arith.addi %add3A_1039, %shift_right_arithmetic3A_980 : i32
      %swap3A_1041 = arith.index_cast %add3A_1040 : i32 to index
      %swap3A_1042 = arith.index_cast %mul3A_986 : i32 to index
      %swap3A_1043 = tpu.vector_load %arg11[%swap3A_1041, %swap3A_1042] {strides = array<i32>} : memref<64x128xf32, #tpu.memory_space<vmem>>, vector<16xf32>,
      tpu.vector_store %arg11[%swap3A_1041, %swap3A_1042], %add3A_1038 {strides = array<i32>} : memref<64x128xf32, #tpu.memory_space<vmem>>, vector<16xf32>,
      %add3A_1044 = arith.constant 6 : i32
      %add3A_1045 = arith.addi %mul3A_42, %add3A_1044 : i32
      %shift_right_arithmetic3A_1046 = arith.constant 7 : i32
      %shift_right_arithmetic3A_1047 = arith.shrsi %add3A_1045, %shift_right_arithmetic3A_1046 : i32
      %shift_right_arithmetic3A_1048 = arith.constant 4 : i32
      %shift_right_arithmetic3A_1049 = arith.shrsi %add3A_1045, %shift_right_arithmetic3A_1048 : i32
      %and3A_1050 = arith.constant 7 : i32
      %and3A_1051 = arith.andi %shift_right_arithmetic3A_1049, %and3A_1050 : i32
      %mul3A_1052 = arith.constant 16 : i32
      %mul3A_1053 = arith.muli %and3A_1051, %mul3A_1052 : i32
      %and3A_1054 = arith.constant 15 : i32
      %and3A_1055 = arith.andi %add3A_1045, %and3A_1054 : i32
      %eq3A_1056 = vector.broadcast %and3A_1055 : i32 to vector<16xi32>
      %eq3A_1057 = arith.cmpi eq, %iota3A, %eq3A_1056 : vector<16xi32>
      %get3A_1058 = arith.index_cast %shift_right_arithmetic3A_1047 : i32 to index
      %get3A_1059 = arith.index_cast %mul3A_1053 : i32 to index
      %get3A_1060 = tpu.vector_load %arg11[%get3A_1058, %get3A_1059] {strides = array<i32>} : memref<64x128xf32, #tpu.memory_space<vmem>>, vector<16xf32>,
      %reduce_sum3A_1061 = arith.constant true
      %reduce_sum3A_1062 = vector.broadcast %reduce_sum3A_1061 : i1 to vector<16xi1>
      %reduce_sum3A_1063 = tpu.scan <sum>, %while3A_642#22 masked %reduce_sum3A_1062 : vector<16xf32>, vector<16xi1> -> vector<16xf32>
      %reduce_sum3A_1064 = vector.extract %reduce_sum3A_1063[15] : f32 from vector<16xf32>
      %jit3A_1065 = arith.constant 0.000000e+00 : f32
      %broadcast_in_dim3A_1066 = vector.broadcast %reduce_sum3A_1064 : f32 to vector<16xf32>
      %broadcast_in_dim3A_1067 = vector.broadcast %jit3A_1065 : f32 to vector<16xf32>
      %select_n3A_1068 = arith.select %eq3A_1057, %broadcast_in_dim3A_1066, %broadcast_in_dim3A_1067 : vector<16xi1>, vector<16xf32>
      %add3A_1069 = arith.addf %get3A_1060, %select_n3A_1068 : vector<16xf32>
      %swap3A_1070 = arith.index_cast %shift_right_arithmetic3A_1047 : i32 to index
      %swap3A_1071 = arith.index_cast %mul3A_1053 : i32 to index
      %swap3A_1072 = tpu.vector_load %arg11[%swap3A_1070, %swap3A_1071] {strides = array<i32>} : memref<64x128xf32, #tpu.memory_space<vmem>>, vector<16xf32>,
      tpu.vector_store %arg11[%swap3A_1070, %swap3A_1071], %add3A_1069 {strides = array<i32>} : memref<64x128xf32, #tpu.memory_space<vmem>>, vector<16xf32>,
      %add3A_1073 = arith.constant 16 : i32
      %add3A_1074 = arith.addi %add3A_1073, %shift_right_arithmetic3A_1047 : i32
      %get3A_1075 = arith.index_cast %add3A_1074 : i32 to index
      %get3A_1076 = arith.index_cast %mul3A_1053 : i32 to index
      %get3A_1077 = tpu.vector_load %arg11[%get3A_1075, %get3A_1076] {strides = array<i32>} : memref<64x128xf32, #tpu.memory_space<vmem>>, vector<16xf32>,
      %reduce_sum3A_1078 = arith.constant true
      %reduce_sum3A_1079 = vector.broadcast %reduce_sum3A_1078 : i1 to vector<16xi1>
      %reduce_sum3A_1080 = tpu.scan <sum>, %while3A_642#23 masked %reduce_sum3A_1079 : vector<16xf32>, vector<16xi1> -> vector<16xf32>
      %reduce_sum3A_1081 = vector.extract %reduce_sum3A_1080[15] : f32 from vector<16xf32>
      %jit3A_1082 = arith.constant 0.000000e+00 : f32
      %broadcast_in_dim3A_1083 = vector.broadcast %reduce_sum3A_1081 : f32 to vector<16xf32>
      %broadcast_in_dim3A_1084 = vector.broadcast %jit3A_1082 : f32 to vector<16xf32>
      %select_n3A_1085 = arith.select %eq3A_1057, %broadcast_in_dim3A_1083, %broadcast_in_dim3A_1084 : vector<16xi1>, vector<16xf32>
      %add3A_1086 = arith.addf %get3A_1077, %select_n3A_1085 : vector<16xf32>
      %add3A_1087 = arith.constant 16 : i32
      %add3A_1088 = arith.addi %add3A_1087, %shift_right_arithmetic3A_1047 : i32
      %swap3A_1089 = arith.index_cast %add3A_1088 : i32 to index
      %swap3A_1090 = arith.index_cast %mul3A_1053 : i32 to index
      %swap3A_1091 = tpu.vector_load %arg11[%swap3A_1089, %swap3A_1090] {strides = array<i32>} : memref<64x128xf32, #tpu.memory_space<vmem>>, vector<16xf32>,
      tpu.vector_store %arg11[%swap3A_1089, %swap3A_1090], %add3A_1086 {strides = array<i32>} : memref<64x128xf32, #tpu.memory_space<vmem>>, vector<16xf32>,
      %add3A_1092 = arith.constant 32 : i32
      %add3A_1093 = arith.addi %add3A_1092, %shift_right_arithmetic3A_1047 : i32
      %get3A_1094 = arith.index_cast %add3A_1093 : i32 to index
      %get3A_1095 = arith.index_cast %mul3A_1053 : i32 to index
      %get3A_1096 = tpu.vector_load %arg11[%get3A_1094, %get3A_1095] {strides = array<i32>} : memref<64x128xf32, #tpu.memory_space<vmem>>, vector<16xf32>,
      %reduce_sum3A_1097 = arith.constant true
      %reduce_sum3A_1098 = vector.broadcast %reduce_sum3A_1097 : i1 to vector<16xi1>
      %reduce_sum3A_1099 = tpu.scan <sum>, %while3A_642#24 masked %reduce_sum3A_1098 : vector<16xf32>, vector<16xi1> -> vector<16xf32>
      %reduce_sum3A_1100 = vector.extract %reduce_sum3A_1099[15] : f32 from vector<16xf32>
      %jit3A_1101 = arith.constant 0.000000e+00 : f32
      %broadcast_in_dim3A_1102 = vector.broadcast %reduce_sum3A_1100 : f32 to vector<16xf32>
      %broadcast_in_dim3A_1103 = vector.broadcast %jit3A_1101 : f32 to vector<16xf32>
      %select_n3A_1104 = arith.select %eq3A_1057, %broadcast_in_dim3A_1102, %broadcast_in_dim3A_1103 : vector<16xi1>, vector<16xf32>
      %add3A_1105 = arith.addf %get3A_1096, %select_n3A_1104 : vector<16xf32>
      %add3A_1106 = arith.constant 32 : i32
      %add3A_1107 = arith.addi %add3A_1106, %shift_right_arithmetic3A_1047 : i32
      %swap3A_1108 = arith.index_cast %add3A_1107 : i32 to index
      %swap3A_1109 = arith.index_cast %mul3A_1053 : i32 to index
      %swap3A_1110 = tpu.vector_load %arg11[%swap3A_1108, %swap3A_1109] {strides = array<i32>} : memref<64x128xf32, #tpu.memory_space<vmem>>, vector<16xf32>,
      tpu.vector_store %arg11[%swap3A_1108, %swap3A_1109], %add3A_1105 {strides = array<i32>} : memref<64x128xf32, #tpu.memory_space<vmem>>, vector<16xf32>,
      %add3A_1111 = arith.constant 7 : i32
      %add3A_1112 = arith.addi %mul3A_42, %add3A_1111 : i32
      %shift_right_arithmetic3A_1113 = arith.constant 7 : i32
      %shift_right_arithmetic3A_1114 = arith.shrsi %add3A_1112, %shift_right_arithmetic3A_1113 : i32
      %shift_right_arithmetic3A_1115 = arith.constant 4 : i32
      %shift_right_arithmetic3A_1116 = arith.shrsi %add3A_1112, %shift_right_arithmetic3A_1115 : i32
      %and3A_1117 = arith.constant 7 : i32
      %and3A_1118 = arith.andi %shift_right_arithmetic3A_1116, %and3A_1117 : i32
      %mul3A_1119 = arith.constant 16 : i32
      %mul3A_1120 = arith.muli %and3A_1118, %mul3A_1119 : i32
      %and3A_1121 = arith.constant 15 : i32
      %and3A_1122 = arith.andi %add3A_1112, %and3A_1121 : i32
      %eq3A_1123 = vector.broadcast %and3A_1122 : i32 to vector<16xi32>
      %eq3A_1124 = arith.cmpi eq, %iota3A, %eq3A_1123 : vector<16xi32>
      %get3A_1125 = arith.index_cast %shift_right_arithmetic3A_1114 : i32 to index
      %get3A_1126 = arith.index_cast %mul3A_1120 : i32 to index
      %get3A_1127 = tpu.vector_load %arg11[%get3A_1125, %get3A_1126] {strides = array<i32>} : memref<64x128xf32, #tpu.memory_space<vmem>>, vector<16xf32>,
      %reduce_sum3A_1128 = arith.constant true
      %reduce_sum3A_1129 = vector.broadcast %reduce_sum3A_1128 : i1 to vector<16xi1>
      %reduce_sum3A_1130 = tpu.scan <sum>, %while3A_642#25 masked %reduce_sum3A_1129 : vector<16xf32>, vector<16xi1> -> vector<16xf32>
      %reduce_sum3A_1131 = vector.extract %reduce_sum3A_1130[15] : f32 from vector<16xf32>
      %jit3A_1132 = arith.constant 0.000000e+00 : f32
      %broadcast_in_dim3A_1133 = vector.broadcast %reduce_sum3A_1131 : f32 to vector<16xf32>
      %broadcast_in_dim3A_1134 = vector.broadcast %jit3A_1132 : f32 to vector<16xf32>
      %select_n3A_1135 = arith.select %eq3A_1124, %broadcast_in_dim3A_1133, %broadcast_in_dim3A_1134 : vector<16xi1>, vector<16xf32>
      %add3A_1136 = arith.addf %get3A_1127, %select_n3A_1135 : vector<16xf32>
      %swap3A_1137 = arith.index_cast %shift_right_arithmetic3A_1114 : i32 to index
      %swap3A_1138 = arith.index_cast %mul3A_1120 : i32 to index
      %swap3A_1139 = tpu.vector_load %arg11[%swap3A_1137, %swap3A_1138] {strides = array<i32>} : memref<64x128xf32, #tpu.memory_space<vmem>>, vector<16xf32>,
      tpu.vector_store %arg11[%swap3A_1137, %swap3A_1138], %add3A_1136 {strides = array<i32>} : memref<64x128xf32, #tpu.memory_space<vmem>>, vector<16xf32>,
      %add3A_1140 = arith.constant 16 : i32
      %add3A_1141 = arith.addi %add3A_1140, %shift_right_arithmetic3A_1114 : i32
      %get3A_1142 = arith.index_cast %add3A_1141 : i32 to index
      %get3A_1143 = arith.index_cast %mul3A_1120 : i32 to index
      %get3A_1144 = tpu.vector_load %arg11[%get3A_1142, %get3A_1143] {strides = array<i32>} : memref<64x128xf32, #tpu.memory_space<vmem>>, vector<16xf32>,
      %reduce_sum3A_1145 = arith.constant true
      %reduce_sum3A_1146 = vector.broadcast %reduce_sum3A_1145 : i1 to vector<16xi1>
      %reduce_sum3A_1147 = tpu.scan <sum>, %while3A_642#26 masked %reduce_sum3A_1146 : vector<16xf32>, vector<16xi1> -> vector<16xf32>
      %reduce_sum3A_1148 = vector.extract %reduce_sum3A_1147[15] : f32 from vector<16xf32>
      %jit3A_1149 = arith.constant 0.000000e+00 : f32
      %broadcast_in_dim3A_1150 = vector.broadcast %reduce_sum3A_1148 : f32 to vector<16xf32>
      %broadcast_in_dim3A_1151 = vector.broadcast %jit3A_1149 : f32 to vector<16xf32>
      %select_n3A_1152 = arith.select %eq3A_1124, %broadcast_in_dim3A_1150, %broadcast_in_dim3A_1151 : vector<16xi1>, vector<16xf32>
      %add3A_1153 = arith.addf %get3A_1144, %select_n3A_1152 : vector<16xf32>
      %add3A_1154 = arith.constant 16 : i32
      %add3A_1155 = arith.addi %add3A_1154, %shift_right_arithmetic3A_1114 : i32
      %swap3A_1156 = arith.index_cast %add3A_1155 : i32 to index
      %swap3A_1157 = arith.index_cast %mul3A_1120 : i32 to index
      %swap3A_1158 = tpu.vector_load %arg11[%swap3A_1156, %swap3A_1157] {strides = array<i32>} : memref<64x128xf32, #tpu.memory_space<vmem>>, vector<16xf32>,
      tpu.vector_store %arg11[%swap3A_1156, %swap3A_1157], %add3A_1153 {strides = array<i32>} : memref<64x128xf32, #tpu.memory_space<vmem>>, vector<16xf32>,
      %add3A_1159 = arith.constant 32 : i32
      %add3A_1160 = arith.addi %add3A_1159, %shift_right_arithmetic3A_1114 : i32
      %get3A_1161 = arith.index_cast %add3A_1160 : i32 to index
      %get3A_1162 = arith.index_cast %mul3A_1120 : i32 to index
      %get3A_1163 = tpu.vector_load %arg11[%get3A_1161, %get3A_1162] {strides = array<i32>} : memref<64x128xf32, #tpu.memory_space<vmem>>, vector<16xf32>,
      %reduce_sum3A_1164 = arith.constant true
      %reduce_sum3A_1165 = vector.broadcast %reduce_sum3A_1164 : i1 to vector<16xi1>
      %reduce_sum3A_1166 = tpu.scan <sum>, %while3A_642#27 masked %reduce_sum3A_1165 : vector<16xf32>, vector<16xi1> -> vector<16xf32>
      %reduce_sum3A_1167 = vector.extract %reduce_sum3A_1166[15] : f32 from vector<16xf32>
      %jit3A_1168 = arith.constant 0.000000e+00 : f32
      %broadcast_in_dim3A_1169 = vector.broadcast %reduce_sum3A_1167 : f32 to vector<16xf32>
      %broadcast_in_dim3A_1170 = vector.broadcast %jit3A_1168 : f32 to vector<16xf32>
      %select_n3A_1171 = arith.select %eq3A_1124, %broadcast_in_dim3A_1169, %broadcast_in_dim3A_1170 : vector<16xi1>, vector<16xf32>
      %add3A_1172 = arith.addf %get3A_1163, %select_n3A_1171 : vector<16xf32>
      %add3A_1173 = arith.constant 32 : i32
      %add3A_1174 = arith.addi %add3A_1173, %shift_right_arithmetic3A_1114 : i32
      %swap3A_1175 = arith.index_cast %add3A_1174 : i32 to index
      %swap3A_1176 = arith.index_cast %mul3A_1120 : i32 to index
      %swap3A_1177 = tpu.vector_load %arg11[%swap3A_1175, %swap3A_1176] {strides = array<i32>} : memref<64x128xf32, #tpu.memory_space<vmem>>, vector<16xf32>,
      tpu.vector_store %arg11[%swap3A_1175, %swap3A_1176], %add3A_1172 {strides = array<i32>} : memref<64x128xf32, #tpu.memory_space<vmem>>, vector<16xf32>,
      scf.yield %while3A_642#0, %while3A_642#1, %while3A_642#2, %while3A_642#3 : vector<16xf32>, vector<16xf32>, vector<16xf32>, vector<16xf32>
    }
    %scan3A_12 = arith.constant 8 : i32
    %scan3A_13 = arith.constant 0 : i32
    %scan3A_14 = arith.constant 0 : i32
    %scan3A_15 = arith.constant 384 : i32
    %scan3A_16 = arith.addi %scan3A_14, %scan3A_15 : i32
    %scan3A_17 = arith.constant 1 : i32
    scf.for %scan3A_31 = %scan3A_14 to %scan3A_16 step %scan3A_17  : i32 {
      %shift_right_arithmetic3A = arith.constant 3 : i32
      %shift_right_arithmetic3A_32 = arith.shrsi %scan3A_31, %shift_right_arithmetic3A : i32
      %and3A = arith.constant 7 : i32
      %and3A_33 = arith.andi %scan3A_31, %and3A : i32
      %mul3A_34 = arith.constant 16 : i32
      %mul3A_35 = arith.muli %and3A_33, %mul3A_34 : i32
      %get3A_36 = arith.index_cast %shift_right_arithmetic3A_32 : i32 to index
      %get3A_37 = arith.index_cast %mul3A_35 : i32 to index
      %get3A_38 = tpu.vector_load %arg11[%get3A_36, %get3A_37] {strides = array<i32>} : memref<64x128xf32, #tpu.memory_space<vmem>>, vector<16xf32>,
      %mul3A_39 = arith.constant -6.000000e+00 : f32
      %mul3A_40 = vector.broadcast %mul3A_39 : f32 to vector<16xf32>
      %mul3A_41 = arith.mulf %get3A_38, %mul3A_40 : vector<16xf32>
      %swap3A_42 = arith.index_cast %shift_right_arithmetic3A_32 : i32 to index
      %swap3A_43 = arith.index_cast %mul3A_35 : i32 to index
      %swap3A_44 = tpu.vector_load %arg11[%swap3A_42, %swap3A_43] {strides = array<i32>} : memref<64x128xf32, #tpu.memory_space<vmem>>, vector<16xf32>,
      tpu.vector_store %arg11[%swap3A_42, %swap3A_43], %mul3A_41 {strides = array<i32>} : memref<64x128xf32, #tpu.memory_space<vmem>>, vector<16xf32>,
    }
    %scan3A_18 = arith.constant 384 : i32
    %get3A = arith.constant 48 : i32
    %get3A_19 = arith.index_cast %get3A : i32 to index
    %get3A_20 = arith.constant 0 : index
    %get3A_21 = tpu.vector_load %arg11[%get3A_19, %get3A_20] {strides = array<i32>} : memref<64x128xf32, #tpu.memory_space<vmem>>, vector<16xf32>,
    %add3A_22 = arith.addf %scan3A_11#0, %scan3A_11#1 : vector<16xf32>
    %add3A_23 = arith.addf %get3A_21, %add3A_22 : vector<16xf32>
    %add3A_24 = arith.addf %scan3A_11#2, %scan3A_11#3 : vector<16xf32>
    %add3A_25 = arith.addf %add3A_23, %add3A_24 : vector<16xf32>
    %swap3A = arith.constant 48 : i32
    %swap3A_26 = arith.index_cast %swap3A : i32 to index
    %swap3A_27 = arith.constant 0 : index
    %swap3A_28 = tpu.vector_load %arg11[%swap3A_26, %swap3A_27] {strides = array<i32>} : memref<64x128xf32, #tpu.memory_space<vmem>>, vector<16xf32>,
    tpu.vector_store %arg11[%swap3A_26, %swap3A_27], %add3A_25 {strides = array<i32>} : memref<64x128xf32, #tpu.memory_space<vmem>>, vector<16xf32>,
    "tpu.region"() ({
      %run_scoped3A = tpu.sem_alloc : memref<!tpu.dma_semaphore, #tpu.memory_space<semaphore_mem>>
      %dma_start3A = arith.constant 0 : i32
      %dma_start3A_31 = arith.constant 0 : i32
      %dma_start3A_32 = tpu.memref_slice %arg14[%arg1, %dma_start3A, %dma_start3A_31] : memref<16x64x128xf32, #tpu.memory_space<vmem_shared>> -> memref<1x64x128xf32, #tpu.memory_space<vmem_shared>>
      %dma_start3A_33 = tpu.memref_squeeze %dma_start3A_32 : memref<1x64x128xf32, #tpu.memory_space<vmem_shared>> -> memref<64x128xf32, #tpu.memory_space<vmem_shared>>
      %dma_start3A_34 = arith.constant 0 : i32
      %dma_start3A_35 = arith.constant 0 : i32
      %dma_start3A_36 = tpu.memref_slice %arg14[%arg1, %dma_start3A_34, %dma_start3A_35] : memref<16x64x128xf32, #tpu.memory_space<vmem_shared>> -> memref<1x64x128xf32, #tpu.memory_space<vmem_shared>>
      %dma_start3A_37 = tpu.memref_squeeze %dma_start3A_36 : memref<1x64x128xf32, #tpu.memory_space<vmem_shared>> -> memref<64x128xf32, #tpu.memory_space<vmem_shared>>
      tpu.enqueue_dma source(%arg11 : memref<64x128xf32, #tpu.memory_space<vmem>>) target(%dma_start3A_37 : memref<64x128xf32, #tpu.memory_space<vmem_shared>>) target_semaphore(%run_scoped3A : memref<!tpu.dma_semaphore, #tpu.memory_space<semaphore_mem>>)
      %dma_wait3A = arith.constant 0 : i32
      %dma_wait3A_38 = arith.constant 0 : i32
      %dma_wait3A_39 = tpu.memref_slice %arg14[%arg1, %dma_wait3A, %dma_wait3A_38] : memref<16x64x128xf32, #tpu.memory_space<vmem_shared>> -> memref<1x64x128xf32, #tpu.memory_space<vmem_shared>>
      %dma_wait3A_40 = tpu.memref_squeeze %dma_wait3A_39 : memref<1x64x128xf32, #tpu.memory_space<vmem_shared>> -> memref<64x128xf32, #tpu.memory_space<vmem_shared>>
      %dma_wait3A_41 = arith.constant 0 : i32
      %dma_wait3A_42 = arith.constant 0 : i32
      %dma_wait3A_43 = tpu.memref_slice %arg14[%arg1, %dma_wait3A_41, %dma_wait3A_42] : memref<16x64x128xf32, #tpu.memory_space<vmem_shared>> -> memref<1x64x128xf32, #tpu.memory_space<vmem_shared>>
      %dma_wait3A_44 = tpu.memref_squeeze %dma_wait3A_43 : memref<1x64x128xf32, #tpu.memory_space<vmem_shared>> -> memref<64x128xf32, #tpu.memory_space<vmem_shared>>
      tpu.wait_dma2 semaphore(%run_scoped3A : memref<!tpu.dma_semaphore, #tpu.memory_space<semaphore_mem>>) src(%arg11 : memref<64x128xf32, #tpu.memory_space<vmem>>) dst(%dma_wait3A_44 : memref<64x128xf32, #tpu.memory_space<vmem_shared>>)
      tpu.yield
    }) : () -> ()
    %barrier3A = arith.constant 0 : index
    tpu.barrier barrier_id(%barrier3A)
    %lt3A = arith.constant 8 : i32
    %lt3A_29 = arith.cmpi slt, %arg1, %lt3A : i32
    %convert_element_type3A = arith.extui %lt3A_29 : i1 to i32
    %cond3A = arith.constant 0 : i32
    %cond3A_30 = arith.cmpi ne, %convert_element_type3A, %cond3A : i32
    scf.if %cond3A_30 {
      %mul3A_31 = arith.constant 8 : i32
      %mul3A_32 = arith.muli %mul3A_31, %arg1 : i32
      %multiple_of3A = tpu.assume_multiple %mul3A_32, 8 : i32
      %dma_start3A = arith.constant 0 : i32
      %dma_start3A_33 = arith.constant 0 : i32
      %dma_start3A_34 = arith.constant 0 : i32
      %dma_start3A_35 = arith.constant 0 : i32
      %dma_start3A_36 = tpu.memref_slice %arg12[%dma_start3A_33, %dma_start3A_34, %dma_start3A_35] : memref<16x8x128xf32, #tpu.memory_space<vmem>> -> memref<1x8x128xf32, #tpu.memory_space<vmem>>
      %dma_start3A_37 = tpu.memref_squeeze %dma_start3A_36 : memref<1x8x128xf32, #tpu.memory_space<vmem>> -> memref<8x128xf32, #tpu.memory_space<vmem>>
      %dma_start3A_38 = arith.constant 0 : i32
      %dma_start3A_39 = tpu.memref_slice %arg14[%dma_start3A, %multiple_of3A, %dma_start3A_38] : memref<16x64x128xf32, #tpu.memory_space<vmem_shared>> -> memref<1x8x128xf32, #tpu.memory_space<vmem_shared>>
      %dma_start3A_40 = tpu.memref_squeeze %dma_start3A_39 : memref<1x8x128xf32, #tpu.memory_space<vmem_shared>> -> memref<8x128xf32, #tpu.memory_space<vmem_shared>>
      %dma_start3A_41 = arith.constant 0 : i32
      %dma_start3A_42 = arith.constant 0 : i32
      %dma_start3A_43 = tpu.memref_slice %arg12[%dma_start3A_33, %dma_start3A_41, %dma_start3A_42] : memref<16x8x128xf32, #tpu.memory_space<vmem>> -> memref<1x8x128xf32, #tpu.memory_space<vmem>>
      %dma_start3A_44 = tpu.memref_squeeze %dma_start3A_43 : memref<1x8x128xf32, #tpu.memory_space<vmem>> -> memref<8x128xf32, #tpu.memory_space<vmem>>
      %dma_start3A_45 = arith.constant 0 : i32
      %dma_start3A_46 = tpu.memref_slice %arg14[%dma_start3A, %multiple_of3A, %dma_start3A_45] : memref<16x64x128xf32, #tpu.memory_space<vmem_shared>> -> memref<1x8x128xf32, #tpu.memory_space<vmem_shared>>
      %dma_start3A_47 = tpu.memref_squeeze %dma_start3A_46 : memref<1x8x128xf32, #tpu.memory_space<vmem_shared>> -> memref<8x128xf32, #tpu.memory_space<vmem_shared>>
      tpu.enqueue_dma source(%dma_start3A_47 : memref<8x128xf32, #tpu.memory_space<vmem_shared>>) target(%dma_start3A_44 : memref<8x128xf32, #tpu.memory_space<vmem>>) target_semaphore(%arg15 : memref<!tpu.dma_semaphore, #tpu.memory_space<semaphore_mem>>)
      %dma_start3A_48 = arith.constant 1 : i32
      %dma_start3A_49 = arith.constant 1 : i32
      %dma_start3A_50 = arith.constant 0 : i32
      %dma_start3A_51 = arith.constant 0 : i32
      %dma_start3A_52 = tpu.memref_slice %arg12[%dma_start3A_49, %dma_start3A_50, %dma_start3A_51] : memref<16x8x128xf32, #tpu.memory_space<vmem>> -> memref<1x8x128xf32, #tpu.memory_space<vmem>>
      %dma_start3A_53 = tpu.memref_squeeze %dma_start3A_52 : memref<1x8x128xf32, #tpu.memory_space<vmem>> -> memref<8x128xf32, #tpu.memory_space<vmem>>
      %dma_start3A_54 = arith.constant 0 : i32
      %dma_start3A_55 = tpu.memref_slice %arg14[%dma_start3A_48, %multiple_of3A, %dma_start3A_54] : memref<16x64x128xf32, #tpu.memory_space<vmem_shared>> -> memref<1x8x128xf32, #tpu.memory_space<vmem_shared>>
      %dma_start3A_56 = tpu.memref_squeeze %dma_start3A_55 : memref<1x8x128xf32, #tpu.memory_space<vmem_shared>> -> memref<8x128xf32, #tpu.memory_space<vmem_shared>>
      %dma_start3A_57 = arith.constant 0 : i32
      %dma_start3A_58 = arith.constant 0 : i32
      %dma_start3A_59 = tpu.memref_slice %arg12[%dma_start3A_49, %dma_start3A_57, %dma_start3A_58] : memref<16x8x128xf32, #tpu.memory_space<vmem>> -> memref<1x8x128xf32, #tpu.memory_space<vmem>>
      %dma_start3A_60 = tpu.memref_squeeze %dma_start3A_59 : memref<1x8x128xf32, #tpu.memory_space<vmem>> -> memref<8x128xf32, #tpu.memory_space<vmem>>
      %dma_start3A_61 = arith.constant 0 : i32
      %dma_start3A_62 = tpu.memref_slice %arg14[%dma_start3A_48, %multiple_of3A, %dma_start3A_61] : memref<16x64x128xf32, #tpu.memory_space<vmem_shared>> -> memref<1x8x128xf32, #tpu.memory_space<vmem_shared>>
      %dma_start3A_63 = tpu.memref_squeeze %dma_start3A_62 : memref<1x8x128xf32, #tpu.memory_space<vmem_shared>> -> memref<8x128xf32, #tpu.memory_space<vmem_shared>>
      tpu.enqueue_dma source(%dma_start3A_63 : memref<8x128xf32, #tpu.memory_space<vmem_shared>>) target(%dma_start3A_60 : memref<8x128xf32, #tpu.memory_space<vmem>>) target_semaphore(%arg15 : memref<!tpu.dma_semaphore, #tpu.memory_space<semaphore_mem>>)
      %dma_start3A_64 = arith.constant 2 : i32
      %dma_start3A_65 = arith.constant 2 : i32
      %dma_start3A_66 = arith.constant 0 : i32
      %dma_start3A_67 = arith.constant 0 : i32
      %dma_start3A_68 = tpu.memref_slice %arg12[%dma_start3A_65, %dma_start3A_66, %dma_start3A_67] : memref<16x8x128xf32, #tpu.memory_space<vmem>> -> memref<1x8x128xf32, #tpu.memory_space<vmem>>
      %dma_start3A_69 = tpu.memref_squeeze %dma_start3A_68 : memref<1x8x128xf32, #tpu.memory_space<vmem>> -> memref<8x128xf32, #tpu.memory_space<vmem>>
      %dma_start3A_70 = arith.constant 0 : i32
      %dma_start3A_71 = tpu.memref_slice %arg14[%dma_start3A_64, %multiple_of3A, %dma_start3A_70] : memref<16x64x128xf32, #tpu.memory_space<vmem_shared>> -> memref<1x8x128xf32, #tpu.memory_space<vmem_shared>>
      %dma_start3A_72 = tpu.memref_squeeze %dma_start3A_71 : memref<1x8x128xf32, #tpu.memory_space<vmem_shared>> -> memref<8x128xf32, #tpu.memory_space<vmem_shared>>
      %dma_start3A_73 = arith.constant 0 : i32
      %dma_start3A_74 = arith.constant 0 : i32
      %dma_start3A_75 = tpu.memref_slice %arg12[%dma_start3A_65, %dma_start3A_73, %dma_start3A_74] : memref<16x8x128xf32, #tpu.memory_space<vmem>> -> memref<1x8x128xf32, #tpu.memory_space<vmem>>
      %dma_start3A_76 = tpu.memref_squeeze %dma_start3A_75 : memref<1x8x128xf32, #tpu.memory_space<vmem>> -> memref<8x128xf32, #tpu.memory_space<vmem>>
      %dma_start3A_77 = arith.constant 0 : i32
      %dma_start3A_78 = tpu.memref_slice %arg14[%dma_start3A_64, %multiple_of3A, %dma_start3A_77] : memref<16x64x128xf32, #tpu.memory_space<vmem_shared>> -> memref<1x8x128xf32, #tpu.memory_space<vmem_shared>>
      %dma_start3A_79 = tpu.memref_squeeze %dma_start3A_78 : memref<1x8x128xf32, #tpu.memory_space<vmem_shared>> -> memref<8x128xf32, #tpu.memory_space<vmem_shared>>
      tpu.enqueue_dma source(%dma_start3A_79 : memref<8x128xf32, #tpu.memory_space<vmem_shared>>) target(%dma_start3A_76 : memref<8x128xf32, #tpu.memory_space<vmem>>) target_semaphore(%arg15 : memref<!tpu.dma_semaphore, #tpu.memory_space<semaphore_mem>>)
      %dma_start3A_80 = arith.constant 3 : i32
      %dma_start3A_81 = arith.constant 3 : i32
      %dma_start3A_82 = arith.constant 0 : i32
      %dma_start3A_83 = arith.constant 0 : i32
      %dma_start3A_84 = tpu.memref_slice %arg12[%dma_start3A_81, %dma_start3A_82, %dma_start3A_83] : memref<16x8x128xf32, #tpu.memory_space<vmem>> -> memref<1x8x128xf32, #tpu.memory_space<vmem>>
      %dma_start3A_85 = tpu.memref_squeeze %dma_start3A_84 : memref<1x8x128xf32, #tpu.memory_space<vmem>> -> memref<8x128xf32, #tpu.memory_space<vmem>>
      %dma_start3A_86 = arith.constant 0 : i32
      %dma_start3A_87 = tpu.memref_slice %arg14[%dma_start3A_80, %multiple_of3A, %dma_start3A_86] : memref<16x64x128xf32, #tpu.memory_space<vmem_shared>> -> memref<1x8x128xf32, #tpu.memory_space<vmem_shared>>
      %dma_start3A_88 = tpu.memref_squeeze %dma_start3A_87 : memref<1x8x128xf32, #tpu.memory_space<vmem_shared>> -> memref<8x128xf32, #tpu.memory_space<vmem_shared>>
      %dma_start3A_89 = arith.constant 0 : i32
      %dma_start3A_90 = arith.constant 0 : i32
      %dma_start3A_91 = tpu.memref_slice %arg12[%dma_start3A_81, %dma_start3A_89, %dma_start3A_90] : memref<16x8x128xf32, #tpu.memory_space<vmem>> -> memref<1x8x128xf32, #tpu.memory_space<vmem>>
      %dma_start3A_92 = tpu.memref_squeeze %dma_start3A_91 : memref<1x8x128xf32, #tpu.memory_space<vmem>> -> memref<8x128xf32, #tpu.memory_space<vmem>>
      %dma_start3A_93 = arith.constant 0 : i32
      %dma_start3A_94 = tpu.memref_slice %arg14[%dma_start3A_80, %multiple_of3A, %dma_start3A_93] : memref<16x64x128xf32, #tpu.memory_space<vmem_shared>> -> memref<1x8x128xf32, #tpu.memory_space<vmem_shared>>
      %dma_start3A_95 = tpu.memref_squeeze %dma_start3A_94 : memref<1x8x128xf32, #tpu.memory_space<vmem_shared>> -> memref<8x128xf32, #tpu.memory_space<vmem_shared>>
      tpu.enqueue_dma source(%dma_start3A_95 : memref<8x128xf32, #tpu.memory_space<vmem_shared>>) target(%dma_start3A_92 : memref<8x128xf32, #tpu.memory_space<vmem>>) target_semaphore(%arg15 : memref<!tpu.dma_semaphore, #tpu.memory_space<semaphore_mem>>)
      %dma_start3A_96 = arith.constant 4 : i32
      %dma_start3A_97 = arith.constant 4 : i32
      %dma_start3A_98 = arith.constant 0 : i32
      %dma_start3A_99 = arith.constant 0 : i32
      %dma_start3A_100 = tpu.memref_slice %arg12[%dma_start3A_97, %dma_start3A_98, %dma_start3A_99] : memref<16x8x128xf32, #tpu.memory_space<vmem>> -> memref<1x8x128xf32, #tpu.memory_space<vmem>>
      %dma_start3A_101 = tpu.memref_squeeze %dma_start3A_100 : memref<1x8x128xf32, #tpu.memory_space<vmem>> -> memref<8x128xf32, #tpu.memory_space<vmem>>
      %dma_start3A_102 = arith.constant 0 : i32
      %dma_start3A_103 = tpu.memref_slice %arg14[%dma_start3A_96, %multiple_of3A, %dma_start3A_102] : memref<16x64x128xf32, #tpu.memory_space<vmem_shared>> -> memref<1x8x128xf32, #tpu.memory_space<vmem_shared>>
      %dma_start3A_104 = tpu.memref_squeeze %dma_start3A_103 : memref<1x8x128xf32, #tpu.memory_space<vmem_shared>> -> memref<8x128xf32, #tpu.memory_space<vmem_shared>>
      %dma_start3A_105 = arith.constant 0 : i32
      %dma_start3A_106 = arith.constant 0 : i32
      %dma_start3A_107 = tpu.memref_slice %arg12[%dma_start3A_97, %dma_start3A_105, %dma_start3A_106] : memref<16x8x128xf32, #tpu.memory_space<vmem>> -> memref<1x8x128xf32, #tpu.memory_space<vmem>>
      %dma_start3A_108 = tpu.memref_squeeze %dma_start3A_107 : memref<1x8x128xf32, #tpu.memory_space<vmem>> -> memref<8x128xf32, #tpu.memory_space<vmem>>
      %dma_start3A_109 = arith.constant 0 : i32
      %dma_start3A_110 = tpu.memref_slice %arg14[%dma_start3A_96, %multiple_of3A, %dma_start3A_109] : memref<16x64x128xf32, #tpu.memory_space<vmem_shared>> -> memref<1x8x128xf32, #tpu.memory_space<vmem_shared>>
      %dma_start3A_111 = tpu.memref_squeeze %dma_start3A_110 : memref<1x8x128xf32, #tpu.memory_space<vmem_shared>> -> memref<8x128xf32, #tpu.memory_space<vmem_shared>>
      tpu.enqueue_dma source(%dma_start3A_111 : memref<8x128xf32, #tpu.memory_space<vmem_shared>>) target(%dma_start3A_108 : memref<8x128xf32, #tpu.memory_space<vmem>>) target_semaphore(%arg15 : memref<!tpu.dma_semaphore, #tpu.memory_space<semaphore_mem>>)
      %dma_start3A_112 = arith.constant 5 : i32
      %dma_start3A_113 = arith.constant 5 : i32
      %dma_start3A_114 = arith.constant 0 : i32
      %dma_start3A_115 = arith.constant 0 : i32
      %dma_start3A_116 = tpu.memref_slice %arg12[%dma_start3A_113, %dma_start3A_114, %dma_start3A_115] : memref<16x8x128xf32, #tpu.memory_space<vmem>> -> memref<1x8x128xf32, #tpu.memory_space<vmem>>
      %dma_start3A_117 = tpu.memref_squeeze %dma_start3A_116 : memref<1x8x128xf32, #tpu.memory_space<vmem>> -> memref<8x128xf32, #tpu.memory_space<vmem>>
      %dma_start3A_118 = arith.constant 0 : i32
      %dma_start3A_119 = tpu.memref_slice %arg14[%dma_start3A_112, %multiple_of3A, %dma_start3A_118] : memref<16x64x128xf32, #tpu.memory_space<vmem_shared>> -> memref<1x8x128xf32, #tpu.memory_space<vmem_shared>>
      %dma_start3A_120 = tpu.memref_squeeze %dma_start3A_119 : memref<1x8x128xf32, #tpu.memory_space<vmem_shared>> -> memref<8x128xf32, #tpu.memory_space<vmem_shared>>
      %dma_start3A_121 = arith.constant 0 : i32
      %dma_start3A_122 = arith.constant 0 : i32
      %dma_start3A_123 = tpu.memref_slice %arg12[%dma_start3A_113, %dma_start3A_121, %dma_start3A_122] : memref<16x8x128xf32, #tpu.memory_space<vmem>> -> memref<1x8x128xf32, #tpu.memory_space<vmem>>
      %dma_start3A_124 = tpu.memref_squeeze %dma_start3A_123 : memref<1x8x128xf32, #tpu.memory_space<vmem>> -> memref<8x128xf32, #tpu.memory_space<vmem>>
      %dma_start3A_125 = arith.constant 0 : i32
      %dma_start3A_126 = tpu.memref_slice %arg14[%dma_start3A_112, %multiple_of3A, %dma_start3A_125] : memref<16x64x128xf32, #tpu.memory_space<vmem_shared>> -> memref<1x8x128xf32, #tpu.memory_space<vmem_shared>>
      %dma_start3A_127 = tpu.memref_squeeze %dma_start3A_126 : memref<1x8x128xf32, #tpu.memory_space<vmem_shared>> -> memref<8x128xf32, #tpu.memory_space<vmem_shared>>
      tpu.enqueue_dma source(%dma_start3A_127 : memref<8x128xf32, #tpu.memory_space<vmem_shared>>) target(%dma_start3A_124 : memref<8x128xf32, #tpu.memory_space<vmem>>) target_semaphore(%arg15 : memref<!tpu.dma_semaphore, #tpu.memory_space<semaphore_mem>>)
      %dma_start3A_128 = arith.constant 6 : i32
      %dma_start3A_129 = arith.constant 6 : i32
      %dma_start3A_130 = arith.constant 0 : i32
      %dma_start3A_131 = arith.constant 0 : i32
      %dma_start3A_132 = tpu.memref_slice %arg12[%dma_start3A_129, %dma_start3A_130, %dma_start3A_131] : memref<16x8x128xf32, #tpu.memory_space<vmem>> -> memref<1x8x128xf32, #tpu.memory_space<vmem>>
      %dma_start3A_133 = tpu.memref_squeeze %dma_start3A_132 : memref<1x8x128xf32, #tpu.memory_space<vmem>> -> memref<8x128xf32, #tpu.memory_space<vmem>>
      %dma_start3A_134 = arith.constant 0 : i32
      %dma_start3A_135 = tpu.memref_slice %arg14[%dma_start3A_128, %multiple_of3A, %dma_start3A_134] : memref<16x64x128xf32, #tpu.memory_space<vmem_shared>> -> memref<1x8x128xf32, #tpu.memory_space<vmem_shared>>
      %dma_start3A_136 = tpu.memref_squeeze %dma_start3A_135 : memref<1x8x128xf32, #tpu.memory_space<vmem_shared>> -> memref<8x128xf32, #tpu.memory_space<vmem_shared>>
      %dma_start3A_137 = arith.constant 0 : i32
      %dma_start3A_138 = arith.constant 0 : i32
      %dma_start3A_139 = tpu.memref_slice %arg12[%dma_start3A_129, %dma_start3A_137, %dma_start3A_138] : memref<16x8x128xf32, #tpu.memory_space<vmem>> -> memref<1x8x128xf32, #tpu.memory_space<vmem>>
      %dma_start3A_140 = tpu.memref_squeeze %dma_start3A_139 : memref<1x8x128xf32, #tpu.memory_space<vmem>> -> memref<8x128xf32, #tpu.memory_space<vmem>>
      %dma_start3A_141 = arith.constant 0 : i32
      %dma_start3A_142 = tpu.memref_slice %arg14[%dma_start3A_128, %multiple_of3A, %dma_start3A_141] : memref<16x64x128xf32, #tpu.memory_space<vmem_shared>> -> memref<1x8x128xf32, #tpu.memory_space<vmem_shared>>
      %dma_start3A_143 = tpu.memref_squeeze %dma_start3A_142 : memref<1x8x128xf32, #tpu.memory_space<vmem_shared>> -> memref<8x128xf32, #tpu.memory_space<vmem_shared>>
      tpu.enqueue_dma source(%dma_start3A_143 : memref<8x128xf32, #tpu.memory_space<vmem_shared>>) target(%dma_start3A_140 : memref<8x128xf32, #tpu.memory_space<vmem>>) target_semaphore(%arg15 : memref<!tpu.dma_semaphore, #tpu.memory_space<semaphore_mem>>)
      %dma_start3A_144 = arith.constant 7 : i32
      %dma_start3A_145 = arith.constant 7 : i32
      %dma_start3A_146 = arith.constant 0 : i32
      %dma_start3A_147 = arith.constant 0 : i32
      %dma_start3A_148 = tpu.memref_slice %arg12[%dma_start3A_145, %dma_start3A_146, %dma_start3A_147] : memref<16x8x128xf32, #tpu.memory_space<vmem>> -> memref<1x8x128xf32, #tpu.memory_space<vmem>>
      %dma_start3A_149 = tpu.memref_squeeze %dma_start3A_148 : memref<1x8x128xf32, #tpu.memory_space<vmem>> -> memref<8x128xf32, #tpu.memory_space<vmem>>
      %dma_start3A_150 = arith.constant 0 : i32
      %dma_start3A_151 = tpu.memref_slice %arg14[%dma_start3A_144, %multiple_of3A, %dma_start3A_150] : memref<16x64x128xf32, #tpu.memory_space<vmem_shared>> -> memref<1x8x128xf32, #tpu.memory_space<vmem_shared>>
      %dma_start3A_152 = tpu.memref_squeeze %dma_start3A_151 : memref<1x8x128xf32, #tpu.memory_space<vmem_shared>> -> memref<8x128xf32, #tpu.memory_space<vmem_shared>>
      %dma_start3A_153 = arith.constant 0 : i32
      %dma_start3A_154 = arith.constant 0 : i32
      %dma_start3A_155 = tpu.memref_slice %arg12[%dma_start3A_145, %dma_start3A_153, %dma_start3A_154] : memref<16x8x128xf32, #tpu.memory_space<vmem>> -> memref<1x8x128xf32, #tpu.memory_space<vmem>>
      %dma_start3A_156 = tpu.memref_squeeze %dma_start3A_155 : memref<1x8x128xf32, #tpu.memory_space<vmem>> -> memref<8x128xf32, #tpu.memory_space<vmem>>
      %dma_start3A_157 = arith.constant 0 : i32
      %dma_start3A_158 = tpu.memref_slice %arg14[%dma_start3A_144, %multiple_of3A, %dma_start3A_157] : memref<16x64x128xf32, #tpu.memory_space<vmem_shared>> -> memref<1x8x128xf32, #tpu.memory_space<vmem_shared>>
      %dma_start3A_159 = tpu.memref_squeeze %dma_start3A_158 : memref<1x8x128xf32, #tpu.memory_space<vmem_shared>> -> memref<8x128xf32, #tpu.memory_space<vmem_shared>>
      tpu.enqueue_dma source(%dma_start3A_159 : memref<8x128xf32, #tpu.memory_space<vmem_shared>>) target(%dma_start3A_156 : memref<8x128xf32, #tpu.memory_space<vmem>>) target_semaphore(%arg15 : memref<!tpu.dma_semaphore, #tpu.memory_space<semaphore_mem>>)
      %dma_start3A_160 = arith.constant 8 : i32
      %dma_start3A_161 = arith.constant 8 : i32
      %dma_start3A_162 = arith.constant 0 : i32
      %dma_start3A_163 = arith.constant 0 : i32
      %dma_start3A_164 = tpu.memref_slice %arg12[%dma_start3A_161, %dma_start3A_162, %dma_start3A_163] : memref<16x8x128xf32, #tpu.memory_space<vmem>> -> memref<1x8x128xf32, #tpu.memory_space<vmem>>
      %dma_start3A_165 = tpu.memref_squeeze %dma_start3A_164 : memref<1x8x128xf32, #tpu.memory_space<vmem>> -> memref<8x128xf32, #tpu.memory_space<vmem>>
      %dma_start3A_166 = arith.constant 0 : i32
      %dma_start3A_167 = tpu.memref_slice %arg14[%dma_start3A_160, %multiple_of3A, %dma_start3A_166] : memref<16x64x128xf32, #tpu.memory_space<vmem_shared>> -> memref<1x8x128xf32, #tpu.memory_space<vmem_shared>>
      %dma_start3A_168 = tpu.memref_squeeze %dma_start3A_167 : memref<1x8x128xf32, #tpu.memory_space<vmem_shared>> -> memref<8x128xf32, #tpu.memory_space<vmem_shared>>
      %dma_start3A_169 = arith.constant 0 : i32
      %dma_start3A_170 = arith.constant 0 : i32
      %dma_start3A_171 = tpu.memref_slice %arg12[%dma_start3A_161, %dma_start3A_169, %dma_start3A_170] : memref<16x8x128xf32, #tpu.memory_space<vmem>> -> memref<1x8x128xf32, #tpu.memory_space<vmem>>
      %dma_start3A_172 = tpu.memref_squeeze %dma_start3A_171 : memref<1x8x128xf32, #tpu.memory_space<vmem>> -> memref<8x128xf32, #tpu.memory_space<vmem>>
      %dma_start3A_173 = arith.constant 0 : i32
      %dma_start3A_174 = tpu.memref_slice %arg14[%dma_start3A_160, %multiple_of3A, %dma_start3A_173] : memref<16x64x128xf32, #tpu.memory_space<vmem_shared>> -> memref<1x8x128xf32, #tpu.memory_space<vmem_shared>>
      %dma_start3A_175 = tpu.memref_squeeze %dma_start3A_174 : memref<1x8x128xf32, #tpu.memory_space<vmem_shared>> -> memref<8x128xf32, #tpu.memory_space<vmem_shared>>
      tpu.enqueue_dma source(%dma_start3A_175 : memref<8x128xf32, #tpu.memory_space<vmem_shared>>) target(%dma_start3A_172 : memref<8x128xf32, #tpu.memory_space<vmem>>) target_semaphore(%arg15 : memref<!tpu.dma_semaphore, #tpu.memory_space<semaphore_mem>>)
      %dma_start3A_176 = arith.constant 9 : i32
      %dma_start3A_177 = arith.constant 9 : i32
      %dma_start3A_178 = arith.constant 0 : i32
      %dma_start3A_179 = arith.constant 0 : i32
      %dma_start3A_180 = tpu.memref_slice %arg12[%dma_start3A_177, %dma_start3A_178, %dma_start3A_179] : memref<16x8x128xf32, #tpu.memory_space<vmem>> -> memref<1x8x128xf32, #tpu.memory_space<vmem>>
      %dma_start3A_181 = tpu.memref_squeeze %dma_start3A_180 : memref<1x8x128xf32, #tpu.memory_space<vmem>> -> memref<8x128xf32, #tpu.memory_space<vmem>>
      %dma_start3A_182 = arith.constant 0 : i32
      %dma_start3A_183 = tpu.memref_slice %arg14[%dma_start3A_176, %multiple_of3A, %dma_start3A_182] : memref<16x64x128xf32, #tpu.memory_space<vmem_shared>> -> memref<1x8x128xf32, #tpu.memory_space<vmem_shared>>
      %dma_start3A_184 = tpu.memref_squeeze %dma_start3A_183 : memref<1x8x128xf32, #tpu.memory_space<vmem_shared>> -> memref<8x128xf32, #tpu.memory_space<vmem_shared>>
      %dma_start3A_185 = arith.constant 0 : i32
      %dma_start3A_186 = arith.constant 0 : i32
      %dma_start3A_187 = tpu.memref_slice %arg12[%dma_start3A_177, %dma_start3A_185, %dma_start3A_186] : memref<16x8x128xf32, #tpu.memory_space<vmem>> -> memref<1x8x128xf32, #tpu.memory_space<vmem>>
      %dma_start3A_188 = tpu.memref_squeeze %dma_start3A_187 : memref<1x8x128xf32, #tpu.memory_space<vmem>> -> memref<8x128xf32, #tpu.memory_space<vmem>>
      %dma_start3A_189 = arith.constant 0 : i32
      %dma_start3A_190 = tpu.memref_slice %arg14[%dma_start3A_176, %multiple_of3A, %dma_start3A_189] : memref<16x64x128xf32, #tpu.memory_space<vmem_shared>> -> memref<1x8x128xf32, #tpu.memory_space<vmem_shared>>
      %dma_start3A_191 = tpu.memref_squeeze %dma_start3A_190 : memref<1x8x128xf32, #tpu.memory_space<vmem_shared>> -> memref<8x128xf32, #tpu.memory_space<vmem_shared>>
      tpu.enqueue_dma source(%dma_start3A_191 : memref<8x128xf32, #tpu.memory_space<vmem_shared>>) target(%dma_start3A_188 : memref<8x128xf32, #tpu.memory_space<vmem>>) target_semaphore(%arg15 : memref<!tpu.dma_semaphore, #tpu.memory_space<semaphore_mem>>)
      %dma_start3A_192 = arith.constant 10 : i32
      %dma_start3A_193 = arith.constant 10 : i32
      %dma_start3A_194 = arith.constant 0 : i32
      %dma_start3A_195 = arith.constant 0 : i32
      %dma_start3A_196 = tpu.memref_slice %arg12[%dma_start3A_193, %dma_start3A_194, %dma_start3A_195] : memref<16x8x128xf32, #tpu.memory_space<vmem>> -> memref<1x8x128xf32, #tpu.memory_space<vmem>>
      %dma_start3A_197 = tpu.memref_squeeze %dma_start3A_196 : memref<1x8x128xf32, #tpu.memory_space<vmem>> -> memref<8x128xf32, #tpu.memory_space<vmem>>
      %dma_start3A_198 = arith.constant 0 : i32
      %dma_start3A_199 = tpu.memref_slice %arg14[%dma_start3A_192, %multiple_of3A, %dma_start3A_198] : memref<16x64x128xf32, #tpu.memory_space<vmem_shared>> -> memref<1x8x128xf32, #tpu.memory_space<vmem_shared>>
      %dma_start3A_200 = tpu.memref_squeeze %dma_start3A_199 : memref<1x8x128xf32, #tpu.memory_space<vmem_shared>> -> memref<8x128xf32, #tpu.memory_space<vmem_shared>>
      %dma_start3A_201 = arith.constant 0 : i32
      %dma_start3A_202 = arith.constant 0 : i32
      %dma_start3A_203 = tpu.memref_slice %arg12[%dma_start3A_193, %dma_start3A_201, %dma_start3A_202] : memref<16x8x128xf32, #tpu.memory_space<vmem>> -> memref<1x8x128xf32, #tpu.memory_space<vmem>>
      %dma_start3A_204 = tpu.memref_squeeze %dma_start3A_203 : memref<1x8x128xf32, #tpu.memory_space<vmem>> -> memref<8x128xf32, #tpu.memory_space<vmem>>
      %dma_start3A_205 = arith.constant 0 : i32
      %dma_start3A_206 = tpu.memref_slice %arg14[%dma_start3A_192, %multiple_of3A, %dma_start3A_205] : memref<16x64x128xf32, #tpu.memory_space<vmem_shared>> -> memref<1x8x128xf32, #tpu.memory_space<vmem_shared>>
      %dma_start3A_207 = tpu.memref_squeeze %dma_start3A_206 : memref<1x8x128xf32, #tpu.memory_space<vmem_shared>> -> memref<8x128xf32, #tpu.memory_space<vmem_shared>>
      tpu.enqueue_dma source(%dma_start3A_207 : memref<8x128xf32, #tpu.memory_space<vmem_shared>>) target(%dma_start3A_204 : memref<8x128xf32, #tpu.memory_space<vmem>>) target_semaphore(%arg15 : memref<!tpu.dma_semaphore, #tpu.memory_space<semaphore_mem>>)
      %dma_start3A_208 = arith.constant 11 : i32
      %dma_start3A_209 = arith.constant 11 : i32
      %dma_start3A_210 = arith.constant 0 : i32
      %dma_start3A_211 = arith.constant 0 : i32
      %dma_start3A_212 = tpu.memref_slice %arg12[%dma_start3A_209, %dma_start3A_210, %dma_start3A_211] : memref<16x8x128xf32, #tpu.memory_space<vmem>> -> memref<1x8x128xf32, #tpu.memory_space<vmem>>
      %dma_start3A_213 = tpu.memref_squeeze %dma_start3A_212 : memref<1x8x128xf32, #tpu.memory_space<vmem>> -> memref<8x128xf32, #tpu.memory_space<vmem>>
      %dma_start3A_214 = arith.constant 0 : i32
      %dma_start3A_215 = tpu.memref_slice %arg14[%dma_start3A_208, %multiple_of3A, %dma_start3A_214] : memref<16x64x128xf32, #tpu.memory_space<vmem_shared>> -> memref<1x8x128xf32, #tpu.memory_space<vmem_shared>>
      %dma_start3A_216 = tpu.memref_squeeze %dma_start3A_215 : memref<1x8x128xf32, #tpu.memory_space<vmem_shared>> -> memref<8x128xf32, #tpu.memory_space<vmem_shared>>
      %dma_start3A_217 = arith.constant 0 : i32
      %dma_start3A_218 = arith.constant 0 : i32
      %dma_start3A_219 = tpu.memref_slice %arg12[%dma_start3A_209, %dma_start3A_217, %dma_start3A_218] : memref<16x8x128xf32, #tpu.memory_space<vmem>> -> memref<1x8x128xf32, #tpu.memory_space<vmem>>
      %dma_start3A_220 = tpu.memref_squeeze %dma_start3A_219 : memref<1x8x128xf32, #tpu.memory_space<vmem>> -> memref<8x128xf32, #tpu.memory_space<vmem>>
      %dma_start3A_221 = arith.constant 0 : i32
      %dma_start3A_222 = tpu.memref_slice %arg14[%dma_start3A_208, %multiple_of3A, %dma_start3A_221] : memref<16x64x128xf32, #tpu.memory_space<vmem_shared>> -> memref<1x8x128xf32, #tpu.memory_space<vmem_shared>>
      %dma_start3A_223 = tpu.memref_squeeze %dma_start3A_222 : memref<1x8x128xf32, #tpu.memory_space<vmem_shared>> -> memref<8x128xf32, #tpu.memory_space<vmem_shared>>
      tpu.enqueue_dma source(%dma_start3A_223 : memref<8x128xf32, #tpu.memory_space<vmem_shared>>) target(%dma_start3A_220 : memref<8x128xf32, #tpu.memory_space<vmem>>) target_semaphore(%arg15 : memref<!tpu.dma_semaphore, #tpu.memory_space<semaphore_mem>>)
      %dma_start3A_224 = arith.constant 12 : i32
      %dma_start3A_225 = arith.constant 12 : i32
      %dma_start3A_226 = arith.constant 0 : i32
      %dma_start3A_227 = arith.constant 0 : i32
      %dma_start3A_228 = tpu.memref_slice %arg12[%dma_start3A_225, %dma_start3A_226, %dma_start3A_227] : memref<16x8x128xf32, #tpu.memory_space<vmem>> -> memref<1x8x128xf32, #tpu.memory_space<vmem>>
      %dma_start3A_229 = tpu.memref_squeeze %dma_start3A_228 : memref<1x8x128xf32, #tpu.memory_space<vmem>> -> memref<8x128xf32, #tpu.memory_space<vmem>>
      %dma_start3A_230 = arith.constant 0 : i32
      %dma_start3A_231 = tpu.memref_slice %arg14[%dma_start3A_224, %multiple_of3A, %dma_start3A_230] : memref<16x64x128xf32, #tpu.memory_space<vmem_shared>> -> memref<1x8x128xf32, #tpu.memory_space<vmem_shared>>
      %dma_start3A_232 = tpu.memref_squeeze %dma_start3A_231 : memref<1x8x128xf32, #tpu.memory_space<vmem_shared>> -> memref<8x128xf32, #tpu.memory_space<vmem_shared>>
      %dma_start3A_233 = arith.constant 0 : i32
      %dma_start3A_234 = arith.constant 0 : i32
      %dma_start3A_235 = tpu.memref_slice %arg12[%dma_start3A_225, %dma_start3A_233, %dma_start3A_234] : memref<16x8x128xf32, #tpu.memory_space<vmem>> -> memref<1x8x128xf32, #tpu.memory_space<vmem>>
      %dma_start3A_236 = tpu.memref_squeeze %dma_start3A_235 : memref<1x8x128xf32, #tpu.memory_space<vmem>> -> memref<8x128xf32, #tpu.memory_space<vmem>>
      %dma_start3A_237 = arith.constant 0 : i32
      %dma_start3A_238 = tpu.memref_slice %arg14[%dma_start3A_224, %multiple_of3A, %dma_start3A_237] : memref<16x64x128xf32, #tpu.memory_space<vmem_shared>> -> memref<1x8x128xf32, #tpu.memory_space<vmem_shared>>
      %dma_start3A_239 = tpu.memref_squeeze %dma_start3A_238 : memref<1x8x128xf32, #tpu.memory_space<vmem_shared>> -> memref<8x128xf32, #tpu.memory_space<vmem_shared>>
      tpu.enqueue_dma source(%dma_start3A_239 : memref<8x128xf32, #tpu.memory_space<vmem_shared>>) target(%dma_start3A_236 : memref<8x128xf32, #tpu.memory_space<vmem>>) target_semaphore(%arg15 : memref<!tpu.dma_semaphore, #tpu.memory_space<semaphore_mem>>)
      %dma_start3A_240 = arith.constant 13 : i32
      %dma_start3A_241 = arith.constant 13 : i32
      %dma_start3A_242 = arith.constant 0 : i32
      %dma_start3A_243 = arith.constant 0 : i32
      %dma_start3A_244 = tpu.memref_slice %arg12[%dma_start3A_241, %dma_start3A_242, %dma_start3A_243] : memref<16x8x128xf32, #tpu.memory_space<vmem>> -> memref<1x8x128xf32, #tpu.memory_space<vmem>>
      %dma_start3A_245 = tpu.memref_squeeze %dma_start3A_244 : memref<1x8x128xf32, #tpu.memory_space<vmem>> -> memref<8x128xf32, #tpu.memory_space<vmem>>
      %dma_start3A_246 = arith.constant 0 : i32
      %dma_start3A_247 = tpu.memref_slice %arg14[%dma_start3A_240, %multiple_of3A, %dma_start3A_246] : memref<16x64x128xf32, #tpu.memory_space<vmem_shared>> -> memref<1x8x128xf32, #tpu.memory_space<vmem_shared>>
      %dma_start3A_248 = tpu.memref_squeeze %dma_start3A_247 : memref<1x8x128xf32, #tpu.memory_space<vmem_shared>> -> memref<8x128xf32, #tpu.memory_space<vmem_shared>>
      %dma_start3A_249 = arith.constant 0 : i32
      %dma_start3A_250 = arith.constant 0 : i32
      %dma_start3A_251 = tpu.memref_slice %arg12[%dma_start3A_241, %dma_start3A_249, %dma_start3A_250] : memref<16x8x128xf32, #tpu.memory_space<vmem>> -> memref<1x8x128xf32, #tpu.memory_space<vmem>>
      %dma_start3A_252 = tpu.memref_squeeze %dma_start3A_251 : memref<1x8x128xf32, #tpu.memory_space<vmem>> -> memref<8x128xf32, #tpu.memory_space<vmem>>
      %dma_start3A_253 = arith.constant 0 : i32
      %dma_start3A_254 = tpu.memref_slice %arg14[%dma_start3A_240, %multiple_of3A, %dma_start3A_253] : memref<16x64x128xf32, #tpu.memory_space<vmem_shared>> -> memref<1x8x128xf32, #tpu.memory_space<vmem_shared>>
      %dma_start3A_255 = tpu.memref_squeeze %dma_start3A_254 : memref<1x8x128xf32, #tpu.memory_space<vmem_shared>> -> memref<8x128xf32, #tpu.memory_space<vmem_shared>>
      tpu.enqueue_dma source(%dma_start3A_255 : memref<8x128xf32, #tpu.memory_space<vmem_shared>>) target(%dma_start3A_252 : memref<8x128xf32, #tpu.memory_space<vmem>>) target_semaphore(%arg15 : memref<!tpu.dma_semaphore, #tpu.memory_space<semaphore_mem>>)
      %dma_start3A_256 = arith.constant 14 : i32
      %dma_start3A_257 = arith.constant 14 : i32
      %dma_start3A_258 = arith.constant 0 : i32
      %dma_start3A_259 = arith.constant 0 : i32
      %dma_start3A_260 = tpu.memref_slice %arg12[%dma_start3A_257, %dma_start3A_258, %dma_start3A_259] : memref<16x8x128xf32, #tpu.memory_space<vmem>> -> memref<1x8x128xf32, #tpu.memory_space<vmem>>
      %dma_start3A_261 = tpu.memref_squeeze %dma_start3A_260 : memref<1x8x128xf32, #tpu.memory_space<vmem>> -> memref<8x128xf32, #tpu.memory_space<vmem>>
      %dma_start3A_262 = arith.constant 0 : i32
      %dma_start3A_263 = tpu.memref_slice %arg14[%dma_start3A_256, %multiple_of3A, %dma_start3A_262] : memref<16x64x128xf32, #tpu.memory_space<vmem_shared>> -> memref<1x8x128xf32, #tpu.memory_space<vmem_shared>>
      %dma_start3A_264 = tpu.memref_squeeze %dma_start3A_263 : memref<1x8x128xf32, #tpu.memory_space<vmem_shared>> -> memref<8x128xf32, #tpu.memory_space<vmem_shared>>
      %dma_start3A_265 = arith.constant 0 : i32
      %dma_start3A_266 = arith.constant 0 : i32
      %dma_start3A_267 = tpu.memref_slice %arg12[%dma_start3A_257, %dma_start3A_265, %dma_start3A_266] : memref<16x8x128xf32, #tpu.memory_space<vmem>> -> memref<1x8x128xf32, #tpu.memory_space<vmem>>
      %dma_start3A_268 = tpu.memref_squeeze %dma_start3A_267 : memref<1x8x128xf32, #tpu.memory_space<vmem>> -> memref<8x128xf32, #tpu.memory_space<vmem>>
      %dma_start3A_269 = arith.constant 0 : i32
      %dma_start3A_270 = tpu.memref_slice %arg14[%dma_start3A_256, %multiple_of3A, %dma_start3A_269] : memref<16x64x128xf32, #tpu.memory_space<vmem_shared>> -> memref<1x8x128xf32, #tpu.memory_space<vmem_shared>>
      %dma_start3A_271 = tpu.memref_squeeze %dma_start3A_270 : memref<1x8x128xf32, #tpu.memory_space<vmem_shared>> -> memref<8x128xf32, #tpu.memory_space<vmem_shared>>
      tpu.enqueue_dma source(%dma_start3A_271 : memref<8x128xf32, #tpu.memory_space<vmem_shared>>) target(%dma_start3A_268 : memref<8x128xf32, #tpu.memory_space<vmem>>) target_semaphore(%arg15 : memref<!tpu.dma_semaphore, #tpu.memory_space<semaphore_mem>>)
      %dma_start3A_272 = arith.constant 15 : i32
      %dma_start3A_273 = arith.constant 15 : i32
      %dma_start3A_274 = arith.constant 0 : i32
      %dma_start3A_275 = arith.constant 0 : i32
      %dma_start3A_276 = tpu.memref_slice %arg12[%dma_start3A_273, %dma_start3A_274, %dma_start3A_275] : memref<16x8x128xf32, #tpu.memory_space<vmem>> -> memref<1x8x128xf32, #tpu.memory_space<vmem>>
      %dma_start3A_277 = tpu.memref_squeeze %dma_start3A_276 : memref<1x8x128xf32, #tpu.memory_space<vmem>> -> memref<8x128xf32, #tpu.memory_space<vmem>>
      %dma_start3A_278 = arith.constant 0 : i32
      %dma_start3A_279 = tpu.memref_slice %arg14[%dma_start3A_272, %multiple_of3A, %dma_start3A_278] : memref<16x64x128xf32, #tpu.memory_space<vmem_shared>> -> memref<1x8x128xf32, #tpu.memory_space<vmem_shared>>
      %dma_start3A_280 = tpu.memref_squeeze %dma_start3A_279 : memref<1x8x128xf32, #tpu.memory_space<vmem_shared>> -> memref<8x128xf32, #tpu.memory_space<vmem_shared>>
      %dma_start3A_281 = arith.constant 0 : i32
      %dma_start3A_282 = arith.constant 0 : i32
      %dma_start3A_283 = tpu.memref_slice %arg12[%dma_start3A_273, %dma_start3A_281, %dma_start3A_282] : memref<16x8x128xf32, #tpu.memory_space<vmem>> -> memref<1x8x128xf32, #tpu.memory_space<vmem>>
      %dma_start3A_284 = tpu.memref_squeeze %dma_start3A_283 : memref<1x8x128xf32, #tpu.memory_space<vmem>> -> memref<8x128xf32, #tpu.memory_space<vmem>>
      %dma_start3A_285 = arith.constant 0 : i32
      %dma_start3A_286 = tpu.memref_slice %arg14[%dma_start3A_272, %multiple_of3A, %dma_start3A_285] : memref<16x64x128xf32, #tpu.memory_space<vmem_shared>> -> memref<1x8x128xf32, #tpu.memory_space<vmem_shared>>
      %dma_start3A_287 = tpu.memref_squeeze %dma_start3A_286 : memref<1x8x128xf32, #tpu.memory_space<vmem_shared>> -> memref<8x128xf32, #tpu.memory_space<vmem_shared>>
      tpu.enqueue_dma source(%dma_start3A_287 : memref<8x128xf32, #tpu.memory_space<vmem_shared>>) target(%dma_start3A_284 : memref<8x128xf32, #tpu.memory_space<vmem>>) target_semaphore(%arg15 : memref<!tpu.dma_semaphore, #tpu.memory_space<semaphore_mem>>)
      %dma_wait3A = arith.constant 0 : i32
      %dma_wait3A_288 = arith.constant 0 : i32
      %dma_wait3A_289 = arith.constant 0 : i32
      %dma_wait3A_290 = arith.constant 0 : i32
      %dma_wait3A_291 = tpu.memref_slice %arg12[%dma_wait3A_288, %dma_wait3A_289, %dma_wait3A_290] : memref<16x8x128xf32, #tpu.memory_space<vmem>> -> memref<1x8x128xf32, #tpu.memory_space<vmem>>
      %dma_wait3A_292 = tpu.memref_squeeze %dma_wait3A_291 : memref<1x8x128xf32, #tpu.memory_space<vmem>> -> memref<8x128xf32, #tpu.memory_space<vmem>>
      %dma_wait3A_293 = arith.constant 0 : i32
      %dma_wait3A_294 = tpu.memref_slice %arg14[%dma_wait3A, %multiple_of3A, %dma_wait3A_293] : memref<16x64x128xf32, #tpu.memory_space<vmem_shared>> -> memref<1x8x128xf32, #tpu.memory_space<vmem_shared>>
      %dma_wait3A_295 = tpu.memref_squeeze %dma_wait3A_294 : memref<1x8x128xf32, #tpu.memory_space<vmem_shared>> -> memref<8x128xf32, #tpu.memory_space<vmem_shared>>
      %dma_wait3A_296 = arith.constant 0 : i32
      %dma_wait3A_297 = arith.constant 0 : i32
      %dma_wait3A_298 = tpu.memref_slice %arg12[%dma_wait3A_288, %dma_wait3A_296, %dma_wait3A_297] : memref<16x8x128xf32, #tpu.memory_space<vmem>> -> memref<1x8x128xf32, #tpu.memory_space<vmem>>
      %dma_wait3A_299 = tpu.memref_squeeze %dma_wait3A_298 : memref<1x8x128xf32, #tpu.memory_space<vmem>> -> memref<8x128xf32, #tpu.memory_space<vmem>>
      %dma_wait3A_300 = arith.constant 0 : i32
      %dma_wait3A_301 = tpu.memref_slice %arg14[%dma_wait3A, %multiple_of3A, %dma_wait3A_300] : memref<16x64x128xf32, #tpu.memory_space<vmem_shared>> -> memref<1x8x128xf32, #tpu.memory_space<vmem_shared>>
      %dma_wait3A_302 = tpu.memref_squeeze %dma_wait3A_301 : memref<1x8x128xf32, #tpu.memory_space<vmem_shared>> -> memref<8x128xf32, #tpu.memory_space<vmem_shared>>
      tpu.wait_dma2 semaphore(%arg15 : memref<!tpu.dma_semaphore, #tpu.memory_space<semaphore_mem>>) src(%dma_wait3A_302 : memref<8x128xf32, #tpu.memory_space<vmem_shared>>) dst(%dma_wait3A_299 : memref<8x128xf32, #tpu.memory_space<vmem>>)
      %dma_wait3A_303 = arith.constant 1 : i32
      %dma_wait3A_304 = arith.constant 1 : i32
      %dma_wait3A_305 = arith.constant 0 : i32
      %dma_wait3A_306 = arith.constant 0 : i32
      %dma_wait3A_307 = tpu.memref_slice %arg12[%dma_wait3A_304, %dma_wait3A_305, %dma_wait3A_306] : memref<16x8x128xf32, #tpu.memory_space<vmem>> -> memref<1x8x128xf32, #tpu.memory_space<vmem>>
      %dma_wait3A_308 = tpu.memref_squeeze %dma_wait3A_307 : memref<1x8x128xf32, #tpu.memory_space<vmem>> -> memref<8x128xf32, #tpu.memory_space<vmem>>
      %dma_wait3A_309 = arith.constant 0 : i32
      %dma_wait3A_310 = tpu.memref_slice %arg14[%dma_wait3A_303, %multiple_of3A, %dma_wait3A_309] : memref<16x64x128xf32, #tpu.memory_space<vmem_shared>> -> memref<1x8x128xf32, #tpu.memory_space<vmem_shared>>
      %dma_wait3A_311 = tpu.memref_squeeze %dma_wait3A_310 : memref<1x8x128xf32, #tpu.memory_space<vmem_shared>> -> memref<8x128xf32, #tpu.memory_space<vmem_shared>>
      %dma_wait3A_312 = arith.constant 0 : i32
      %dma_wait3A_313 = arith.constant 0 : i32
      %dma_wait3A_314 = tpu.memref_slice %arg12[%dma_wait3A_304, %dma_wait3A_312, %dma_wait3A_313] : memref<16x8x128xf32, #tpu.memory_space<vmem>> -> memref<1x8x128xf32, #tpu.memory_space<vmem>>
      %dma_wait3A_315 = tpu.memref_squeeze %dma_wait3A_314 : memref<1x8x128xf32, #tpu.memory_space<vmem>> -> memref<8x128xf32, #tpu.memory_space<vmem>>
      %dma_wait3A_316 = arith.constant 0 : i32
      %dma_wait3A_317 = tpu.memref_slice %arg14[%dma_wait3A_303, %multiple_of3A, %dma_wait3A_316] : memref<16x64x128xf32, #tpu.memory_space<vmem_shared>> -> memref<1x8x128xf32, #tpu.memory_space<vmem_shared>>
      %dma_wait3A_318 = tpu.memref_squeeze %dma_wait3A_317 : memref<1x8x128xf32, #tpu.memory_space<vmem_shared>> -> memref<8x128xf32, #tpu.memory_space<vmem_shared>>
      tpu.wait_dma2 semaphore(%arg15 : memref<!tpu.dma_semaphore, #tpu.memory_space<semaphore_mem>>) src(%dma_wait3A_318 : memref<8x128xf32, #tpu.memory_space<vmem_shared>>) dst(%dma_wait3A_315 : memref<8x128xf32, #tpu.memory_space<vmem>>)
      %dma_wait3A_319 = arith.constant 2 : i32
      %dma_wait3A_320 = arith.constant 2 : i32
      %dma_wait3A_321 = arith.constant 0 : i32
      %dma_wait3A_322 = arith.constant 0 : i32
      %dma_wait3A_323 = tpu.memref_slice %arg12[%dma_wait3A_320, %dma_wait3A_321, %dma_wait3A_322] : memref<16x8x128xf32, #tpu.memory_space<vmem>> -> memref<1x8x128xf32, #tpu.memory_space<vmem>>
      %dma_wait3A_324 = tpu.memref_squeeze %dma_wait3A_323 : memref<1x8x128xf32, #tpu.memory_space<vmem>> -> memref<8x128xf32, #tpu.memory_space<vmem>>
      %dma_wait3A_325 = arith.constant 0 : i32
      %dma_wait3A_326 = tpu.memref_slice %arg14[%dma_wait3A_319, %multiple_of3A, %dma_wait3A_325] : memref<16x64x128xf32, #tpu.memory_space<vmem_shared>> -> memref<1x8x128xf32, #tpu.memory_space<vmem_shared>>
      %dma_wait3A_327 = tpu.memref_squeeze %dma_wait3A_326 : memref<1x8x128xf32, #tpu.memory_space<vmem_shared>> -> memref<8x128xf32, #tpu.memory_space<vmem_shared>>
      %dma_wait3A_328 = arith.constant 0 : i32
      %dma_wait3A_329 = arith.constant 0 : i32
      %dma_wait3A_330 = tpu.memref_slice %arg12[%dma_wait3A_320, %dma_wait3A_328, %dma_wait3A_329] : memref<16x8x128xf32, #tpu.memory_space<vmem>> -> memref<1x8x128xf32, #tpu.memory_space<vmem>>
      %dma_wait3A_331 = tpu.memref_squeeze %dma_wait3A_330 : memref<1x8x128xf32, #tpu.memory_space<vmem>> -> memref<8x128xf32, #tpu.memory_space<vmem>>
      %dma_wait3A_332 = arith.constant 0 : i32
      %dma_wait3A_333 = tpu.memref_slice %arg14[%dma_wait3A_319, %multiple_of3A, %dma_wait3A_332] : memref<16x64x128xf32, #tpu.memory_space<vmem_shared>> -> memref<1x8x128xf32, #tpu.memory_space<vmem_shared>>
      %dma_wait3A_334 = tpu.memref_squeeze %dma_wait3A_333 : memref<1x8x128xf32, #tpu.memory_space<vmem_shared>> -> memref<8x128xf32, #tpu.memory_space<vmem_shared>>
      tpu.wait_dma2 semaphore(%arg15 : memref<!tpu.dma_semaphore, #tpu.memory_space<semaphore_mem>>) src(%dma_wait3A_334 : memref<8x128xf32, #tpu.memory_space<vmem_shared>>) dst(%dma_wait3A_331 : memref<8x128xf32, #tpu.memory_space<vmem>>)
      %dma_wait3A_335 = arith.constant 3 : i32
      %dma_wait3A_336 = arith.constant 3 : i32
      %dma_wait3A_337 = arith.constant 0 : i32
      %dma_wait3A_338 = arith.constant 0 : i32
      %dma_wait3A_339 = tpu.memref_slice %arg12[%dma_wait3A_336, %dma_wait3A_337, %dma_wait3A_338] : memref<16x8x128xf32, #tpu.memory_space<vmem>> -> memref<1x8x128xf32, #tpu.memory_space<vmem>>
      %dma_wait3A_340 = tpu.memref_squeeze %dma_wait3A_339 : memref<1x8x128xf32, #tpu.memory_space<vmem>> -> memref<8x128xf32, #tpu.memory_space<vmem>>
      %dma_wait3A_341 = arith.constant 0 : i32
      %dma_wait3A_342 = tpu.memref_slice %arg14[%dma_wait3A_335, %multiple_of3A, %dma_wait3A_341] : memref<16x64x128xf32, #tpu.memory_space<vmem_shared>> -> memref<1x8x128xf32, #tpu.memory_space<vmem_shared>>
      %dma_wait3A_343 = tpu.memref_squeeze %dma_wait3A_342 : memref<1x8x128xf32, #tpu.memory_space<vmem_shared>> -> memref<8x128xf32, #tpu.memory_space<vmem_shared>>
      %dma_wait3A_344 = arith.constant 0 : i32
      %dma_wait3A_345 = arith.constant 0 : i32
      %dma_wait3A_346 = tpu.memref_slice %arg12[%dma_wait3A_336, %dma_wait3A_344, %dma_wait3A_345] : memref<16x8x128xf32, #tpu.memory_space<vmem>> -> memref<1x8x128xf32, #tpu.memory_space<vmem>>
      %dma_wait3A_347 = tpu.memref_squeeze %dma_wait3A_346 : memref<1x8x128xf32, #tpu.memory_space<vmem>> -> memref<8x128xf32, #tpu.memory_space<vmem>>
      %dma_wait3A_348 = arith.constant 0 : i32
      %dma_wait3A_349 = tpu.memref_slice %arg14[%dma_wait3A_335, %multiple_of3A, %dma_wait3A_348] : memref<16x64x128xf32, #tpu.memory_space<vmem_shared>> -> memref<1x8x128xf32, #tpu.memory_space<vmem_shared>>
      %dma_wait3A_350 = tpu.memref_squeeze %dma_wait3A_349 : memref<1x8x128xf32, #tpu.memory_space<vmem_shared>> -> memref<8x128xf32, #tpu.memory_space<vmem_shared>>
      tpu.wait_dma2 semaphore(%arg15 : memref<!tpu.dma_semaphore, #tpu.memory_space<semaphore_mem>>) src(%dma_wait3A_350 : memref<8x128xf32, #tpu.memory_space<vmem_shared>>) dst(%dma_wait3A_347 : memref<8x128xf32, #tpu.memory_space<vmem>>)
      %dma_wait3A_351 = arith.constant 4 : i32
      %dma_wait3A_352 = arith.constant 4 : i32
      %dma_wait3A_353 = arith.constant 0 : i32
      %dma_wait3A_354 = arith.constant 0 : i32
      %dma_wait3A_355 = tpu.memref_slice %arg12[%dma_wait3A_352, %dma_wait3A_353, %dma_wait3A_354] : memref<16x8x128xf32, #tpu.memory_space<vmem>> -> memref<1x8x128xf32, #tpu.memory_space<vmem>>
      %dma_wait3A_356 = tpu.memref_squeeze %dma_wait3A_355 : memref<1x8x128xf32, #tpu.memory_space<vmem>> -> memref<8x128xf32, #tpu.memory_space<vmem>>
      %dma_wait3A_357 = arith.constant 0 : i32
      %dma_wait3A_358 = tpu.memref_slice %arg14[%dma_wait3A_351, %multiple_of3A, %dma_wait3A_357] : memref<16x64x128xf32, #tpu.memory_space<vmem_shared>> -> memref<1x8x128xf32, #tpu.memory_space<vmem_shared>>
      %dma_wait3A_359 = tpu.memref_squeeze %dma_wait3A_358 : memref<1x8x128xf32, #tpu.memory_space<vmem_shared>> -> memref<8x128xf32, #tpu.memory_space<vmem_shared>>
      %dma_wait3A_360 = arith.constant 0 : i32
      %dma_wait3A_361 = arith.constant 0 : i32
      %dma_wait3A_362 = tpu.memref_slice %arg12[%dma_wait3A_352, %dma_wait3A_360, %dma_wait3A_361] : memref<16x8x128xf32, #tpu.memory_space<vmem>> -> memref<1x8x128xf32, #tpu.memory_space<vmem>>
      %dma_wait3A_363 = tpu.memref_squeeze %dma_wait3A_362 : memref<1x8x128xf32, #tpu.memory_space<vmem>> -> memref<8x128xf32, #tpu.memory_space<vmem>>
      %dma_wait3A_364 = arith.constant 0 : i32
      %dma_wait3A_365 = tpu.memref_slice %arg14[%dma_wait3A_351, %multiple_of3A, %dma_wait3A_364] : memref<16x64x128xf32, #tpu.memory_space<vmem_shared>> -> memref<1x8x128xf32, #tpu.memory_space<vmem_shared>>
      %dma_wait3A_366 = tpu.memref_squeeze %dma_wait3A_365 : memref<1x8x128xf32, #tpu.memory_space<vmem_shared>> -> memref<8x128xf32, #tpu.memory_space<vmem_shared>>
      tpu.wait_dma2 semaphore(%arg15 : memref<!tpu.dma_semaphore, #tpu.memory_space<semaphore_mem>>) src(%dma_wait3A_366 : memref<8x128xf32, #tpu.memory_space<vmem_shared>>) dst(%dma_wait3A_363 : memref<8x128xf32, #tpu.memory_space<vmem>>)
      %dma_wait3A_367 = arith.constant 5 : i32
      %dma_wait3A_368 = arith.constant 5 : i32
      %dma_wait3A_369 = arith.constant 0 : i32
      %dma_wait3A_370 = arith.constant 0 : i32
      %dma_wait3A_371 = tpu.memref_slice %arg12[%dma_wait3A_368, %dma_wait3A_369, %dma_wait3A_370] : memref<16x8x128xf32, #tpu.memory_space<vmem>> -> memref<1x8x128xf32, #tpu.memory_space<vmem>>
      %dma_wait3A_372 = tpu.memref_squeeze %dma_wait3A_371 : memref<1x8x128xf32, #tpu.memory_space<vmem>> -> memref<8x128xf32, #tpu.memory_space<vmem>>
      %dma_wait3A_373 = arith.constant 0 : i32
      %dma_wait3A_374 = tpu.memref_slice %arg14[%dma_wait3A_367, %multiple_of3A, %dma_wait3A_373] : memref<16x64x128xf32, #tpu.memory_space<vmem_shared>> -> memref<1x8x128xf32, #tpu.memory_space<vmem_shared>>
      %dma_wait3A_375 = tpu.memref_squeeze %dma_wait3A_374 : memref<1x8x128xf32, #tpu.memory_space<vmem_shared>> -> memref<8x128xf32, #tpu.memory_space<vmem_shared>>
      %dma_wait3A_376 = arith.constant 0 : i32
      %dma_wait3A_377 = arith.constant 0 : i32
      %dma_wait3A_378 = tpu.memref_slice %arg12[%dma_wait3A_368, %dma_wait3A_376, %dma_wait3A_377] : memref<16x8x128xf32, #tpu.memory_space<vmem>> -> memref<1x8x128xf32, #tpu.memory_space<vmem>>
      %dma_wait3A_379 = tpu.memref_squeeze %dma_wait3A_378 : memref<1x8x128xf32, #tpu.memory_space<vmem>> -> memref<8x128xf32, #tpu.memory_space<vmem>>
      %dma_wait3A_380 = arith.constant 0 : i32
      %dma_wait3A_381 = tpu.memref_slice %arg14[%dma_wait3A_367, %multiple_of3A, %dma_wait3A_380] : memref<16x64x128xf32, #tpu.memory_space<vmem_shared>> -> memref<1x8x128xf32, #tpu.memory_space<vmem_shared>>
      %dma_wait3A_382 = tpu.memref_squeeze %dma_wait3A_381 : memref<1x8x128xf32, #tpu.memory_space<vmem_shared>> -> memref<8x128xf32, #tpu.memory_space<vmem_shared>>
      tpu.wait_dma2 semaphore(%arg15 : memref<!tpu.dma_semaphore, #tpu.memory_space<semaphore_mem>>) src(%dma_wait3A_382 : memref<8x128xf32, #tpu.memory_space<vmem_shared>>) dst(%dma_wait3A_379 : memref<8x128xf32, #tpu.memory_space<vmem>>)
      %dma_wait3A_383 = arith.constant 6 : i32
      %dma_wait3A_384 = arith.constant 6 : i32
      %dma_wait3A_385 = arith.constant 0 : i32
      %dma_wait3A_386 = arith.constant 0 : i32
      %dma_wait3A_387 = tpu.memref_slice %arg12[%dma_wait3A_384, %dma_wait3A_385, %dma_wait3A_386] : memref<16x8x128xf32, #tpu.memory_space<vmem>> -> memref<1x8x128xf32, #tpu.memory_space<vmem>>
      %dma_wait3A_388 = tpu.memref_squeeze %dma_wait3A_387 : memref<1x8x128xf32, #tpu.memory_space<vmem>> -> memref<8x128xf32, #tpu.memory_space<vmem>>
      %dma_wait3A_389 = arith.constant 0 : i32
      %dma_wait3A_390 = tpu.memref_slice %arg14[%dma_wait3A_383, %multiple_of3A, %dma_wait3A_389] : memref<16x64x128xf32, #tpu.memory_space<vmem_shared>> -> memref<1x8x128xf32, #tpu.memory_space<vmem_shared>>
      %dma_wait3A_391 = tpu.memref_squeeze %dma_wait3A_390 : memref<1x8x128xf32, #tpu.memory_space<vmem_shared>> -> memref<8x128xf32, #tpu.memory_space<vmem_shared>>
      %dma_wait3A_392 = arith.constant 0 : i32
      %dma_wait3A_393 = arith.constant 0 : i32
      %dma_wait3A_394 = tpu.memref_slice %arg12[%dma_wait3A_384, %dma_wait3A_392, %dma_wait3A_393] : memref<16x8x128xf32, #tpu.memory_space<vmem>> -> memref<1x8x128xf32, #tpu.memory_space<vmem>>
      %dma_wait3A_395 = tpu.memref_squeeze %dma_wait3A_394 : memref<1x8x128xf32, #tpu.memory_space<vmem>> -> memref<8x128xf32, #tpu.memory_space<vmem>>
      %dma_wait3A_396 = arith.constant 0 : i32
      %dma_wait3A_397 = tpu.memref_slice %arg14[%dma_wait3A_383, %multiple_of3A, %dma_wait3A_396] : memref<16x64x128xf32, #tpu.memory_space<vmem_shared>> -> memref<1x8x128xf32, #tpu.memory_space<vmem_shared>>
      %dma_wait3A_398 = tpu.memref_squeeze %dma_wait3A_397 : memref<1x8x128xf32, #tpu.memory_space<vmem_shared>> -> memref<8x128xf32, #tpu.memory_space<vmem_shared>>
      tpu.wait_dma2 semaphore(%arg15 : memref<!tpu.dma_semaphore, #tpu.memory_space<semaphore_mem>>) src(%dma_wait3A_398 : memref<8x128xf32, #tpu.memory_space<vmem_shared>>) dst(%dma_wait3A_395 : memref<8x128xf32, #tpu.memory_space<vmem>>)
      %dma_wait3A_399 = arith.constant 7 : i32
      %dma_wait3A_400 = arith.constant 7 : i32
      %dma_wait3A_401 = arith.constant 0 : i32
      %dma_wait3A_402 = arith.constant 0 : i32
      %dma_wait3A_403 = tpu.memref_slice %arg12[%dma_wait3A_400, %dma_wait3A_401, %dma_wait3A_402] : memref<16x8x128xf32, #tpu.memory_space<vmem>> -> memref<1x8x128xf32, #tpu.memory_space<vmem>>
      %dma_wait3A_404 = tpu.memref_squeeze %dma_wait3A_403 : memref<1x8x128xf32, #tpu.memory_space<vmem>> -> memref<8x128xf32, #tpu.memory_space<vmem>>
      %dma_wait3A_405 = arith.constant 0 : i32
      %dma_wait3A_406 = tpu.memref_slice %arg14[%dma_wait3A_399, %multiple_of3A, %dma_wait3A_405] : memref<16x64x128xf32, #tpu.memory_space<vmem_shared>> -> memref<1x8x128xf32, #tpu.memory_space<vmem_shared>>
      %dma_wait3A_407 = tpu.memref_squeeze %dma_wait3A_406 : memref<1x8x128xf32, #tpu.memory_space<vmem_shared>> -> memref<8x128xf32, #tpu.memory_space<vmem_shared>>
      %dma_wait3A_408 = arith.constant 0 : i32
      %dma_wait3A_409 = arith.constant 0 : i32
      %dma_wait3A_410 = tpu.memref_slice %arg12[%dma_wait3A_400, %dma_wait3A_408, %dma_wait3A_409] : memref<16x8x128xf32, #tpu.memory_space<vmem>> -> memref<1x8x128xf32, #tpu.memory_space<vmem>>
      %dma_wait3A_411 = tpu.memref_squeeze %dma_wait3A_410 : memref<1x8x128xf32, #tpu.memory_space<vmem>> -> memref<8x128xf32, #tpu.memory_space<vmem>>
      %dma_wait3A_412 = arith.constant 0 : i32
      %dma_wait3A_413 = tpu.memref_slice %arg14[%dma_wait3A_399, %multiple_of3A, %dma_wait3A_412] : memref<16x64x128xf32, #tpu.memory_space<vmem_shared>> -> memref<1x8x128xf32, #tpu.memory_space<vmem_shared>>
      %dma_wait3A_414 = tpu.memref_squeeze %dma_wait3A_413 : memref<1x8x128xf32, #tpu.memory_space<vmem_shared>> -> memref<8x128xf32, #tpu.memory_space<vmem_shared>>
      tpu.wait_dma2 semaphore(%arg15 : memref<!tpu.dma_semaphore, #tpu.memory_space<semaphore_mem>>) src(%dma_wait3A_414 : memref<8x128xf32, #tpu.memory_space<vmem_shared>>) dst(%dma_wait3A_411 : memref<8x128xf32, #tpu.memory_space<vmem>>)
      %dma_wait3A_415 = arith.constant 8 : i32
      %dma_wait3A_416 = arith.constant 8 : i32
      %dma_wait3A_417 = arith.constant 0 : i32
      %dma_wait3A_418 = arith.constant 0 : i32
      %dma_wait3A_419 = tpu.memref_slice %arg12[%dma_wait3A_416, %dma_wait3A_417, %dma_wait3A_418] : memref<16x8x128xf32, #tpu.memory_space<vmem>> -> memref<1x8x128xf32, #tpu.memory_space<vmem>>
      %dma_wait3A_420 = tpu.memref_squeeze %dma_wait3A_419 : memref<1x8x128xf32, #tpu.memory_space<vmem>> -> memref<8x128xf32, #tpu.memory_space<vmem>>
      %dma_wait3A_421 = arith.constant 0 : i32
      %dma_wait3A_422 = tpu.memref_slice %arg14[%dma_wait3A_415, %multiple_of3A, %dma_wait3A_421] : memref<16x64x128xf32, #tpu.memory_space<vmem_shared>> -> memref<1x8x128xf32, #tpu.memory_space<vmem_shared>>
      %dma_wait3A_423 = tpu.memref_squeeze %dma_wait3A_422 : memref<1x8x128xf32, #tpu.memory_space<vmem_shared>> -> memref<8x128xf32, #tpu.memory_space<vmem_shared>>
      %dma_wait3A_424 = arith.constant 0 : i32
      %dma_wait3A_425 = arith.constant 0 : i32
      %dma_wait3A_426 = tpu.memref_slice %arg12[%dma_wait3A_416, %dma_wait3A_424, %dma_wait3A_425] : memref<16x8x128xf32, #tpu.memory_space<vmem>> -> memref<1x8x128xf32, #tpu.memory_space<vmem>>
      %dma_wait3A_427 = tpu.memref_squeeze %dma_wait3A_426 : memref<1x8x128xf32, #tpu.memory_space<vmem>> -> memref<8x128xf32, #tpu.memory_space<vmem>>
      %dma_wait3A_428 = arith.constant 0 : i32
      %dma_wait3A_429 = tpu.memref_slice %arg14[%dma_wait3A_415, %multiple_of3A, %dma_wait3A_428] : memref<16x64x128xf32, #tpu.memory_space<vmem_shared>> -> memref<1x8x128xf32, #tpu.memory_space<vmem_shared>>
      %dma_wait3A_430 = tpu.memref_squeeze %dma_wait3A_429 : memref<1x8x128xf32, #tpu.memory_space<vmem_shared>> -> memref<8x128xf32, #tpu.memory_space<vmem_shared>>
      tpu.wait_dma2 semaphore(%arg15 : memref<!tpu.dma_semaphore, #tpu.memory_space<semaphore_mem>>) src(%dma_wait3A_430 : memref<8x128xf32, #tpu.memory_space<vmem_shared>>) dst(%dma_wait3A_427 : memref<8x128xf32, #tpu.memory_space<vmem>>)
      %dma_wait3A_431 = arith.constant 9 : i32
      %dma_wait3A_432 = arith.constant 9 : i32
      %dma_wait3A_433 = arith.constant 0 : i32
      %dma_wait3A_434 = arith.constant 0 : i32
      %dma_wait3A_435 = tpu.memref_slice %arg12[%dma_wait3A_432, %dma_wait3A_433, %dma_wait3A_434] : memref<16x8x128xf32, #tpu.memory_space<vmem>> -> memref<1x8x128xf32, #tpu.memory_space<vmem>>
      %dma_wait3A_436 = tpu.memref_squeeze %dma_wait3A_435 : memref<1x8x128xf32, #tpu.memory_space<vmem>> -> memref<8x128xf32, #tpu.memory_space<vmem>>
      %dma_wait3A_437 = arith.constant 0 : i32
      %dma_wait3A_438 = tpu.memref_slice %arg14[%dma_wait3A_431, %multiple_of3A, %dma_wait3A_437] : memref<16x64x128xf32, #tpu.memory_space<vmem_shared>> -> memref<1x8x128xf32, #tpu.memory_space<vmem_shared>>
      %dma_wait3A_439 = tpu.memref_squeeze %dma_wait3A_438 : memref<1x8x128xf32, #tpu.memory_space<vmem_shared>> -> memref<8x128xf32, #tpu.memory_space<vmem_shared>>
      %dma_wait3A_440 = arith.constant 0 : i32
      %dma_wait3A_441 = arith.constant 0 : i32
      %dma_wait3A_442 = tpu.memref_slice %arg12[%dma_wait3A_432, %dma_wait3A_440, %dma_wait3A_441] : memref<16x8x128xf32, #tpu.memory_space<vmem>> -> memref<1x8x128xf32, #tpu.memory_space<vmem>>
      %dma_wait3A_443 = tpu.memref_squeeze %dma_wait3A_442 : memref<1x8x128xf32, #tpu.memory_space<vmem>> -> memref<8x128xf32, #tpu.memory_space<vmem>>
      %dma_wait3A_444 = arith.constant 0 : i32
      %dma_wait3A_445 = tpu.memref_slice %arg14[%dma_wait3A_431, %multiple_of3A, %dma_wait3A_444] : memref<16x64x128xf32, #tpu.memory_space<vmem_shared>> -> memref<1x8x128xf32, #tpu.memory_space<vmem_shared>>
      %dma_wait3A_446 = tpu.memref_squeeze %dma_wait3A_445 : memref<1x8x128xf32, #tpu.memory_space<vmem_shared>> -> memref<8x128xf32, #tpu.memory_space<vmem_shared>>
      tpu.wait_dma2 semaphore(%arg15 : memref<!tpu.dma_semaphore, #tpu.memory_space<semaphore_mem>>) src(%dma_wait3A_446 : memref<8x128xf32, #tpu.memory_space<vmem_shared>>) dst(%dma_wait3A_443 : memref<8x128xf32, #tpu.memory_space<vmem>>)
      %dma_wait3A_447 = arith.constant 10 : i32
      %dma_wait3A_448 = arith.constant 10 : i32
      %dma_wait3A_449 = arith.constant 0 : i32
      %dma_wait3A_450 = arith.constant 0 : i32
      %dma_wait3A_451 = tpu.memref_slice %arg12[%dma_wait3A_448, %dma_wait3A_449, %dma_wait3A_450] : memref<16x8x128xf32, #tpu.memory_space<vmem>> -> memref<1x8x128xf32, #tpu.memory_space<vmem>>
      %dma_wait3A_452 = tpu.memref_squeeze %dma_wait3A_451 : memref<1x8x128xf32, #tpu.memory_space<vmem>> -> memref<8x128xf32, #tpu.memory_space<vmem>>
      %dma_wait3A_453 = arith.constant 0 : i32
      %dma_wait3A_454 = tpu.memref_slice %arg14[%dma_wait3A_447, %multiple_of3A, %dma_wait3A_453] : memref<16x64x128xf32, #tpu.memory_space<vmem_shared>> -> memref<1x8x128xf32, #tpu.memory_space<vmem_shared>>
      %dma_wait3A_455 = tpu.memref_squeeze %dma_wait3A_454 : memref<1x8x128xf32, #tpu.memory_space<vmem_shared>> -> memref<8x128xf32, #tpu.memory_space<vmem_shared>>
      %dma_wait3A_456 = arith.constant 0 : i32
      %dma_wait3A_457 = arith.constant 0 : i32
      %dma_wait3A_458 = tpu.memref_slice %arg12[%dma_wait3A_448, %dma_wait3A_456, %dma_wait3A_457] : memref<16x8x128xf32, #tpu.memory_space<vmem>> -> memref<1x8x128xf32, #tpu.memory_space<vmem>>
      %dma_wait3A_459 = tpu.memref_squeeze %dma_wait3A_458 : memref<1x8x128xf32, #tpu.memory_space<vmem>> -> memref<8x128xf32, #tpu.memory_space<vmem>>
      %dma_wait3A_460 = arith.constant 0 : i32
      %dma_wait3A_461 = tpu.memref_slice %arg14[%dma_wait3A_447, %multiple_of3A, %dma_wait3A_460] : memref<16x64x128xf32, #tpu.memory_space<vmem_shared>> -> memref<1x8x128xf32, #tpu.memory_space<vmem_shared>>
      %dma_wait3A_462 = tpu.memref_squeeze %dma_wait3A_461 : memref<1x8x128xf32, #tpu.memory_space<vmem_shared>> -> memref<8x128xf32, #tpu.memory_space<vmem_shared>>
      tpu.wait_dma2 semaphore(%arg15 : memref<!tpu.dma_semaphore, #tpu.memory_space<semaphore_mem>>) src(%dma_wait3A_462 : memref<8x128xf32, #tpu.memory_space<vmem_shared>>) dst(%dma_wait3A_459 : memref<8x128xf32, #tpu.memory_space<vmem>>)
      %dma_wait3A_463 = arith.constant 11 : i32
      %dma_wait3A_464 = arith.constant 11 : i32
      %dma_wait3A_465 = arith.constant 0 : i32
      %dma_wait3A_466 = arith.constant 0 : i32
      %dma_wait3A_467 = tpu.memref_slice %arg12[%dma_wait3A_464, %dma_wait3A_465, %dma_wait3A_466] : memref<16x8x128xf32, #tpu.memory_space<vmem>> -> memref<1x8x128xf32, #tpu.memory_space<vmem>>
      %dma_wait3A_468 = tpu.memref_squeeze %dma_wait3A_467 : memref<1x8x128xf32, #tpu.memory_space<vmem>> -> memref<8x128xf32, #tpu.memory_space<vmem>>
      %dma_wait3A_469 = arith.constant 0 : i32
      %dma_wait3A_470 = tpu.memref_slice %arg14[%dma_wait3A_463, %multiple_of3A, %dma_wait3A_469] : memref<16x64x128xf32, #tpu.memory_space<vmem_shared>> -> memref<1x8x128xf32, #tpu.memory_space<vmem_shared>>
      %dma_wait3A_471 = tpu.memref_squeeze %dma_wait3A_470 : memref<1x8x128xf32, #tpu.memory_space<vmem_shared>> -> memref<8x128xf32, #tpu.memory_space<vmem_shared>>
      %dma_wait3A_472 = arith.constant 0 : i32
      %dma_wait3A_473 = arith.constant 0 : i32
      %dma_wait3A_474 = tpu.memref_slice %arg12[%dma_wait3A_464, %dma_wait3A_472, %dma_wait3A_473] : memref<16x8x128xf32, #tpu.memory_space<vmem>> -> memref<1x8x128xf32, #tpu.memory_space<vmem>>
      %dma_wait3A_475 = tpu.memref_squeeze %dma_wait3A_474 : memref<1x8x128xf32, #tpu.memory_space<vmem>> -> memref<8x128xf32, #tpu.memory_space<vmem>>
      %dma_wait3A_476 = arith.constant 0 : i32
      %dma_wait3A_477 = tpu.memref_slice %arg14[%dma_wait3A_463, %multiple_of3A, %dma_wait3A_476] : memref<16x64x128xf32, #tpu.memory_space<vmem_shared>> -> memref<1x8x128xf32, #tpu.memory_space<vmem_shared>>
      %dma_wait3A_478 = tpu.memref_squeeze %dma_wait3A_477 : memref<1x8x128xf32, #tpu.memory_space<vmem_shared>> -> memref<8x128xf32, #tpu.memory_space<vmem_shared>>
      tpu.wait_dma2 semaphore(%arg15 : memref<!tpu.dma_semaphore, #tpu.memory_space<semaphore_mem>>) src(%dma_wait3A_478 : memref<8x128xf32, #tpu.memory_space<vmem_shared>>) dst(%dma_wait3A_475 : memref<8x128xf32, #tpu.memory_space<vmem>>)
      %dma_wait3A_479 = arith.constant 12 : i32
      %dma_wait3A_480 = arith.constant 12 : i32
      %dma_wait3A_481 = arith.constant 0 : i32
      %dma_wait3A_482 = arith.constant 0 : i32
      %dma_wait3A_483 = tpu.memref_slice %arg12[%dma_wait3A_480, %dma_wait3A_481, %dma_wait3A_482] : memref<16x8x128xf32, #tpu.memory_space<vmem>> -> memref<1x8x128xf32, #tpu.memory_space<vmem>>
      %dma_wait3A_484 = tpu.memref_squeeze %dma_wait3A_483 : memref<1x8x128xf32, #tpu.memory_space<vmem>> -> memref<8x128xf32, #tpu.memory_space<vmem>>
      %dma_wait3A_485 = arith.constant 0 : i32
      %dma_wait3A_486 = tpu.memref_slice %arg14[%dma_wait3A_479, %multiple_of3A, %dma_wait3A_485] : memref<16x64x128xf32, #tpu.memory_space<vmem_shared>> -> memref<1x8x128xf32, #tpu.memory_space<vmem_shared>>
      %dma_wait3A_487 = tpu.memref_squeeze %dma_wait3A_486 : memref<1x8x128xf32, #tpu.memory_space<vmem_shared>> -> memref<8x128xf32, #tpu.memory_space<vmem_shared>>
      %dma_wait3A_488 = arith.constant 0 : i32
      %dma_wait3A_489 = arith.constant 0 : i32
      %dma_wait3A_490 = tpu.memref_slice %arg12[%dma_wait3A_480, %dma_wait3A_488, %dma_wait3A_489] : memref<16x8x128xf32, #tpu.memory_space<vmem>> -> memref<1x8x128xf32, #tpu.memory_space<vmem>>
      %dma_wait3A_491 = tpu.memref_squeeze %dma_wait3A_490 : memref<1x8x128xf32, #tpu.memory_space<vmem>> -> memref<8x128xf32, #tpu.memory_space<vmem>>
      %dma_wait3A_492 = arith.constant 0 : i32
      %dma_wait3A_493 = tpu.memref_slice %arg14[%dma_wait3A_479, %multiple_of3A, %dma_wait3A_492] : memref<16x64x128xf32, #tpu.memory_space<vmem_shared>> -> memref<1x8x128xf32, #tpu.memory_space<vmem_shared>>
      %dma_wait3A_494 = tpu.memref_squeeze %dma_wait3A_493 : memref<1x8x128xf32, #tpu.memory_space<vmem_shared>> -> memref<8x128xf32, #tpu.memory_space<vmem_shared>>
      tpu.wait_dma2 semaphore(%arg15 : memref<!tpu.dma_semaphore, #tpu.memory_space<semaphore_mem>>) src(%dma_wait3A_494 : memref<8x128xf32, #tpu.memory_space<vmem_shared>>) dst(%dma_wait3A_491 : memref<8x128xf32, #tpu.memory_space<vmem>>)
      %dma_wait3A_495 = arith.constant 13 : i32
      %dma_wait3A_496 = arith.constant 13 : i32
      %dma_wait3A_497 = arith.constant 0 : i32
      %dma_wait3A_498 = arith.constant 0 : i32
      %dma_wait3A_499 = tpu.memref_slice %arg12[%dma_wait3A_496, %dma_wait3A_497, %dma_wait3A_498] : memref<16x8x128xf32, #tpu.memory_space<vmem>> -> memref<1x8x128xf32, #tpu.memory_space<vmem>>
      %dma_wait3A_500 = tpu.memref_squeeze %dma_wait3A_499 : memref<1x8x128xf32, #tpu.memory_space<vmem>> -> memref<8x128xf32, #tpu.memory_space<vmem>>
      %dma_wait3A_501 = arith.constant 0 : i32
      %dma_wait3A_502 = tpu.memref_slice %arg14[%dma_wait3A_495, %multiple_of3A, %dma_wait3A_501] : memref<16x64x128xf32, #tpu.memory_space<vmem_shared>> -> memref<1x8x128xf32, #tpu.memory_space<vmem_shared>>
      %dma_wait3A_503 = tpu.memref_squeeze %dma_wait3A_502 : memref<1x8x128xf32, #tpu.memory_space<vmem_shared>> -> memref<8x128xf32, #tpu.memory_space<vmem_shared>>
      %dma_wait3A_504 = arith.constant 0 : i32
      %dma_wait3A_505 = arith.constant 0 : i32
      %dma_wait3A_506 = tpu.memref_slice %arg12[%dma_wait3A_496, %dma_wait3A_504, %dma_wait3A_505] : memref<16x8x128xf32, #tpu.memory_space<vmem>> -> memref<1x8x128xf32, #tpu.memory_space<vmem>>
      %dma_wait3A_507 = tpu.memref_squeeze %dma_wait3A_506 : memref<1x8x128xf32, #tpu.memory_space<vmem>> -> memref<8x128xf32, #tpu.memory_space<vmem>>
      %dma_wait3A_508 = arith.constant 0 : i32
      %dma_wait3A_509 = tpu.memref_slice %arg14[%dma_wait3A_495, %multiple_of3A, %dma_wait3A_508] : memref<16x64x128xf32, #tpu.memory_space<vmem_shared>> -> memref<1x8x128xf32, #tpu.memory_space<vmem_shared>>
      %dma_wait3A_510 = tpu.memref_squeeze %dma_wait3A_509 : memref<1x8x128xf32, #tpu.memory_space<vmem_shared>> -> memref<8x128xf32, #tpu.memory_space<vmem_shared>>
      tpu.wait_dma2 semaphore(%arg15 : memref<!tpu.dma_semaphore, #tpu.memory_space<semaphore_mem>>) src(%dma_wait3A_510 : memref<8x128xf32, #tpu.memory_space<vmem_shared>>) dst(%dma_wait3A_507 : memref<8x128xf32, #tpu.memory_space<vmem>>)
      %dma_wait3A_511 = arith.constant 14 : i32
      %dma_wait3A_512 = arith.constant 14 : i32
      %dma_wait3A_513 = arith.constant 0 : i32
      %dma_wait3A_514 = arith.constant 0 : i32
      %dma_wait3A_515 = tpu.memref_slice %arg12[%dma_wait3A_512, %dma_wait3A_513, %dma_wait3A_514] : memref<16x8x128xf32, #tpu.memory_space<vmem>> -> memref<1x8x128xf32, #tpu.memory_space<vmem>>
      %dma_wait3A_516 = tpu.memref_squeeze %dma_wait3A_515 : memref<1x8x128xf32, #tpu.memory_space<vmem>> -> memref<8x128xf32, #tpu.memory_space<vmem>>
      %dma_wait3A_517 = arith.constant 0 : i32
      %dma_wait3A_518 = tpu.memref_slice %arg14[%dma_wait3A_511, %multiple_of3A, %dma_wait3A_517] : memref<16x64x128xf32, #tpu.memory_space<vmem_shared>> -> memref<1x8x128xf32, #tpu.memory_space<vmem_shared>>
      %dma_wait3A_519 = tpu.memref_squeeze %dma_wait3A_518 : memref<1x8x128xf32, #tpu.memory_space<vmem_shared>> -> memref<8x128xf32, #tpu.memory_space<vmem_shared>>
      %dma_wait3A_520 = arith.constant 0 : i32
      %dma_wait3A_521 = arith.constant 0 : i32
      %dma_wait3A_522 = tpu.memref_slice %arg12[%dma_wait3A_512, %dma_wait3A_520, %dma_wait3A_521] : memref<16x8x128xf32, #tpu.memory_space<vmem>> -> memref<1x8x128xf32, #tpu.memory_space<vmem>>
      %dma_wait3A_523 = tpu.memref_squeeze %dma_wait3A_522 : memref<1x8x128xf32, #tpu.memory_space<vmem>> -> memref<8x128xf32, #tpu.memory_space<vmem>>
      %dma_wait3A_524 = arith.constant 0 : i32
      %dma_wait3A_525 = tpu.memref_slice %arg14[%dma_wait3A_511, %multiple_of3A, %dma_wait3A_524] : memref<16x64x128xf32, #tpu.memory_space<vmem_shared>> -> memref<1x8x128xf32, #tpu.memory_space<vmem_shared>>
      %dma_wait3A_526 = tpu.memref_squeeze %dma_wait3A_525 : memref<1x8x128xf32, #tpu.memory_space<vmem_shared>> -> memref<8x128xf32, #tpu.memory_space<vmem_shared>>
      tpu.wait_dma2 semaphore(%arg15 : memref<!tpu.dma_semaphore, #tpu.memory_space<semaphore_mem>>) src(%dma_wait3A_526 : memref<8x128xf32, #tpu.memory_space<vmem_shared>>) dst(%dma_wait3A_523 : memref<8x128xf32, #tpu.memory_space<vmem>>)
      %dma_wait3A_527 = arith.constant 15 : i32
      %dma_wait3A_528 = arith.constant 15 : i32
      %dma_wait3A_529 = arith.constant 0 : i32
      %dma_wait3A_530 = arith.constant 0 : i32
      %dma_wait3A_531 = tpu.memref_slice %arg12[%dma_wait3A_528, %dma_wait3A_529, %dma_wait3A_530] : memref<16x8x128xf32, #tpu.memory_space<vmem>> -> memref<1x8x128xf32, #tpu.memory_space<vmem>>
      %dma_wait3A_532 = tpu.memref_squeeze %dma_wait3A_531 : memref<1x8x128xf32, #tpu.memory_space<vmem>> -> memref<8x128xf32, #tpu.memory_space<vmem>>
      %dma_wait3A_533 = arith.constant 0 : i32
      %dma_wait3A_534 = tpu.memref_slice %arg14[%dma_wait3A_527, %multiple_of3A, %dma_wait3A_533] : memref<16x64x128xf32, #tpu.memory_space<vmem_shared>> -> memref<1x8x128xf32, #tpu.memory_space<vmem_shared>>
      %dma_wait3A_535 = tpu.memref_squeeze %dma_wait3A_534 : memref<1x8x128xf32, #tpu.memory_space<vmem_shared>> -> memref<8x128xf32, #tpu.memory_space<vmem_shared>>
      %dma_wait3A_536 = arith.constant 0 : i32
      %dma_wait3A_537 = arith.constant 0 : i32
      %dma_wait3A_538 = tpu.memref_slice %arg12[%dma_wait3A_528, %dma_wait3A_536, %dma_wait3A_537] : memref<16x8x128xf32, #tpu.memory_space<vmem>> -> memref<1x8x128xf32, #tpu.memory_space<vmem>>
      %dma_wait3A_539 = tpu.memref_squeeze %dma_wait3A_538 : memref<1x8x128xf32, #tpu.memory_space<vmem>> -> memref<8x128xf32, #tpu.memory_space<vmem>>
      %dma_wait3A_540 = arith.constant 0 : i32
      %dma_wait3A_541 = tpu.memref_slice %arg14[%dma_wait3A_527, %multiple_of3A, %dma_wait3A_540] : memref<16x64x128xf32, #tpu.memory_space<vmem_shared>> -> memref<1x8x128xf32, #tpu.memory_space<vmem_shared>>
      %dma_wait3A_542 = tpu.memref_squeeze %dma_wait3A_541 : memref<1x8x128xf32, #tpu.memory_space<vmem_shared>> -> memref<8x128xf32, #tpu.memory_space<vmem_shared>>
      tpu.wait_dma2 semaphore(%arg15 : memref<!tpu.dma_semaphore, #tpu.memory_space<semaphore_mem>>) src(%dma_wait3A_542 : memref<8x128xf32, #tpu.memory_space<vmem_shared>>) dst(%dma_wait3A_539 : memref<8x128xf32, #tpu.memory_space<vmem>>)
      %scan3A_543 = arith.constant 0 : i32
      %scan3A_544 = arith.constant 0 : i32
      %scan3A_545 = arith.constant 64 : i32
      %scan3A_546 = arith.addi %scan3A_544, %scan3A_545 : i32
      %scan3A_547 = arith.constant 1 : i32
      scf.for %scan3A_549 = %scan3A_544 to %scan3A_546 step %scan3A_547  : i32 {
        %shift_right_arithmetic3A = arith.constant 3 : i32
        %shift_right_arithmetic3A_550 = arith.shrsi %scan3A_549, %shift_right_arithmetic3A : i32
        %and3A = arith.constant 7 : i32
        %and3A_551 = arith.andi %scan3A_549, %and3A : i32
        %mul3A_552 = arith.constant 16 : i32
        %mul3A_553 = arith.muli %and3A_551, %mul3A_552 : i32
        %get3A_554 = arith.constant 0 : i32
        %get3A_555 = arith.index_cast %get3A_554 : i32 to index
        %get3A_556 = arith.index_cast %shift_right_arithmetic3A_550 : i32 to index
        %get3A_557 = arith.index_cast %mul3A_553 : i32 to index
        %get3A_558 = tpu.vector_load %arg12[%get3A_555, %get3A_556, %get3A_557] {strides = array<i32>} : memref<16x8x128xf32, #tpu.memory_space<vmem>>, vector<16xf32>,
        %get3A_559 = arith.constant 1 : i32
        %get3A_560 = arith.index_cast %get3A_559 : i32 to index
        %get3A_561 = arith.index_cast %shift_right_arithmetic3A_550 : i32 to index
        %get3A_562 = arith.index_cast %mul3A_553 : i32 to index
        %get3A_563 = tpu.vector_load %arg12[%get3A_560, %get3A_561, %get3A_562] {strides = array<i32>} : memref<16x8x128xf32, #tpu.memory_space<vmem>>, vector<16xf32>,
        %add3A_564 = arith.addf %get3A_558, %get3A_563 : vector<16xf32>
        %get3A_565 = arith.constant 2 : i32
        %get3A_566 = arith.index_cast %get3A_565 : i32 to index
        %get3A_567 = arith.index_cast %shift_right_arithmetic3A_550 : i32 to index
        %get3A_568 = arith.index_cast %mul3A_553 : i32 to index
        %get3A_569 = tpu.vector_load %arg12[%get3A_566, %get3A_567, %get3A_568] {strides = array<i32>} : memref<16x8x128xf32, #tpu.memory_space<vmem>>, vector<16xf32>,
        %add3A_570 = arith.addf %add3A_564, %get3A_569 : vector<16xf32>
        %get3A_571 = arith.constant 3 : i32
        %get3A_572 = arith.index_cast %get3A_571 : i32 to index
        %get3A_573 = arith.index_cast %shift_right_arithmetic3A_550 : i32 to index
        %get3A_574 = arith.index_cast %mul3A_553 : i32 to index
        %get3A_575 = tpu.vector_load %arg12[%get3A_572, %get3A_573, %get3A_574] {strides = array<i32>} : memref<16x8x128xf32, #tpu.memory_space<vmem>>, vector<16xf32>,
        %add3A_576 = arith.addf %add3A_570, %get3A_575 : vector<16xf32>
        %get3A_577 = arith.constant 4 : i32
        %get3A_578 = arith.index_cast %get3A_577 : i32 to index
        %get3A_579 = arith.index_cast %shift_right_arithmetic3A_550 : i32 to index
        %get3A_580 = arith.index_cast %mul3A_553 : i32 to index
        %get3A_581 = tpu.vector_load %arg12[%get3A_578, %get3A_579, %get3A_580] {strides = array<i32>} : memref<16x8x128xf32, #tpu.memory_space<vmem>>, vector<16xf32>,
        %add3A_582 = arith.addf %add3A_576, %get3A_581 : vector<16xf32>
        %get3A_583 = arith.constant 5 : i32
        %get3A_584 = arith.index_cast %get3A_583 : i32 to index
        %get3A_585 = arith.index_cast %shift_right_arithmetic3A_550 : i32 to index
        %get3A_586 = arith.index_cast %mul3A_553 : i32 to index
        %get3A_587 = tpu.vector_load %arg12[%get3A_584, %get3A_585, %get3A_586] {strides = array<i32>} : memref<16x8x128xf32, #tpu.memory_space<vmem>>, vector<16xf32>,
        %add3A_588 = arith.addf %add3A_582, %get3A_587 : vector<16xf32>
        %get3A_589 = arith.constant 6 : i32
        %get3A_590 = arith.index_cast %get3A_589 : i32 to index
        %get3A_591 = arith.index_cast %shift_right_arithmetic3A_550 : i32 to index
        %get3A_592 = arith.index_cast %mul3A_553 : i32 to index
        %get3A_593 = tpu.vector_load %arg12[%get3A_590, %get3A_591, %get3A_592] {strides = array<i32>} : memref<16x8x128xf32, #tpu.memory_space<vmem>>, vector<16xf32>,
        %add3A_594 = arith.addf %add3A_588, %get3A_593 : vector<16xf32>
        %get3A_595 = arith.constant 7 : i32
        %get3A_596 = arith.index_cast %get3A_595 : i32 to index
        %get3A_597 = arith.index_cast %shift_right_arithmetic3A_550 : i32 to index
        %get3A_598 = arith.index_cast %mul3A_553 : i32 to index
        %get3A_599 = tpu.vector_load %arg12[%get3A_596, %get3A_597, %get3A_598] {strides = array<i32>} : memref<16x8x128xf32, #tpu.memory_space<vmem>>, vector<16xf32>,
        %add3A_600 = arith.addf %add3A_594, %get3A_599 : vector<16xf32>
        %get3A_601 = arith.constant 8 : i32
        %get3A_602 = arith.index_cast %get3A_601 : i32 to index
        %get3A_603 = arith.index_cast %shift_right_arithmetic3A_550 : i32 to index
        %get3A_604 = arith.index_cast %mul3A_553 : i32 to index
        %get3A_605 = tpu.vector_load %arg12[%get3A_602, %get3A_603, %get3A_604] {strides = array<i32>} : memref<16x8x128xf32, #tpu.memory_space<vmem>>, vector<16xf32>,
        %add3A_606 = arith.addf %add3A_600, %get3A_605 : vector<16xf32>
        %get3A_607 = arith.constant 9 : i32
        %get3A_608 = arith.index_cast %get3A_607 : i32 to index
        %get3A_609 = arith.index_cast %shift_right_arithmetic3A_550 : i32 to index
        %get3A_610 = arith.index_cast %mul3A_553 : i32 to index
        %get3A_611 = tpu.vector_load %arg12[%get3A_608, %get3A_609, %get3A_610] {strides = array<i32>} : memref<16x8x128xf32, #tpu.memory_space<vmem>>, vector<16xf32>,
        %add3A_612 = arith.addf %add3A_606, %get3A_611 : vector<16xf32>
        %get3A_613 = arith.constant 10 : i32
        %get3A_614 = arith.index_cast %get3A_613 : i32 to index
        %get3A_615 = arith.index_cast %shift_right_arithmetic3A_550 : i32 to index
        %get3A_616 = arith.index_cast %mul3A_553 : i32 to index
        %get3A_617 = tpu.vector_load %arg12[%get3A_614, %get3A_615, %get3A_616] {strides = array<i32>} : memref<16x8x128xf32, #tpu.memory_space<vmem>>, vector<16xf32>,
        %add3A_618 = arith.addf %add3A_612, %get3A_617 : vector<16xf32>
        %get3A_619 = arith.constant 11 : i32
        %get3A_620 = arith.index_cast %get3A_619 : i32 to index
        %get3A_621 = arith.index_cast %shift_right_arithmetic3A_550 : i32 to index
        %get3A_622 = arith.index_cast %mul3A_553 : i32 to index
        %get3A_623 = tpu.vector_load %arg12[%get3A_620, %get3A_621, %get3A_622] {strides = array<i32>} : memref<16x8x128xf32, #tpu.memory_space<vmem>>, vector<16xf32>,
        %add3A_624 = arith.addf %add3A_618, %get3A_623 : vector<16xf32>
        %get3A_625 = arith.constant 12 : i32
        %get3A_626 = arith.index_cast %get3A_625 : i32 to index
        %get3A_627 = arith.index_cast %shift_right_arithmetic3A_550 : i32 to index
        %get3A_628 = arith.index_cast %mul3A_553 : i32 to index
        %get3A_629 = tpu.vector_load %arg12[%get3A_626, %get3A_627, %get3A_628] {strides = array<i32>} : memref<16x8x128xf32, #tpu.memory_space<vmem>>, vector<16xf32>,
        %add3A_630 = arith.addf %add3A_624, %get3A_629 : vector<16xf32>
        %get3A_631 = arith.constant 13 : i32
        %get3A_632 = arith.index_cast %get3A_631 : i32 to index
        %get3A_633 = arith.index_cast %shift_right_arithmetic3A_550 : i32 to index
        %get3A_634 = arith.index_cast %mul3A_553 : i32 to index
        %get3A_635 = tpu.vector_load %arg12[%get3A_632, %get3A_633, %get3A_634] {strides = array<i32>} : memref<16x8x128xf32, #tpu.memory_space<vmem>>, vector<16xf32>,
        %add3A_636 = arith.addf %add3A_630, %get3A_635 : vector<16xf32>
        %get3A_637 = arith.constant 14 : i32
        %get3A_638 = arith.index_cast %get3A_637 : i32 to index
        %get3A_639 = arith.index_cast %shift_right_arithmetic3A_550 : i32 to index
        %get3A_640 = arith.index_cast %mul3A_553 : i32 to index
        %get3A_641 = tpu.vector_load %arg12[%get3A_638, %get3A_639, %get3A_640] {strides = array<i32>} : memref<16x8x128xf32, #tpu.memory_space<vmem>>, vector<16xf32>,
        %add3A_642 = arith.addf %add3A_636, %get3A_641 : vector<16xf32>
        %get3A_643 = arith.constant 15 : i32
        %get3A_644 = arith.index_cast %get3A_643 : i32 to index
        %get3A_645 = arith.index_cast %shift_right_arithmetic3A_550 : i32 to index
        %get3A_646 = arith.index_cast %mul3A_553 : i32 to index
        %get3A_647 = tpu.vector_load %arg12[%get3A_644, %get3A_645, %get3A_646] {strides = array<i32>} : memref<16x8x128xf32, #tpu.memory_space<vmem>>, vector<16xf32>,
        %add3A_648 = arith.addf %add3A_642, %get3A_647 : vector<16xf32>
        %swap3A_649 = arith.index_cast %shift_right_arithmetic3A_550 : i32 to index
        %swap3A_650 = arith.index_cast %mul3A_553 : i32 to index
        %swap3A_651 = tpu.vector_load %arg13[%swap3A_649, %swap3A_650] {strides = array<i32>} : memref<8x128xf32, #tpu.memory_space<vmem>>, vector<16xf32>,
        tpu.vector_store %arg13[%swap3A_649, %swap3A_650], %add3A_648 {strides = array<i32>} : memref<8x128xf32, #tpu.memory_space<vmem>>, vector<16xf32>,
      }
      %scan3A_548 = arith.constant 64 : i32
      "tpu.region"() ({
        %run_scoped3A = tpu.sem_alloc : memref<!tpu.dma_semaphore, #tpu.memory_space<semaphore_mem>>
        %dma_start3A_549 = arith.constant 0 : i32
        %dma_start3A_550 = tpu.memref_slice %arg5[%arg0, %multiple_of3A, %dma_start3A_549] : memref<2x64x128xf32, #tpu.memory_space<hbm>> -> memref<1x8x128xf32, #tpu.memory_space<hbm>>
        %dma_start3A_551 = tpu.memref_squeeze %dma_start3A_550 : memref<1x8x128xf32, #tpu.memory_space<hbm>> -> memref<8x128xf32, #tpu.memory_space<hbm>>
        %dma_start3A_552 = arith.constant 0 : i32
        %dma_start3A_553 = tpu.memref_slice %arg5[%arg0, %multiple_of3A, %dma_start3A_552] : memref<2x64x128xf32, #tpu.memory_space<hbm>> -> memref<1x8x128xf32, #tpu.memory_space<hbm>>
        %dma_start3A_554 = tpu.memref_squeeze %dma_start3A_553 : memref<1x8x128xf32, #tpu.memory_space<hbm>> -> memref<8x128xf32, #tpu.memory_space<hbm>>
        tpu.enqueue_dma source(%arg13 : memref<8x128xf32, #tpu.memory_space<vmem>>) target(%dma_start3A_554 : memref<8x128xf32, #tpu.memory_space<hbm>>) target_semaphore(%run_scoped3A : memref<!tpu.dma_semaphore, #tpu.memory_space<semaphore_mem>>)
        %dma_wait3A_555 = arith.constant 0 : i32
        %dma_wait3A_556 = tpu.memref_slice %arg5[%arg0, %multiple_of3A, %dma_wait3A_555] : memref<2x64x128xf32, #tpu.memory_space<hbm>> -> memref<1x8x128xf32, #tpu.memory_space<hbm>>
        %dma_wait3A_557 = tpu.memref_squeeze %dma_wait3A_556 : memref<1x8x128xf32, #tpu.memory_space<hbm>> -> memref<8x128xf32, #tpu.memory_space<hbm>>
        %dma_wait3A_558 = arith.constant 0 : i32
        %dma_wait3A_559 = tpu.memref_slice %arg5[%arg0, %multiple_of3A, %dma_wait3A_558] : memref<2x64x128xf32, #tpu.memory_space<hbm>> -> memref<1x8x128xf32, #tpu.memory_space<hbm>>
        %dma_wait3A_560 = tpu.memref_squeeze %dma_wait3A_559 : memref<1x8x128xf32, #tpu.memory_space<hbm>> -> memref<8x128xf32, #tpu.memory_space<hbm>>
        tpu.wait_dma2 semaphore(%run_scoped3A : memref<!tpu.dma_semaphore, #tpu.memory_space<semaphore_mem>>) src(%arg13 : memref<8x128xf32, #tpu.memory_space<vmem>>) dst(%dma_wait3A_560 : memref<8x128xf32, #tpu.memory_space<hbm>>)
        tpu.yield
      }) : () -> ()
    } else {
    }
    return
  }
}

</mosaic_0001>

<sc_bundles>
// kernel: kernel.3.cloned.1.call-start
scs
__scs_entry_jumppad:
0x0: {  	(pc) =	sbr.rel $0x88, $3  }
0x1: {  	(tag) =	ssettag $0x0;
	lr =	simm.s32 $0x1  }
0x2: {  	[smem:$0x3F9B] =	sst lr;
	_ =	strace $0xD0000000  }
0x3: {  	_ = 	snop  }
0x4: {  	_ = 	snop  }
0x5: {  	_ = 	snop  }
0x6: {  	_ = 	snop  }
0x7: {  	_ = 	snop  }
__scs_overlays_trampoline_lowered:
0x8: {  	[smem:$0x3FAA] =	sst s0  }
0x9: {  	[smem:$0x3FAB] =	sst s1  }
0xa: {  	[smem:$0x3FAC] =	sst s2  }
0xb: {  	[smem:$0x3FAD] =	sst s3  }
0xc: {  	[smem:$0x3FAE] =	sst s4  }
0xd: {  	[smem:$0x3FAF] =	sst s5  }
0xe: {  	[smem:$0x3FB0] =	sst s6  }
0xf: {  	[smem:$0x3FB1] =	sst s7  }
0x10: {  	[smem:$0x3FB2] =	sst s8  }
0x11: {  	[smem:$0x3FB3] =	sst s9;
	s0 =	simm.s32 @!p0 $0x0  }
0x12: {  	s1 =	sld [smem:$0x3F99];
	s0 =	simm.s32 @p0 $0x1  }
0x13: {  	[smem:$0x3FB4] =	sst s0;
	s0 =	simm.s32 @!p1 $0x0  }
0x14: {  	s2 =	sld [smem:$0x3F98];
	s0 =	simm.s32 @p1 $0x1  }
0x15: {  	[smem:$0x3FB5] =	sst s0;
	s0 =	simm.s32 @!p2 $0x0  }
0x16: {  	s3 =	sld [smem:$0x3FDB];
	s0 =	simm.s32 @p2 $0x1  }
0x17: {  	s4 =	simm.s32 $0x1BF5;
	[smem:$0x3FB7] =	sst s0  }
0x18: {  	s0 =	sld [smem:$0x3F9A];
	_ =	swait.ge [sflag:s4], $0x0  }
0x19: {  	s7 =	sld [smem:$0x3F9B]  }
0x1a: {  	s8 =	sadd.s32 $0xFFFFE003, lr  }
0x1b: {  	s9 =	sadd.s32 $0xFFFFFEF7, lr;
	s5 =	simm.s32 $0xFFFFFFFF;
	p2 =	slt.u32 s8, $0xFFFFF086  }
0x1c: {  	p1 =	slt.u32 s9, $0xF7A;
	s5 =	simm.s32 @!p2 $0x0  }
0x1d: {  	s5 =	simm.s32 @p1 $0x1;
	p0 =	seq.s32 s7, s2  }
0x1e: {  	s7 =	smul.u32 @!p0 $0xF7A, s2;
	p2 =	seq.s32 @!p0 s5, $0x0  }
0x1f: {  	s9 =	smul.u32 $0xF7A, s1;
	s8 =	simm.s32 @!p0 $0x1BF5;
	p2 =	por !p2, p0  }
0x20: {  	[sflag:s8] =	ssyncset.s32 @!p0 $0xFFFFF086;
	s6 =	sadd.s32 @!p0 s3, s7;
	s7 =	simm.s32 @!p0 $0x108  }
0x21: {  	s3 =	sadd.s32 s3, s9;
	s6 =	sadd.s32 @!p0 $0x88, s6;
	s7 =	simm.s32 @p2 $0x1082  }
0x22: {  	[simem:s7], [sflag:s8] =	dma.local @!p0 [hbm:s6], $0xF7A  }
0x23: {  	s9 =	sor.u32 $0xD0000000, s2;
	s6 =	simm.s32 $0x108;
	_ =	swait.ge @!p0 [sflag:s8], $0x0  }
0x24: {  	s3 =	sadd.s32 $0x88, s3;
	s6 =	simm.s32 @!p1 $0x1082;
	[sflag:s4] =	ssyncset.s32 $0xFFFFF086  }
0x25: {  	[simem:s6], [sflag:s4] =	dma.local [hbm:s3], $0xF7A  }
0x26: {  	[smem:$0x3F9B] =	sst s1;
	(tag) =	ssettag s2;
	_ =	strace s9  }
0x27: {  	s1 =	sld [smem:$0x3FAB]  }
0x28: {  	s2 =	sld [smem:$0x3FAC]  }
0x29: {  	s4 =	sld [smem:$0x3FAE]  }
0x2a: {  	p0 =	seq.s32 s5, $0x0;
	s5 =	sld [smem:$0x3FAF]  }
0x2b: {  	s6 =	sld [smem:$0x3FB0]  }
0x2c: {  	s7 =	sld [smem:$0x3FB1]  }
0x2d: {  	s3 =	simm.s32 $0x108;
	s8 =	sld [smem:$0x3FB2]  }
0x2e: {  	s3 =	simm.s32 @!p0 $0x1082;
	s9 =	sld [smem:$0x3FB3]  }
0x2f: {  	lr =	sadd.s32 s0, s3;
	s0 =	sld [smem:$0x3FAA]  }
0x30: {  	s3 =	sld [smem:$0x3FAD]  }
0x31: {  	[smem:$0x3FB6] =	sst s10  }
0x32: {  	s10 =	sld [smem:$0x3FB4];
	_ =	sdelay $0x3  }
0x33: {  	p0 =	seq.s32 s10, $0x1;
	s10 =	sld [smem:$0x3FB6];
	_ =	sdelay $0x3  }
0x34: {  	[smem:$0x3FB6] =	sst s10  }
0x35: {  	s10 =	sld [smem:$0x3FB5];
	_ =	sdelay $0x3  }
0x36: {  	p1 =	seq.s32 s10, $0x1;
	s10 =	sld [smem:$0x3FB6];
	_ =	sdelay $0x3  }
0x37: {  	[smem:$0x3FB6] =	sst s10  }
0x38: {  	s10 =	sld [smem:$0x3FB7]  }
0x39: {  	_ = 	snop;
	(pc) =	sbr.ind lr, $3  }
0x3a: {  	_ = 	snop  }
0x3b: {  	_ = 	snop  }
0x3c: {  	p2 =	seq.s32 s10, $0x1;
	s10 =	sld [smem:$0x3FB6]  }
0x3d: {  	_ =	shalt  }
0x3e: {  	_ =	shalt  }
0x3f: {  	_ =	shalt  }
0x40: {  	_ =	shalt  }
0x41: {  	_ =	shalt  }
0x42: {  	_ =	shalt  }
0x43: {  	_ =	shalt  }
0x44: {  	_ =	shalt  }
0x45: {  	_ =	shalt  }
0x46: {  	_ =	shalt  }
0x47: {  	_ =	shalt  }
0x48: {  	_ =	shalt  }
0x49: {  	_ =	shalt  }
0x4a: {  	_ =	shalt  }
0x4b: {  	_ =	shalt  }
0x4c: {  	_ =	shalt  }
0x4d: {  	_ =	shalt  }
0x4e: {  	_ =	shalt  }
0x4f: {  	_ =	shalt  }
0x50: {  	_ =	shalt  }
0x51: {  	_ =	shalt  }
0x52: {  	_ =	shalt  }
0x53: {  	_ =	shalt  }
0x54: {  	_ =	shalt  }
0x55: {  	_ =	shalt  }
0x56: {  	_ =	shalt  }
0x57: {  	_ =	shalt  }
0x58: {  	_ =	shalt  }
0x59: {  	_ =	shalt  }
0x5a: {  	_ =	shalt  }
0x5b: {  	_ =	shalt  }
0x5c: {  	_ =	shalt  }
0x5d: {  	_ =	shalt  }
0x5e: {  	_ =	shalt  }
0x5f: {  	_ =	shalt  }
0x60: {  	_ =	shalt  }
0x61: {  	_ =	shalt  }
0x62: {  	_ =	shalt  }
0x63: {  	_ =	shalt  }
0x64: {  	_ =	shalt  }
0x65: {  	_ =	shalt  }
0x66: {  	_ =	shalt  }
0x67: {  	_ =	shalt  }
0x68: {  	_ =	shalt  }
0x69: {  	_ =	shalt  }
0x6a: {  	_ =	shalt  }
0x6b: {  	_ =	shalt  }
0x6c: {  	_ =	shalt  }
0x6d: {  	_ =	shalt  }
0x6e: {  	_ =	shalt  }
0x6f: {  	_ =	shalt  }
0x70: {  	_ =	shalt  }
0x71: {  	_ =	shalt  }
0x72: {  	_ =	shalt  }
0x73: {  	_ =	shalt  }
0x74: {  	_ =	shalt  }
0x75: {  	_ =	shalt  }
0x76: {  	_ =	shalt  }
0x77: {  	_ =	shalt  }
0x78: {  	_ =	shalt  }
0x79: {  	_ =	shalt  }
0x7a: {  	_ =	shalt  }
0x7b: {  	_ =	shalt  }
0x7c: {  	_ =	shalt  }
0x7d: {  	_ =	shalt  }
0x7e: {  	_ =	shalt  }
0x7f: {  	_ =	shalt  }
0x80: {  	_ =	shalt  }
0x81: {  	_ =	shalt  }
0x82: {  	_ =	shalt  }
0x83: {  	_ =	shalt  }
0x84: {  	_ =	shalt  }
0x85: {  	_ =	shalt  }
0x86: {  	_ =	shalt  }
0x87: {  	_ =	shalt  }
.Lfunc_end0:
.L_simem_size_0:
called_computation_lowered:
.L_overlay_start_0:
0x88: {  	s2 =	sld [smem:$0x3FD9]  }
0x89: {  	s3 =	sld [smem:$0x3FFE];
	_ =	sdelay $0x1  }
0x8a: {  	s1 =	srdreg.scid  }
0x8b: {  	s0 =	sand.u32 $0x1, s1  }
0x8c: {  	s17 =	sshll.u32 s0, $0xA;
	s2 =	sadd.s32 s3, s2  }
0x8d: {  	s2 =	sadd.s32 s2, s17  }
0x8e: {  	[smem:$0x3FC2] =	sst s2  }
0x8f: {  	_ = 	snop  }
0x90: {  	s2 =	sld [smem:$0x3FC9]  }
0x91: {  	s18 =	sld [smem:$0x3FC8]  }
0x92: {  	s4 =	sld [smem:$0x3FC6];
	(tm) =	ssettm $0x1  }
0x93: {  	s5 =	sld [smem:$0x3FFB];
	_ =	sdelay $0x3  }
0x94: {  	_ =	strace s5  }
0x95: {  	s5 =	sld [smem:$0x3FFC];
	_ =	sdelay $0x3  }
0x96: {  	_ =	strace s5  }
0x97: {  	s5 =	sld [smem:$0x3FFD];
	_ =	sdelay $0x3  }
0x98: {  	_ =	strace s5  }
0x99: {  	_ =	strace $0x8FFFFFFF  }
0x9a: {  	s19 =	sld [smem:$0x3FDB];
	_ =	sdelay $0x1  }
0x9b: {  	s6 =	simm.s32 $_scs_section_size  }
0x9c: {  	s7 =	simm.s32 $_size__tile_overlayer_lowered;
	s8 =	simm.s32 $_tile_overlayer_lowered  }
0x9d: {  	s22 =	simm.s32 $0x1BFF;
	s21 =	sshll.u32 s8, $0x1;
	s5 =	sadd.s32 s6, s19  }
0x9e: {  	s9 =	simm.s32 $0x0;
	s20 =	sshll.u32 s7, $0x1;
	s7 =	sadd.s32 s21, s5  }
0x9f: {  	[timem:s9], [sflag:s22] =	dma.local [hbm:s7], s20  }
0xa0: {  	_ =	swait.ge [sflag:s22], s20  }
0xa1: {  	s6 =	ssub.s32 $0x0, s20;
	[sflag:s22] =	ssyncset.done $0x0  }
0xa2: {  	[sflag:s22] =	ssyncadd.s32 s6;
	_ =	sdelay $0x1  }
0xa3: {  	s23 =	simm.s32 $0x1B8B  }
0xa4: {  	_ =	swait.ge [sflag:s23], $0x1  }
0xa5: {  	[sflag:s23] =	ssyncset.done $0x0  }
0xa6: {  	s25 =	simm.s32 $0x1B8E;
	s24 =	sld [smem:$0x3FFE];
	[sflag:s23] =	ssyncadd.s32 $0xFFFFFFFF  }
0xa7: {  	s26 =	simm.s32 $execute0_lowered;
	[smem:$0x3FD2] =	sst s25  }
0xa8: {  	s7 =	sshll.u32 s26, $0x1;
	_ =	strace $0x80000046;
	[dreg:$0x1] =	wrdreg $0xFFFFFFFF  }
0xa9: {  	s28 =	simm.s32 $_size_execute0_lowered;
	s5 =	sadd.s32 s5, s7;
	[dreg:$0x0] =	wrdreg $0x0  }
0xaa: {  	s7 =	sshll.u32 s28, $0x1;
	[dreg:$0x2] =	wrdreg s5  }
0xab: {  	[dreg:$0x3] =	wrdreg s7  }
0xac: {  	[dreg:$0x4] =	wrdreg $0xC0  }
0xad: {  	_ =	task [dreg:s9], $0x5FFFF  }
0xae: {  	[dreg:$0x1] =	wrdreg $0xFFFFFFFF  }
0xaf: {  	[dreg:$0x0] =	wrdreg $0x60  }
0xb0: {  	[dreg:$0x2] =	wrdreg s2  }
0xb1: {  	[dreg:$0x3] =	wrdreg s18  }
0xb2: {  	[dreg:$0x4] =	wrdreg s4  }
0xb3: {  	[dreg:$0x5] =	wrdreg s24  }
0xb4: {  	[dreg:$0x6] =	wrdreg $0x1A4800  }
0xb5: {  	[dreg:$0x7] =	wrdreg $0x9  }
0xb6: {  	_ =	task.clear_ibuf [dreg:s9], $0x8FFFF;
	_ =	strace $0x90000046  }
0xb7: {  	s29 =	simm.s32 $0x9;
	_ =	strace $0x80000048  }
0xb8: {  	_ =	swait.ge [sflag:s29], $0x1  }
0xb9: {  	[sflag:s29] =	ssyncadd.s32 $0xFFFFFFFF  }
0xba: {  	_ =	strace $0x90000048  }
0xbb: {  	_ =	sfence  }
0xbc: {  	s30 =	sld [smem:$0x0];
	_ =	sdelay $0x2  }
0xbd: {  	s31 =	sshll.u32 s1, $0xD;
	s1 =	sshrl.u32 s1, $0x2  }
0xbe: {  	s3 =	sand.u32 $0x4000, s31;
	s1 =	sadd.s32 s1, s30  }
0xbf: {  	s0 =	sor.u32 s3, s0;
	s1 =	sshll.u32 s1, $0x11  }
0xc0: {  	s0 =	sor.u32 s1, s0  }
0xc1: {  	s0 =	sadd.s32 $0x8F2B, s0  }
0xc2: {  	[sflag:s0] =	ssyncadd.remote.s32 $0x1  }
0xc3: {  	_ =	sfence.sel $0xFFFF  }
0xc4: {  	[dreg:$0x0] =	wrdreg $0xFFFFFFFF;
	(pc) =	sbr.abs _section_cstart, $3  }
0xc5: {  	[dreg:$0x1] =	wrdreg $0xFFFFFFFF  }
0xc6: {  	_ =	task.clear_ibuf [dreg:s9], $0x2FFFF;
	_ =	strace $0x9FFFFFFF  }
0xc7: {  	(tm) =	ssettm $0x7FFFFFFF  }
tec
execute0_lowered:
.L_overlay_start_1:
0x0: {  	(tag) =	ssettag $0x1  }
0x1: {  	s7 =	rddreg [dreg:$0x1]  }
0x2: {  	s0 =	rddreg [dreg:$0x3]  }
0x3: {  	s1 =	rddreg [dreg:$0x4]  }
0x4: {  	s2 =	srdreg.scid;
	s8 =	stileid.u32  }
0x5: {  	s5 =	simm.s32 $0x0;
	s2 =	sand.u32 $0x1, s2;
	s3 =	sshll.u32 s8, $0xA  }
0x6: {  	[smem:$0x7FF] =	sst s5;
	s24 =	sshll.u32 s8, $0xD;
	s26 =	sshll.u32 s8, $0x4  }
0x7: {  	s29 =	sshll.u32 s8, $0x6;
	s4 =	sshll.u32 s2, $0xD;
	s22 =	ssub.s32 $0x2, s2  }
0x8: {  	_ =	strace $0x80000047;
	s9 =	sadd.s32 s24, s1;
	s12 =	sand.u32 $0x80, s26  }
0x9: {  	[dreg:$0xe] =	wrdreg s26;
	s4 =	sadd.s32 s3, s4;
	s6 =	sshrl.u32 s22, $0x1  }
0xa: {  	[dreg:$0x10] =	wrdreg s9;
	s9 =	sadd.s32 s3, s1;
	s3 =	sadd.s32 $0x40, s29  }
0xb: {  	s4 =	sshrl.u32 s4, $0x3;
	s23 =	ssub.s32 s22, s6;
	[dreg:$0x14] =	wrdreg s3  }
0xc: {  	s6 =	sshll.u32 s2, $0x3;
	s3 =	sxor.u32 $0x980, s12;
	[dreg:$0x11] =	wrdreg s9  }
0xd: {  	s12 =	sadd.s32 $0x80400, s7;
	s0 =	sadd.s32 s4, s0;
	[dreg:$0x1d] =	wrdreg s3  }
0xe: {  	s25 =	smax.u32 s23, $0x1;
	s28 =	sor.u32 s26, s6;
	[smem:$0x7D8] =	sst s12  }
0xf: {  	s12 =	sadd.s32 $0x1A000, s9;
	[dreg:$0xf] =	wrdreg s6;
	s0 =	sadd.s32 $0x400, s0  }
0x10: {  	[dreg:$0x13] =	wrdreg s25;
	s31 =	sxor.u32 $0xFFF, s28;
	s13 =	sxor.u32 $0xFFE, s28  }
0x11: {  	s14 =	sor.u32 $0x1, s28;
	s15 =	sxor.u32 $0xFFD, s28;
	s16 =	sor.u32 $0x2, s28  }
0x12: {  	s25 =	sxor.u32 $0xFF8, s28;
	s1 =	sor.u32 $0x7, s28;
	[smem:$0x7EF] =	sst s12  }
0x13: {  	[dreg:$0x12] =	wrdreg s0;
	s4 =	smul.u32 s14, s13;
	s13 =	sadd.s32 $0x100000, s7  }
0x14: {  	s10 =	smul.u32 s28, s31;
	s14 =	sadd.s32 $0x100400, s7;
	[smem:$0x7D9] =	sst s13  }
0x15: {  	s1 =	smul.u32 s1, s25;
	s25 =	sadd.s32 $0x6000, s9;
	[smem:$0x7DA] =	sst s14  }
0x16: {  	s17 =	sxor.u32 $0xFFC, s28;
	s18 =	sor.u32 $0x3, s28;
	[smem:$0x7E5] =	sst s25  }
0x17: {  	s19 =	sxor.u32 $0xFFB, s28;
	s20 =	sor.u32 $0x4, s28;
	[dreg:$0x15] =	wrdreg s10  }
0x18: {  	s21 =	sxor.u32 $0xFFA, s28;
	s22 =	sor.u32 $0x5, s28;
	[dreg:$0x17] =	wrdreg s4  }
0x19: {  	s0 =	sshllo.u32 s2, $0x3;
	s13 =	sadd.s32 $0x1C000, s9;
	[dreg:$0x1e] =	wrdreg s1  }
0x1a: {  	s2 =	sshll.u32 s2, $0xC;
	s14 =	sadd.s32 $0x1E000, s9;
	[smem:$0x7F0] =	sst s13  }
0x1b: {  	s2 =	sor.u32 s24, s2;
	s25 =	ssub.s32 $0x22, s6;
	[smem:$0x7F1] =	sst s14  }
0x1c: {  	s23 =	sxor.u32 $0xFF9, s28;
	s11 =	ssub.s32 $0xEFF00, s2;
	[smem:$0x7F9] =	sst s25  }
0x1d: {  	s24 =	sor.u32 $0x6, s28;
	s28 =	ssub.s32 $0xEFD00, s2;
	[dreg:$0x16] =	wrdreg s11  }
0x1e: {  	s29 =	ssub.s32 $0xEFB00, s2;
	[dreg:$0x1f] =	wrdreg s28  }
0x1f: {  	s31 =	ssub.s32 $0xEF900, s2;
	[smem:$0x7D0] =	sst s29  }
0x20: {  	s3 =	ssub.s32 $0xEF700, s2;
	[smem:$0x7D1] =	sst s31  }
0x21: {  	s5 =	ssub.s32 $0xEF300, s2;
	[smem:$0x7D2] =	sst s3  }
0x22: {  	s4 =	smul.u32 s16, s15;
	s15 =	sadd.s32 $0x80200, s7;
	[smem:$0x7D4] =	sst s5  }
0x23: {  	s16 =	sadd.s32 $0x80500, s7;
	[smem:$0x7DB] =	sst s15  }
0x24: {  	s10 =	sshll.u32 s8, $0x7;
	[smem:$0x7DC] =	sst s16  }
0x25: {  	s1 =	sadd.s32 $0x80, s10;
	[dreg:$0x18] =	wrdreg s4  }
0x26: {  	s11 =	sadd.s32 $0x80000, s7;
	[smem:$0x7D6] =	sst s1  }
0x27: {  	s28 =	sadd.s32 $0x8000, s9;
	[smem:$0x7D7] =	sst s11  }
0x28: {  	s29 =	sadd.s32 $0xA000, s9;
	[smem:$0x7E6] =	sst s28  }
0x29: {  	s31 =	sadd.s32 $0xC000, s9;
	[smem:$0x7E7] =	sst s29  }
0x2a: {  	s3 =	sadd.s32 $0x10000, s9;
	[smem:$0x7E8] =	sst s31  }
0x2b: {  	s10 =	sadd.s32 $0x16000, s9;
	[smem:$0x7EA] =	sst s3  }
0x2c: {  	s5 =	sand.u32 $0x70, s26;
	[smem:$0x7ED] =	sst s10  }
0x2d: {  	s4 =	smul.u32 s18, s17;
	s17 =	sadd.s32 $0x100200, s7;
	[smem:$0x7FD] =	sst s5  }
0x2e: {  	s18 =	sadd.s32 $0x100500, s7;
	[smem:$0x7DD] =	sst s17  }
0x2f: {  	s11 =	sadd.s32 $0x18000, s9;
	[smem:$0x7DE] =	sst s18  }
0x30: {  	s28 =	ssub.s32 $0x21, s6;
	[smem:$0x7EE] =	sst s11  }
0x31: {  	s29 =	ssub.s32 $0x20, s6;
	[smem:$0x7FA] =	sst s28  }
0x32: {  	s31 =	sadd.s32 $0x1, s8;
	[smem:$0x7FB] =	sst s29  }
0x33: {  	[smem:$0x7FC] =	sst s31  }
0x34: {  	s18 =	sadd.s32 $0xFFFFFFFF, s8;
	[dreg:$0x19] =	wrdreg s4  }
0x35: {  	s4 =	smul.u32 s20, s19;
	s19 =	sadd.s32 $0x100600, s7;
	[smem:$0x7F2] =	sst s18  }
0x36: {  	s20 =	sadd.s32 $0x80600, s7;
	[smem:$0x7DF] =	sst s19  }
0x37: {  	[smem:$0x7E0] =	sst s20  }
0x38: {  	s19 =	sadd.s32 $0x10, s26;
	[dreg:$0x1a] =	wrdreg s4  }
0x39: {  	s20 =	ssub.s32 $0x27, s6;
	[smem:$0x7F3] =	sst s19  }
0x3a: {  	s4 =	smul.u32 s22, s21;
	s21 =	sadd.s32 $0x80700, s7;
	[smem:$0x7F4] =	sst s20  }
0x3b: {  	s22 =	sadd.s32 $0x100700, s7;
	[smem:$0x7E1] =	sst s21  }
0x3c: {  	s7 =	sadd.s32 $0x14000, s9;
	[smem:$0x7E2] =	sst s22  }
0x3d: {  	[smem:$0x7EC] =	sst s7  }
0x3e: {  	s21 =	ssub.s32 $0x26, s6;
	[dreg:$0x1b] =	wrdreg s4  }
0x3f: {  	s22 =	ssub.s32 $0x25, s6;
	[smem:$0x7F5] =	sst s21  }
0x40: {  	s4 =	smul.u32 s24, s23;
	s23 =	sadd.s32 $0x2000, s9;
	[smem:$0x7F6] =	sst s22  }
0x41: {  	s24 =	sadd.s32 $0x4000, s9;
	[smem:$0x7E3] =	sst s23  }
0x42: {  	[smem:$0x7E4] =	sst s24  }
0x43: {  	s23 =	ssub.s32 $0x24, s6;
	[dreg:$0x1c] =	wrdreg s4  }
0x44: {  	s15 =	sor.u32 $0x1, s6;
	s24 =	ssub.s32 $0x23, s6;
	[smem:$0x7F7] =	sst s23  }
.Ltmp0:
0x45: {  	s4 =	ssub.s32 $0xEF500, s2;
	[smem:$0x7F8] =	sst s24;
	(pc) =	sbr.rel .LBB2_1-.Ltmp0, $4  }
0x46: {  	v0 =	vlaneseq.u32;
	v5 =	vmov s6;
	v4 =	vmov s0;
	s16 =	sor.u32 $0x3, s6;
	s2 =	ssub.s32 $0xEF100, s2;
	[smem:$0x7D3] =	sst s4  }
0x47: {  	vm4 =	veq.s32 v5, v0;
	vm0 =	veq.s32 v4, v0;
	v2 =	vmov s16;
	s17 =	sor.u32 $0x5, s6;
	[smem:$0x7D5] =	sst s2;
	s2 =	sadd.s32 $0xE000, s9  }
0x48: {  	s30 =	simm.s32 $0x10000;
	v1 =	vmov s15;
	vm2 =	veq.s32 v2, v0;
	v3 =	vmov s17;
	s4 =	sadd.s32 $0x12000, s9;
	[smem:$0x7E9] =	sst s2  }
0x49: {  	p0 =	sgt.u32 s8, $0x7;
	s1 =	simm.s32 $0x0;
	vm3 =	veq.s32 v1, v0;
	v1 =	vmov s5;
	vm1 =	veq.s32 v3, v0;
	[smem:$0x7EB] =	sst s4  }
.LBB2_18:
0x4a: {  	s1 =	sadd.s32 $0x1, s1;
	s0 =	rddreg [dreg:$0x13]  }
0x4b: {  	p1 =	sne.s32 s1, s0  }
.Ltmp1:
0x4c: {  	_ = 	snop;
	(pc) =	sbr.rel @!p1 .LBB2_19-.Ltmp1, $1  }
0x4d: {  	_ =	sdelay $0x3  }
.LBB2_1:
0x4e: {  	[smem:$0x7CF] =	sst s1;
	s0 =	simm.s32 $0x0  }
.LBB2_2:
0x4f: {  	p1 =	sne.s32 s0, $0x1FF0  }
.Ltmp2:
0x50: {  	_ = 	snop;
	(pc) =	sbr.rel @p1 .LBB2_2-.Ltmp2, $3  }
0x51: {  	_ =	sdelay $0x1  }
0x52: {  	s1 =	sand.u32 $0x1FF0, s0;
	v2 =	vimm.f32 $0.0e+00  }
0x53: {  	s0 =	sadd.s32 $0x10, s0;
	[tilespmem:s1+$0x14080] =	vst v2  }
0x54: {  	s19 =	sld [smem:$0x7D6]  }
0x55: {  	s18 =	rddreg [dreg:$0x1e]  }
0x56: {  	s0 =	sld [smem:$0x7D5]  }
0x57: {  	s9 =	rddreg [dreg:$0x1c]  }
0x58: {  	s28 =	sld [smem:$0x7D4]  }
0x59: {  	s15 =	rddreg [dreg:$0x1b]  }
0x5a: {  	s7 =	sld [smem:$0x7D3]  }
0x5b: {  	s12 =	rddreg [dreg:$0x1a]  }
0x5c: {  	s14 =	sld [smem:$0x7D2]  }
0x5d: {  	s20 =	rddreg [dreg:$0x19]  }
0x5e: {  	s4 =	sld [smem:$0x7D1]  }
0x5f: {  	s21 =	rddreg [dreg:$0x18]  }
0x60: {  	s16 =	sld [smem:$0x7D0]  }
0x61: {  	s25 =	rddreg [dreg:$0x17]  }
0x62: {  	s17 =	rddreg [dreg:$0x1f]  }
0x63: {  	s1 =	rddreg [dreg:$0x15]  }
0x64: {  	s23 =	rddreg [dreg:$0x16]  }
0x65: {  	s22 =	sld [smem:$0x7F3]  }
0x66: {  	s24 =	rddreg [dreg:$0x14]  }
0x67: {  	s29 =	sld [smem:$0x7F2]  }
.Ltmp3:
0x68: {  	[smem:$0x7CC] =	sst s1;
	(pc) =	sbr.rel .LBB2_4-.Ltmp3, $4  }
0x69: {  	[smem:$0x7CD] =	sst s24  }
0x6a: {  	[smem:$0x7CB] =	sst s0  }
0x6b: {  	s0 =	rddreg [dreg:$0x1d]  }
0x6c: {  	s31 =	simm.s32 $0x0;
	v5 =	vimm.f32 $0.0e+00;
	v4 =	vimm.f32 $0.0e+00;
	v3 =	vimm.f32 $0.0e+00;
	[smem:$0x7CE] =	sst s29  }
.LBB2_10:
0x6d: {  	v52 =	vadd.f32 v53, v52;
	v28 =	vadd.f32 v53, v28;
	v47 =	vnsel vm5, $0x0, v47  }
0x6e: {  	v3 =	vadd.f32 v51, v3;
	v49 =	vmul.f32 v45, v49;
	v46 =	vmul.f32 v54, v46  }
0x6f: {  	v53 =	vld [tilespmem:s2+$0x8000];
	v51 =	vadd.f32 $0.0e+00, v30;
	v63 =	vmul.f32 v50, v50;
	v43 =	vmul.f32 v43, v48  }
0x70: {  	v55 =	vld [tilespmem:s6+$0x8180];
	v36 =	vmul.f32 v42, v36;
	v57 =	vadd.f32 $0.0e+00, v31;
	v39 =	vadd.f32 $0.0e+00, v39  }
0x71: {  	v62 =	vld [tilespmem:s6+$0xC180];
	v33 =	vmul.f32 v45, v33;
	v2 =	vadd.f32 v42, v2;
	v12 =	vadd.f32 v30, v12  }
0x72: {  	v60 =	vld [tilespmem:s6+$0xC300];
	v7 =	vadd.f32 v31, v7;
	v41 =	vmul.f32 v41, v47;
	v21 =	vadd.f32 v49, v21  }
0x73: {  	v61 =	vld [tilespmem:s6+$0x8200];
	v4 =	vadd.f32 v46, v4;
	v38 =	vmul.f32 v46, v38;
	v29 =	vadd.f32 v43, v29  }
0x74: {  	v56 =	vld [tilespmem:s6+$0x8280];
	v46 =	vmul.f32 v36, v5;
	v34 =	vmul.f32 v63, v34;
	v44 =	vadd.f32 v33, v44  }
0x75: {  	v58 =	vld [tilespmem:s6+$0x8300];
	v43 =	vadd.f32 v43, v51;
	v19 =	vadd.f32 v33, v19;
	v32 =	vmul.f32 v41, v32  }
0x76: {  	v63 =	vld [tilespmem:s6+$0xC280];
	v5 =	vadd.f32 v41, v37;
	v35 =	vmul.f32 v34, v35;
	v2 =	vadd.f32 v34, v2  }
0x77: {  	v25 =	vadd.f32 v46, v25;
	v55 =	vmul.f32 v36, v55;
	v36 =	vmul.f32 v36, v62;
	v62 =	vld [tilespmem:s6+$0x4300]  }
0x78: {  	v47 =	vmul.f32 v32, v60;
	v42 =	vmul.f32 v45, v61;
	v45 =	vld [tilespmem:s6+$0x4280];
	v61 =	vadd.f32 v46, v57  }
0x79: {  	v48 =	vmul.f32 v38, v56;
	v57 =	vadd.f32 v49, v52;
	v39 =	vadd.f32 v55, v39  }
0x7a: {  	v59 =	vld [tilespmem:s2+$0xC000];
	v50 =	vmul.f32 v35, v53;
	v43 =	vadd.f32 v42, v43;
	v11 =	vadd.f32 v47, v11  }
0x7b: {  	v60 =	vld [tilespmem:s2+$0x4000];
	v53 =	vmul.f32 v32, v58;
	v44 =	vadd.f32 v47, v44;
	v17 =	vadd.f32 v48, v17  }
0x7c: {  	v63 =	vmul.f32 v38, v63;
	v20 =	vadd.f32 v42, v20;
	v22 =	vadd.f32 v36, v22  }
0x7d: {  	s26 =	sand.u32 $0x1FFFFF80, s17;
	v32 =	vmul.f32 v32, v62;
	v62 =	vadd.f32 v36, v40;
	v38 =	vmul.f32 v38, v45  }
0x7e: {  	s1 =	sor.u32 s1, s26;
	v23 =	vadd.f32 v55, v23;
	v39 =	vadd.f32 v48, v39  }
0x7f: {  	v58 =	vmul.f32 v35, v59;
	v37 =	vadd.f32 v63, v62;
	v34 =	vadd.f32 v38, v61;
	v61 =	vld [tilespmem:s1+$0x14880]  }
0x80: {  	v59 =	vld [tilespmem:s1+$0x15080];
	v56 =	vadd.f32 v53, v43;
	v35 =	vmul.f32 v35, v60;
	v39 =	vadd.f32 v50, v39  }
0x81: {  	v60 =	vld [tilespmem:s1+$0x14080];
	v43 =	vadd.f32 v32, v57;
	v37 =	vadd.f32 v58, v37  }
0x82: {  	v39 =	vadd.f32 v39, v56;
	v34 =	vadd.f32 v35, v34  }
0x83: {  	v16 =	vadd.f32 v63, v16;
	v62 =	vadd.f32 v37, v44  }
0x84: {  	v34 =	vadd.f32 v34, v43;
	v63 =	vsub.f32 v61, v39  }
0x85: {  	v10 =	vadd.f32 v35, v10;
	v35 =	vsub.f32 v59, v62  }
0x86: {  	v8 =	vadd.f32 v58, v8;
	v34 =	vsub.f32 v60, v34;
	[tilespmem:s1+$0x14880] =	vst v63  }
0x87: {  	v9 =	vadd.f32 v50, v9;
	v14 =	vadd.f32 v53, v14;
	[tilespmem:s1+$0x15080] =	vst v35  }
0x88: {  	s0 =	sld [smem:$0x7C4];
	v18 =	vadd.f32 v38, v18;
	v15 =	vadd.f32 v32, v15;
	[tilespmem:s1+$0x14080] =	vst v34  }
.LBB2_11:
0x89: {  	(xrf2) =	vadd.scan.msk.f32 $0xffff, v6;
	_ =	sdelay $0x1  }
0x8a: {  	(xrf2) =	vadd.scan.msk.f32 $0xffff, v12  }
0x8b: {  	(xrf2) =	vadd.scan.msk.f32 $0xffff, v27  }
0x8c: {  	(xrf2) =	vadd.scan.msk.f32 $0xffff, v7  }
0x8d: {  	(xrf2) =	vadd.scan.msk.f32 $0xffff, v13  }
0x8e: {  	(xrf2) =	vadd.scan.msk.f32 $0xffff, v24  }
0x8f: {  	(xrf2) =	vadd.scan.msk.f32 $0xffff, v28  }
0x90: {  	(xrf2) =	vadd.scan.msk.f32 $0xffff, v29  }
0x91: {  	(xrf2) =	vadd.scan.msk.f32 $0xffff, v26  }
0x92: {  	v7, _, _ =	vpop (xrf2);
	(xrf2) =	vadd.scan.msk.f32 $0xffff, v25  }
0x93: {  	v6 =	vld [tilespmem:s29+$0x14080]  }
0x94: {  	v48 =	vld [tilespmem:s29+$0x14880];
	v49, _, _ =	vpop (xrf2);
	(xrf2) =	vadd.scan.msk.f32 $0xffff, v23  }
0x95: {  	s1 =	sand.u32 $0xA, s10;
	v7 =	vbroadcast v7, $0xF;
	v51, _, _ =	vpop (xrf2);
	(xrf2) =	vadd.scan.msk.f32 $0xffff, v22  }
0x96: {  	v50 =	vld [tilespmem:s29+$0x15080];
	s10 =	sand.u32 $0xC, s13;
	v60 =	vmov s1;
	v13 =	vbroadcast v49, $0xF;
	v52, _, _ =	vpop (xrf2);
	(xrf2) =	vadd.scan.msk.f32 $0xffff, v21  }
0x97: {  	v37 =	vmov s10;
	vm5 =	veq.s32 v60, v0;
	v7 =	vnsel vm4, $0x0, v7;
	v54, _, _ =	vpop (xrf2);
	(xrf2) =	vadd.scan.msk.f32 $0xffff, v20  }
0x98: {  	v53 =	vbroadcast v51, $0xF;
	v13 =	vnsel vm4, $0x0, v13;
	v23 =	vbroadcast v52, $0xF;
	v57, _, _ =	vpop (xrf2);
	(xrf2) =	vadd.scan.msk.f32 $0xffff, v19  }
0x99: {  	v6 =	vadd.f32 v6, v7;
	v7 =	vadd.f32 v48, v13;
	v12 =	vbroadcast v54, $0xF;
	v59, _, _ =	vpop (xrf2)  }
0x9a: {  	v55 =	vnsel vm4, $0x0, v53;
	v56 =	vnsel vm3, $0x0, v23;
	v58 =	vbroadcast v57, $0xF;
	(xrf2) =	vadd.scan.msk.f32 $0xffff, v18;
	v61, _, _ =	vpop (xrf2)  }
0x9b: {  	v13 =	vadd.f32 v50, v55;
	v6 =	vadd.f32 v6, v56;
	v12 =	vnsel vm3, $0x0, v12;
	(xrf2) =	vadd.scan.msk.f32 $0xffff, v17;
	v63, _, _ =	vpop (xrf2)  }
0x9c: {  	s11 =	sand.u32 $0xE, s14;
	v20 =	vbroadcast v59, $0xF;
	v19 =	vnsel vm3, $0x0, v58;
	v62 =	vbroadcast v61, $0xF;
	v26, _, _ =	vpop (xrf2);
	(xrf2) =	vadd.scan.msk.f32 $0xffff, v16  }
0x9d: {  	v54 =	vmov s11;
	v7 =	vadd.f32 v7, v12;
	v24 =	vadd.f32 v13, v19;
	(xrf2) =	vadd.scan.msk.f32 $0xffff, v15  }
0x9e: {  	v25 =	vnsel vm5, $0x0, v20;
	v28 =	vbroadcast v63, $0xF;
	v27 =	vnsel vm5, $0x0, v62;
	v29, _, _ =	vpop (xrf2);
	(xrf2) =	vadd.scan.msk.f32 $0xffff, v14  }
0x9f: {  	v6 =	vadd.f32 v6, v25;
	v17 =	vbroadcast v26, $0xF;
	v7 =	vadd.f32 v7, v27;
	v32, _, _ =	vpop (xrf2);
	(xrf2) =	vadd.scan.msk.f32 $0xffff, v11  }
0xa0: {  	s13 =	sld [smem:$0x7CE];
	v30 =	vnsel vm5, $0x0, v28;
	vm5 =	veq.s32 v37, v0;
	v13 =	vbroadcast v29, $0xF;
	v35, _, _ =	vpop (xrf2);
	(xrf2) =	vadd.scan.msk.f32 $0xffff, v10  }
0xa1: {  	s14 =	sld [smem:$0x7CD];
	v33 =	vadd.f32 v24, v30;
	v31 =	vnsel vm2, $0x0, v17;
	v34 =	vbroadcast v32, $0xF;
	v38, _, _ =	vpop (xrf2);
	(xrf2) =	vadd.scan.msk.f32 $0xffff, v9  }
0xa2: {  	s3 =	sld [smem:$0x7CA];
	v6 =	vadd.f32 v6, v31;
	v36 =	vnsel vm2, $0x0, v13;
	v14 =	vbroadcast v35, $0xF;
	v41, _, _ =	vpop (xrf2);
	(xrf2) =	vadd.scan.msk.f32 $0xffff, v8  }
0xa3: {  	s2 =	sld [smem:$0x7CC];
	v39 =	vnsel vm2, $0x0, v34;
	v40 =	vbroadcast v38, $0xF;
	v7 =	vadd.f32 v7, v36  }
0xa4: {  	s16 =	sld [smem:$0x7C9];
	v42, _, _ =	vpop (xrf2);
	v9 =	vadd.f32 v33, v39;
	v43 =	vnsel vm5, $0x0, v14;
	v45 =	vbroadcast v41, $0xF  }
0xa5: {  	s4 =	sld [smem:$0x7C8];
	v44 =	vnsel vm5, $0x0, v40;
	v8 =	vbroadcast v42, $0xF;
	v46, _, _ =	vpop (xrf2);
	v6 =	vadd.f32 v6, v43  }
0xa6: {  	s6 =	sld [smem:$0x7C7];
	v7 =	vadd.f32 v7, v44;
	v48 =	vnsel vm5, $0x0, v45;
	v49 =	vbroadcast v46, $0xF;
	v47, _, _ =	vpop (xrf2)  }
0xa7: {  	s7 =	sld [smem:$0x7C6];
	vm5 =	veq.s32 v54, v0;
	v8 =	vnsel vm1, $0x0, v8;
	v50, _, _ =	vpop (xrf2);
	v51 =	vbroadcast v47, $0xF  }
0xa8: {  	s31 =	sadd.s32 $0x1, s31;
	s8 =	sld [smem:$0x7C5];
	v9 =	vadd.f32 v9, v48;
	v6 =	vadd.f32 v6, v8;
	v52, _, _ =	vpop (xrf2);
	v13 =	vbroadcast v50, $0xF  }
0xa9: {  	s24 =	sadd.s32 $0xFFFE0000, s28;
	s9 =	sadd.s32 s28, s9;
	s5 =	sld [smem:$0x7CB];
	v53 =	vnsel vm1, $0x0, v49;
	v55, _, _ =	vpop (xrf2);
	v8 =	vnsel vm1, $0x0, v51;
	v10 =	vbroadcast v52, $0xF  }
0xaa: {  	s22 =	sadd.s32 $0x100, s22;
	s19 =	sadd.s32 $0x800, s19;
	p1 =	sne.s32 s31, $0x8;
	v7 =	vadd.f32 v7, v53;
	v56, _, _ =	vpop (xrf2);
	v8 =	vadd.f32 v9, v8;
	v57 =	vnsel vm5, $0x0, v13  }
0xab: {  	s28 =	smov.u32 s24;
	s0 =	sadd.s32 $0xFFFFFF00, s0;
	s1 =	sadd.s32 $0x10, s13;
	v59 =	vbroadcast v55, $0xF;
	v58, _, _ =	vpop (xrf2);
	v10 =	vnsel vm5, $0x0, v10;
	v12 =	vbroadcast v56, $0xF  }
0xac: {  	s23 =	sadd.s32 $0xFFFE0000, s3;
	s2 =	sadd.s32 s3, s2;
	s17 =	sadd.s32 $0xFFFE0000, s16;
	v6 =	vadd.f32 v6, v57;
	v7 =	vadd.f32 v7, v10;
	v60 =	vbroadcast v58, $0xF;
	v61, _, _ =	vpop (xrf2)  }
0xad: {  	s25 =	sadd.s32 s16, s25;
	s16 =	sadd.s32 $0xFFFE0000, s4;
	s21 =	sadd.s32 s4, s21;
	v62 =	vnsel vm5, $0x0, v59;
	v12 =	vnsel vm0, $0x0, v12;
	v10 =	vbroadcast v61, $0xF  }
.Ltmp4:
0xae: {  	s4 =	sadd.s32 $0xFFFE0000, s6;
	[smem:$0x7CE] =	sst s1;
	v8 =	vadd.f32 v8, v62;
	v6 =	vadd.f32 v6, v12;
	v9 =	vnsel vm0, $0x0, v60;
	(pc) =	sbr.rel @!p1 .LBB2_12-.Ltmp4, $4  }
0xaf: {  	s20 =	sadd.s32 s6, s20;
	s26 =	sadd.s32 $0xFFFE0000, s5;
	[smem:$0x7CC] =	sst s2;
	v7 =	vadd.f32 v7, v9;
	v63 =	vnsel vm0, $0x0, v10  }
0xb0: {  	s12 =	sadd.s32 s7, s12;
	s15 =	sadd.s32 s8, s15;
	[smem:$0x7CB] =	sst s26;
	[tilespmem:s29+$0x14080] =	vst v6;
	v6 =	vadd.f32 v8, v63  }
0xb1: {  	s18 =	sadd.s32 s5, s18;
	s1 =	sadd.s32 $0x400, s14;
	s26 =	rddreg [dreg:$0xe];
	[tilespmem:s29+$0x14880] =	vst v7  }
0xb2: {  	s14 =	sadd.s32 $0xFFFE0000, s7;
	s7 =	sadd.s32 $0xFFFE0000, s8;
	[smem:$0x7CD] =	sst s1;
	[tilespmem:s29+$0x15080] =	vst v6  }
.LBB2_4:
0xb3: {  	s1 =	sshll.u32 s31, $0x8  }
0xb4: {  	s29 =	sor.u32 s1, s26  }
0xb5: {  	s1 =	sand.u32 $0x780, s29  }
0xb6: {  	s6 =	ssub.s32 $0x980, s1  }
0xb7: {  	s24 =	rddreg [dreg:$0xf];
	s10 =	sshrl.u32 s6, $0x9  }
0xb8: {  	[smem:$0x7C5] =	sst s7;
	s2 =	sor.u32 s24, s29;
	p1 =	sgt.s32 s10, $0x2  }
.Ltmp5:
0xb9: {  	[smem:$0x7C6] =	sst s14;
	s3 =	sxor.u32 $0xFFF, s2;
	(pc) =	sbr.rel @p1 .LBB2_6-.Ltmp5, $4  }
0xba: {  	[smem:$0x7C7] =	sst s4;
	s3 =	smul.u32 s2, s3  }
0xbb: {  	[smem:$0x7C8] =	sst s16  }
0xbc: {  	[smem:$0x7C9] =	sst s17;
	s5 =	sshrl.u32 s3, $0x1  }
0xbd: {  	[smem:$0x7CA] =	sst s23;
	s13 =	sshll.u32 s2, $0x8;
	s8 =	sand.u32 $0x3FFFFFF8, s5  }
0xbe: {  	p1 =	seq.s32 s10, $0x1  }
0xbf: {  	s4 =	rddreg [dreg:$0x0];
	s3 =	sor.u32 @p1 $0x600, s13  }
0xc0: {  	s16 =	simm.s32 @p1 $0x0;
	s17 =	simm.s32 @p1 $0x3000;
	s14 =	sadd.s32 @p1 s4, s3  }
0xc1: {  	[tilespmem:s17], [sflag:$0x1] =	stream.linear.gather @p1 [hbm4b:s14+s16], $0x800, $0x38;
	[tilespmem:$0x1C480] =	vst v63  }
0xc2: {  	s7 =	rddreg [dreg:$0x1];
	s14 =	sor.u32 @p1 $0x700, s13  }
0xc3: {  	s6 =	smov.u32 s0;
	s23 =	simm.s32 @p1 $0x3800;
	s17 =	sadd.s32 @p1 s4, s14  }
0xc4: {  	[tilespmem:s23], [sflag:$0x1] =	stream.linear.gather @p1 [hbm4b:s17+s16], $0x800, $0x38;
	[tilespmem:$0x1C480] =	vst v63  }
0xc5: {  	s0 =	sld [smem:$0x7E0];
	s3 =	sadd.s32 @p1 s7, s3;
	s17 =	simm.s32 @p1 $0x7000  }
0xc6: {  	[tilespmem:s17], [sflag:$0x1] =	stream.linear.gather @p1 [hbm4b:s3+s16], $0x800, $0x38;
	[tilespmem:$0x1C480] =	vst v63  }
0xc7: {  	s3 =	sadd.s32 @p1 s7, s14;
	s14 =	simm.s32 @p1 $0x7800  }
0xc8: {  	[tilespmem:s14], [sflag:$0x1] =	stream.linear.gather @p1 [hbm4b:s3+s16], $0x800, $0x38;
	[tilespmem:$0x1C480] =	vst v63  }
0xc9: {  	s3 =	sadd.s32 @p1 s13, s0;
	s14 =	simm.s32 @p1 $0xB000  }
0xca: {  	[tilespmem:s14], [sflag:$0x1] =	stream.linear.gather @p1 [hbm4b:s3+s16], $0x800, $0x38;
	[tilespmem:$0x1C480] =	vst v63  }
0xcb: {  	s3 =	sld [smem:$0x7E1]  }
0xcc: {  	s24 =	smov.u32 s28  }
0xcd: {  	s28 =	smov.u32 s25;
	s25 =	smov.u32 s18;
	s18 =	sld [smem:$0x7DF]  }
0xce: {  	s14 =	simm.s32 @p1 $0xB800;
	s3 =	sadd.s32 @p1 s13, s3  }
0xcf: {  	[tilespmem:s14], [sflag:$0x1] =	stream.linear.gather @p1 [hbm4b:s3+s16], $0x800, $0x38;
	[tilespmem:$0x1C480] =	vst v63  }
0xd0: {  	s3 =	sadd.s32 @p1 s13, s18;
	s14 =	simm.s32 @p1 $0xF000  }
0xd1: {  	[tilespmem:s14], [sflag:$0x1] =	stream.linear.gather @p1 [hbm4b:s3+s16], $0x800, $0x38;
	[tilespmem:$0x1C480] =	vst v63  }
0xd2: {  	s14 =	sld [smem:$0x7E2];
	_ =	sdelay $0x1  }
0xd3: {  	s11 =	rddreg [dreg:$0x2];
	s3 =	smin.u32 @p1 s8, $0x1FEC00  }
0xd4: {  	s17 =	simm.s32 @p1 $0xF800;
	s3 =	sshrl.u32 @p1 s3, $0x3;
	s14 =	sadd.s32 @p1 s13, s14  }
0xd5: {  	[tilespmem:s17], [sflag:$0x1] =	stream.linear.gather @p1 [hbm4b:s14+s16], $0x800, $0x38;
	[tilespmem:$0x1C480] =	vst v63  }
0xd6: {  	s3 =	sadd.s32 @p1 s11, s3;
	s14 =	simm.s32 @p1 $0x10018  }
0xd7: {  	[tilespmem:s14], [sflag:$0x1] =	stream.linear.gather @p1 [hbm4b:s3+s16], $0x1000, $0x38;
	[tilespmem:$0x1C480] =	vst v63  }
0xd8: {  	s3 =	simm.s32 @p1 $0x1  }
0xd9: {  	_ =	swait.ge @p1 [sflag:s3], $0x800  }
0xda: {  	[sflag:s3] =	ssyncset.done @p1 $0x0  }
0xdb: {  	[sflag:s3] =	ssyncadd.s32 @p1 $0xFFFFF800  }
0xdc: {  	_ =	swait.ge @p1 [sflag:s3], $0x800  }
0xdd: {  	[sflag:s3] =	ssyncset.done @p1 $0x0  }
0xde: {  	[sflag:s3] =	ssyncadd.s32 @p1 $0xFFFFF800  }
0xdf: {  	_ =	swait.ge @p1 [sflag:s3], $0x800  }
0xe0: {  	[sflag:s3] =	ssyncset.done @p1 $0x0  }
0xe1: {  	[sflag:s3] =	ssyncadd.s32 @p1 $0xFFFFF800  }
0xe2: {  	_ =	swait.ge @p1 [sflag:s3], $0x800  }
0xe3: {  	[sflag:s3] =	ssyncset.done @p1 $0x0  }
0xe4: {  	[sflag:s3] =	ssyncadd.s32 @p1 $0xFFFFF800  }
0xe5: {  	_ =	swait.ge @p1 [sflag:s3], $0x800  }
0xe6: {  	[sflag:s3] =	ssyncset.done @p1 $0x0  }
0xe7: {  	[sflag:s3] =	ssyncadd.s32 @p1 $0xFFFFF800  }
0xe8: {  	_ =	swait.ge @p1 [sflag:s3], $0x800  }
0xe9: {  	[sflag:s3] =	ssyncset.done @p1 $0x0  }
0xea: {  	[sflag:s3] =	ssyncadd.s32 @p1 $0xFFFFF800  }
0xeb: {  	_ =	swait.ge @p1 [sflag:s3], $0x800  }
0xec: {  	[sflag:s3] =	ssyncset.done @p1 $0x0  }
0xed: {  	[sflag:s3] =	ssyncadd.s32 @p1 $0xFFFFF800  }
0xee: {  	_ =	swait.ge @p1 [sflag:s3], $0x800  }
0xef: {  	[sflag:s3] =	ssyncset.done @p1 $0x0  }
0xf0: {  	[sflag:s3] =	ssyncadd.s32 @p1 $0xFFFFF800  }
0xf1: {  	_ =	swait.ge @p1 [sflag:s3], $0x1000  }
0xf2: {  	[sflag:s3] =	ssyncset.done @p1 $0x0  }
0xf3: {  	[sflag:s3] =	ssyncadd.s32 @p1 $0xFFFFF000;
	s3 =	sor.u32 @!p1 $0x400, s13  }
0xf4: {  	s17 =	simm.s32 @!p1 $0x2000;
	s16 =	simm.s32 @!p1 $0x0;
	s14 =	sadd.s32 @!p1 s4, s3  }
0xf5: {  	[tilespmem:s17], [sflag:$0x1] =	stream.linear.gather @!p1 [hbm4b:s14+s16], $0x1000, $0x38;
	[tilespmem:$0x1C480] =	vst v63  }
0xf6: {  	s14 =	sor.u32 @!p1 $0x600, s13  }
0xf7: {  	s23 =	simm.s32 @!p1 $0x3000;
	s17 =	sadd.s32 @!p1 s4, s14  }
0xf8: {  	[tilespmem:s23], [sflag:$0x1] =	stream.linear.gather @!p1 [hbm4b:s17+s16], $0x1000, $0x38;
	[tilespmem:$0x1C480] =	vst v63  }
0xf9: {  	s3 =	sadd.s32 @!p1 s7, s3;
	s17 =	simm.s32 @!p1 $0x6000  }
0xfa: {  	[tilespmem:s17], [sflag:$0x1] =	stream.linear.gather @!p1 [hbm4b:s3+s16], $0x1000, $0x38;
	[tilespmem:$0x1C480] =	vst v63  }
0xfb: {  	s3 =	sadd.s32 @!p1 s7, s14;
	s14 =	simm.s32 @!p1 $0x7000  }
0xfc: {  	[tilespmem:s14], [sflag:$0x1] =	stream.linear.gather @!p1 [hbm4b:s3+s16], $0x1000, $0x38;
	[tilespmem:$0x1C480] =	vst v63  }
0xfd: {  	s3 =	sld [smem:$0x7D8];
	_ =	sdelay $0x2  }
0xfe: {  	s14 =	simm.s32 @!p1 $0xA000;
	s3 =	sadd.s32 @!p1 s13, s3  }
0xff: {  	[tilespmem:s14], [sflag:$0x1] =	stream.linear.gather @!p1 [hbm4b:s3+s16], $0x1000, $0x38;
	[tilespmem:$0x1C480] =	vst v63  }
0x100: {  	s3 =	sadd.s32 @!p1 s13, s0;
	s14 =	simm.s32 @!p1 $0xB000  }
0x101: {  	[tilespmem:s14], [sflag:$0x1] =	stream.linear.gather @!p1 [hbm4b:s3+s16], $0x1000, $0x38;
	[tilespmem:$0x1C480] =	vst v63  }
0x102: {  	s3 =	sld [smem:$0x7DA]  }
0x103: {  	s26 =	smov.u32 s31  }
0x104: {  	s31 =	smov.u32 s19;
	s19 =	smov.u32 s12;
	s12 =	smov.u32 s15  }
0x105: {  	s15 =	smov.u32 s9;
	s14 =	simm.s32 @!p1 $0xE000;
	s3 =	sadd.s32 @!p1 s13, s3  }
0x106: {  	[tilespmem:s14], [sflag:$0x1] =	stream.linear.gather @!p1 [hbm4b:s3+s16], $0x1000, $0x38;
	[tilespmem:$0x1C480] =	vst v63  }
0x107: {  	s9 =	smov.u32 s15;
	s3 =	smin.u32 @!p1 s8, $0x1FDC00  }
0x108: {  	s13 =	sadd.s32 @!p1 s13, s18;
	s14 =	simm.s32 @!p1 $0xF000;
	s3 =	sshrl.u32 @!p1 s3, $0x3  }
0x109: {  	[tilespmem:s14], [sflag:$0x1] =	stream.linear.gather @!p1 [hbm4b:s13+s16], $0x1000, $0x38;
	[tilespmem:$0x1C480] =	vst v63  }
0x10a: {  	s15 =	smov.u32 s12;
	s3 =	sadd.s32 @!p1 s11, s3;
	s13 =	simm.s32 @!p1 $0x10018  }
0x10b: {  	[tilespmem:s13], [sflag:$0x1] =	stream.linear.gather @!p1 [hbm4b:s3+s16], $0x2000, $0x38;
	[tilespmem:$0x1C480] =	vst v63  }
0x10c: {  	s12 =	smov.u32 s19;
	s19 =	smov.u32 s31;
	s3 =	simm.s32 @!p1 $0x1  }
0x10d: {  	s31 =	smov.u32 s26;
	s26 =	rddreg [dreg:$0xe];
	_ =	swait.ge @!p1 [sflag:s3], $0x1000  }
0x10e: {  	[sflag:s3] =	ssyncset.done @!p1 $0x0  }
0x10f: {  	[sflag:s3] =	ssyncadd.s32 @!p1 $0xFFFFF000  }
0x110: {  	_ =	swait.ge @!p1 [sflag:s3], $0x1000  }
0x111: {  	[sflag:s3] =	ssyncset.done @!p1 $0x0  }
0x112: {  	[sflag:s3] =	ssyncadd.s32 @!p1 $0xFFFFF000  }
0x113: {  	_ =	swait.ge @!p1 [sflag:s3], $0x1000  }
0x114: {  	[sflag:s3] =	ssyncset.done @!p1 $0x0  }
0x115: {  	[sflag:s3] =	ssyncadd.s32 @!p1 $0xFFFFF000  }
0x116: {  	_ =	swait.ge @!p1 [sflag:s3], $0x1000  }
0x117: {  	[sflag:s3] =	ssyncset.done @!p1 $0x0  }
0x118: {  	[sflag:s3] =	ssyncadd.s32 @!p1 $0xFFFFF000  }
0x119: {  	_ =	swait.ge @!p1 [sflag:s3], $0x1000  }
0x11a: {  	[sflag:s3] =	ssyncset.done @!p1 $0x0  }
0x11b: {  	[sflag:s3] =	ssyncadd.s32 @!p1 $0xFFFFF000  }
0x11c: {  	_ =	swait.ge @!p1 [sflag:s3], $0x1000  }
0x11d: {  	[sflag:s3] =	ssyncset.done @!p1 $0x0  }
0x11e: {  	[sflag:s3] =	ssyncadd.s32 @!p1 $0xFFFFF000  }
0x11f: {  	_ =	swait.ge @!p1 [sflag:s3], $0x1000  }
0x120: {  	[sflag:s3] =	ssyncset.done @!p1 $0x0  }
0x121: {  	[sflag:s3] =	ssyncadd.s32 @!p1 $0xFFFFF000  }
0x122: {  	_ =	swait.ge @!p1 [sflag:s3], $0x1000  }
.Ltmp6:
0x123: {  	[sflag:s3] =	ssyncset.done @!p1 $0x0;
	(pc) =	sbr.rel .LBB2_7-.Ltmp6, $4  }
0x124: {  	[sflag:s3] =	ssyncadd.s32 @!p1 $0xFFFFF000  }
0x125: {  	_ =	swait.ge @!p1 [sflag:s3], $0x2000  }
0x126: {  	s0 =	smov.u32 s6;
	s18 =	smov.u32 s25;
	[sflag:s3] =	ssyncset.done @!p1 $0x0  }
0x127: {  	s25 =	smov.u32 s28;
	s28 =	smov.u32 s24;
	[sflag:s3] =	ssyncadd.s32 @!p1 $0xFFFFE000  }
.LBB2_6:
0x128: {  	p1 =	seq.s32 s10, $0x3  }
0x129: {  	s4 =	rddreg [dreg:$0x0];
	s3 =	sor.u32 @p1 $0x200, s13  }
0x12a: {  	s16 =	simm.s32 @p1 $0x0;
	s17 =	simm.s32 @p1 $0x1000;
	s14 =	sadd.s32 @p1 s4, s3  }
0x12b: {  	[tilespmem:s17], [sflag:$0x1] =	stream.linear.gather @p1 [hbm4b:s14+s16], $0x1800, $0x38;
	[tilespmem:$0x1C480] =	vst v63  }
0x12c: {  	s14 =	sor.u32 @p1 $0x500, s13  }
0x12d: {  	s7 =	rddreg [dreg:$0x1];
	s23 =	simm.s32 @p1 $0x2800;
	s17 =	sadd.s32 @p1 s4, s14  }
0x12e: {  	[tilespmem:s23], [sflag:$0x1] =	stream.linear.gather @p1 [hbm4b:s17+s16], $0x1800, $0x38;
	[tilespmem:$0x1C480] =	vst v63  }
0x12f: {  	s3 =	sadd.s32 @p1 s7, s3;
	s17 =	simm.s32 @p1 $0x5000  }
0x130: {  	[tilespmem:s17], [sflag:$0x1] =	stream.linear.gather @p1 [hbm4b:s3+s16], $0x1800, $0x38;
	[tilespmem:$0x1C480] =	vst v63  }
0x131: {  	s3 =	sadd.s32 @p1 s7, s14;
	s14 =	simm.s32 @p1 $0x6800  }
0x132: {  	[tilespmem:s14], [sflag:$0x1] =	stream.linear.gather @p1 [hbm4b:s3+s16], $0x1800, $0x38;
	[tilespmem:$0x1C480] =	vst v63  }
0x133: {  	s3 =	sld [smem:$0x7DB];
	_ =	sdelay $0x2  }
0x134: {  	s14 =	simm.s32 @p1 $0x9000;
	s3 =	sadd.s32 @p1 s13, s3  }
0x135: {  	[tilespmem:s14], [sflag:$0x1] =	stream.linear.gather @p1 [hbm4b:s3+s16], $0x1800, $0x38;
	[tilespmem:$0x1C480] =	vst v63  }
0x136: {  	s3 =	sld [smem:$0x7DC];
	_ =	sdelay $0x2  }
0x137: {  	s14 =	simm.s32 @p1 $0xA800;
	s3 =	sadd.s32 @p1 s13, s3  }
0x138: {  	[tilespmem:s14], [sflag:$0x1] =	stream.linear.gather @p1 [hbm4b:s3+s16], $0x1800, $0x38;
	[tilespmem:$0x1C480] =	vst v63  }
0x139: {  	s3 =	sld [smem:$0x7DD];
	_ =	sdelay $0x2  }
0x13a: {  	s14 =	simm.s32 @p1 $0xD000;
	s3 =	sadd.s32 @p1 s13, s3  }
0x13b: {  	[tilespmem:s14], [sflag:$0x1] =	stream.linear.gather @p1 [hbm4b:s3+s16], $0x1800, $0x38;
	[tilespmem:$0x1C480] =	vst v63  }
0x13c: {  	s14 =	sld [smem:$0x7DE];
	_ =	sdelay $0x1  }
0x13d: {  	s23 =	rddreg [dreg:$0x2];
	s3 =	smin.u32 @p1 s8, $0x1FCC00  }
0x13e: {  	s17 =	simm.s32 @p1 $0xE800;
	s3 =	sshrl.u32 @p1 s3, $0x3;
	s14 =	sadd.s32 @p1 s13, s14  }
0x13f: {  	[tilespmem:s17], [sflag:$0x1] =	stream.linear.gather @p1 [hbm4b:s14+s16], $0x1800, $0x38;
	[tilespmem:$0x1C480] =	vst v63  }
0x140: {  	s3 =	sadd.s32 @p1 s23, s3;
	s14 =	simm.s32 @p1 $0x10018  }
0x141: {  	[tilespmem:s14], [sflag:$0x1] =	stream.linear.gather @p1 [hbm4b:s3+s16], $0x3000, $0x38;
	[tilespmem:$0x1C480] =	vst v63  }
0x142: {  	s3 =	simm.s32 @p1 $0x1  }
0x143: {  	_ =	swait.ge @p1 [sflag:s3], $0x1800  }
0x144: {  	[sflag:s3] =	ssyncset.done @p1 $0x0  }
0x145: {  	[sflag:s3] =	ssyncadd.s32 @p1 $0xFFFFE800  }
0x146: {  	_ =	swait.ge @p1 [sflag:s3], $0x1800  }
0x147: {  	[sflag:s3] =	ssyncset.done @p1 $0x0  }
0x148: {  	[sflag:s3] =	ssyncadd.s32 @p1 $0xFFFFE800  }
0x149: {  	_ =	swait.ge @p1 [sflag:s3], $0x1800  }
0x14a: {  	[sflag:s3] =	ssyncset.done @p1 $0x0  }
0x14b: {  	[sflag:s3] =	ssyncadd.s32 @p1 $0xFFFFE800  }
0x14c: {  	_ =	swait.ge @p1 [sflag:s3], $0x1800  }
0x14d: {  	[sflag:s3] =	ssyncset.done @p1 $0x0  }
0x14e: {  	[sflag:s3] =	ssyncadd.s32 @p1 $0xFFFFE800  }
0x14f: {  	_ =	swait.ge @p1 [sflag:s3], $0x1800  }
0x150: {  	[sflag:s3] =	ssyncset.done @p1 $0x0  }
0x151: {  	[sflag:s3] =	ssyncadd.s32 @p1 $0xFFFFE800  }
0x152: {  	_ =	swait.ge @p1 [sflag:s3], $0x1800  }
0x153: {  	[sflag:s3] =	ssyncset.done @p1 $0x0  }
0x154: {  	[sflag:s3] =	ssyncadd.s32 @p1 $0xFFFFE800  }
0x155: {  	_ =	swait.ge @p1 [sflag:s3], $0x1800  }
0x156: {  	[sflag:s3] =	ssyncset.done @p1 $0x0  }
0x157: {  	[sflag:s3] =	ssyncadd.s32 @p1 $0xFFFFE800  }
0x158: {  	_ =	swait.ge @p1 [sflag:s3], $0x1800  }
0x159: {  	[sflag:s3] =	ssyncset.done @p1 $0x0  }
0x15a: {  	[sflag:s3] =	ssyncadd.s32 @p1 $0xFFFFE800  }
0x15b: {  	_ =	swait.ge @p1 [sflag:s3], $0x3000  }
0x15c: {  	[sflag:s3] =	ssyncset.done @p1 $0x0  }
0x15d: {  	s14 =	simm.s32 @!p1 $0x0;
	[sflag:s3] =	ssyncadd.s32 @p1 $0xFFFFD000;
	s3 =	sadd.s32 @!p1 s4, s13  }
0x15e: {  	[tilespmem:s14], [sflag:$0x1] =	stream.linear.gather @!p1 [hbm4b:s3+s14], $0x2000, $0x38;
	[tilespmem:$0x1C480] =	vst v63  }
0x15f: {  	s3 =	sor.u32 @!p1 $0x400, s13  }
0x160: {  	s17 =	simm.s32 @!p1 $0x2000;
	s16 =	sadd.s32 @!p1 s4, s3  }
0x161: {  	[tilespmem:s17], [sflag:$0x1] =	stream.linear.gather @!p1 [hbm4b:s16+s14], $0x2000, $0x38;
	[tilespmem:$0x1C480] =	vst v63  }
0x162: {  	s16 =	sadd.s32 @!p1 s7, s13;
	s17 =	simm.s32 @!p1 $0x4000  }
0x163: {  	[tilespmem:s17], [sflag:$0x1] =	stream.linear.gather @!p1 [hbm4b:s16+s14], $0x2000, $0x38;
	[tilespmem:$0x1C480] =	vst v63  }
0x164: {  	s3 =	sadd.s32 @!p1 s7, s3;
	s16 =	simm.s32 @!p1 $0x6000  }
0x165: {  	[tilespmem:s16], [sflag:$0x1] =	stream.linear.gather @!p1 [hbm4b:s3+s14], $0x2000, $0x38;
	[tilespmem:$0x1C480] =	vst v63  }
0x166: {  	s3 =	sld [smem:$0x7D7];
	_ =	sdelay $0x2  }
0x167: {  	s16 =	simm.s32 @!p1 $0x8000;
	s3 =	sadd.s32 @!p1 s13, s3  }
0x168: {  	[tilespmem:s16], [sflag:$0x1] =	stream.linear.gather @!p1 [hbm4b:s3+s14], $0x2000, $0x38;
	[tilespmem:$0x1C480] =	vst v63  }
0x169: {  	s3 =	sld [smem:$0x7D8];
	_ =	sdelay $0x2  }
0x16a: {  	s16 =	simm.s32 @!p1 $0xA000;
	s3 =	sadd.s32 @!p1 s13, s3  }
0x16b: {  	[tilespmem:s16], [sflag:$0x1] =	stream.linear.gather @!p1 [hbm4b:s3+s14], $0x2000, $0x38;
	[tilespmem:$0x1C480] =	vst v63  }
0x16c: {  	s3 =	sld [smem:$0x7D9];
	_ =	sdelay $0x2  }
0x16d: {  	s4 =	sld [smem:$0x7DA];
	s16 =	simm.s32 @!p1 $0xC000;
	s3 =	sadd.s32 @!p1 s13, s3  }
0x16e: {  	[tilespmem:s16], [sflag:$0x1] =	stream.linear.gather @!p1 [hbm4b:s3+s14], $0x2000, $0x38;
	[tilespmem:$0x1C480] =	vst v63  }
0x16f: {  	s3 =	smin.u32 @!p1 s8, $0x1FBC00  }
0x170: {  	s13 =	sadd.s32 @!p1 s13, s4;
	s16 =	simm.s32 @!p1 $0xE000;
	s3 =	sshrl.u32 @!p1 s3, $0x3  }
0x171: {  	[tilespmem:s16], [sflag:$0x1] =	stream.linear.gather @!p1 [hbm4b:s13+s14], $0x2000, $0x38;
	[tilespmem:$0x1C480] =	vst v63  }
0x172: {  	s3 =	sadd.s32 @!p1 s23, s3;
	s13 =	simm.s32 @!p1 $0x10018  }
0x173: {  	[tilespmem:s13], [sflag:$0x1] =	stream.linear.gather @!p1 [hbm4b:s3+s14], $0x4000, $0x38;
	[tilespmem:$0x1C480] =	vst v63  }
0x174: {  	s3 =	simm.s32 @!p1 $0x1  }
0x175: {  	_ =	swait.ge @!p1 [sflag:s3], $0x2000  }
0x176: {  	[sflag:s3] =	ssyncset.done @!p1 $0x0  }
0x177: {  	[sflag:s3] =	ssyncadd.s32 @!p1 $0xFFFFE000  }
0x178: {  	_ =	swait.ge @!p1 [sflag:s3], $0x2000  }
0x179: {  	[sflag:s3] =	ssyncset.done @!p1 $0x0  }
0x17a: {  	[sflag:s3] =	ssyncadd.s32 @!p1 $0xFFFFE000  }
0x17b: {  	_ =	swait.ge @!p1 [sflag:s3], $0x2000  }
0x17c: {  	[sflag:s3] =	ssyncset.done @!p1 $0x0  }
0x17d: {  	[sflag:s3] =	ssyncadd.s32 @!p1 $0xFFFFE000  }
0x17e: {  	_ =	swait.ge @!p1 [sflag:s3], $0x2000  }
0x17f: {  	[sflag:s3] =	ssyncset.done @!p1 $0x0  }
0x180: {  	[sflag:s3] =	ssyncadd.s32 @!p1 $0xFFFFE000  }
0x181: {  	_ =	swait.ge @!p1 [sflag:s3], $0x2000  }
0x182: {  	[sflag:s3] =	ssyncset.done @!p1 $0x0  }
0x183: {  	[sflag:s3] =	ssyncadd.s32 @!p1 $0xFFFFE000  }
0x184: {  	_ =	swait.ge @!p1 [sflag:s3], $0x2000  }
0x185: {  	[sflag:s3] =	ssyncset.done @!p1 $0x0  }
0x186: {  	[sflag:s3] =	ssyncadd.s32 @!p1 $0xFFFFE000  }
0x187: {  	_ =	swait.ge @!p1 [sflag:s3], $0x2000  }
0x188: {  	[sflag:s3] =	ssyncset.done @!p1 $0x0  }
0x189: {  	[sflag:s3] =	ssyncadd.s32 @!p1 $0xFFFFE000  }
0x18a: {  	_ =	swait.ge @!p1 [sflag:s3], $0x2000  }
0x18b: {  	[sflag:s3] =	ssyncset.done @!p1 $0x0  }
0x18c: {  	[sflag:s3] =	ssyncadd.s32 @!p1 $0xFFFFE000  }
0x18d: {  	_ =	swait.ge @!p1 [sflag:s3], $0x4000  }
0x18e: {  	[sflag:s3] =	ssyncset.done @!p1 $0x0  }
0x18f: {  	[sflag:s3] =	ssyncadd.s32 @!p1 $0xFFFFC000  }
.LBB2_7:
0x190: {  	s4 =	sld [smem:$0x7FD]  }
0x191: {  	s3 =	sshll.u32 s29, $0x3  }
0x192: {  	s3 =	sand.u32 $0x3C00, s3  }
0x193: {  	s16 =	sor.u32 s4, s3  }
0x194: {  	v7 =	vld [tilespmem:s16+$0x0];
	_ =	sdelay $0x1  }
0x195: {  	s17 =	sor.u32 s26, s3  }
0x196: {  	s10 =	sshll.u32 s10, $0xC;
	s24 =	sor.u32 $0x80, s17  }
0x197: {  	s23 =	sxor.u32 $0x1FFC00, s10;
	v10 =	vld [tilespmem:s24+$0x0]  }
0x198: {  	s3 =	smin.u32 s8, s23;
	(erf) = vrcp.f32 v7  }
0x199: {  	s8 =	sadd.s32 s3, s2  }
0x19a: {  	s3 =	ssub.s32 s5, s8  }
0x19b: {  	s3 =	sadd.s32 s29, s3  }
0x19c: {  	s6 =	sor.u32 $0x1, s2;
	s26 =	ssub.s32 $0xFFE, s2;
	s3 =	sadd.s32 $0x17, s3;
	(erf) = vrcp.f32 v10  }
0x19d: {  	s10 =	smul.u32 s26, s6;
	v12 =	vld [tilespmem:s16+$0x100];
	v6 =	vadd.s32 s3, v0;
	_ =	sdelay $0x1  }
0x19e: {  	s13 =	sor.u32 $0x180, s17;
	s5 =	sshrl.u32 s10, $0x1  }
0x19f: {  	s14 =	ssub.s32 $0xFFD, s2;
	v13 =	vld [tilespmem:s13+$0x0];
	s10 =	sor.u32 $0x2, s2;
	s3 =	ssub.s32 s5, s8  }
0x1a0: {  	s7 =	smul.u32 s14, s10;
	s3 =	sadd.s32 s29, s3;
	v9 =	vpop (erf)  }
0x1a1: {  	s3 =	sadd.s32 $0x16, s3;
	(erf) = vrcp.f32 v12;
	v8 =	vld.idx.msk [tilespmem:v6+s30+$0x0], $0xffff;
	v6 =	vmul.f32 v9, v9  }
0x1a2: {  	s11 =	ssub.s32 $0xFFC, s2;
	s23 =	sor.u32 $0x3, s2;
	s13 =	sshrl.u32 s7, $0x1;
	v11 =	vadd.s32 s3, v0  }
0x1a3: {  	s14 =	smul.u32 s11, s23;
	s24 =	ssub.s32 s13, s8;
	v14 =	vmul.f32 v6, v9;
	v6 =	vor.u32 s29, v0  }
0x1a4: {  	vm6 =	vle.f32 v7, $9.000000000e+00;
	s3 =	sadd.s32 s29, s24;
	(erf) = vrcp.f32 v13;
	v15 =	vpop (erf);
	vm5 =	vgt.u32 v6, s2  }
0x1a5: {  	v18 =	vld [tilespmem:s16+$0x200];
	s26 =	sshrl.u32 s14, $0x1;
	s7 =	sor.u32 $0x280, s17;
	s3 =	sadd.s32 $0x15, s3;
	v16 =	vmul.f32 v15, v15;
	v7 =	vmul.f32 v14, v14;
	vm5 =	vmand vm5, vm6  }
0x1a6: {  	s13 =	ssub.s32 s26, s8;
	v19 =	vld [tilespmem:s7+$0x0];
	v17 =	vadd.s32 s3, v0;
	v8 =	vnsel vm5, $0x0, v8  }
0x1a7: {  	s13 =	sadd.s32 s29, s13;
	v16 =	vmul.f32 v16, v15;
	v8 =	vmul.f32 v7, v8;
	v7 =	vld.idx.msk [tilespmem:v11+s30+$0x0], $0xffff  }
0x1a8: {  	s11 =	ssub.s32 $0xFFB, s2;
	s5 =	sadd.s32 $0x14, s13;
	s13 =	sor.u32 $0x4, s2  }
0x1a9: {  	s14 =	smul.u32 s11, s13;
	v16 =	vmul.f32 v16, v16;
	v11 =	vadd.s32 s5, v0  }
0x1aa: {  	s24 =	ssub.s32 $0xFFA, s2;
	v20 =	vpop (erf);
	vm6 =	vle.f32 v10, $9.000000000e+00;
	vm5 =	vgt.u32 v6, s6;
	s6 =	sor.u32 $0x5, s2  }
0x1ab: {  	s3 =	sshrl.u32 s14, $0x1;
	v17 =	vld.idx.msk [tilespmem:v17+s30+$0x0], $0xffff;
	(erf) = vrcp.f32 v18;
	v21 =	vmul.f32 v20, v20;
	vm5 =	vmand vm5, vm6;
	s14 =	smul.u32 s24, s6;
	s24 =	sor.u32 $0x380, s17  }
0x1ac: {  	(erf) = vrcp.f32 v19;
	v24 =	vld [tilespmem:s24+$0x0];
	v7 =	vnsel vm5, $0x0, v7  }
0x1ad: {  	s3 =	ssub.s32 s3, s8;
	v10 =	vmul.f32 v16, v7;
	v7 =	vmul.f32 v21, v20;
	v16 =	vpop (erf);
	v21 =	vld [tilespmem:s16+$0x300]  }
0x1ae: {  	vm7 =	vle.f32 v13, $9.000000000e+00;
	s3 =	sadd.s32 s29, s3;
	v22 =	vld.idx.msk [tilespmem:v11+s30+$0x0], $0xffff;
	v23 =	vmul.f32 v16, v16  }
0x1af: {  	s26 =	sor.u32 $0x4080, s17;
	s3 =	sadd.s32 $0x13, s3;
	vm6 =	vle.f32 v12, $9.000000000e+00;
	v9 =	vmul.f32 v8, v9;
	s14 =	sshrl.u32 s14, $0x1;
	vm5 =	vgt.u32 v6, s10  }
0x1b0: {  	s7 =	ssub.s32 $0xFF9, s2;
	s5 =	ssub.s32 s14, s8;
	s14 =	sor.u32 $0x6, s2;
	v11 =	vmul.f32 v10, v15;
	v15 =	vld [tilespmem:s26+$0x0];
	v12 =	vmul.f32 v23, v16;
	v23 =	vadd.s32 s3, v0  }
0x1b1: {  	s11 =	ssub.s32 $0xFF8, s2;
	v14 =	vld [tilespmem:s16+$0x4000];
	s24 =	sor.u32 $0x7, s2;
	s7 =	smul.u32 s7, s14;
	vm5 =	vmand vm5, vm6;
	vm6 =	vgt.u32 v6, s23;
	v7 =	vmul.f32 v7, v7  }
0x1b2: {  	s2 =	smul.u32 s11, s24;
	s5 =	sadd.s32 s29, s5;
	vm6 =	vmand vm6, vm7;
	v12 =	vmul.f32 v12, v12;
	(erf) = vrcp.f32 v21  }
0x1b3: {  	s11 =	sor.u32 $0x4180, s17;
	v13 =	vnsel vm5, $0x0, v17;
	s3 =	sshrl.u32 s7, $0x1;
	s7 =	sadd.s32 $0x12, s5;
	v22 =	vnsel vm6, $0x0, v22;
	(erf) = vrcp.f32 v24  }
0x1b4: {  	s2 =	sshrl.u32 s2, $0x1;
	v25 =	vpop (erf);
	s3 =	ssub.s32 s3, s8;
	v26 =	vmul.f32 v7, v13;
	v7 =	vld [tilespmem:s11+$0x0];
	v22 =	vmul.f32 v12, v22;
	v12 =	vadd.s32 s7, v0  }
0x1b5: {  	v3 =	vadd.f32 v8, v3;
	s2 =	ssub.s32 s2, s8;
	s3 =	sadd.s32 s29, s3;
	v13 =	vmul.f32 v11, v15;
	v15 =	vld.idx.msk [tilespmem:v23+s30+$0x0], $0xffff;
	v23 =	vmul.f32 v25, v25  }
0x1b6: {  	v14 =	vmul.f32 v9, v14;
	v17 =	vld [tilespmem:s16+$0x4100];
	s2 =	sadd.s32 s29, s2;
	vm5 =	vgt.u32 v6, s13;
	v27 =	vpop (erf);
	vm6 =	vle.f32 v18, $9.000000000e+00;
	s3 =	sadd.s32 $0x11, s3  }
0x1b7: {  	s2 =	sadd.s32 $0x10, s2;
	v18 =	vmul.f32 v27, v27;
	v29 =	vadd.s32 s3, v0;
	v23 =	vmul.f32 v23, v25  }
0x1b8: {  	v28 =	vld [tilespmem:s16+$0x8000];
	v31 =	vadd.s32 s2, v0;
	vm5 =	vmand vm5, vm6;
	v16 =	vmul.f32 v22, v16  }
0x1b9: {  	vm6 =	vle.f32 v19, $9.000000000e+00;
	v20 =	vmul.f32 v26, v20;
	v23 =	vmul.f32 v23, v23;
	v12 =	vld.idx.msk [tilespmem:v12+s30+$0x0], $0xffff  }
0x1ba: {  	v30 =	vld [tilespmem:s16+$0xC000];
	v33 =	vmul.f32 v16, v7;
	v7 =	vnsel vm5, $0x0, v15;
	v15 =	vmul.f32 v18, v27  }
0x1bb: {  	v35 =	vld [tilespmem:s16+$0x4200];
	vm7 =	vle.f32 v21, $9.000000000e+00;
	v17 =	vmul.f32 v20, v17;
	v18 =	vpop (erf);
	v23 =	vmul.f32 v23, v7  }
0x1bc: {  	vm5 =	vgt.u32 v6, s6;
	v7 =	vmul.f32 v15, v15;
	v15 =	vld.idx.msk [tilespmem:v29+s30+$0x0], $0xffff;
	v19 =	vmul.f32 v18, v18;
	v29 =	vpop (erf)  }
0x1bd: {  	v21 =	vld.idx.msk [tilespmem:v31+s30+$0x0], $0xffff;
	vm5 =	vmand vm5, vm6;
	vm6 =	vgt.u32 v6, s14;
	v31 =	vmul.f32 v29, v29  }
0x1be: {  	v38 =	vld [tilespmem:s16+$0xC100];
	s5 =	sor.u32 $0x4280, s17;
	v25 =	vmul.f32 v23, v25;
	v12 =	vnsel vm5, $0x0, v12;
	v19 =	vmul.f32 v19, v18  }
0x1bf: {  	v36 =	vld [tilespmem:s5+$0x0];
	vm5 =	vmand vm6, vm7;
	vm6 =	vgt.u32 v6, s24;
	v31 =	vmul.f32 v31, v29  }
0x1c0: {  	v45 =	vld [tilespmem:s16+$0x8300];
	vm7 =	vle.f32 v24, $9.000000000e+00;
	v6 =	vadd.f32 $0.0e+00, v14;
	v37 =	vmul.f32 v7, v12  }
0x1c1: {  	s6 =	sor.u32 $0x4380, s17;
	v14 =	vld [tilespmem:s16+$0x4300];
	vm6 =	vmand vm6, vm7;
	v12 =	vmul.f32 v19, v19;
	v19 =	vmul.f32 v31, v31  }
0x1c2: {  	s26 =	sor.u32 $0x8080, s17;
	v21 =	vnsel vm6, $0x0, v21;
	v31 =	vmul.f32 v37, v27;
	v15 =	vnsel vm5, $0x0, v15;
	v27 =	vld [tilespmem:s6+$0x0]  }
0x1c3: {  	v32 =	vld [tilespmem:s26+$0x0];
	v7 =	vadd.f32 $0.0e+00, v13;
	v15 =	vmul.f32 v12, v15;
	v39 =	vmul.f32 v19, v21  }
0x1c4: {  	s11 =	sor.u32 $0x8280, s17;
	v24 =	vld [tilespmem:s16+$0x8100];
	v12 =	vadd.f32 v17, v6;
	v21 =	vmul.f32 v25, v35;
	v58 =	vmul.f32 v31, v36  }
0x1c5: {  	v43 =	vld [tilespmem:s11+$0x0];
	s7 =	sor.u32 $0x8180, s17;
	v13 =	vadd.f32 v33, v7;
	v18 =	vmul.f32 v15, v18;
	v40 =	vmul.f32 v39, v29  }
0x1c6: {  	v28 =	vmul.f32 v9, v28;
	v4 =	vadd.f32 v10, v4;
	v19 =	vld [tilespmem:s7+$0x0];
	v12 =	vadd.f32 v21, v12  }
0x1c7: {  	v29 =	vld [tilespmem:s16+$0x8200];
	v13 =	vadd.f32 v58, v13;
	v14 =	vmul.f32 v18, v14;
	v42 =	vmul.f32 v40, v27  }
0x1c8: {  	s23 =	sor.u32 $0x8380, s17;
	v5 =	vadd.f32 v26, v5;
	v32 =	vmul.f32 v11, v32;
	v2 =	vadd.f32 v22, v2;
	v27 =	vld.idx.msk [tilespmem:v1+s1+$0x14080 ss:$0x1], $0xffff  }
0x1c9: {  	v46 =	vmul.f32 v20, v24;
	v24 =	vld [tilespmem:s23+$0x0];
	v44 =	vadd.f32 v14, v12;
	v13 =	vadd.f32 v42, v13  }
0x1ca: {  	v41 =	vld [tilespmem:s16+$0xC200];
	v3 =	vadd.f32 v23, v3;
	v12 =	vadd.f32 $0.0e+00, v28  }
0x1cb: {  	v48 =	vld [tilespmem:s16+$0xC300];
	s26 =	sor.u32 $0xC380, s17;
	v19 =	vmul.f32 v16, v19;
	v28 =	vadd.f32 v13, v44;
	v13 =	vadd.f32 $0.0e+00, v32  }
0x1cc: {  	v49 =	vld [tilespmem:s26+$0x0];
	s3 =	sor.u32 $0xC080, s17;
	v43 =	vmul.f32 v31, v43;
	v20 =	vmul.f32 v20, v38;
	v61 =	vadd.f32 v46, v12  }
0x1cd: {  	s8 =	sor.u32 $0xC180, s17;
	v34 =	vld [tilespmem:s3+$0x0];
	v47 =	vmul.f32 v25, v29;
	v27 =	vsub.f32 v27, v28;
	v28 =	vadd.f32 v19, v13  }
0x1ce: {  	v59 =	vld [tilespmem:s8+$0x0];
	s24 =	sor.u32 $0xC280, s17;
	v4 =	vadd.f32 v37, v4;
	v62 =	vmul.f32 v18, v45;
	v63 =	vmul.f32 v40, v24  }
0x1cf: {  	v60 =	vld [tilespmem:s24+$0x0];
	[tilespmem:v1+s1+$0x14080 ss:$0x1] =	vst.idx.msk $0xffff, v27;
	v27 =	vadd.f32 v47, v61;
	v28 =	vadd.f32 v43, v28  }
0x1d0: {  	v5 =	vadd.f32 v15, v5;
	v26 =	vadd.f32 $0.0e+00, v20;
	v8 =	vld.idx.msk [tilespmem:v1+s1+$0x14880 ss:$0x1], $0xffff  }
0x1d1: {  	v9 =	vmul.f32 v9, v30;
	v24 =	vadd.f32 v62, v27;
	v27 =	vadd.f32 v63, v28  }
0x1d2: {  	v10 =	vmul.f32 v11, v34;
	v21 =	vadd.f32 $0.0e+00, v21;
	v2 =	vadd.f32 v39, v2  }
0x1d3: {  	v11 =	vadd.f32 v27, v24;
	v27 =	vadd.f32 $0.0e+00, v9  }
0x1d4: {  	v15 =	vadd.f32 $0.0e+00, v14;
	v24 =	vadd.f32 $0.0e+00, v10;
	v9 =	vmul.f32 v16, v59  }
0x1d5: {  	v8 =	vsub.f32 v8, v11;
	v10 =	vadd.f32 v20, v27;
	v11 =	vmul.f32 v25, v41  }
0x1d6: {  	v30 =	vmul.f32 v31, v60;
	v23 =	vadd.f32 $0.0e+00, v19;
	v16 =	vadd.f32 v9, v24  }
0x1d7: {  	v31 =	vmul.f32 v40, v49;
	v22 =	vadd.f32 $0.0e+00, v9;
	v9 =	vadd.f32 v11, v10  }
0x1d8: {  	v10 =	vadd.f32 v30, v16;
	v19 =	vadd.f32 $0.0e+00, v11;
	v11 =	vmul.f32 v18, v48;
	[tilespmem:v1+s1+$0x14880 ss:$0x1] =	vst.idx.msk $0xffff, v8  }
0x1d9: {  	v14 =	vadd.f32 $0.0e+00, v62;
	v29 =	vadd.f32 $0.0e+00, v46;
	v8 =	vld.idx.msk [tilespmem:v1+s1+$0x15080 ss:$0x1], $0xffff  }
0x1da: {  	v9 =	vadd.f32 v11, v9;
	v10 =	vadd.f32 v31, v10  }
0x1db: {  	p1 =	sgt.u32 s29, $0x7EF;
	v28 =	vadd.f32 $0.0e+00, v17;
	v17 =	vadd.f32 $0.0e+00, v43  }
.Ltmp7:
0x1dc: {  	v25 =	vadd.f32 $0.0e+00, v33;
	v9 =	vadd.f32 v10, v9;
	(pc) =	sbr.rel @p1 .LBB2_11-.Ltmp7, $4  }
0x1dd: {  	v20 =	vadd.f32 $0.0e+00, v47;
	v18 =	vadd.f32 $0.0e+00, v58  }
0x1de: {  	v16 =	vadd.f32 $0.0e+00, v30;
	v30 =	vsub.f32 v8, v9  }
0x1df: {  	v11 =	vadd.f32 $0.0e+00, v11;
	v10 =	vadd.f32 $0.0e+00, v42  }
0x1e0: {  	s29 =	sadd.s32 s4, s1;
	v9 =	vadd.f32 $0.0e+00, v63;
	v8 =	vadd.f32 $0.0e+00, v31;
	[tilespmem:v1+s1+$0x15080 ss:$0x1] =	vst.idx.msk $0xffff, v30  }
0x1e1: {  	[smem:$0x7C4] =	sst s0  }
0x1e2: {  	s3 =	sld [smem:$0x7CC]  }
0x1e3: {  	s1 =	sshll.u32 s0, $0x3;
	s4 =	sld [smem:$0x7F4]  }
0x1e4: {  	s5 =	sshrl.u32 s25, $0x1;
	s7 =	sld [smem:$0x7F5];
	s16 =	sand.u32 $0x7FFFFC00, s19  }
0x1e5: {  	s17 =	sld [smem:$0x7F6];
	s1 =	sand.u32 $0xFFFFF000, s1;
	s2 =	sshrl.u32 s3, $0x1  }
0x1e6: {  	s6 =	sadd.s32 $0x0, s22;
	s1 =	ssub.s32 $0x1FFC00, s1;
	s3 =	sand.u32 $0x3FFFFFF8, s2  }
0x1e7: {  	s24 =	sshrl.u32 s20, $0x1;
	s2 =	sadd.s32 s2, s4;
	s8 =	smin.u32 s3, s1  }
0x1e8: {  	s26 =	sld [smem:$0x7F7];
	s11 =	sadd.s32 s5, s7;
	s1 =	ssub.s32 s2, s8  }
0x1e9: {  	s7 =	sshrl.u32 s21, $0x1;
	[dreg:$0x6] =	wrdreg s1;
	s1 =	sand.u32 $0x70, s6  }
0x1ea: {  	s5 =	sld [smem:$0x7F9];
	s3 =	ssub.s32 s11, s8;
	s6 =	sor.u32 s1, s16  }
0x1eb: {  	s23 =	sadd.s32 s7, s17;
	[dreg:$0x7] =	wrdreg s3;
	s3 =	sadd.s32 s24, s26;
	v30 =	vld [tilespmem:s6+$0x100]  }
0x1ec: {  	s2 =	ssub.s32 s23, s8;
	s23 =	sld [smem:$0x7FB];
	s4 =	ssub.s32 s3, s8;
	v31 =	vld [tilespmem:s6+$0x80]  }
0x1ed: {  	v32 =	vld [tilespmem:s6+$0x300];
	[dreg:$0x9] =	wrdreg s4  }
0x1ee: {  	s0 =	sshrl.u32 s15, $0x1;
	v33 =	vld [tilespmem:s6+$0x0];
	s4 =	sld [smem:$0x7FC]  }
0x1ef: {  	s11 =	sadd.s32 s0, s5;
	[dreg:$0x8] =	wrdreg s2  }
0x1f0: {  	s17 =	sshrl.u32 s18, $0x1;
	s16 =	ssub.s32 s11, s8;
	s0 =	rddreg [dreg:$0x8];
	v34 =	vld [tilespmem:s6+$0x180];
	(erf) = vrcp.f32 v30  }
0x1f1: {  	[dreg:$0xb] =	wrdreg s16;
	s24 =	sadd.s32 s17, s23;
	s26 =	sand.u32 $0x7, s4;
	(erf) = vrcp.f32 v31  }
0x1f2: {  	v35 =	vld [tilespmem:s6+$0x200];
	s23 =	sld [smem:$0x7F8];
	s2 =	ssub.s32 s24, s8;
	s5 =	sshll.u32 s26, $0x4;
	(erf) = vrcp.f32 v32  }
0x1f3: {  	[dreg:$0xd] =	wrdreg s2;
	s2 =	sadd.s32 s5, s19;
	(erf) = vrcp.f32 v33  }
0x1f4: {  	s16 =	rddreg [dreg:$0x7];
	s2 =	sor.u32 $0x380, s2  }
0x1f5: {  	s11 =	sshrl.u32 s12, $0x1;
	s7 =	sadd.s32 $0x0, s0;
	s17 =	rddreg [dreg:$0xd];
	v36 =	vld [tilespmem:s2+$0x0];
	(erf) = vrcp.f32 v34  }
0x1f6: {  	v38 =	vld [tilespmem:s6+$0x280];
	v37 =	vadd.s32 s7, v0;
	s16 =	sadd.s32 $0x0, s16;
	s3 =	sadd.s32 s11, s23;
	s23 =	rddreg [dreg:$0x6]  }
0x1f7: {  	s24 =	rddreg [dreg:$0xb];
	v39 =	vadd.s32 s16, v0;
	s26 =	sadd.s32 $0x0, s17;
	s0 =	sadd.s32 $0x0, s23;
	(erf) = vrcp.f32 v35  }
0x1f8: {  	s7 =	sadd.s32 $0x0, s24;
	s11 =	rddreg [dreg:$0x9];
	s3 =	ssub.s32 s3, s8;
	v40 =	vadd.s32 s26, v0;
	vm5 =	vle.f32 v32, $9.000000000e+00;
	v41 =	vadd.s32 s0, v0  }
0x1f9: {  	[dreg:$0xa] =	wrdreg s3;
	vm9 =	vle.f32 v31, $9.000000000e+00;
	vm7 =	vle.f32 v34, $9.000000000e+00;
	s3 =	sadd.s32 $0x0, s11;
	v31 =	vadd.s32 s7, v0;
	v42 =	vpop (erf)  }
0x1fa: {  	v50 =	vld [tilespmem:s6+$0x8080];
	vm8 =	vle.f32 v35, $9.000000000e+00;
	s5 =	rddreg [dreg:$0xa];
	v60 =	vadd.s32 s3, v0;
	(erf) = vrcp.f32 v36;
	v43 =	vpop (erf)  }
0x1fb: {  	s24 =	sld [smem:$0x7FA];
	vm6 =	vle.f32 v38, $9.000000000e+00;
	v37 =	vld.idx.msk [tilespmem:v37+s30+$0x0], $0xffff;
	s17 =	sadd.s32 $0x0, s5;
	(erf) = vrcp.f32 v38;
	v55 =	vmul.f32 v42, v42;
	v32 =	vpop (erf)  }
0x1fc: {  	v57 =	vld.idx.msk [tilespmem:v39+s30+$0x0], $0xffff;
	v56 =	vadd.s32 s17, v0;
	v46 =	vmul.f32 v43, v43;
	v44 =	vmul.f32 v32, v32;
	v45 =	vpop (erf)  }
0x1fd: {  	s23 =	sshrl.u32 s9, $0x1;
	vm10 =	vle.f32 v30, $9.000000000e+00;
	v41 =	vld.idx.msk [tilespmem:v41+s30+$0x0], $0xffff;
	v34 =	vmul.f32 v55, v42;
	v47 =	vmul.f32 v45, v45  }
0x1fe: {  	s3 =	sadd.s32 s23, s24;
	v30 =	vld.idx.msk [tilespmem:v31+s30+$0x0], $0xffff;
	vm14 =	vle.f32 v36, $9.000000000e+00;
	v61 =	vmul.f32 v46, v43;
	v36 =	vpop (erf);
	v31 =	vmul.f32 v44, v32  }
0x1ff: {  	vm15 =	vle.f32 v33, $9.000000000e+00;
	s3 =	ssub.s32 s3, s8;
	v63 =	vld.idx.msk [tilespmem:v60+s30+$0x0], $0xffff;
	v34 =	vmul.f32 v34, v34;
	v49 =	vmul.f32 v36, v36  }
0x200: {  	[dreg:$0xc] =	wrdreg s3;
	v58 =	vld.idx.msk [tilespmem:v40+s30+$0x0], $0xffff;
	v37 =	vnsel vm10, $0x0, v37;
	v54 =	vpop (erf);
	v62 =	vmul.f32 v47, v45;
	v44 =	vmul.f32 v61, v61  }
0x201: {  	s3 =	rddreg [dreg:$0xc];
	v48 =	vld.idx.msk [tilespmem:v56+s30+$0x0], $0xffff;
	v38 =	vnsel vm9, $0x0, v57;
	v52 =	vmul.f32 v54, v54;
	v60 =	vmul.f32 v34, v37  }
0x202: {  	v40 =	vld [tilespmem:s6+$0xC100];
	s3 =	sadd.s32 $0x0, s3;
	v61 =	vnsel vm15, $0x0, v41;
	v49 =	vmul.f32 v49, v36;
	v41 =	vmul.f32 v31, v31  }
0x203: {  	v53 =	vadd.s32 s3, v0;
	v56 =	vld [tilespmem:s6+$0x8000];
	v35 =	vpop (erf);
	v59 =	vmul.f32 v62, v62;
	v44 =	vmul.f32 v44, v38  }
0x204: {  	v57 =	vnsel vm7, $0x0, v63;
	v47 =	vld [tilespmem:s6+$0xC000];
	v55 =	vmul.f32 v35, v35;
	v52 =	vmul.f32 v52, v54  }
0x205: {  	v37 =	vadd.f32 v60, v5;
	v5 =	vld [tilespmem:s6+$0xC080];
	v38 =	vpop (erf);
	v62 =	vmul.f32 v59, v61;
	v51 =	vmul.f32 v44, v43  }
0x206: {  	v48 =	vnsel vm8, $0x0, v48;
	v31 =	vld [tilespmem:s6+$0x4000];
	v63 =	vmul.f32 v38, v38;
	v43 =	vmul.f32 v60, v42  }
0x207: {  	s26 =	sld [smem:$0x7CE];
	v34 =	vnsel vm14, $0x0, v58;
	v58 =	vld [tilespmem:s6+$0x4080];
	v45 =	vmul.f32 v62, v45;
	v39 =	vmul.f32 v51, v50  }
0x208: {  	v46 =	vnsel vm6, $0x0, v30;
	v59 =	vmul.f32 v63, v38;
	v40 =	vmul.f32 v43, v40  }
0x209: {  	v3 =	vadd.f32 v62, v3;
	v62 =	vmul.f32 v52, v52;
	v63 =	vmul.f32 v49, v49  }
0x20a: {  	s8 =	sadd.s32 $0x1, s26;
	v4 =	vadd.f32 v44, v4;
	v50 =	vld [tilespmem:s6+$0x4100];
	v60 =	vmul.f32 v45, v47;
	v61 =	vmul.f32 v51, v5  }
0x20b: {  	p1 =	slt.u32 s8, $0x7E;
	v13 =	vadd.f32 v39, v13;
	v30 =	vmul.f32 v45, v56;
	v45 =	vmul.f32 v45, v31  }
.Ltmp8:
0x20c: {  	v31 =	vmul.f32 v51, v58;
	v26 =	vadd.f32 v40, v26;
	v47 =	vld.idx.msk [tilespmem:v53+s30+$0x0], $0xffff;
	v51 =	vmul.f32 v62, v48;
	(pc) =	sbr.rel @!p1 .LBB2_10-.Ltmp8, $4  }
0x20d: {  	s24 =	sld [smem:$0x7CD];
	v49 =	vld [tilespmem:s6+$0x4200];
	v42 =	vmul.f32 v63, v57;
	v56 =	vadd.f32 $0.0e+00, v60;
	v24 =	vadd.f32 v61, v24  }
0x20e: {  	v48 =	vld [tilespmem:s6+$0x8100];
	v52 =	vadd.f32 $0.0e+00, v45;
	v6 =	vadd.f32 v45, v6;
	v45 =	vmul.f32 v51, v54  }
0x20f: {  	s16 =	simm.s32 $0x0;
	v33 =	vld [tilespmem:s6+$0xC200];
	v27 =	vadd.f32 v60, v27;
	v54 =	vmul.f32 v59, v59;
	v53 =	vmul.f32 v43, v50  }
0x210: {  	s23 =	sadd.s32 $0x80, s19;
	s26 =	sadd.s32 $0x1, s4;
	s17 =	sshrl.u32 s24, $0x2;
	v5 =	vld [tilespmem:s6+$0x4180];
	v50 =	vmul.f32 v55, v35;
	v44 =	vadd.f32 v40, v56;
	v40 =	vadd.f32 $0.0e+00, v61  }
.LBB2_9:
0x211: {  	v52 =	vadd.f32 v53, v52;
	v28 =	vadd.f32 v53, v28;
	v53 =	vld [tilespmem:s2+$0x8000]  }
0x212: {  	v55 =	vld [tilespmem:s6+$0x8180]  }
0x213: {  	v47 =	vnsel vm5, $0x0, v47;
	v49 =	vmul.f32 v45, v49;
	v46 =	vmul.f32 v54, v46;
	v54 =	vld [tilespmem:s6+$0xC180]  }
0x214: {  	v3 =	vadd.f32 v51, v3;
	v60 =	vmul.f32 v50, v50;
	v43 =	vmul.f32 v43, v48;
	v61 =	vld [tilespmem:s6+$0xC300]  }
0x215: {  	v51 =	vadd.f32 $0.0e+00, v30;
	v36 =	vmul.f32 v42, v36;
	v62 =	vld [tilespmem:s6+$0x8200];
	v33 =	vmul.f32 v45, v33  }
0x216: {  	v63 =	vld [tilespmem:s6+$0x8280];
	v56 =	vadd.f32 $0.0e+00, v31;
	v39 =	vadd.f32 $0.0e+00, v39;
	v41 =	vmul.f32 v41, v47  }
0x217: {  	v57 =	vld [tilespmem:s6+$0x8300];
	v2 =	vadd.f32 v42, v2;
	v38 =	vmul.f32 v46, v38;
	v34 =	vmul.f32 v60, v34  }
0x218: {  	v59 =	vld [tilespmem:s6+$0x4300];
	v4 =	vadd.f32 v46, v4;
	v5 =	vmul.f32 v36, v5;
	v32 =	vmul.f32 v41, v32  }
0x219: {  	v29 =	vadd.f32 v43, v29;
	v60 =	vld [tilespmem:s6+$0xC280];
	v35 =	vmul.f32 v34, v35;
	v55 =	vmul.f32 v36, v55  }
0x21a: {  	v44 =	vadd.f32 v33, v44;
	v36 =	vmul.f32 v36, v54;
	v48 =	vmul.f32 v32, v61;
	v61 =	vld [tilespmem:s6+$0x4280]  }
0x21b: {  	v43 =	vadd.f32 v43, v51;
	v42 =	vmul.f32 v45, v62;
	v46 =	vmul.f32 v38, v63;
	v62 =	vld [tilespmem:s2+$0xC000]  }
0x21c: {  	v2 =	vadd.f32 v34, v2;
	v63 =	vld [tilespmem:s2+$0x4000];
	v50 =	vmul.f32 v35, v53;
	v53 =	vmul.f32 v32, v57  }
0x21d: {  	v32 =	vmul.f32 v32, v59;
	v57 =	vadd.f32 v5, v56;
	v59 =	vadd.f32 v49, v52  }
0x21e: {  	v39 =	vadd.f32 v55, v39;
	v43 =	vadd.f32 v42, v43  }
0x21f: {  	s5 =	sand.u32 $0x1FFFFF80, s17;
	v40 =	vadd.f32 v36, v40;
	v58 =	vmul.f32 v38, v60;
	v44 =	vadd.f32 v48, v44  }
0x220: {  	s6 =	sor.u32 s1, s5;
	v39 =	vadd.f32 v46, v39;
	v43 =	vadd.f32 v53, v43;
	v38 =	vmul.f32 v38, v61  }
0x221: {  	v40 =	vadd.f32 v58, v40;
	v60 =	vmul.f32 v35, v62;
	v35 =	vmul.f32 v35, v63;
	v63 =	vld [tilespmem:s6+$0x14880]  }
0x222: {  	v61 =	vld [tilespmem:s6+$0x15080];
	v39 =	vadd.f32 v50, v39;
	v34 =	vadd.f32 v38, v57  }
0x223: {  	v45 =	vadd.f32 v32, v59;
	v62 =	vld [tilespmem:s6+$0x14080];
	v40 =	vadd.f32 v60, v40  }
0x224: {  	v39 =	vadd.f32 v39, v43;
	v34 =	vadd.f32 v35, v34  }
0x225: {  	v51 =	vadd.f32 v40, v44  }
0x226: {  	s7 =	sand.u32 $0x7, s26;
	v52 =	vsub.f32 v63, v39;
	v34 =	vadd.f32 v34, v45  }
0x227: {  	s16 =	sadd.s32 $0x10, s16;
	s1 =	sshll.u32 s7, $0x4;
	v10 =	vadd.f32 v35, v10;
	v35 =	vsub.f32 v61, v51  }
0x228: {  	s11 =	sadd.s32 s16, s22;
	s1 =	sadd.s32 s1, s23;
	[tilespmem:s6+$0x14880] =	vst v52;
	v34 =	vsub.f32 v62, v34  }
0x229: {  	s0 =	sand.u32 $0x7FFFFC00, s23;
	s2 =	sor.u32 $0x380, s1;
	s1 =	sand.u32 $0x70, s11;
	[tilespmem:s6+$0x15080] =	vst v35  }
0x22a: {  	[tilespmem:s6+$0x14080] =	vst v34;
	s6 =	sor.u32 s1, s0  }
0x22b: {  	v35 =	vld [tilespmem:s6+$0x100]  }
0x22c: {  	v54 =	vld [tilespmem:s6+$0x80]  }
0x22d: {  	v12 =	vadd.f32 v30, v12;
	v30 =	vld [tilespmem:s6+$0x300]  }
0x22e: {  	v7 =	vadd.f32 v31, v7;
	v31 =	vld [tilespmem:s6+$0x0]  }
0x22f: {  	s24 =	sadd.s32 $0x40, s24  }
0x230: {  	s4 =	rddreg [dreg:$0xd];
	s3 =	sshrl.u32 s24, $0x2;
	v21 =	vadd.f32 v49, v21;
	v34 =	vld [tilespmem:s6+$0x180];
	(erf) = vrcp.f32 v35  }
0x231: {  	s17 =	smov.u32 s3;
	v19 =	vadd.f32 v33, v19;
	s3 =	sadd.s32 s16, s4;
	v37 =	vadd.f32 v41, v37;
	(erf) = vrcp.f32 v54  }
0x232: {  	v25 =	vadd.f32 v5, v25;
	s7 =	rddreg [dreg:$0x8];
	v56 =	vadd.s32 s3, v0;
	(erf) = vrcp.f32 v30  }
0x233: {  	s4 =	rddreg [dreg:$0x7];
	s7 =	sadd.s32 s16, s7;
	v11 =	vadd.f32 v48, v11;
	v23 =	vadd.f32 v55, v23;
	v55 =	vld [tilespmem:s6+$0x200];
	(erf) = vrcp.f32 v31  }
0x234: {  	s5 =	rddreg [dreg:$0x6];
	v17 =	vadd.f32 v46, v17;
	v20 =	vadd.f32 v42, v20;
	v57 =	vadd.s32 s7, v0  }
0x235: {  	s3 =	sadd.s32 s16, s5;
	s5 =	rddreg [dreg:$0x9];
	v22 =	vadd.f32 v36, v22;
	vm5 =	vle.f32 v30, $9.000000000e+00;
	v30 =	vld [tilespmem:s2+$0x0];
	(erf) = vrcp.f32 v34  }
0x236: {  	s11 =	rddreg [dreg:$0xb];
	v9 =	vadd.f32 v50, v9;
	v59 =	vadd.s32 s3, v0;
	v16 =	vadd.f32 v58, v16;
	s0 =	sadd.s32 s16, s4;
	v58 =	vld [tilespmem:s6+$0x280]  }
0x237: {  	v15 =	vadd.f32 v32, v15;
	v8 =	vadd.f32 v60, v8;
	s7 =	sadd.s32 s16, s11;
	s4 =	rddreg [dreg:$0xa];
	v60 =	vadd.s32 s0, v0  }
0x238: {  	v14 =	vadd.f32 v53, v14;
	v61 =	vadd.s32 s7, v0;
	s3 =	sadd.s32 s16, s4;
	s4 =	sadd.s32 s16, s5;
	(erf) = vrcp.f32 v55  }
0x239: {  	v18 =	vadd.f32 v38, v18;
	v41 =	vld.idx.msk [tilespmem:v57+s30+$0x0], $0xffff;
	v63 =	vadd.s32 s3, v0;
	v57 =	vadd.s32 s4, v0;
	v42 =	vpop (erf)  }
0x23a: {  	v38 =	vld.idx.msk [tilespmem:v56+s30+$0x0], $0xffff;
	vm9 =	vle.f32 v54, $9.000000000e+00;
	vm6 =	vle.f32 v34, $9.000000000e+00;
	(erf) = vrcp.f32 v30;
	v44 =	vpop (erf)  }
0x23b: {  	v39 =	vld.idx.msk [tilespmem:v59+s30+$0x0], $0xffff;
	vm7 =	vle.f32 v58, $9.000000000e+00;
	v62 =	vmul.f32 v42, v42;
	(erf) = vrcp.f32 v58;
	v32 =	vpop (erf)  }
0x23c: {  	vm10 =	vle.f32 v30, $9.000000000e+00;
	v30 =	vld.idx.msk [tilespmem:v60+s30+$0x0], $0xffff;
	v60 =	vmul.f32 v44, v44;
	v58 =	vmul.f32 v32, v32;
	v48 =	vpop (erf)  }
0x23d: {  	v40 =	vld.idx.msk [tilespmem:v61+s30+$0x0], $0xffff;
	vm14 =	vle.f32 v35, $9.000000000e+00;
	v43 =	vmul.f32 v62, v42;
	v59 =	vmul.f32 v48, v48  }
0x23e: {  	vm15 =	vle.f32 v31, $9.000000000e+00;
	v62 =	vld.idx.msk [tilespmem:v63+s30+$0x0], $0xffff;
	v36 =	vpop (erf);
	v49 =	vmul.f32 v60, v44;
	v47 =	vmul.f32 v58, v32  }
0x23f: {  	v41 =	vnsel vm14, $0x0, v41;
	v63 =	vld.idx.msk [tilespmem:v57+s30+$0x0], $0xffff;
	v61 =	vmul.f32 v43, v43;
	v57 =	vmul.f32 v36, v36  }
0x240: {  	v50 =	vld [tilespmem:s6+$0xC000];
	v34 =	vnsel vm10, $0x0, v38;
	v38 =	vmul.f32 v59, v48;
	v31 =	vmul.f32 v49, v49  }
0x241: {  	v53 =	vld [tilespmem:s6+$0x4100];
	vm8 =	vle.f32 v55, $9.000000000e+00;
	v54 =	vpop (erf);
	v51 =	vmul.f32 v61, v41;
	v52 =	vmul.f32 v57, v36  }
0x242: {  	v46 =	vld [tilespmem:s6+$0xC100];
	v30 =	vnsel vm9, $0x0, v30;
	v41 =	vmul.f32 v47, v47;
	v47 =	vmul.f32 v54, v54  }
0x243: {  	v56 =	vld [tilespmem:s6+$0x4000];
	v39 =	vnsel vm15, $0x0, v39;
	v58 =	vmul.f32 v38, v38;
	v30 =	vmul.f32 v31, v30  }
0x244: {  	v31 =	vld [tilespmem:s6+$0x8080];
	v45 =	vnsel vm6, $0x0, v63;
	v35 =	vpop (erf);
	v43 =	vmul.f32 v51, v42;
	v63 =	vmul.f32 v52, v52  }
0x245: {  	v49 =	vld [tilespmem:s6+$0xC080];
	v57 =	vnsel vm8, $0x0, v62;
	v39 =	vmul.f32 v58, v39;
	v55 =	vmul.f32 v35, v35  }
0x246: {  	s11 =	rddreg [dreg:$0xc];
	v59 =	vld [tilespmem:s6+$0x8000];
	v38 =	vpop (erf);
	v44 =	vmul.f32 v30, v44;
	v4 =	vadd.f32 v30, v4;
	v30 =	vmul.f32 v47, v54  }
0x247: {  	s3 =	sadd.s32 s16, s11;
	v37 =	vadd.f32 v51, v37;
	v60 =	vmul.f32 v38, v38;
	v42 =	vmul.f32 v43, v46  }
0x248: {  	v61 =	vld [tilespmem:s6+$0x4080];
	v58 =	vadd.s32 s3, v0;
	v53 =	vmul.f32 v43, v53;
	v48 =	vmul.f32 v39, v48  }
0x249: {  	v3 =	vadd.f32 v39, v3;
	v51 =	vmul.f32 v30, v30;
	v39 =	vmul.f32 v44, v31  }
0x24a: {  	s8 =	sadd.s32 $0x1, s8;
	v46 =	vnsel vm7, $0x0, v40;
	v62 =	vmul.f32 v48, v50;
	v50 =	vmul.f32 v44, v49  }
0x24b: {  	p1 =	slt.u32 s8, $0x7E;
	v26 =	vadd.f32 v42, v26;
	v30 =	vmul.f32 v48, v59;
	v48 =	vmul.f32 v48, v56  }
.Ltmp9:
0x24c: {  	v5 =	vld [tilespmem:s6+$0x4180];
	v60 =	vmul.f32 v60, v38;
	v13 =	vadd.f32 v39, v13;
	v59 =	vadd.f32 $0.0e+00, v62;
	(pc) =	sbr.rel @p1 .LBB2_9-.Ltmp9, $4  }
0x24d: {  	v33 =	vld [tilespmem:s6+$0xC200];
	v31 =	vmul.f32 v44, v61;
	v24 =	vadd.f32 v50, v24;
	v52 =	vadd.f32 $0.0e+00, v48  }
0x24e: {  	v49 =	vld [tilespmem:s6+$0x4200];
	v51 =	vmul.f32 v51, v57;
	v6 =	vadd.f32 v48, v6;
	v40 =	vadd.f32 $0.0e+00, v50  }
0x24f: {  	v47 =	vld.idx.msk [tilespmem:v58+s30+$0x0], $0xffff;
	v50 =	vmul.f32 v55, v35;
	v44 =	vadd.f32 v42, v59;
	v42 =	vmul.f32 v63, v45  }
0x250: {  	s26 =	sadd.s32 $0x1, s26;
	s23 =	sadd.s32 $0x80, s23;
	v48 =	vld [tilespmem:s6+$0x8100];
	v27 =	vadd.f32 v62, v27;
	v45 =	vmul.f32 v51, v54;
	v54 =	vmul.f32 v60, v60  }
.Ltmp10:
0x251: {  	_ = 	snop;
	(pc) =	sbr.rel .LBB2_10-.Ltmp10, $1  }
0x252: {  	_ =	sdelay $0x3  }
.LBB2_12:
0x253: {  	s0 =	simm.s32 $0x0  }
0x254: {  	s1 =	simm.s32 $0x10;
	s0 =	sand.u32 $0x1FF0, s0  }
.LBB2_13:
0x255: {  	p1 =	sne.s32 s1, $0x17F0;
	v6 =	vld [tilespmem:s0+$0x14080];
	_ =	sdelay $0x2  }
.Ltmp11:
0x256: {  	(pc) =	sbr.rel @p1 .LBB2_13-.Ltmp11, $3  }
0x257: {  	_ = 	snop  }
0x258: {  	v6 =	vmul.f32 $-6.000000000e+00, v6;
	_ =	sdelay $0x1  }
0x259: {  	[tilespmem:s0+$0x14080] =	vst v6;
	s0 =	sand.u32 $0x1FF0, s1;
	s1 =	sadd.s32 $0x10, s1  }
0x25a: {  	v6 =	vld [tilespmem:s0+$0x14080];
	_ =	sdelay $0x4  }
0x25b: {  	v6 =	vmul.f32 $-6.000000000e+00, v6;
	_ =	sdelay $0x1  }
0x25c: {  	[tilespmem:s0+$0x14080] =	vst v6  }
0x25d: {  	v6 =	vld [tilespmem:$0x15880];
	_ =	sdelay $0x2  }
0x25e: {  	v3 =	vadd.f32 v4, v3;
	_ =	sdelay $0x1  }
0x25f: {  	v2 =	vadd.f32 v2, v5;
	v3 =	vadd.f32 v6, v3;
	_ =	sdelay $0x1  }
0x260: {  	v2 =	vadd.f32 v3, v2;
	_ =	sdelay $0x1  }
0x261: {  	s29 =	rddreg [dreg:$0x10];
	s1 =	simm.s32 $0x14080;
	s31 =	simm.s32 $0x2;
	[tilespmem:$0x15880] =	vst v2  }
0x262: {  	[spmem:s29] =	stream.linear.scatter [tilespmem:s1], [sflag:$0x2], $0x2000, $0x38;
	[tilespmem:$0x1C480] =	vst v63  }
0x263: {  	_ =	swait.ge [sflag:s31], $0x2000  }
0x264: {  	[sflag:s31] =	ssyncset.done $0x0  }
.Ltmp12:
0x265: {  	[sflag:s31] =	ssyncadd.s32 $0xFFFFE000;
	(pc) =	sbr.rel @p0 .LBB2_18-.Ltmp12, $2  }
0x266: {  	[bflag:$0x0] =	sbarrier.arrive $0xFFFF  }
0x267: {  	s1 =	sld [smem:$0x7CF];
	_ =	sdelay $0x2  }
0x268: {  	s1 =	rddreg [dreg:$0x11]  }
0x269: {  	s0 =	simm.s32 $0x16080;
	s24 =	sld [smem:$0x7E3]  }
0x26a: {  	[tilespmem:s0], [sflag:$0x1] =	stream.linear.gather [spmem:s1], $0x400, $0x38;
	[tilespmem:$0x1C480] =	vst v63  }
0x26b: {  	s2 =	simm.s32 $0x16480;
	s25 =	sld [smem:$0x7E4]  }
0x26c: {  	[tilespmem:s2], [sflag:$0x1] =	stream.linear.gather [spmem:s24], $0x400, $0x38;
	[tilespmem:$0x1C480] =	vst v63  }
0x26d: {  	s28 =	simm.s32 $0x16880;
	s29 =	sld [smem:$0x7E5]  }
0x26e: {  	[tilespmem:s28], [sflag:$0x1] =	stream.linear.gather [spmem:s25], $0x400, $0x38;
	[tilespmem:$0x1C480] =	vst v63  }
0x26f: {  	s31 =	simm.s32 $0x16C80;
	s2 =	sld [smem:$0x7E6]  }
0x270: {  	[tilespmem:s31], [sflag:$0x1] =	stream.linear.gather [spmem:s29], $0x400, $0x38;
	[tilespmem:$0x1C480] =	vst v63  }
0x271: {  	s3 =	simm.s32 $0x17080;
	s4 =	sld [smem:$0x7E7]  }
0x272: {  	[tilespmem:s3], [sflag:$0x1] =	stream.linear.gather [spmem:s2], $0x400, $0x38;
	[tilespmem:$0x1C480] =	vst v63  }
0x273: {  	s5 =	simm.s32 $0x17480;
	s6 =	sld [smem:$0x7E8]  }
0x274: {  	[tilespmem:s5], [sflag:$0x1] =	stream.linear.gather [spmem:s4], $0x400, $0x38;
	[tilespmem:$0x1C480] =	vst v63  }
0x275: {  	s7 =	simm.s32 $0x17880;
	s8 =	sld [smem:$0x7E9]  }
0x276: {  	[tilespmem:s7], [sflag:$0x1] =	stream.linear.gather [spmem:s6], $0x400, $0x38;
	[tilespmem:$0x1C480] =	vst v63  }
0x277: {  	s9 =	simm.s32 $0x17C80;
	s10 =	sld [smem:$0x7EA]  }
0x278: {  	[tilespmem:s9], [sflag:$0x1] =	stream.linear.gather [spmem:s8], $0x400, $0x38;
	[tilespmem:$0x1C480] =	vst v63  }
0x279: {  	s11 =	simm.s32 $0x18080;
	s12 =	sld [smem:$0x7EB]  }
0x27a: {  	[tilespmem:s11], [sflag:$0x1] =	stream.linear.gather [spmem:s10], $0x400, $0x38;
	[tilespmem:$0x1C480] =	vst v63  }
0x27b: {  	s13 =	simm.s32 $0x18480;
	s14 =	sld [smem:$0x7EC]  }
0x27c: {  	[tilespmem:s13], [sflag:$0x1] =	stream.linear.gather [spmem:s12], $0x400, $0x38;
	[tilespmem:$0x1C480] =	vst v63  }
0x27d: {  	s15 =	simm.s32 $0x18880;
	s16 =	sld [smem:$0x7ED]  }
0x27e: {  	[tilespmem:s15], [sflag:$0x1] =	stream.linear.gather [spmem:s14], $0x400, $0x38;
	[tilespmem:$0x1C480] =	vst v63  }
0x27f: {  	s17 =	simm.s32 $0x18C80;
	s18 =	sld [smem:$0x7EE]  }
0x280: {  	[tilespmem:s17], [sflag:$0x1] =	stream.linear.gather [spmem:s16], $0x400, $0x38;
	[tilespmem:$0x1C480] =	vst v63  }
0x281: {  	s19 =	simm.s32 $0x19080;
	s20 =	sld [smem:$0x7EF]  }
0x282: {  	[tilespmem:s19], [sflag:$0x1] =	stream.linear.gather [spmem:s18], $0x400, $0x38;
	[tilespmem:$0x1C480] =	vst v63  }
0x283: {  	s21 =	simm.s32 $0x19480;
	s22 =	sld [smem:$0x7F0]  }
0x284: {  	[tilespmem:s21], [sflag:$0x1] =	stream.linear.gather [spmem:s20], $0x400, $0x38;
	[tilespmem:$0x1C480] =	vst v63  }
0x285: {  	s23 =	simm.s32 $0x19880;
	s24 =	sld [smem:$0x7F1]  }
0x286: {  	[tilespmem:s23], [sflag:$0x1] =	stream.linear.gather [spmem:s22], $0x400, $0x38;
	[tilespmem:$0x1C480] =	vst v63  }
0x287: {  	s25 =	simm.s32 $0x19C80;
	s28 =	simm.s32 $0x1  }
0x288: {  	[tilespmem:s25], [sflag:$0x1] =	stream.linear.gather [spmem:s24], $0x400, $0x38;
	[tilespmem:$0x1C480] =	vst v63  }
0x289: {  	_ =	swait.ge [sflag:s28], $0x400  }
0x28a: {  	[sflag:s28] =	ssyncset.done $0x0  }
0x28b: {  	[sflag:s28] =	ssyncadd.s32 $0xFFFFFC00  }
0x28c: {  	_ =	swait.ge [sflag:s28], $0x400  }
0x28d: {  	[sflag:s28] =	ssyncset.done $0x0  }
0x28e: {  	[sflag:s28] =	ssyncadd.s32 $0xFFFFFC00  }
0x28f: {  	_ =	swait.ge [sflag:s28], $0x400  }
0x290: {  	[sflag:s28] =	ssyncset.done $0x0  }
0x291: {  	[sflag:s28] =	ssyncadd.s32 $0xFFFFFC00  }
0x292: {  	_ =	swait.ge [sflag:s28], $0x400  }
0x293: {  	[sflag:s28] =	ssyncset.done $0x0  }
0x294: {  	[sflag:s28] =	ssyncadd.s32 $0xFFFFFC00  }
0x295: {  	_ =	swait.ge [sflag:s28], $0x400  }
0x296: {  	[sflag:s28] =	ssyncset.done $0x0  }
0x297: {  	[sflag:s28] =	ssyncadd.s32 $0xFFFFFC00  }
0x298: {  	_ =	swait.ge [sflag:s28], $0x400  }
0x299: {  	[sflag:s28] =	ssyncset.done $0x0  }
0x29a: {  	[sflag:s28] =	ssyncadd.s32 $0xFFFFFC00  }
0x29b: {  	_ =	swait.ge [sflag:s28], $0x400  }
0x29c: {  	[sflag:s28] =	ssyncset.done $0x0  }
0x29d: {  	[sflag:s28] =	ssyncadd.s32 $0xFFFFFC00  }
0x29e: {  	_ =	swait.ge [sflag:s28], $0x400  }
0x29f: {  	[sflag:s28] =	ssyncset.done $0x0  }
0x2a0: {  	[sflag:s28] =	ssyncadd.s32 $0xFFFFFC00  }
0x2a1: {  	_ =	swait.ge [sflag:s28], $0x400  }
0x2a2: {  	[sflag:s28] =	ssyncset.done $0x0  }
0x2a3: {  	[sflag:s28] =	ssyncadd.s32 $0xFFFFFC00  }
0x2a4: {  	_ =	swait.ge [sflag:s28], $0x400  }
0x2a5: {  	[sflag:s28] =	ssyncset.done $0x0  }
0x2a6: {  	[sflag:s28] =	ssyncadd.s32 $0xFFFFFC00  }
0x2a7: {  	_ =	swait.ge [sflag:s28], $0x400  }
0x2a8: {  	[sflag:s28] =	ssyncset.done $0x0  }
0x2a9: {  	[sflag:s28] =	ssyncadd.s32 $0xFFFFFC00  }
0x2aa: {  	_ =	swait.ge [sflag:s28], $0x400  }
0x2ab: {  	[sflag:s28] =	ssyncset.done $0x0  }
0x2ac: {  	[sflag:s28] =	ssyncadd.s32 $0xFFFFFC00  }
0x2ad: {  	_ =	swait.ge [sflag:s28], $0x400  }
0x2ae: {  	[sflag:s28] =	ssyncset.done $0x0  }
0x2af: {  	[sflag:s28] =	ssyncadd.s32 $0xFFFFFC00  }
0x2b0: {  	_ =	swait.ge [sflag:s28], $0x400  }
0x2b1: {  	[sflag:s28] =	ssyncset.done $0x0  }
0x2b2: {  	[sflag:s28] =	ssyncadd.s32 $0xFFFFFC00  }
0x2b3: {  	_ =	swait.ge [sflag:s28], $0x400  }
0x2b4: {  	[sflag:s28] =	ssyncset.done $0x0  }
0x2b5: {  	[sflag:s28] =	ssyncadd.s32 $0xFFFFFC00  }
0x2b6: {  	_ =	swait.ge [sflag:s28], $0x400  }
0x2b7: {  	s29 =	simm.s32 $0x0;
	[sflag:s28] =	ssyncset.done $0x0  }
0x2b8: {  	s1 =	sand.u32 $0x3F0, s29;
	[sflag:s28] =	ssyncadd.s32 $0xFFFFFC00  }
0x2b9: {  	v2 =	vld [tilespmem:s1+$0x16480]  }
0x2ba: {  	v3 =	vld [tilespmem:s0+$0x0];
	_ =	sdelay $0x1  }
0x2bb: {  	v4 =	vld [tilespmem:s1+$0x16880];
	_ =	sdelay $0x1  }
0x2bc: {  	v5 =	vld [tilespmem:s1+$0x16C80]  }
0x2bd: {  	v2 =	vadd.f32 v2, v3  }
0x2be: {  	v3 =	vld [tilespmem:s1+$0x17080]  }
0x2bf: {  	v2 =	vadd.f32 v4, v2  }
0x2c0: {  	v56 =	vld [tilespmem:s1+$0x17480]  }
0x2c1: {  	v2 =	vadd.f32 v5, v2  }
0x2c2: {  	v57 =	vld [tilespmem:s1+$0x17880]  }
0x2c3: {  	v2 =	vadd.f32 v3, v2  }
0x2c4: {  	v3 =	vld [tilespmem:s1+$0x17C80]  }
0x2c5: {  	v2 =	vadd.f32 v56, v2  }
0x2c6: {  	v58 =	vld [tilespmem:s1+$0x18080]  }
0x2c7: {  	v2 =	vadd.f32 v57, v2  }
0x2c8: {  	v59 =	vld [tilespmem:s1+$0x18480]  }
0x2c9: {  	v2 =	vadd.f32 v3, v2  }
0x2ca: {  	v3 =	vld [tilespmem:s1+$0x18880]  }
0x2cb: {  	v2 =	vadd.f32 v58, v2  }
0x2cc: {  	v60 =	vld [tilespmem:s1+$0x18C80]  }
0x2cd: {  	v2 =	vadd.f32 v59, v2  }
0x2ce: {  	v61 =	vld [tilespmem:s1+$0x19080]  }
0x2cf: {  	v2 =	vadd.f32 v3, v2  }
0x2d0: {  	v3 =	vld [tilespmem:s1+$0x19480]  }
0x2d1: {  	v2 =	vadd.f32 v60, v2  }
0x2d2: {  	v62 =	vld [tilespmem:s1+$0x19880]  }
0x2d3: {  	v2 =	vadd.f32 v61, v2  }
0x2d4: {  	v63 =	vld [tilespmem:s1+$0x19C80]  }
0x2d5: {  	v2 =	vadd.f32 v3, v2;
	_ =	sdelay $0x1  }
0x2d6: {  	v2 =	vadd.f32 v62, v2;
	_ =	sdelay $0x1  }
0x2d7: {  	v2 =	vadd.f32 v63, v2  }
0x2d8: {  	s31 =	simm.s32 $0x10;
	s0 =	simm.s32 $0x1A080  }
0x2d9: {  	s1 =	sand.u32 $0x3F0, s31;
	[tilespmem:s0+$0x0] =	vst v2  }
0x2da: {  	s3 =	simm.s32 $0x20;
	s2 =	simm.s32 $0x16090;
	v2 =	vld [tilespmem:s1+$0x16480]  }
.LBB2_16:
0x2db: {  	p1 =	sne.s32 s3, $0x3F0;
	v3 =	vld [tilespmem:s2+$0x0];
	_ =	sdelay $0x1  }
0x2dc: {  	v4 =	vld [tilespmem:s1+$0x16880];
	_ =	sdelay $0x1  }
0x2dd: {  	v5 =	vld [tilespmem:s1+$0x16C80]  }
0x2de: {  	v2 =	vadd.f32 v2, v3  }
0x2df: {  	v3 =	vld [tilespmem:s1+$0x17080]  }
0x2e0: {  	v2 =	vadd.f32 v4, v2  }
0x2e1: {  	v4 =	vld [tilespmem:s1+$0x17480]  }
0x2e2: {  	v2 =	vadd.f32 v5, v2  }
0x2e3: {  	v5 =	vld [tilespmem:s1+$0x17880]  }
0x2e4: {  	v2 =	vadd.f32 v3, v2  }
0x2e5: {  	v3 =	vld [tilespmem:s1+$0x17C80]  }
0x2e6: {  	v2 =	vadd.f32 v4, v2  }
0x2e7: {  	v4 =	vld [tilespmem:s1+$0x18080]  }
0x2e8: {  	v2 =	vadd.f32 v5, v2  }
0x2e9: {  	v5 =	vld [tilespmem:s1+$0x18480]  }
0x2ea: {  	v2 =	vadd.f32 v3, v2  }
0x2eb: {  	v3 =	vld [tilespmem:s1+$0x18880]  }
0x2ec: {  	v2 =	vadd.f32 v4, v2  }
0x2ed: {  	v4 =	vld [tilespmem:s1+$0x18C80]  }
0x2ee: {  	v2 =	vadd.f32 v5, v2  }
0x2ef: {  	v5 =	vld [tilespmem:s1+$0x19080]  }
0x2f0: {  	v2 =	vadd.f32 v3, v2  }
0x2f1: {  	v3 =	vld [tilespmem:s1+$0x19480]  }
0x2f2: {  	v2 =	vadd.f32 v4, v2  }
0x2f3: {  	v4 =	vld [tilespmem:s1+$0x19880]  }
0x2f4: {  	v2 =	vadd.f32 v5, v2  }
0x2f5: {  	v5 =	vld [tilespmem:s1+$0x19C80]  }
0x2f6: {  	v2 =	vadd.f32 v3, v2;
	_ =	sdelay $0x1  }
0x2f7: {  	v2 =	vadd.f32 v4, v2  }
.Ltmp13:
0x2f8: {  	(pc) =	sbr.rel @p1 .LBB2_16-.Ltmp13, $4  }
0x2f9: {  	v2 =	vadd.f32 v5, v2  }
0x2fa: {  	s0 =	sadd.s32 $0x10, s0  }
0x2fb: {  	s1 =	sand.u32 $0x3F0, s3;
	[tilespmem:s0+$0x0] =	vst v2  }
0x2fc: {  	s2 =	sadd.s32 $0x10, s2;
	s3 =	sadd.s32 $0x10, s3;
	v2 =	vld [tilespmem:s1+$0x16480]  }
0x2fd: {  	v3 =	vld [tilespmem:s2+$0x0];
	_ =	sdelay $0x1  }
0x2fe: {  	v4 =	vld [tilespmem:s1+$0x16880];
	_ =	sdelay $0x1  }
0x2ff: {  	v5 =	vld [tilespmem:s1+$0x16C80]  }
0x300: {  	v2 =	vadd.f32 v2, v3  }
0x301: {  	v3 =	vld [tilespmem:s1+$0x17080]  }
0x302: {  	v2 =	vadd.f32 v4, v2  }
0x303: {  	v56 =	vld [tilespmem:s1+$0x17480]  }
0x304: {  	v2 =	vadd.f32 v5, v2  }
0x305: {  	v57 =	vld [tilespmem:s1+$0x17880]  }
0x306: {  	v2 =	vadd.f32 v3, v2  }
0x307: {  	v3 =	vld [tilespmem:s1+$0x17C80]  }
0x308: {  	v2 =	vadd.f32 v56, v2  }
0x309: {  	v58 =	vld [tilespmem:s1+$0x18080]  }
0x30a: {  	v2 =	vadd.f32 v57, v2  }
0x30b: {  	v59 =	vld [tilespmem:s1+$0x18480]  }
0x30c: {  	v2 =	vadd.f32 v3, v2  }
0x30d: {  	v3 =	vld [tilespmem:s1+$0x18880]  }
0x30e: {  	v2 =	vadd.f32 v58, v2  }
0x30f: {  	v60 =	vld [tilespmem:s1+$0x18C80]  }
0x310: {  	v2 =	vadd.f32 v59, v2  }
0x311: {  	v61 =	vld [tilespmem:s1+$0x19080]  }
0x312: {  	v2 =	vadd.f32 v3, v2  }
0x313: {  	v3 =	vld [tilespmem:s1+$0x19480]  }
0x314: {  	v2 =	vadd.f32 v60, v2  }
0x315: {  	v62 =	vld [tilespmem:s1+$0x19880]  }
0x316: {  	v2 =	vadd.f32 v61, v2  }
0x317: {  	v63 =	vld [tilespmem:s1+$0x19C80]  }
0x318: {  	v2 =	vadd.f32 v3, v2;
	_ =	sdelay $0x1  }
0x319: {  	v2 =	vadd.f32 v62, v2;
	_ =	sdelay $0x1  }
0x31a: {  	v2 =	vadd.f32 v63, v2  }
0x31b: {  	s0 =	sadd.s32 $0x10, s0  }
0x31c: {  	s25 =	simm.s32 $0x0;
	s28 =	rddreg [dreg:$0x12];
	s29 =	simm.s32 $0x1A080;
	[tilespmem:s0+$0x0] =	vst v2  }
0x31d: {  	[hbm4b:s28+s25] =	stream.linear.scatter [tilespmem:s29], [sflag:$0x2], $0x400, $0x38;
	[tilespmem:$0x1C480] =	vst v63  }
.Ltmp14:
0x31e: {  	s31 =	simm.s32 $0x2;
	(pc) =	sbr.rel .LBB2_18-.Ltmp14, $4  }
0x31f: {  	_ =	swait.ge [sflag:s31], $0x400  }
0x320: {  	s1 =	sld [smem:$0x7CF]  }
0x321: {  	[sflag:s31] =	ssyncset.done $0x0  }
0x322: {  	[sflag:s31] =	ssyncadd.s32 $0xFFFFFC00  }
.LBB2_19:
0x323: {  	_ =	sfence.sel $0x180000  }
0x324: {  	[bflag:$0x0] =	sbarrier.arrive $0xFFFF  }
0x325: {  	_ =	strace $0x90000047  }
0x326: {  	s0 =	stileid.u32;
	[bflag:$0x2] =	sbarrier.arrive $0xFFFF  }
0x327: {  	p0 =	sne.s32 s0, $0x0;
	s0 =	rddreg [dreg:$0x5]  }
0x328: {  	s0 =	sadd.s32 @!p0 $0x100000, s0  }
0x329: {  	[sflag:s0] =	ssyncadd.tile.s32 @!p0 $0x1;
	_ =	shalt  }
.Lfunc_end2:
_tile_overlayer_lowered:
.L_overlay_start_2:
0x32a: {  	(tag) =	ssettag $0x2  }
0x32b: {  	s0 =	rddreg [dreg:$0x0];
	s2 =	stileid.u32  }
0x32c: {  	s1 =	rddreg [dreg:$0x1];
	p0 =	sne.s32 s2, $0x0  }
0x32d: {  	s3 =	rddreg [dreg:$0x2];
	[bflag:$0x3] =	sbarrier.arrive $0xFFFF;
	s2 =	simm.s32 @!p0 $0x1C02  }
0x32e: {  	[timem:s3], [sflag:s2] =	dma.local @!p0 [hbm:s0], s1  }
0x32f: {  	s0 =	simm.s32 @!p0 $0x2  }
0x330: {  	_ =	swait.ge @!p0 [sflag:s0], s1  }
0x331: {  	s1 =	ssub.s32 @!p0 $0x0, s1;
	[sflag:s0] =	ssyncset.done @!p0 $0x0  }
0x332: {  	[sflag:s0] =	ssyncadd.s32 @!p0 s1  }
0x333: {  	[bflag:$0x3] =	sbarrier.arrive $0xFFFF  }
0x334: {  	_ =	shalt  }

</sc_bundles>
